<compile_context>
chip_gen: v7x
topology: tpu7x:2x2x1
jax: 0.10.2.dev20260603
libtpu: 0.0.44.dev20260713+nightly
codegen_flags: <defaults>
</compile_context>

<pallas_src>
import jax
import jax.numpy as jnp
from jax import lax
from jax.experimental import pallas as pl
from jax.experimental.pallas import tpu as pltpu
from jax.experimental.pallas import tpu_sc as plsc

N = 10000
E = 320000
D = 128
MAX_NORM = 1.0 - 1e-5
MIN_NORM = 1e-15

NC = 2
NS = 16
NW = NC * NS
EPW = E // NW
K = 112
NCHUNK = 90
EPAD = NCHUNK * K

ROW_BLK = 1000


def _norm_cols(x):
    return jnp.sqrt(jnp.sum(x * x, axis=-1, keepdims=True))


def _head_body(x_ref, w_ref, o_ref):
    x = x_ref[...]
    n = jnp.clip(_norm_cols(x), MIN_NORM, None)
    nc = jnp.clip(n, None, MAX_NORM)
    atanh = 0.5 * jnp.log((1.0 + nc) / (1.0 - nc))
    t = atanh * x / n
    o_ref[...] = jnp.dot(t, w_ref[...], preferred_element_type=jnp.float32)


def _head(x, w):
    return pl.pallas_call(
        _head_body,
        grid=(N // ROW_BLK,),
        in_specs=[
            pl.BlockSpec((ROW_BLK, D), lambda i: (i, 0)),
            pl.BlockSpec((D, D), lambda i: (0, 0)),
        ],
        out_specs=pl.BlockSpec((ROW_BLK, D), lambda i: (i, 0)),
        out_shape=jax.ShapeDtypeStruct((N, D), jnp.float32),
    )(x, w)


def _agg_body(mapped_hbm, src_hbm, dst_hbm, adj_hbm, zeros_hbm, out_hbm,
              src_v, adj_v, dstb0, dstb1, rows0, rows1, acc_sh,
              g0, g1, d0, d1):
    rows = [rows0, rows1]
    dstb = [dstb0, dstb1]
    gsem = [g0, g1]
    dsem = [d0, d1]
    cid = lax.axis_index("c")
    sid = lax.axis_index("s")
    wid = cid * NS + sid
    rpz = (N // NS) // 8 * 8
    rem = N - NS * rpz

    pltpu.sync_copy(zeros_hbm.at[pl.ds(sid * rpz, rpz)],
                    acc_sh.at[pl.ds(sid * rpz, rpz)])

    @pl.when(sid == NS - 1)
    def _zero_rem():
        pltpu.sync_copy(zeros_hbm.at[pl.ds(NS * rpz, rem)],
                        acc_sh.at[pl.ds(NS * rpz, rem)])
    pltpu.sync_copy(src_hbm.at[wid], src_v)
    pltpu.sync_copy(adj_hbm.at[wid], adj_v)
    plsc.subcore_barrier()

    pltpu.async_copy(mapped_hbm.at[src_v.at[pl.ds(0, K)]], rows[0], gsem[0])
    pltpu.async_copy(dst_hbm.at[wid, 0], dstb[0], dsem[0])

    def outer_body(oc, carry):
        for b in range(2):
            c = oc * 2 + b
            b1 = 1 - b

            pltpu.make_async_copy(
                mapped_hbm.at[src_v.at[pl.ds(c * K, K)]],
                rows[b], gsem[b]).wait()

            @pl.when(c + 1 < NCHUNK)
            def _issue_next():
                pltpu.async_copy(
                    mapped_hbm.at[src_v.at[pl.ds((c + 1) * K, K)]],
                    rows[b1], gsem[b1])
                pltpu.async_copy(dst_hbm.at[wid, c + 1], dstb[b1], dsem[b1])

            def group_body(g, carry2):
                av = adj_v[pl.ds(c * K + g * 16, 16)]
                for r in range(16):
                    a = av[r]
                    e = g * 16 + r
                    for j in range(D // 16):
                        sl = pl.ds(j * 16, 16)
                        rows[b][e, sl] = rows[b][e, sl] * a
                return carry2

            lax.fori_loop(0, K // 16, group_body, 0)

            pltpu.make_async_copy(dst_hbm.at[wid, c], dstb[b], dsem[b]).wait()
            pltpu.sync_copy(rows[b], acc_sh.at[dstb[b]], add=True)
        return carry

    lax.fori_loop(0, NCHUNK // 2, outer_body, 0)
    plsc.subcore_barrier()
    pltpu.sync_copy(acc_sh.at[pl.ds(sid * rpz, rpz)],
                    out_hbm.at[cid, pl.ds(sid * rpz, rpz)])

    @pl.when(sid == NS - 1)
    def _write_rem():
        pltpu.sync_copy(acc_sh.at[pl.ds(NS * rpz, rem)],
                        out_hbm.at[cid, pl.ds(NS * rpz, rem)])


def _agg(mapped, src, dst, adj, zeros):
    mesh = plsc.VectorSubcoreMesh(core_axis_name="c", subcore_axis_name="s")
    f = pl.kernel(
        _agg_body,
        out_type=jax.ShapeDtypeStruct((NC, N, D), jnp.float32),
        mesh=mesh,
        scratch_types=[
            pltpu.VMEM((EPAD,), jnp.int32),
            pltpu.VMEM((EPAD,), jnp.float32),
            pltpu.VMEM((K,), jnp.int32),
            pltpu.VMEM((K,), jnp.int32),
            pltpu.VMEM((K, D), jnp.float32),
            pltpu.VMEM((K, D), jnp.float32),
            pltpu.VMEM_SHARED((N, D), jnp.float32),
            pltpu.SemaphoreType.DMA,
            pltpu.SemaphoreType.DMA,
            pltpu.SemaphoreType.DMA,
            pltpu.SemaphoreType.DMA,
        ],
    )
    return f(mapped, src, dst, adj, zeros)


def _tail_body(agg_ref, bias_ref, o_ref):
    agg = agg_ref[0] + agg_ref[1]
    n = jnp.clip(_norm_cols(agg), MIN_NORM, None)
    e = jnp.tanh(n) * agg / n
    ne = jnp.clip(_norm_cols(e), MIN_NORM, None)
    x = e * jnp.where(ne > MAX_NORM, MAX_NORM / ne, 1.0)
    bv = bias_ref[...]
    nb = jnp.clip(_norm_cols(bv), MIN_NORM, None)
    b = jnp.tanh(nb) * bv / nb
    nb2 = jnp.clip(_norm_cols(b), MIN_NORM, None)
    b = b * jnp.where(nb2 > MAX_NORM, MAX_NORM / nb2, 1.0)
    xy = jnp.sum(x * b, axis=-1, keepdims=True)
    x2 = jnp.sum(x * x, axis=-1, keepdims=True)
    y2 = jnp.sum(b * b, axis=-1, keepdims=True)
    num = (1.0 + 2.0 * xy + y2) * x + (1.0 - x2) * b
    den = jnp.clip(1.0 + 2.0 * xy + x2 * y2, MIN_NORM, None)
    out = num / den
    no = jnp.clip(_norm_cols(out), MIN_NORM, None)
    o_ref[...] = out * jnp.where(no > MAX_NORM, MAX_NORM / no, 1.0)


def _tail(agg2, bias_vec):
    return pl.pallas_call(
        _tail_body,
        grid=(N // ROW_BLK,),
        in_specs=[
            pl.BlockSpec((NC, ROW_BLK, D), lambda i: (0, i, 0)),
            pl.BlockSpec((1, D), lambda i: (0, 0)),
        ],
        out_specs=pl.BlockSpec((ROW_BLK, D), lambda i: (i, 0)),
        out_shape=jax.ShapeDtypeStruct((N, D), jnp.float32),
    )(agg2, bias_vec)


def kernel(ents_embed_input, W_ent, bias_vec, edge_index, adj_values):
    mapped = _head(ents_embed_input, W_ent)

    def _shape_edges(x, flat):
        xp = jnp.pad(x.reshape(NW, EPW), ((0, 0), (0, EPAD - EPW)))
        return xp if flat else xp.reshape(NW, NCHUNK, K)

    src = _shape_edges(edge_index[1], True)
    dst = _shape_edges(edge_index[0], False)
    adj = _shape_edges(adj_values, True)
    zeros = jnp.zeros((N, D), jnp.float32)
    agg2 = _agg(mapped, src, dst, adj, zeros)
    return _tail(agg2, bias_vec)

# --- scband reference (transcript-rebuilt; emitter-appended) ---
"""Pipeline reference for scband-gcnlayer-9715216023647 (READ-ONLY COPY).

The authoritative reference and input builder live on the scoring server;
editing this copy changes nothing except your own understanding.
"""

import jax, jax.numpy as jnp
import numpy as np

N = 10000
E = 320000
D_IN = 128
D_OUT = 128
MAX_NORM = 1.0 - 1e-5
MIN_NORM = 1e-15


def _norm(x):
    return jnp.clip(jnp.linalg.norm(x, axis=-1, keepdims=True), MIN_NORM, None)


def log_map_zero(y):
    n = _norm(y)
    nc = jnp.clip(n, None, MAX_NORM)
    return jnp.arctanh(nc) * y / n


def exp_map_zero(v):
    n = _norm(v)
    return jnp.tanh(n) * v / n


def hyperbolic_projection(x):
    n = _norm(x)
    scale = jnp.where(n > MAX_NORM, MAX_NORM / n, 1.0)
    return x * scale


def mobius_addition(x, y):
    xy = jnp.sum(x * y, axis=-1, keepdims=True)
    x2 = jnp.sum(x * x, axis=-1, keepdims=True)
    y2 = jnp.sum(y * y, axis=-1, keepdims=True)
    num = (1.0 + 2.0 * xy + y2) * x + (1.0 - x2) * y
    den = jnp.clip(1.0 + 2.0 * xy + x2 * y2, MIN_NORM, None)
    return num / den


def setup_inputs(seed: int = 0) -> dict:
    key = jax.random.key(seed)
    k1, k2, k3, k4 = jax.random.split(key, 4)
    # embeddings must lie inside the Poincare ball -> small uniform values
    ents_embed_input = (jax.random.uniform(k1, (N, D_IN), dtype=jnp.float32) * 2.0 - 1.0) * 0.01
    edge_index = jax.random.randint(k2, (2, E), 0, N, dtype=jnp.int32)
    # normalized adjacency values (approx 1/avg_degree scale)
    adj_values = jax.random.uniform(k3, (E,), dtype=jnp.float32) * (1.0 / 32.0)
    # xavier_uniform W_ent
    limit = float(np.sqrt(6.0 / (D_IN + D_OUT)))
    W_ent = jax.random.uniform(k4, (D_IN, D_OUT), dtype=jnp.float32, minval=-limit, maxval=limit)
    bias_vec = jnp.zeros((1, D_OUT), dtype=jnp.float32)
    return {
        "ents_embed_input": ents_embed_input,
        "W_ent": W_ent,
        "bias_vec": bias_vec,
        "edge_index": edge_index,
        "adj_values": adj_values,
    }


def reference(ents_embed_input, W_ent, bias_vec, edge_index, adj_values):
    # drop_rate = 0.0 (default); activation = None
    ents_pre_sup_tangent = log_map_zero(ents_embed_input)
    ents_embed_mapped = ents_pre_sup_tangent @ W_ent
    # torch.sparse.mm(adj, mapped): gather by src (col) index, scale, scatter-add to dst (row)
    gathered = jnp.take(ents_embed_mapped, edge_index[1], axis=0) * adj_values[:, None]
    agg = jax.ops.segment_sum(gathered, edge_index[0], num_segments=N)
    ents_near = hyperbolic_projection(exp_map_zero(agg))
    bias = hyperbolic_projection(exp_map_zero(bias_vec))
    out = mobius_addition(ents_near, bias)
    out = hyperbolic_projection(out)
    return out

if __name__ == "__main__":
    import jax
    _d = setup_inputs()
    print(jax.jit(kernel)(*tuple(_d.values())))

</pallas_src>

<mosaic_0001>
#map = affine_map<(d0, d1) -> (0, 0)>
#map1 = affine_map<(d0, d1) -> (0, 0, 0)>
module attributes {stable_mosaic.version = 14 : i64} {
  func.func @_agg_body(%arg0: i32, %arg1: i32, %arg2: memref<10000x128xf32, #tpu.memory_space<hbm>>, %arg3: memref<32x10080xi32, #tpu.memory_space<hbm>>, %arg4: memref<32x90x112xi32, #tpu.memory_space<hbm>>, %arg5: memref<32x10080xf32, #tpu.memory_space<hbm>>, %arg6: memref<10000x128xf32, #tpu.memory_space<hbm>>, %arg7: memref<2x10000x128xf32, #tpu.memory_space<hbm>>, %arg8: memref<10080xi32, #tpu.memory_space<vmem>>, %arg9: memref<10080xf32, #tpu.memory_space<vmem>>, %arg10: memref<112xi32, #tpu.memory_space<vmem>>, %arg11: memref<112xi32, #tpu.memory_space<vmem>>, %arg12: memref<112x128xf32, #tpu.memory_space<vmem>>, %arg13: memref<112x128xf32, #tpu.memory_space<vmem>>, %arg14: memref<10000x128xf32, #tpu.memory_space<vmem_shared>>, %arg15: memref<!tpu.dma_semaphore, #tpu.memory_space<semaphore_mem>>, %arg16: memref<!tpu.dma_semaphore, #tpu.memory_space<semaphore_mem>>, %arg17: memref<!tpu.dma_semaphore, #tpu.memory_space<semaphore_mem>>, %arg18: memref<!tpu.dma_semaphore, #tpu.memory_space<semaphore_mem>>) attributes {dimension_semantics = [#tpu.dimension_semantics<core_parallel>, #tpu.dimension_semantics<subcore_parallel>], iteration_bounds = array<i64: 2, 16>, scalar_prefetch = 0 : i64, scratch_operands = 11 : i64, tpu.core_type = #tpu.core_type<sc_vector_subcore>, window_params = [{transform_indices = #map}, {transform_indices = #map}, {transform_indices = #map1}, {transform_indices = #map}, {transform_indices = #map}, {transform_indices = #map1}]} {
    %mul3A = arith.constant 16 : i32
    %mul3A_0 = arith.muli %arg0, %mul3A : i32
    %add3A = arith.addi %mul3A_0, %arg1 : i32
    %mul3A_1 = arith.constant 624 : i32
    %mul3A_2 = arith.muli %arg1, %mul3A_1 : i32
    %mul3A_3 = arith.constant 624 : i32
    %mul3A_4 = arith.muli %arg1, %mul3A_3 : i32
    "tpu.region"() ({
      %run_scoped3A = tpu.sem_alloc : memref<!tpu.dma_semaphore, #tpu.memory_space<semaphore_mem>>
      %dma_start3A_33 = arith.constant 0 : i32
      %dma_start3A_34 = tpu.memref_slice %arg14[%mul3A_4, %dma_start3A_33] : memref<10000x128xf32, #tpu.memory_space<vmem_shared>> -> memref<624x128xf32, #tpu.memory_space<vmem_shared>>
      %dma_start3A_35 = arith.constant 0 : i32
      %dma_start3A_36 = tpu.memref_slice %arg6[%mul3A_2, %dma_start3A_35] : memref<10000x128xf32, #tpu.memory_space<hbm>> -> memref<624x128xf32, #tpu.memory_space<hbm>>
      tpu.enqueue_dma source(%dma_start3A_36 : memref<624x128xf32, #tpu.memory_space<hbm>>) target(%dma_start3A_34 : memref<624x128xf32, #tpu.memory_space<vmem_shared>>) target_semaphore(%run_scoped3A : memref<!tpu.dma_semaphore, #tpu.memory_space<semaphore_mem>>)
      %dma_wait3A = arith.constant 0 : i32
      %dma_wait3A_37 = tpu.memref_slice %arg14[%mul3A_4, %dma_wait3A] : memref<10000x128xf32, #tpu.memory_space<vmem_shared>> -> memref<624x128xf32, #tpu.memory_space<vmem_shared>>
      %dma_wait3A_38 = arith.constant 0 : i32
      %dma_wait3A_39 = tpu.memref_slice %arg6[%mul3A_2, %dma_wait3A_38] : memref<10000x128xf32, #tpu.memory_space<hbm>> -> memref<624x128xf32, #tpu.memory_space<hbm>>
      tpu.wait_dma2 semaphore(%run_scoped3A : memref<!tpu.dma_semaphore, #tpu.memory_space<semaphore_mem>>) src(%dma_wait3A_39 : memref<624x128xf32, #tpu.memory_space<hbm>>) dst(%dma_wait3A_37 : memref<624x128xf32, #tpu.memory_space<vmem_shared>>)
      tpu.yield
    }) : () -> ()
    %eq3A = arith.constant 15 : i32
    %eq3A_5 = arith.cmpi eq, %arg1, %eq3A : i32
    %convert_element_type3A = arith.extui %eq3A_5 : i1 to i32
    %cond3A = arith.constant 0 : i32
    %cond3A_6 = arith.cmpi ne, %convert_element_type3A, %cond3A : i32
    scf.if %cond3A_6 {
      "tpu.region"() ({
        %run_scoped3A = tpu.sem_alloc : memref<!tpu.dma_semaphore, #tpu.memory_space<semaphore_mem>>
        %dma_start3A_33 = arith.constant 9984 : i32
        %dma_start3A_34 = arith.constant 0 : i32
        %dma_start3A_35 = tpu.memref_slice %arg14[%dma_start3A_33, %dma_start3A_34] : memref<10000x128xf32, #tpu.memory_space<vmem_shared>> -> memref<16x128xf32, #tpu.memory_space<vmem_shared>>
        %dma_start3A_36 = arith.constant 9984 : i32
        %dma_start3A_37 = arith.constant 0 : i32
        %dma_start3A_38 = tpu.memref_slice %arg6[%dma_start3A_36, %dma_start3A_37] : memref<10000x128xf32, #tpu.memory_space<hbm>> -> memref<16x128xf32, #tpu.memory_space<hbm>>
        tpu.enqueue_dma source(%dma_start3A_38 : memref<16x128xf32, #tpu.memory_space<hbm>>) target(%dma_start3A_35 : memref<16x128xf32, #tpu.memory_space<vmem_shared>>) target_semaphore(%run_scoped3A : memref<!tpu.dma_semaphore, #tpu.memory_space<semaphore_mem>>)
        %dma_wait3A = arith.constant 9984 : i32
        %dma_wait3A_39 = arith.constant 0 : i32
        %dma_wait3A_40 = tpu.memref_slice %arg14[%dma_wait3A, %dma_wait3A_39] : memref<10000x128xf32, #tpu.memory_space<vmem_shared>> -> memref<16x128xf32, #tpu.memory_space<vmem_shared>>
        %dma_wait3A_41 = arith.constant 9984 : i32
        %dma_wait3A_42 = arith.constant 0 : i32
        %dma_wait3A_43 = tpu.memref_slice %arg6[%dma_wait3A_41, %dma_wait3A_42] : memref<10000x128xf32, #tpu.memory_space<hbm>> -> memref<16x128xf32, #tpu.memory_space<hbm>>
        tpu.wait_dma2 semaphore(%run_scoped3A : memref<!tpu.dma_semaphore, #tpu.memory_space<semaphore_mem>>) src(%dma_wait3A_43 : memref<16x128xf32, #tpu.memory_space<hbm>>) dst(%dma_wait3A_40 : memref<16x128xf32, #tpu.memory_space<vmem_shared>>)
        tpu.yield
      }) : () -> ()
    } else {
    }
    "tpu.region"() ({
      %run_scoped3A = tpu.sem_alloc : memref<!tpu.dma_semaphore, #tpu.memory_space<semaphore_mem>>
      %dma_start3A_33 = arith.constant 0 : i32
      %dma_start3A_34 = tpu.memref_slice %arg3[%add3A, %dma_start3A_33] : memref<32x10080xi32, #tpu.memory_space<hbm>> -> memref<1x10080xi32, #tpu.memory_space<hbm>>
      %dma_start3A_35 = tpu.memref_squeeze %dma_start3A_34 : memref<1x10080xi32, #tpu.memory_space<hbm>> -> memref<10080xi32, #tpu.memory_space<hbm>>
      %dma_start3A_36 = arith.constant 0 : i32
      %dma_start3A_37 = tpu.memref_slice %arg3[%add3A, %dma_start3A_36] : memref<32x10080xi32, #tpu.memory_space<hbm>> -> memref<1x10080xi32, #tpu.memory_space<hbm>>
      %dma_start3A_38 = tpu.memref_squeeze %dma_start3A_37 : memref<1x10080xi32, #tpu.memory_space<hbm>> -> memref<10080xi32, #tpu.memory_space<hbm>>
      tpu.enqueue_dma source(%dma_start3A_38 : memref<10080xi32, #tpu.memory_space<hbm>>) target(%arg8 : memref<10080xi32, #tpu.memory_space<vmem>>) target_semaphore(%run_scoped3A : memref<!tpu.dma_semaphore, #tpu.memory_space<semaphore_mem>>)
      %dma_wait3A = arith.constant 0 : i32
      %dma_wait3A_39 = tpu.memref_slice %arg3[%add3A, %dma_wait3A] : memref<32x10080xi32, #tpu.memory_space<hbm>> -> memref<1x10080xi32, #tpu.memory_space<hbm>>
      %dma_wait3A_40 = tpu.memref_squeeze %dma_wait3A_39 : memref<1x10080xi32, #tpu.memory_space<hbm>> -> memref<10080xi32, #tpu.memory_space<hbm>>
      %dma_wait3A_41 = arith.constant 0 : i32
      %dma_wait3A_42 = tpu.memref_slice %arg3[%add3A, %dma_wait3A_41] : memref<32x10080xi32, #tpu.memory_space<hbm>> -> memref<1x10080xi32, #tpu.memory_space<hbm>>
      %dma_wait3A_43 = tpu.memref_squeeze %dma_wait3A_42 : memref<1x10080xi32, #tpu.memory_space<hbm>> -> memref<10080xi32, #tpu.memory_space<hbm>>
      tpu.wait_dma2 semaphore(%run_scoped3A : memref<!tpu.dma_semaphore, #tpu.memory_space<semaphore_mem>>) src(%dma_wait3A_43 : memref<10080xi32, #tpu.memory_space<hbm>>) dst(%arg8 : memref<10080xi32, #tpu.memory_space<vmem>>)
      tpu.yield
    }) : () -> ()
    "tpu.region"() ({
      %run_scoped3A = tpu.sem_alloc : memref<!tpu.dma_semaphore, #tpu.memory_space<semaphore_mem>>
      %dma_start3A_33 = arith.constant 0 : i32
      %dma_start3A_34 = tpu.memref_slice %arg5[%add3A, %dma_start3A_33] : memref<32x10080xf32, #tpu.memory_space<hbm>> -> memref<1x10080xf32, #tpu.memory_space<hbm>>
      %dma_start3A_35 = tpu.memref_squeeze %dma_start3A_34 : memref<1x10080xf32, #tpu.memory_space<hbm>> -> memref<10080xf32, #tpu.memory_space<hbm>>
      %dma_start3A_36 = arith.constant 0 : i32
      %dma_start3A_37 = tpu.memref_slice %arg5[%add3A, %dma_start3A_36] : memref<32x10080xf32, #tpu.memory_space<hbm>> -> memref<1x10080xf32, #tpu.memory_space<hbm>>
      %dma_start3A_38 = tpu.memref_squeeze %dma_start3A_37 : memref<1x10080xf32, #tpu.memory_space<hbm>> -> memref<10080xf32, #tpu.memory_space<hbm>>
      tpu.enqueue_dma source(%dma_start3A_38 : memref<10080xf32, #tpu.memory_space<hbm>>) target(%arg9 : memref<10080xf32, #tpu.memory_space<vmem>>) target_semaphore(%run_scoped3A : memref<!tpu.dma_semaphore, #tpu.memory_space<semaphore_mem>>)
      %dma_wait3A = arith.constant 0 : i32
      %dma_wait3A_39 = tpu.memref_slice %arg5[%add3A, %dma_wait3A] : memref<32x10080xf32, #tpu.memory_space<hbm>> -> memref<1x10080xf32, #tpu.memory_space<hbm>>
      %dma_wait3A_40 = tpu.memref_squeeze %dma_wait3A_39 : memref<1x10080xf32, #tpu.memory_space<hbm>> -> memref<10080xf32, #tpu.memory_space<hbm>>
      %dma_wait3A_41 = arith.constant 0 : i32
      %dma_wait3A_42 = tpu.memref_slice %arg5[%add3A, %dma_wait3A_41] : memref<32x10080xf32, #tpu.memory_space<hbm>> -> memref<1x10080xf32, #tpu.memory_space<hbm>>
      %dma_wait3A_43 = tpu.memref_squeeze %dma_wait3A_42 : memref<1x10080xf32, #tpu.memory_space<hbm>> -> memref<10080xf32, #tpu.memory_space<hbm>>
      tpu.wait_dma2 semaphore(%run_scoped3A : memref<!tpu.dma_semaphore, #tpu.memory_space<semaphore_mem>>) src(%dma_wait3A_43 : memref<10080xf32, #tpu.memory_space<hbm>>) dst(%arg9 : memref<10080xf32, #tpu.memory_space<vmem>>)
      tpu.yield
    }) : () -> ()
    %barrier3A = arith.constant 0 : index
    tpu.barrier barrier_id(%barrier3A)
    %dma_start3A = arith.constant 0 : i32
    %dma_start3A_7 = tpu.memref_slice %arg8[%dma_start3A] : memref<10080xi32, #tpu.memory_space<vmem>> -> memref<112xi32, #tpu.memory_space<vmem>>
    %dma_start3A_8 = arith.constant 0 : i32
    %dma_start3A_9 = arith.constant 0 : i32
    %dma_start3A_10 = tpu.memref_slice %arg2[%dma_start3A_8, %dma_start3A_9] : memref<10000x128xf32, #tpu.memory_space<hbm>> -> memref<10000x128xf32, #tpu.memory_space<hbm>>
    tpu.enqueue_indirect_dma source(%dma_start3A_10 : memref<10000x128xf32, #tpu.memory_space<hbm>>) target(%arg12 : memref<112x128xf32, #tpu.memory_space<vmem>>) offsets(%dma_start3A_7 : memref<112xi32, #tpu.memory_space<vmem>>) semaphore(%arg15 : memref<!tpu.dma_semaphore, #tpu.memory_space<semaphore_mem>>)
    %dma_start3A_11 = arith.constant 0 : i32
    %dma_start3A_12 = arith.constant 0 : i32
    %dma_start3A_13 = tpu.memref_slice %arg4[%add3A, %dma_start3A_11, %dma_start3A_12] : memref<32x90x112xi32, #tpu.memory_space<hbm>> -> memref<1x1x112xi32, #tpu.memory_space<hbm>>
    %dma_start3A_14 = tpu.memref_squeeze %dma_start3A_13 : memref<1x1x112xi32, #tpu.memory_space<hbm>> -> memref<112xi32, #tpu.memory_space<hbm>>
    %dma_start3A_15 = arith.constant 0 : i32
    %dma_start3A_16 = tpu.memref_slice %arg4[%add3A, %dma_start3A_11, %dma_start3A_15] : memref<32x90x112xi32, #tpu.memory_space<hbm>> -> memref<1x1x112xi32, #tpu.memory_space<hbm>>
    %dma_start3A_17 = tpu.memref_squeeze %dma_start3A_16 : memref<1x1x112xi32, #tpu.memory_space<hbm>> -> memref<112xi32, #tpu.memory_space<hbm>>
    tpu.enqueue_dma source(%dma_start3A_17 : memref<112xi32, #tpu.memory_space<hbm>>) target(%arg10 : memref<112xi32, #tpu.memory_space<vmem>>) target_semaphore(%arg17 : memref<!tpu.dma_semaphore, #tpu.memory_space<semaphore_mem>>)
    %scan3A = arith.constant 0 : i32
    %scan3A_18 = arith.constant 0 : i32
    %scan3A_19 = arith.constant 45 : i32
    %scan3A_20 = arith.addi %scan3A_18, %scan3A_19 : i32
    %scan3A_21 = arith.constant 1 : i32
    scf.for %scan3A_33 = %scan3A_18 to %scan3A_20 step %scan3A_21  : i32 {
      %mul3A_34 = arith.constant 2 : i32
      %mul3A_35 = arith.muli %scan3A_33, %mul3A_34 : i32
      %add3A_36 = arith.constant 0 : i32
      %add3A_37 = arith.addi %mul3A_35, %add3A_36 : i32
      %mul3A_38 = arith.constant 112 : i32
      %mul3A_39 = arith.muli %add3A_37, %mul3A_38 : i32
      %dma_wait3A = tpu.memref_slice %arg8[%mul3A_39] : memref<10080xi32, #tpu.memory_space<vmem>> -> memref<112xi32, #tpu.memory_space<vmem>>
      %dma_wait3A_40 = arith.constant 0 : i32
      %dma_wait3A_41 = arith.constant 0 : i32
      %dma_wait3A_42 = tpu.memref_slice %arg2[%dma_wait3A_40, %dma_wait3A_41] : memref<10000x128xf32, #tpu.memory_space<hbm>> -> memref<10000x128xf32, #tpu.memory_space<hbm>>
      tpu.wait_indirect_dma semaphore(%arg15 : memref<!tpu.dma_semaphore, #tpu.memory_space<semaphore_mem>>) src(%dma_wait3A_42 : memref<10000x128xf32, #tpu.memory_space<hbm>>) dst(%arg12 : memref<112x128xf32, #tpu.memory_space<vmem>>)
      %add3A_43 = arith.constant 1 : i32
      %add3A_44 = arith.addi %add3A_37, %add3A_43 : i32
      %lt3A = arith.constant 90 : i32
      %lt3A_45 = arith.cmpi slt, %add3A_44, %lt3A : i32
      %convert_element_type3A_46 = arith.extui %lt3A_45 : i1 to i32
      %cond3A_47 = arith.constant 0 : i32
      %cond3A_48 = arith.cmpi ne, %convert_element_type3A_46, %cond3A_47 : i32
      scf.if %cond3A_48 {
        %add3A_90 = arith.constant 1 : i32
        %add3A_91 = arith.addi %add3A_37, %add3A_90 : i32
        %mul3A_92 = arith.constant 112 : i32
        %mul3A_93 = arith.muli %add3A_91, %mul3A_92 : i32
        %dma_start3A_94 = tpu.memref_slice %arg8[%mul3A_93] : memref<10080xi32, #tpu.memory_space<vmem>> -> memref<112xi32, #tpu.memory_space<vmem>>
        %dma_start3A_95 = arith.constant 0 : i32
        %dma_start3A_96 = arith.constant 0 : i32
        %dma_start3A_97 = tpu.memref_slice %arg2[%dma_start3A_95, %dma_start3A_96] : memref<10000x128xf32, #tpu.memory_space<hbm>> -> memref<10000x128xf32, #tpu.memory_space<hbm>>
        tpu.enqueue_indirect_dma source(%dma_start3A_97 : memref<10000x128xf32, #tpu.memory_space<hbm>>) target(%arg13 : memref<112x128xf32, #tpu.memory_space<vmem>>) offsets(%dma_start3A_94 : memref<112xi32, #tpu.memory_space<vmem>>) semaphore(%arg16 : memref<!tpu.dma_semaphore, #tpu.memory_space<semaphore_mem>>)
        %add3A_98 = arith.constant 1 : i32
        %add3A_99 = arith.addi %add3A_37, %add3A_98 : i32
        %dma_start3A_100 = arith.constant 0 : i32
        %dma_start3A_101 = tpu.memref_slice %arg4[%add3A, %add3A_99, %dma_start3A_100] : memref<32x90x112xi32, #tpu.memory_space<hbm>> -> memref<1x1x112xi32, #tpu.memory_space<hbm>>
        %dma_start3A_102 = tpu.memref_squeeze %dma_start3A_101 : memref<1x1x112xi32, #tpu.memory_space<hbm>> -> memref<112xi32, #tpu.memory_space<hbm>>
        %dma_start3A_103 = arith.constant 0 : i32
        %dma_start3A_104 = tpu.memref_slice %arg4[%add3A, %add3A_99, %dma_start3A_103] : memref<32x90x112xi32, #tpu.memory_space<hbm>> -> memref<1x1x112xi32, #tpu.memory_space<hbm>>
        %dma_start3A_105 = tpu.memref_squeeze %dma_start3A_104 : memref<1x1x112xi32, #tpu.memory_space<hbm>> -> memref<112xi32, #tpu.memory_space<hbm>>
        tpu.enqueue_dma source(%dma_start3A_105 : memref<112xi32, #tpu.memory_space<hbm>>) target(%arg11 : memref<112xi32, #tpu.memory_space<vmem>>) target_semaphore(%arg18 : memref<!tpu.dma_semaphore, #tpu.memory_space<semaphore_mem>>)
      } else {
      }
      %scan3A_49 = arith.constant 0 : i32
      %scan3A_50 = arith.constant 0 : i32
      %scan3A_51 = arith.constant 7 : i32
      %scan3A_52 = arith.addi %scan3A_50, %scan3A_51 : i32
      %scan3A_53 = arith.constant 1 : i32
      scf.for %scan3A_90 = %scan3A_50 to %scan3A_52 step %scan3A_53  : i32 {
        %mul3A_91 = arith.constant 112 : i32
        %mul3A_92 = arith.muli %add3A_37, %mul3A_91 : i32
        %mul3A_93 = arith.constant 16 : i32
        %mul3A_94 = arith.muli %scan3A_90, %mul3A_93 : i32
        %add3A_95 = arith.addi %mul3A_92, %mul3A_94 : i32
        %get3A = arith.index_cast %add3A_95 : i32 to index
        %get3A_96 = tpu.vector_load %arg9[%get3A] {strides = array<i32>} : memref<10080xf32, #tpu.memory_space<vmem>>, vector<16xf32>,
        %get3A_97 = vector.shape_cast %get3A_96 : vector<16xf32> to vector<16xf32>
        %slice3A = vector.extract_strided_slice %get3A_97 {offsets = [0], sizes = [1], strides = [1]} : vector<16xf32> to vector<1xf32>
        %squeeze3A = vector.extract %slice3A[0] : f32 from vector<1xf32>
        %mul3A_98 = arith.constant 16 : i32
        %mul3A_99 = arith.muli %scan3A_90, %mul3A_98 : i32
        %add3A_100 = arith.constant 0 : i32
        %add3A_101 = arith.addi %mul3A_99, %add3A_100 : i32
        %get3A_102 = arith.index_cast %add3A_101 : i32 to index
        %get3A_103 = arith.constant 0 : index
        %get3A_104 = tpu.vector_load %arg12[%get3A_102, %get3A_103] {strides = array<i32>} : memref<112x128xf32, #tpu.memory_space<vmem>>, vector<1x16xf32>,
        %get3A_105 = vector.shape_cast %get3A_104 : vector<1x16xf32> to vector<16xf32>
        %mul3A_106 = vector.broadcast %squeeze3A : f32 to vector<16xf32>
        %mul3A_107 = arith.mulf %get3A_105, %mul3A_106 : vector<16xf32>
        %swap3A = arith.index_cast %add3A_101 : i32 to index
        %swap3A_108 = arith.constant 0 : index
        %swap3A_109 = tpu.vector_load %arg12[%swap3A, %swap3A_108] {strides = array<i32>} : memref<112x128xf32, #tpu.memory_space<vmem>>, vector<1x16xf32>,
        %swap3A_110 = vector.shape_cast %swap3A_109 : vector<1x16xf32> to vector<16xf32>
        %swap3A_111 = vector.shape_cast %mul3A_107 : vector<16xf32> to vector<1x16xf32>
        tpu.vector_store %arg12[%swap3A, %swap3A_108], %swap3A_111 {strides = array<i32>} : memref<112x128xf32, #tpu.memory_space<vmem>>, vector<1x16xf32>,
        %get3A_112 = arith.index_cast %add3A_101 : i32 to index
        %get3A_113 = arith.constant 16 : index
        %get3A_114 = tpu.vector_load %arg12[%get3A_112, %get3A_113] {strides = array<i32>} : memref<112x128xf32, #tpu.memory_space<vmem>>, vector<1x16xf32>,
        %get3A_115 = vector.shape_cast %get3A_114 : vector<1x16xf32> to vector<16xf32>
        %mul3A_116 = vector.broadcast %squeeze3A : f32 to vector<16xf32>
        %mul3A_117 = arith.mulf %get3A_115, %mul3A_116 : vector<16xf32>
        %swap3A_118 = arith.index_cast %add3A_101 : i32 to index
        %swap3A_119 = arith.constant 16 : index
        %swap3A_120 = tpu.vector_load %arg12[%swap3A_118, %swap3A_119] {strides = array<i32>} : memref<112x128xf32, #tpu.memory_space<vmem>>, vector<1x16xf32>,
        %swap3A_121 = vector.shape_cast %swap3A_120 : vector<1x16xf32> to vector<16xf32>
        %swap3A_122 = vector.shape_cast %mul3A_117 : vector<16xf32> to vector<1x16xf32>
        tpu.vector_store %arg12[%swap3A_118, %swap3A_119], %swap3A_122 {strides = array<i32>} : memref<112x128xf32, #tpu.memory_space<vmem>>, vector<1x16xf32>,
        %get3A_123 = arith.index_cast %add3A_101 : i32 to index
        %get3A_124 = arith.constant 32 : index
        %get3A_125 = tpu.vector_load %arg12[%get3A_123, %get3A_124] {strides = array<i32>} : memref<112x128xf32, #tpu.memory_space<vmem>>, vector<1x16xf32>,
        %get3A_126 = vector.shape_cast %get3A_125 : vector<1x16xf32> to vector<16xf32>
        %mul3A_127 = vector.broadcast %squeeze3A : f32 to vector<16xf32>
        %mul3A_128 = arith.mulf %get3A_126, %mul3A_127 : vector<16xf32>
        %swap3A_129 = arith.index_cast %add3A_101 : i32 to index
        %swap3A_130 = arith.constant 32 : index
        %swap3A_131 = tpu.vector_load %arg12[%swap3A_129, %swap3A_130] {strides = array<i32>} : memref<112x128xf32, #tpu.memory_space<vmem>>, vector<1x16xf32>,
        %swap3A_132 = vector.shape_cast %swap3A_131 : vector<1x16xf32> to vector<16xf32>
        %swap3A_133 = vector.shape_cast %mul3A_128 : vector<16xf32> to vector<1x16xf32>
        tpu.vector_store %arg12[%swap3A_129, %swap3A_130], %swap3A_133 {strides = array<i32>} : memref<112x128xf32, #tpu.memory_space<vmem>>, vector<1x16xf32>,
        %get3A_134 = arith.index_cast %add3A_101 : i32 to index
        %get3A_135 = arith.constant 48 : index
        %get3A_136 = tpu.vector_load %arg12[%get3A_134, %get3A_135] {strides = array<i32>} : memref<112x128xf32, #tpu.memory_space<vmem>>, vector<1x16xf32>,
        %get3A_137 = vector.shape_cast %get3A_136 : vector<1x16xf32> to vector<16xf32>
        %mul3A_138 = vector.broadcast %squeeze3A : f32 to vector<16xf32>
        %mul3A_139 = arith.mulf %get3A_137, %mul3A_138 : vector<16xf32>
        %swap3A_140 = arith.index_cast %add3A_101 : i32 to index
        %swap3A_141 = arith.constant 48 : index
        %swap3A_142 = tpu.vector_load %arg12[%swap3A_140, %swap3A_141] {strides = array<i32>} : memref<112x128xf32, #tpu.memory_space<vmem>>, vector<1x16xf32>,
        %swap3A_143 = vector.shape_cast %swap3A_142 : vector<1x16xf32> to vector<16xf32>
        %swap3A_144 = vector.shape_cast %mul3A_139 : vector<16xf32> to vector<1x16xf32>
        tpu.vector_store %arg12[%swap3A_140, %swap3A_141], %swap3A_144 {strides = array<i32>} : memref<112x128xf32, #tpu.memory_space<vmem>>, vector<1x16xf32>,
        %get3A_145 = arith.index_cast %add3A_101 : i32 to index
        %get3A_146 = arith.constant 64 : index
        %get3A_147 = tpu.vector_load %arg12[%get3A_145, %get3A_146] {strides = array<i32>} : memref<112x128xf32, #tpu.memory_space<vmem>>, vector<1x16xf32>,
        %get3A_148 = vector.shape_cast %get3A_147 : vector<1x16xf32> to vector<16xf32>
        %mul3A_149 = vector.broadcast %squeeze3A : f32 to vector<16xf32>
        %mul3A_150 = arith.mulf %get3A_148, %mul3A_149 : vector<16xf32>
        %swap3A_151 = arith.index_cast %add3A_101 : i32 to index
        %swap3A_152 = arith.constant 64 : index
        %swap3A_153 = tpu.vector_load %arg12[%swap3A_151, %swap3A_152] {strides = array<i32>} : memref<112x128xf32, #tpu.memory_space<vmem>>, vector<1x16xf32>,
        %swap3A_154 = vector.shape_cast %swap3A_153 : vector<1x16xf32> to vector<16xf32>
        %swap3A_155 = vector.shape_cast %mul3A_150 : vector<16xf32> to vector<1x16xf32>
        tpu.vector_store %arg12[%swap3A_151, %swap3A_152], %swap3A_155 {strides = array<i32>} : memref<112x128xf32, #tpu.memory_space<vmem>>, vector<1x16xf32>,
        %get3A_156 = arith.index_cast %add3A_101 : i32 to index
        %get3A_157 = arith.constant 80 : index
        %get3A_158 = tpu.vector_load %arg12[%get3A_156, %get3A_157] {strides = array<i32>} : memref<112x128xf32, #tpu.memory_space<vmem>>, vector<1x16xf32>,
        %get3A_159 = vector.shape_cast %get3A_158 : vector<1x16xf32> to vector<16xf32>
        %mul3A_160 = vector.broadcast %squeeze3A : f32 to vector<16xf32>
        %mul3A_161 = arith.mulf %get3A_159, %mul3A_160 : vector<16xf32>
        %swap3A_162 = arith.index_cast %add3A_101 : i32 to index
        %swap3A_163 = arith.constant 80 : index
        %swap3A_164 = tpu.vector_load %arg12[%swap3A_162, %swap3A_163] {strides = array<i32>} : memref<112x128xf32, #tpu.memory_space<vmem>>, vector<1x16xf32>,
        %swap3A_165 = vector.shape_cast %swap3A_164 : vector<1x16xf32> to vector<16xf32>
        %swap3A_166 = vector.shape_cast %mul3A_161 : vector<16xf32> to vector<1x16xf32>
        tpu.vector_store %arg12[%swap3A_162, %swap3A_163], %swap3A_166 {strides = array<i32>} : memref<112x128xf32, #tpu.memory_space<vmem>>, vector<1x16xf32>,
        %get3A_167 = arith.index_cast %add3A_101 : i32 to index
        %get3A_168 = arith.constant 96 : index
        %get3A_169 = tpu.vector_load %arg12[%get3A_167, %get3A_168] {strides = array<i32>} : memref<112x128xf32, #tpu.memory_space<vmem>>, vector<1x16xf32>,
        %get3A_170 = vector.shape_cast %get3A_169 : vector<1x16xf32> to vector<16xf32>
        %mul3A_171 = vector.broadcast %squeeze3A : f32 to vector<16xf32>
        %mul3A_172 = arith.mulf %get3A_170, %mul3A_171 : vector<16xf32>
        %swap3A_173 = arith.index_cast %add3A_101 : i32 to index
        %swap3A_174 = arith.constant 96 : index
        %swap3A_175 = tpu.vector_load %arg12[%swap3A_173, %swap3A_174] {strides = array<i32>} : memref<112x128xf32, #tpu.memory_space<vmem>>, vector<1x16xf32>,
        %swap3A_176 = vector.shape_cast %swap3A_175 : vector<1x16xf32> to vector<16xf32>
        %swap3A_177 = vector.shape_cast %mul3A_172 : vector<16xf32> to vector<1x16xf32>
        tpu.vector_store %arg12[%swap3A_173, %swap3A_174], %swap3A_177 {strides = array<i32>} : memref<112x128xf32, #tpu.memory_space<vmem>>, vector<1x16xf32>,
        %get3A_178 = arith.index_cast %add3A_101 : i32 to index
        %get3A_179 = arith.constant 112 : index
        %get3A_180 = tpu.vector_load %arg12[%get3A_178, %get3A_179] {strides = array<i32>} : memref<112x128xf32, #tpu.memory_space<vmem>>, vector<1x16xf32>,
        %get3A_181 = vector.shape_cast %get3A_180 : vector<1x16xf32> to vector<16xf32>
        %mul3A_182 = vector.broadcast %squeeze3A : f32 to vector<16xf32>
        %mul3A_183 = arith.mulf %get3A_181, %mul3A_182 : vector<16xf32>
        %swap3A_184 = arith.index_cast %add3A_101 : i32 to index
        %swap3A_185 = arith.constant 112 : index
        %swap3A_186 = tpu.vector_load %arg12[%swap3A_184, %swap3A_185] {strides = array<i32>} : memref<112x128xf32, #tpu.memory_space<vmem>>, vector<1x16xf32>,
        %swap3A_187 = vector.shape_cast %swap3A_186 : vector<1x16xf32> to vector<16xf32>
        %swap3A_188 = vector.shape_cast %mul3A_183 : vector<16xf32> to vector<1x16xf32>
        tpu.vector_store %arg12[%swap3A_184, %swap3A_185], %swap3A_188 {strides = array<i32>} : memref<112x128xf32, #tpu.memory_space<vmem>>, vector<1x16xf32>,
        %slice3A_189 = vector.extract_strided_slice %get3A_97 {offsets = [1], sizes = [1], strides = [1]} : vector<16xf32> to vector<1xf32>
        %squeeze3A_190 = vector.extract %slice3A_189[0] : f32 from vector<1xf32>
        %mul3A_191 = arith.constant 16 : i32
        %mul3A_192 = arith.muli %scan3A_90, %mul3A_191 : i32
        %add3A_193 = arith.constant 1 : i32
        %add3A_194 = arith.addi %mul3A_192, %add3A_193 : i32
        %get3A_195 = arith.index_cast %add3A_194 : i32 to index
        %get3A_196 = arith.constant 0 : index
        %get3A_197 = tpu.vector_load %arg12[%get3A_195, %get3A_196] {strides = array<i32>} : memref<112x128xf32, #tpu.memory_space<vmem>>, vector<1x16xf32>,
        %get3A_198 = vector.shape_cast %get3A_197 : vector<1x16xf32> to vector<16xf32>
        %mul3A_199 = vector.broadcast %squeeze3A_190 : f32 to vector<16xf32>
        %mul3A_200 = arith.mulf %get3A_198, %mul3A_199 : vector<16xf32>
        %swap3A_201 = arith.index_cast %add3A_194 : i32 to index
        %swap3A_202 = arith.constant 0 : index
        %swap3A_203 = tpu.vector_load %arg12[%swap3A_201, %swap3A_202] {strides = array<i32>} : memref<112x128xf32, #tpu.memory_space<vmem>>, vector<1x16xf32>,
        %swap3A_204 = vector.shape_cast %swap3A_203 : vector<1x16xf32> to vector<16xf32>
        %swap3A_205 = vector.shape_cast %mul3A_200 : vector<16xf32> to vector<1x16xf32>
        tpu.vector_store %arg12[%swap3A_201, %swap3A_202], %swap3A_205 {strides = array<i32>} : memref<112x128xf32, #tpu.memory_space<vmem>>, vector<1x16xf32>,
        %get3A_206 = arith.index_cast %add3A_194 : i32 to index
        %get3A_207 = arith.constant 16 : index
        %get3A_208 = tpu.vector_load %arg12[%get3A_206, %get3A_207] {strides = array<i32>} : memref<112x128xf32, #tpu.memory_space<vmem>>, vector<1x16xf32>,
        %get3A_209 = vector.shape_cast %get3A_208 : vector<1x16xf32> to vector<16xf32>
        %mul3A_210 = vector.broadcast %squeeze3A_190 : f32 to vector<16xf32>
        %mul3A_211 = arith.mulf %get3A_209, %mul3A_210 : vector<16xf32>
        %swap3A_212 = arith.index_cast %add3A_194 : i32 to index
        %swap3A_213 = arith.constant 16 : index
        %swap3A_214 = tpu.vector_load %arg12[%swap3A_212, %swap3A_213] {strides = array<i32>} : memref<112x128xf32, #tpu.memory_space<vmem>>, vector<1x16xf32>,
        %swap3A_215 = vector.shape_cast %swap3A_214 : vector<1x16xf32> to vector<16xf32>
        %swap3A_216 = vector.shape_cast %mul3A_211 : vector<16xf32> to vector<1x16xf32>
        tpu.vector_store %arg12[%swap3A_212, %swap3A_213], %swap3A_216 {strides = array<i32>} : memref<112x128xf32, #tpu.memory_space<vmem>>, vector<1x16xf32>,
        %get3A_217 = arith.index_cast %add3A_194 : i32 to index
        %get3A_218 = arith.constant 32 : index
        %get3A_219 = tpu.vector_load %arg12[%get3A_217, %get3A_218] {strides = array<i32>} : memref<112x128xf32, #tpu.memory_space<vmem>>, vector<1x16xf32>,
        %get3A_220 = vector.shape_cast %get3A_219 : vector<1x16xf32> to vector<16xf32>
        %mul3A_221 = vector.broadcast %squeeze3A_190 : f32 to vector<16xf32>
        %mul3A_222 = arith.mulf %get3A_220, %mul3A_221 : vector<16xf32>
        %swap3A_223 = arith.index_cast %add3A_194 : i32 to index
        %swap3A_224 = arith.constant 32 : index
        %swap3A_225 = tpu.vector_load %arg12[%swap3A_223, %swap3A_224] {strides = array<i32>} : memref<112x128xf32, #tpu.memory_space<vmem>>, vector<1x16xf32>,
        %swap3A_226 = vector.shape_cast %swap3A_225 : vector<1x16xf32> to vector<16xf32>
        %swap3A_227 = vector.shape_cast %mul3A_222 : vector<16xf32> to vector<1x16xf32>
        tpu.vector_store %arg12[%swap3A_223, %swap3A_224], %swap3A_227 {strides = array<i32>} : memref<112x128xf32, #tpu.memory_space<vmem>>, vector<1x16xf32>,
        %get3A_228 = arith.index_cast %add3A_194 : i32 to index
        %get3A_229 = arith.constant 48 : index
        %get3A_230 = tpu.vector_load %arg12[%get3A_228, %get3A_229] {strides = array<i32>} : memref<112x128xf32, #tpu.memory_space<vmem>>, vector<1x16xf32>,
        %get3A_231 = vector.shape_cast %get3A_230 : vector<1x16xf32> to vector<16xf32>
        %mul3A_232 = vector.broadcast %squeeze3A_190 : f32 to vector<16xf32>
        %mul3A_233 = arith.mulf %get3A_231, %mul3A_232 : vector<16xf32>
        %swap3A_234 = arith.index_cast %add3A_194 : i32 to index
        %swap3A_235 = arith.constant 48 : index
        %swap3A_236 = tpu.vector_load %arg12[%swap3A_234, %swap3A_235] {strides = array<i32>} : memref<112x128xf32, #tpu.memory_space<vmem>>, vector<1x16xf32>,
        %swap3A_237 = vector.shape_cast %swap3A_236 : vector<1x16xf32> to vector<16xf32>
        %swap3A_238 = vector.shape_cast %mul3A_233 : vector<16xf32> to vector<1x16xf32>
        tpu.vector_store %arg12[%swap3A_234, %swap3A_235], %swap3A_238 {strides = array<i32>} : memref<112x128xf32, #tpu.memory_space<vmem>>, vector<1x16xf32>,
        %get3A_239 = arith.index_cast %add3A_194 : i32 to index
        %get3A_240 = arith.constant 64 : index
        %get3A_241 = tpu.vector_load %arg12[%get3A_239, %get3A_240] {strides = array<i32>} : memref<112x128xf32, #tpu.memory_space<vmem>>, vector<1x16xf32>,
        %get3A_242 = vector.shape_cast %get3A_241 : vector<1x16xf32> to vector<16xf32>
        %mul3A_243 = vector.broadcast %squeeze3A_190 : f32 to vector<16xf32>
        %mul3A_244 = arith.mulf %get3A_242, %mul3A_243 : vector<16xf32>
        %swap3A_245 = arith.index_cast %add3A_194 : i32 to index
        %swap3A_246 = arith.constant 64 : index
        %swap3A_247 = tpu.vector_load %arg12[%swap3A_245, %swap3A_246] {strides = array<i32>} : memref<112x128xf32, #tpu.memory_space<vmem>>, vector<1x16xf32>,
        %swap3A_248 = vector.shape_cast %swap3A_247 : vector<1x16xf32> to vector<16xf32>
        %swap3A_249 = vector.shape_cast %mul3A_244 : vector<16xf32> to vector<1x16xf32>
        tpu.vector_store %arg12[%swap3A_245, %swap3A_246], %swap3A_249 {strides = array<i32>} : memref<112x128xf32, #tpu.memory_space<vmem>>, vector<1x16xf32>,
        %get3A_250 = arith.index_cast %add3A_194 : i32 to index
        %get3A_251 = arith.constant 80 : index
        %get3A_252 = tpu.vector_load %arg12[%get3A_250, %get3A_251] {strides = array<i32>} : memref<112x128xf32, #tpu.memory_space<vmem>>, vector<1x16xf32>,
        %get3A_253 = vector.shape_cast %get3A_252 : vector<1x16xf32> to vector<16xf32>
        %mul3A_254 = vector.broadcast %squeeze3A_190 : f32 to vector<16xf32>
        %mul3A_255 = arith.mulf %get3A_253, %mul3A_254 : vector<16xf32>
        %swap3A_256 = arith.index_cast %add3A_194 : i32 to index
        %swap3A_257 = arith.constant 80 : index
        %swap3A_258 = tpu.vector_load %arg12[%swap3A_256, %swap3A_257] {strides = array<i32>} : memref<112x128xf32, #tpu.memory_space<vmem>>, vector<1x16xf32>,
        %swap3A_259 = vector.shape_cast %swap3A_258 : vector<1x16xf32> to vector<16xf32>
        %swap3A_260 = vector.shape_cast %mul3A_255 : vector<16xf32> to vector<1x16xf32>
        tpu.vector_store %arg12[%swap3A_256, %swap3A_257], %swap3A_260 {strides = array<i32>} : memref<112x128xf32, #tpu.memory_space<vmem>>, vector<1x16xf32>,
        %get3A_261 = arith.index_cast %add3A_194 : i32 to index
        %get3A_262 = arith.constant 96 : index
        %get3A_263 = tpu.vector_load %arg12[%get3A_261, %get3A_262] {strides = array<i32>} : memref<112x128xf32, #tpu.memory_space<vmem>>, vector<1x16xf32>,
        %get3A_264 = vector.shape_cast %get3A_263 : vector<1x16xf32> to vector<16xf32>
        %mul3A_265 = vector.broadcast %squeeze3A_190 : f32 to vector<16xf32>
        %mul3A_266 = arith.mulf %get3A_264, %mul3A_265 : vector<16xf32>
        %swap3A_267 = arith.index_cast %add3A_194 : i32 to index
        %swap3A_268 = arith.constant 96 : index
        %swap3A_269 = tpu.vector_load %arg12[%swap3A_267, %swap3A_268] {strides = array<i32>} : memref<112x128xf32, #tpu.memory_space<vmem>>, vector<1x16xf32>,
        %swap3A_270 = vector.shape_cast %swap3A_269 : vector<1x16xf32> to vector<16xf32>
        %swap3A_271 = vector.shape_cast %mul3A_266 : vector<16xf32> to vector<1x16xf32>
        tpu.vector_store %arg12[%swap3A_267, %swap3A_268], %swap3A_271 {strides = array<i32>} : memref<112x128xf32, #tpu.memory_space<vmem>>, vector<1x16xf32>,
        %get3A_272 = arith.index_cast %add3A_194 : i32 to index
        %get3A_273 = arith.constant 112 : index
        %get3A_274 = tpu.vector_load %arg12[%get3A_272, %get3A_273] {strides = array<i32>} : memref<112x128xf32, #tpu.memory_space<vmem>>, vector<1x16xf32>,
        %get3A_275 = vector.shape_cast %get3A_274 : vector<1x16xf32> to vector<16xf32>
        %mul3A_276 = vector.broadcast %squeeze3A_190 : f32 to vector<16xf32>
        %mul3A_277 = arith.mulf %get3A_275, %mul3A_276 : vector<16xf32>
        %swap3A_278 = arith.index_cast %add3A_194 : i32 to index
        %swap3A_279 = arith.constant 112 : index
        %swap3A_280 = tpu.vector_load %arg12[%swap3A_278, %swap3A_279] {strides = array<i32>} : memref<112x128xf32, #tpu.memory_space<vmem>>, vector<1x16xf32>,
        %swap3A_281 = vector.shape_cast %swap3A_280 : vector<1x16xf32> to vector<16xf32>
        %swap3A_282 = vector.shape_cast %mul3A_277 : vector<16xf32> to vector<1x16xf32>
        tpu.vector_store %arg12[%swap3A_278, %swap3A_279], %swap3A_282 {strides = array<i32>} : memref<112x128xf32, #tpu.memory_space<vmem>>, vector<1x16xf32>,
        %slice3A_283 = vector.extract_strided_slice %get3A_97 {offsets = [2], sizes = [1], strides = [1]} : vector<16xf32> to vector<1xf32>
        %squeeze3A_284 = vector.extract %slice3A_283[0] : f32 from vector<1xf32>
        %mul3A_285 = arith.constant 16 : i32
        %mul3A_286 = arith.muli %scan3A_90, %mul3A_285 : i32
        %add3A_287 = arith.constant 2 : i32
        %add3A_288 = arith.addi %mul3A_286, %add3A_287 : i32
        %get3A_289 = arith.index_cast %add3A_288 : i32 to index
        %get3A_290 = arith.constant 0 : index
        %get3A_291 = tpu.vector_load %arg12[%get3A_289, %get3A_290] {strides = array<i32>} : memref<112x128xf32, #tpu.memory_space<vmem>>, vector<1x16xf32>,
        %get3A_292 = vector.shape_cast %get3A_291 : vector<1x16xf32> to vector<16xf32>
        %mul3A_293 = vector.broadcast %squeeze3A_284 : f32 to vector<16xf32>
        %mul3A_294 = arith.mulf %get3A_292, %mul3A_293 : vector<16xf32>
        %swap3A_295 = arith.index_cast %add3A_288 : i32 to index
        %swap3A_296 = arith.constant 0 : index
        %swap3A_297 = tpu.vector_load %arg12[%swap3A_295, %swap3A_296] {strides = array<i32>} : memref<112x128xf32, #tpu.memory_space<vmem>>, vector<1x16xf32>,
        %swap3A_298 = vector.shape_cast %swap3A_297 : vector<1x16xf32> to vector<16xf32>
        %swap3A_299 = vector.shape_cast %mul3A_294 : vector<16xf32> to vector<1x16xf32>
        tpu.vector_store %arg12[%swap3A_295, %swap3A_296], %swap3A_299 {strides = array<i32>} : memref<112x128xf32, #tpu.memory_space<vmem>>, vector<1x16xf32>,
        %get3A_300 = arith.index_cast %add3A_288 : i32 to index
        %get3A_301 = arith.constant 16 : index
        %get3A_302 = tpu.vector_load %arg12[%get3A_300, %get3A_301] {strides = array<i32>} : memref<112x128xf32, #tpu.memory_space<vmem>>, vector<1x16xf32>,
        %get3A_303 = vector.shape_cast %get3A_302 : vector<1x16xf32> to vector<16xf32>
        %mul3A_304 = vector.broadcast %squeeze3A_284 : f32 to vector<16xf32>
        %mul3A_305 = arith.mulf %get3A_303, %mul3A_304 : vector<16xf32>
        %swap3A_306 = arith.index_cast %add3A_288 : i32 to index
        %swap3A_307 = arith.constant 16 : index
        %swap3A_308 = tpu.vector_load %arg12[%swap3A_306, %swap3A_307] {strides = array<i32>} : memref<112x128xf32, #tpu.memory_space<vmem>>, vector<1x16xf32>,
        %swap3A_309 = vector.shape_cast %swap3A_308 : vector<1x16xf32> to vector<16xf32>
        %swap3A_310 = vector.shape_cast %mul3A_305 : vector<16xf32> to vector<1x16xf32>
        tpu.vector_store %arg12[%swap3A_306, %swap3A_307], %swap3A_310 {strides = array<i32>} : memref<112x128xf32, #tpu.memory_space<vmem>>, vector<1x16xf32>,
        %get3A_311 = arith.index_cast %add3A_288 : i32 to index
        %get3A_312 = arith.constant 32 : index
        %get3A_313 = tpu.vector_load %arg12[%get3A_311, %get3A_312] {strides = array<i32>} : memref<112x128xf32, #tpu.memory_space<vmem>>, vector<1x16xf32>,
        %get3A_314 = vector.shape_cast %get3A_313 : vector<1x16xf32> to vector<16xf32>
        %mul3A_315 = vector.broadcast %squeeze3A_284 : f32 to vector<16xf32>
        %mul3A_316 = arith.mulf %get3A_314, %mul3A_315 : vector<16xf32>
        %swap3A_317 = arith.index_cast %add3A_288 : i32 to index
        %swap3A_318 = arith.constant 32 : index
        %swap3A_319 = tpu.vector_load %arg12[%swap3A_317, %swap3A_318] {strides = array<i32>} : memref<112x128xf32, #tpu.memory_space<vmem>>, vector<1x16xf32>,
        %swap3A_320 = vector.shape_cast %swap3A_319 : vector<1x16xf32> to vector<16xf32>
        %swap3A_321 = vector.shape_cast %mul3A_316 : vector<16xf32> to vector<1x16xf32>
        tpu.vector_store %arg12[%swap3A_317, %swap3A_318], %swap3A_321 {strides = array<i32>} : memref<112x128xf32, #tpu.memory_space<vmem>>, vector<1x16xf32>,
        %get3A_322 = arith.index_cast %add3A_288 : i32 to index
        %get3A_323 = arith.constant 48 : index
        %get3A_324 = tpu.vector_load %arg12[%get3A_322, %get3A_323] {strides = array<i32>} : memref<112x128xf32, #tpu.memory_space<vmem>>, vector<1x16xf32>,
        %get3A_325 = vector.shape_cast %get3A_324 : vector<1x16xf32> to vector<16xf32>
        %mul3A_326 = vector.broadcast %squeeze3A_284 : f32 to vector<16xf32>
        %mul3A_327 = arith.mulf %get3A_325, %mul3A_326 : vector<16xf32>
        %swap3A_328 = arith.index_cast %add3A_288 : i32 to index
        %swap3A_329 = arith.constant 48 : index
        %swap3A_330 = tpu.vector_load %arg12[%swap3A_328, %swap3A_329] {strides = array<i32>} : memref<112x128xf32, #tpu.memory_space<vmem>>, vector<1x16xf32>,
        %swap3A_331 = vector.shape_cast %swap3A_330 : vector<1x16xf32> to vector<16xf32>
        %swap3A_332 = vector.shape_cast %mul3A_327 : vector<16xf32> to vector<1x16xf32>
        tpu.vector_store %arg12[%swap3A_328, %swap3A_329], %swap3A_332 {strides = array<i32>} : memref<112x128xf32, #tpu.memory_space<vmem>>, vector<1x16xf32>,
        %get3A_333 = arith.index_cast %add3A_288 : i32 to index
        %get3A_334 = arith.constant 64 : index
        %get3A_335 = tpu.vector_load %arg12[%get3A_333, %get3A_334] {strides = array<i32>} : memref<112x128xf32, #tpu.memory_space<vmem>>, vector<1x16xf32>,
        %get3A_336 = vector.shape_cast %get3A_335 : vector<1x16xf32> to vector<16xf32>
        %mul3A_337 = vector.broadcast %squeeze3A_284 : f32 to vector<16xf32>
        %mul3A_338 = arith.mulf %get3A_336, %mul3A_337 : vector<16xf32>
        %swap3A_339 = arith.index_cast %add3A_288 : i32 to index
        %swap3A_340 = arith.constant 64 : index
        %swap3A_341 = tpu.vector_load %arg12[%swap3A_339, %swap3A_340] {strides = array<i32>} : memref<112x128xf32, #tpu.memory_space<vmem>>, vector<1x16xf32>,
        %swap3A_342 = vector.shape_cast %swap3A_341 : vector<1x16xf32> to vector<16xf32>
        %swap3A_343 = vector.shape_cast %mul3A_338 : vector<16xf32> to vector<1x16xf32>
        tpu.vector_store %arg12[%swap3A_339, %swap3A_340], %swap3A_343 {strides = array<i32>} : memref<112x128xf32, #tpu.memory_space<vmem>>, vector<1x16xf32>,
        %get3A_344 = arith.index_cast %add3A_288 : i32 to index
        %get3A_345 = arith.constant 80 : index
        %get3A_346 = tpu.vector_load %arg12[%get3A_344, %get3A_345] {strides = array<i32>} : memref<112x128xf32, #tpu.memory_space<vmem>>, vector<1x16xf32>,
        %get3A_347 = vector.shape_cast %get3A_346 : vector<1x16xf32> to vector<16xf32>
        %mul3A_348 = vector.broadcast %squeeze3A_284 : f32 to vector<16xf32>
        %mul3A_349 = arith.mulf %get3A_347, %mul3A_348 : vector<16xf32>
        %swap3A_350 = arith.index_cast %add3A_288 : i32 to index
        %swap3A_351 = arith.constant 80 : index
        %swap3A_352 = tpu.vector_load %arg12[%swap3A_350, %swap3A_351] {strides = array<i32>} : memref<112x128xf32, #tpu.memory_space<vmem>>, vector<1x16xf32>,
        %swap3A_353 = vector.shape_cast %swap3A_352 : vector<1x16xf32> to vector<16xf32>
        %swap3A_354 = vector.shape_cast %mul3A_349 : vector<16xf32> to vector<1x16xf32>
        tpu.vector_store %arg12[%swap3A_350, %swap3A_351], %swap3A_354 {strides = array<i32>} : memref<112x128xf32, #tpu.memory_space<vmem>>, vector<1x16xf32>,
        %get3A_355 = arith.index_cast %add3A_288 : i32 to index
        %get3A_356 = arith.constant 96 : index
        %get3A_357 = tpu.vector_load %arg12[%get3A_355, %get3A_356] {strides = array<i32>} : memref<112x128xf32, #tpu.memory_space<vmem>>, vector<1x16xf32>,
        %get3A_358 = vector.shape_cast %get3A_357 : vector<1x16xf32> to vector<16xf32>
        %mul3A_359 = vector.broadcast %squeeze3A_284 : f32 to vector<16xf32>
        %mul3A_360 = arith.mulf %get3A_358, %mul3A_359 : vector<16xf32>
        %swap3A_361 = arith.index_cast %add3A_288 : i32 to index
        %swap3A_362 = arith.constant 96 : index
        %swap3A_363 = tpu.vector_load %arg12[%swap3A_361, %swap3A_362] {strides = array<i32>} : memref<112x128xf32, #tpu.memory_space<vmem>>, vector<1x16xf32>,
        %swap3A_364 = vector.shape_cast %swap3A_363 : vector<1x16xf32> to vector<16xf32>
        %swap3A_365 = vector.shape_cast %mul3A_360 : vector<16xf32> to vector<1x16xf32>
        tpu.vector_store %arg12[%swap3A_361, %swap3A_362], %swap3A_365 {strides = array<i32>} : memref<112x128xf32, #tpu.memory_space<vmem>>, vector<1x16xf32>,
        %get3A_366 = arith.index_cast %add3A_288 : i32 to index
        %get3A_367 = arith.constant 112 : index
        %get3A_368 = tpu.vector_load %arg12[%get3A_366, %get3A_367] {strides = array<i32>} : memref<112x128xf32, #tpu.memory_space<vmem>>, vector<1x16xf32>,
        %get3A_369 = vector.shape_cast %get3A_368 : vector<1x16xf32> to vector<16xf32>
        %mul3A_370 = vector.broadcast %squeeze3A_284 : f32 to vector<16xf32>
        %mul3A_371 = arith.mulf %get3A_369, %mul3A_370 : vector<16xf32>
        %swap3A_372 = arith.index_cast %add3A_288 : i32 to index
        %swap3A_373 = arith.constant 112 : index
        %swap3A_374 = tpu.vector_load %arg12[%swap3A_372, %swap3A_373] {strides = array<i32>} : memref<112x128xf32, #tpu.memory_space<vmem>>, vector<1x16xf32>,
        %swap3A_375 = vector.shape_cast %swap3A_374 : vector<1x16xf32> to vector<16xf32>
        %swap3A_376 = vector.shape_cast %mul3A_371 : vector<16xf32> to vector<1x16xf32>
        tpu.vector_store %arg12[%swap3A_372, %swap3A_373], %swap3A_376 {strides = array<i32>} : memref<112x128xf32, #tpu.memory_space<vmem>>, vector<1x16xf32>,
        %slice3A_377 = vector.extract_strided_slice %get3A_97 {offsets = [3], sizes = [1], strides = [1]} : vector<16xf32> to vector<1xf32>
        %squeeze3A_378 = vector.extract %slice3A_377[0] : f32 from vector<1xf32>
        %mul3A_379 = arith.constant 16 : i32
        %mul3A_380 = arith.muli %scan3A_90, %mul3A_379 : i32
        %add3A_381 = arith.constant 3 : i32
        %add3A_382 = arith.addi %mul3A_380, %add3A_381 : i32
        %get3A_383 = arith.index_cast %add3A_382 : i32 to index
        %get3A_384 = arith.constant 0 : index
        %get3A_385 = tpu.vector_load %arg12[%get3A_383, %get3A_384] {strides = array<i32>} : memref<112x128xf32, #tpu.memory_space<vmem>>, vector<1x16xf32>,
        %get3A_386 = vector.shape_cast %get3A_385 : vector<1x16xf32> to vector<16xf32>
        %mul3A_387 = vector.broadcast %squeeze3A_378 : f32 to vector<16xf32>
        %mul3A_388 = arith.mulf %get3A_386, %mul3A_387 : vector<16xf32>
        %swap3A_389 = arith.index_cast %add3A_382 : i32 to index
        %swap3A_390 = arith.constant 0 : index
        %swap3A_391 = tpu.vector_load %arg12[%swap3A_389, %swap3A_390] {strides = array<i32>} : memref<112x128xf32, #tpu.memory_space<vmem>>, vector<1x16xf32>,
        %swap3A_392 = vector.shape_cast %swap3A_391 : vector<1x16xf32> to vector<16xf32>
        %swap3A_393 = vector.shape_cast %mul3A_388 : vector<16xf32> to vector<1x16xf32>
        tpu.vector_store %arg12[%swap3A_389, %swap3A_390], %swap3A_393 {strides = array<i32>} : memref<112x128xf32, #tpu.memory_space<vmem>>, vector<1x16xf32>,
        %get3A_394 = arith.index_cast %add3A_382 : i32 to index
        %get3A_395 = arith.constant 16 : index
        %get3A_396 = tpu.vector_load %arg12[%get3A_394, %get3A_395] {strides = array<i32>} : memref<112x128xf32, #tpu.memory_space<vmem>>, vector<1x16xf32>,
        %get3A_397 = vector.shape_cast %get3A_396 : vector<1x16xf32> to vector<16xf32>
        %mul3A_398 = vector.broadcast %squeeze3A_378 : f32 to vector<16xf32>
        %mul3A_399 = arith.mulf %get3A_397, %mul3A_398 : vector<16xf32>
        %swap3A_400 = arith.index_cast %add3A_382 : i32 to index
        %swap3A_401 = arith.constant 16 : index
        %swap3A_402 = tpu.vector_load %arg12[%swap3A_400, %swap3A_401] {strides = array<i32>} : memref<112x128xf32, #tpu.memory_space<vmem>>, vector<1x16xf32>,
        %swap3A_403 = vector.shape_cast %swap3A_402 : vector<1x16xf32> to vector<16xf32>
        %swap3A_404 = vector.shape_cast %mul3A_399 : vector<16xf32> to vector<1x16xf32>
        tpu.vector_store %arg12[%swap3A_400, %swap3A_401], %swap3A_404 {strides = array<i32>} : memref<112x128xf32, #tpu.memory_space<vmem>>, vector<1x16xf32>,
        %get3A_405 = arith.index_cast %add3A_382 : i32 to index
        %get3A_406 = arith.constant 32 : index
        %get3A_407 = tpu.vector_load %arg12[%get3A_405, %get3A_406] {strides = array<i32>} : memref<112x128xf32, #tpu.memory_space<vmem>>, vector<1x16xf32>,
        %get3A_408 = vector.shape_cast %get3A_407 : vector<1x16xf32> to vector<16xf32>
        %mul3A_409 = vector.broadcast %squeeze3A_378 : f32 to vector<16xf32>
        %mul3A_410 = arith.mulf %get3A_408, %mul3A_409 : vector<16xf32>
        %swap3A_411 = arith.index_cast %add3A_382 : i32 to index
        %swap3A_412 = arith.constant 32 : index
        %swap3A_413 = tpu.vector_load %arg12[%swap3A_411, %swap3A_412] {strides = array<i32>} : memref<112x128xf32, #tpu.memory_space<vmem>>, vector<1x16xf32>,
        %swap3A_414 = vector.shape_cast %swap3A_413 : vector<1x16xf32> to vector<16xf32>
        %swap3A_415 = vector.shape_cast %mul3A_410 : vector<16xf32> to vector<1x16xf32>
        tpu.vector_store %arg12[%swap3A_411, %swap3A_412], %swap3A_415 {strides = array<i32>} : memref<112x128xf32, #tpu.memory_space<vmem>>, vector<1x16xf32>,
        %get3A_416 = arith.index_cast %add3A_382 : i32 to index
        %get3A_417 = arith.constant 48 : index
        %get3A_418 = tpu.vector_load %arg12[%get3A_416, %get3A_417] {strides = array<i32>} : memref<112x128xf32, #tpu.memory_space<vmem>>, vector<1x16xf32>,
        %get3A_419 = vector.shape_cast %get3A_418 : vector<1x16xf32> to vector<16xf32>
        %mul3A_420 = vector.broadcast %squeeze3A_378 : f32 to vector<16xf32>
        %mul3A_421 = arith.mulf %get3A_419, %mul3A_420 : vector<16xf32>
        %swap3A_422 = arith.index_cast %add3A_382 : i32 to index
        %swap3A_423 = arith.constant 48 : index
        %swap3A_424 = tpu.vector_load %arg12[%swap3A_422, %swap3A_423] {strides = array<i32>} : memref<112x128xf32, #tpu.memory_space<vmem>>, vector<1x16xf32>,
        %swap3A_425 = vector.shape_cast %swap3A_424 : vector<1x16xf32> to vector<16xf32>
        %swap3A_426 = vector.shape_cast %mul3A_421 : vector<16xf32> to vector<1x16xf32>
        tpu.vector_store %arg12[%swap3A_422, %swap3A_423], %swap3A_426 {strides = array<i32>} : memref<112x128xf32, #tpu.memory_space<vmem>>, vector<1x16xf32>,
        %get3A_427 = arith.index_cast %add3A_382 : i32 to index
        %get3A_428 = arith.constant 64 : index
        %get3A_429 = tpu.vector_load %arg12[%get3A_427, %get3A_428] {strides = array<i32>} : memref<112x128xf32, #tpu.memory_space<vmem>>, vector<1x16xf32>,
        %get3A_430 = vector.shape_cast %get3A_429 : vector<1x16xf32> to vector<16xf32>
        %mul3A_431 = vector.broadcast %squeeze3A_378 : f32 to vector<16xf32>
        %mul3A_432 = arith.mulf %get3A_430, %mul3A_431 : vector<16xf32>
        %swap3A_433 = arith.index_cast %add3A_382 : i32 to index
        %swap3A_434 = arith.constant 64 : index
        %swap3A_435 = tpu.vector_load %arg12[%swap3A_433, %swap3A_434] {strides = array<i32>} : memref<112x128xf32, #tpu.memory_space<vmem>>, vector<1x16xf32>,
        %swap3A_436 = vector.shape_cast %swap3A_435 : vector<1x16xf32> to vector<16xf32>
        %swap3A_437 = vector.shape_cast %mul3A_432 : vector<16xf32> to vector<1x16xf32>
        tpu.vector_store %arg12[%swap3A_433, %swap3A_434], %swap3A_437 {strides = array<i32>} : memref<112x128xf32, #tpu.memory_space<vmem>>, vector<1x16xf32>,
        %get3A_438 = arith.index_cast %add3A_382 : i32 to index
        %get3A_439 = arith.constant 80 : index
        %get3A_440 = tpu.vector_load %arg12[%get3A_438, %get3A_439] {strides = array<i32>} : memref<112x128xf32, #tpu.memory_space<vmem>>, vector<1x16xf32>,
        %get3A_441 = vector.shape_cast %get3A_440 : vector<1x16xf32> to vector<16xf32>
        %mul3A_442 = vector.broadcast %squeeze3A_378 : f32 to vector<16xf32>
        %mul3A_443 = arith.mulf %get3A_441, %mul3A_442 : vector<16xf32>
        %swap3A_444 = arith.index_cast %add3A_382 : i32 to index
        %swap3A_445 = arith.constant 80 : index
        %swap3A_446 = tpu.vector_load %arg12[%swap3A_444, %swap3A_445] {strides = array<i32>} : memref<112x128xf32, #tpu.memory_space<vmem>>, vector<1x16xf32>,
        %swap3A_447 = vector.shape_cast %swap3A_446 : vector<1x16xf32> to vector<16xf32>
        %swap3A_448 = vector.shape_cast %mul3A_443 : vector<16xf32> to vector<1x16xf32>
        tpu.vector_store %arg12[%swap3A_444, %swap3A_445], %swap3A_448 {strides = array<i32>} : memref<112x128xf32, #tpu.memory_space<vmem>>, vector<1x16xf32>,
        %get3A_449 = arith.index_cast %add3A_382 : i32 to index
        %get3A_450 = arith.constant 96 : index
        %get3A_451 = tpu.vector_load %arg12[%get3A_449, %get3A_450] {strides = array<i32>} : memref<112x128xf32, #tpu.memory_space<vmem>>, vector<1x16xf32>,
        %get3A_452 = vector.shape_cast %get3A_451 : vector<1x16xf32> to vector<16xf32>
        %mul3A_453 = vector.broadcast %squeeze3A_378 : f32 to vector<16xf32>
        %mul3A_454 = arith.mulf %get3A_452, %mul3A_453 : vector<16xf32>
        %swap3A_455 = arith.index_cast %add3A_382 : i32 to index
        %swap3A_456 = arith.constant 96 : index
        %swap3A_457 = tpu.vector_load %arg12[%swap3A_455, %swap3A_456] {strides = array<i32>} : memref<112x128xf32, #tpu.memory_space<vmem>>, vector<1x16xf32>,
        %swap3A_458 = vector.shape_cast %swap3A_457 : vector<1x16xf32> to vector<16xf32>
        %swap3A_459 = vector.shape_cast %mul3A_454 : vector<16xf32> to vector<1x16xf32>
        tpu.vector_store %arg12[%swap3A_455, %swap3A_456], %swap3A_459 {strides = array<i32>} : memref<112x128xf32, #tpu.memory_space<vmem>>, vector<1x16xf32>,
        %get3A_460 = arith.index_cast %add3A_382 : i32 to index
        %get3A_461 = arith.constant 112 : index
        %get3A_462 = tpu.vector_load %arg12[%get3A_460, %get3A_461] {strides = array<i32>} : memref<112x128xf32, #tpu.memory_space<vmem>>, vector<1x16xf32>,
        %get3A_463 = vector.shape_cast %get3A_462 : vector<1x16xf32> to vector<16xf32>
        %mul3A_464 = vector.broadcast %squeeze3A_378 : f32 to vector<16xf32>
        %mul3A_465 = arith.mulf %get3A_463, %mul3A_464 : vector<16xf32>
        %swap3A_466 = arith.index_cast %add3A_382 : i32 to index
        %swap3A_467 = arith.constant 112 : index
        %swap3A_468 = tpu.vector_load %arg12[%swap3A_466, %swap3A_467] {strides = array<i32>} : memref<112x128xf32, #tpu.memory_space<vmem>>, vector<1x16xf32>,
        %swap3A_469 = vector.shape_cast %swap3A_468 : vector<1x16xf32> to vector<16xf32>
        %swap3A_470 = vector.shape_cast %mul3A_465 : vector<16xf32> to vector<1x16xf32>
        tpu.vector_store %arg12[%swap3A_466, %swap3A_467], %swap3A_470 {strides = array<i32>} : memref<112x128xf32, #tpu.memory_space<vmem>>, vector<1x16xf32>,
        %slice3A_471 = vector.extract_strided_slice %get3A_97 {offsets = [4], sizes = [1], strides = [1]} : vector<16xf32> to vector<1xf32>
        %squeeze3A_472 = vector.extract %slice3A_471[0] : f32 from vector<1xf32>
        %mul3A_473 = arith.constant 16 : i32
        %mul3A_474 = arith.muli %scan3A_90, %mul3A_473 : i32
        %add3A_475 = arith.constant 4 : i32
        %add3A_476 = arith.addi %mul3A_474, %add3A_475 : i32
        %get3A_477 = arith.index_cast %add3A_476 : i32 to index
        %get3A_478 = arith.constant 0 : index
        %get3A_479 = tpu.vector_load %arg12[%get3A_477, %get3A_478] {strides = array<i32>} : memref<112x128xf32, #tpu.memory_space<vmem>>, vector<1x16xf32>,
        %get3A_480 = vector.shape_cast %get3A_479 : vector<1x16xf32> to vector<16xf32>
        %mul3A_481 = vector.broadcast %squeeze3A_472 : f32 to vector<16xf32>
        %mul3A_482 = arith.mulf %get3A_480, %mul3A_481 : vector<16xf32>
        %swap3A_483 = arith.index_cast %add3A_476 : i32 to index
        %swap3A_484 = arith.constant 0 : index
        %swap3A_485 = tpu.vector_load %arg12[%swap3A_483, %swap3A_484] {strides = array<i32>} : memref<112x128xf32, #tpu.memory_space<vmem>>, vector<1x16xf32>,
        %swap3A_486 = vector.shape_cast %swap3A_485 : vector<1x16xf32> to vector<16xf32>
        %swap3A_487 = vector.shape_cast %mul3A_482 : vector<16xf32> to vector<1x16xf32>
        tpu.vector_store %arg12[%swap3A_483, %swap3A_484], %swap3A_487 {strides = array<i32>} : memref<112x128xf32, #tpu.memory_space<vmem>>, vector<1x16xf32>,
        %get3A_488 = arith.index_cast %add3A_476 : i32 to index
        %get3A_489 = arith.constant 16 : index
        %get3A_490 = tpu.vector_load %arg12[%get3A_488, %get3A_489] {strides = array<i32>} : memref<112x128xf32, #tpu.memory_space<vmem>>, vector<1x16xf32>,
        %get3A_491 = vector.shape_cast %get3A_490 : vector<1x16xf32> to vector<16xf32>
        %mul3A_492 = vector.broadcast %squeeze3A_472 : f32 to vector<16xf32>
        %mul3A_493 = arith.mulf %get3A_491, %mul3A_492 : vector<16xf32>
        %swap3A_494 = arith.index_cast %add3A_476 : i32 to index
        %swap3A_495 = arith.constant 16 : index
        %swap3A_496 = tpu.vector_load %arg12[%swap3A_494, %swap3A_495] {strides = array<i32>} : memref<112x128xf32, #tpu.memory_space<vmem>>, vector<1x16xf32>,
        %swap3A_497 = vector.shape_cast %swap3A_496 : vector<1x16xf32> to vector<16xf32>
        %swap3A_498 = vector.shape_cast %mul3A_493 : vector<16xf32> to vector<1x16xf32>
        tpu.vector_store %arg12[%swap3A_494, %swap3A_495], %swap3A_498 {strides = array<i32>} : memref<112x128xf32, #tpu.memory_space<vmem>>, vector<1x16xf32>,
        %get3A_499 = arith.index_cast %add3A_476 : i32 to index
        %get3A_500 = arith.constant 32 : index
        %get3A_501 = tpu.vector_load %arg12[%get3A_499, %get3A_500] {strides = array<i32>} : memref<112x128xf32, #tpu.memory_space<vmem>>, vector<1x16xf32>,
        %get3A_502 = vector.shape_cast %get3A_501 : vector<1x16xf32> to vector<16xf32>
        %mul3A_503 = vector.broadcast %squeeze3A_472 : f32 to vector<16xf32>
        %mul3A_504 = arith.mulf %get3A_502, %mul3A_503 : vector<16xf32>
        %swap3A_505 = arith.index_cast %add3A_476 : i32 to index
        %swap3A_506 = arith.constant 32 : index
        %swap3A_507 = tpu.vector_load %arg12[%swap3A_505, %swap3A_506] {strides = array<i32>} : memref<112x128xf32, #tpu.memory_space<vmem>>, vector<1x16xf32>,
        %swap3A_508 = vector.shape_cast %swap3A_507 : vector<1x16xf32> to vector<16xf32>
        %swap3A_509 = vector.shape_cast %mul3A_504 : vector<16xf32> to vector<1x16xf32>
        tpu.vector_store %arg12[%swap3A_505, %swap3A_506], %swap3A_509 {strides = array<i32>} : memref<112x128xf32, #tpu.memory_space<vmem>>, vector<1x16xf32>,
        %get3A_510 = arith.index_cast %add3A_476 : i32 to index
        %get3A_511 = arith.constant 48 : index
        %get3A_512 = tpu.vector_load %arg12[%get3A_510, %get3A_511] {strides = array<i32>} : memref<112x128xf32, #tpu.memory_space<vmem>>, vector<1x16xf32>,
        %get3A_513 = vector.shape_cast %get3A_512 : vector<1x16xf32> to vector<16xf32>
        %mul3A_514 = vector.broadcast %squeeze3A_472 : f32 to vector<16xf32>
        %mul3A_515 = arith.mulf %get3A_513, %mul3A_514 : vector<16xf32>
        %swap3A_516 = arith.index_cast %add3A_476 : i32 to index
        %swap3A_517 = arith.constant 48 : index
        %swap3A_518 = tpu.vector_load %arg12[%swap3A_516, %swap3A_517] {strides = array<i32>} : memref<112x128xf32, #tpu.memory_space<vmem>>, vector<1x16xf32>,
        %swap3A_519 = vector.shape_cast %swap3A_518 : vector<1x16xf32> to vector<16xf32>
        %swap3A_520 = vector.shape_cast %mul3A_515 : vector<16xf32> to vector<1x16xf32>
        tpu.vector_store %arg12[%swap3A_516, %swap3A_517], %swap3A_520 {strides = array<i32>} : memref<112x128xf32, #tpu.memory_space<vmem>>, vector<1x16xf32>,
        %get3A_521 = arith.index_cast %add3A_476 : i32 to index
        %get3A_522 = arith.constant 64 : index
        %get3A_523 = tpu.vector_load %arg12[%get3A_521, %get3A_522] {strides = array<i32>} : memref<112x128xf32, #tpu.memory_space<vmem>>, vector<1x16xf32>,
        %get3A_524 = vector.shape_cast %get3A_523 : vector<1x16xf32> to vector<16xf32>
        %mul3A_525 = vector.broadcast %squeeze3A_472 : f32 to vector<16xf32>
        %mul3A_526 = arith.mulf %get3A_524, %mul3A_525 : vector<16xf32>
        %swap3A_527 = arith.index_cast %add3A_476 : i32 to index
        %swap3A_528 = arith.constant 64 : index
        %swap3A_529 = tpu.vector_load %arg12[%swap3A_527, %swap3A_528] {strides = array<i32>} : memref<112x128xf32, #tpu.memory_space<vmem>>, vector<1x16xf32>,
        %swap3A_530 = vector.shape_cast %swap3A_529 : vector<1x16xf32> to vector<16xf32>
        %swap3A_531 = vector.shape_cast %mul3A_526 : vector<16xf32> to vector<1x16xf32>
        tpu.vector_store %arg12[%swap3A_527, %swap3A_528], %swap3A_531 {strides = array<i32>} : memref<112x128xf32, #tpu.memory_space<vmem>>, vector<1x16xf32>,
        %get3A_532 = arith.index_cast %add3A_476 : i32 to index
        %get3A_533 = arith.constant 80 : index
        %get3A_534 = tpu.vector_load %arg12[%get3A_532, %get3A_533] {strides = array<i32>} : memref<112x128xf32, #tpu.memory_space<vmem>>, vector<1x16xf32>,
        %get3A_535 = vector.shape_cast %get3A_534 : vector<1x16xf32> to vector<16xf32>
        %mul3A_536 = vector.broadcast %squeeze3A_472 : f32 to vector<16xf32>
        %mul3A_537 = arith.mulf %get3A_535, %mul3A_536 : vector<16xf32>
        %swap3A_538 = arith.index_cast %add3A_476 : i32 to index
        %swap3A_539 = arith.constant 80 : index
        %swap3A_540 = tpu.vector_load %arg12[%swap3A_538, %swap3A_539] {strides = array<i32>} : memref<112x128xf32, #tpu.memory_space<vmem>>, vector<1x16xf32>,
        %swap3A_541 = vector.shape_cast %swap3A_540 : vector<1x16xf32> to vector<16xf32>
        %swap3A_542 = vector.shape_cast %mul3A_537 : vector<16xf32> to vector<1x16xf32>
        tpu.vector_store %arg12[%swap3A_538, %swap3A_539], %swap3A_542 {strides = array<i32>} : memref<112x128xf32, #tpu.memory_space<vmem>>, vector<1x16xf32>,
        %get3A_543 = arith.index_cast %add3A_476 : i32 to index
        %get3A_544 = arith.constant 96 : index
        %get3A_545 = tpu.vector_load %arg12[%get3A_543, %get3A_544] {strides = array<i32>} : memref<112x128xf32, #tpu.memory_space<vmem>>, vector<1x16xf32>,
        %get3A_546 = vector.shape_cast %get3A_545 : vector<1x16xf32> to vector<16xf32>
        %mul3A_547 = vector.broadcast %squeeze3A_472 : f32 to vector<16xf32>
        %mul3A_548 = arith.mulf %get3A_546, %mul3A_547 : vector<16xf32>
        %swap3A_549 = arith.index_cast %add3A_476 : i32 to index
        %swap3A_550 = arith.constant 96 : index
        %swap3A_551 = tpu.vector_load %arg12[%swap3A_549, %swap3A_550] {strides = array<i32>} : memref<112x128xf32, #tpu.memory_space<vmem>>, vector<1x16xf32>,
        %swap3A_552 = vector.shape_cast %swap3A_551 : vector<1x16xf32> to vector<16xf32>
        %swap3A_553 = vector.shape_cast %mul3A_548 : vector<16xf32> to vector<1x16xf32>
        tpu.vector_store %arg12[%swap3A_549, %swap3A_550], %swap3A_553 {strides = array<i32>} : memref<112x128xf32, #tpu.memory_space<vmem>>, vector<1x16xf32>,
        %get3A_554 = arith.index_cast %add3A_476 : i32 to index
        %get3A_555 = arith.constant 112 : index
        %get3A_556 = tpu.vector_load %arg12[%get3A_554, %get3A_555] {strides = array<i32>} : memref<112x128xf32, #tpu.memory_space<vmem>>, vector<1x16xf32>,
        %get3A_557 = vector.shape_cast %get3A_556 : vector<1x16xf32> to vector<16xf32>
        %mul3A_558 = vector.broadcast %squeeze3A_472 : f32 to vector<16xf32>
        %mul3A_559 = arith.mulf %get3A_557, %mul3A_558 : vector<16xf32>
        %swap3A_560 = arith.index_cast %add3A_476 : i32 to index
        %swap3A_561 = arith.constant 112 : index
        %swap3A_562 = tpu.vector_load %arg12[%swap3A_560, %swap3A_561] {strides = array<i32>} : memref<112x128xf32, #tpu.memory_space<vmem>>, vector<1x16xf32>,
        %swap3A_563 = vector.shape_cast %swap3A_562 : vector<1x16xf32> to vector<16xf32>
        %swap3A_564 = vector.shape_cast %mul3A_559 : vector<16xf32> to vector<1x16xf32>
        tpu.vector_store %arg12[%swap3A_560, %swap3A_561], %swap3A_564 {strides = array<i32>} : memref<112x128xf32, #tpu.memory_space<vmem>>, vector<1x16xf32>,
        %slice3A_565 = vector.extract_strided_slice %get3A_97 {offsets = [5], sizes = [1], strides = [1]} : vector<16xf32> to vector<1xf32>
        %squeeze3A_566 = vector.extract %slice3A_565[0] : f32 from vector<1xf32>
        %mul3A_567 = arith.constant 16 : i32
        %mul3A_568 = arith.muli %scan3A_90, %mul3A_567 : i32
        %add3A_569 = arith.constant 5 : i32
        %add3A_570 = arith.addi %mul3A_568, %add3A_569 : i32
        %get3A_571 = arith.index_cast %add3A_570 : i32 to index
        %get3A_572 = arith.constant 0 : index
        %get3A_573 = tpu.vector_load %arg12[%get3A_571, %get3A_572] {strides = array<i32>} : memref<112x128xf32, #tpu.memory_space<vmem>>, vector<1x16xf32>,
        %get3A_574 = vector.shape_cast %get3A_573 : vector<1x16xf32> to vector<16xf32>
        %mul3A_575 = vector.broadcast %squeeze3A_566 : f32 to vector<16xf32>
        %mul3A_576 = arith.mulf %get3A_574, %mul3A_575 : vector<16xf32>
        %swap3A_577 = arith.index_cast %add3A_570 : i32 to index
        %swap3A_578 = arith.constant 0 : index
        %swap3A_579 = tpu.vector_load %arg12[%swap3A_577, %swap3A_578] {strides = array<i32>} : memref<112x128xf32, #tpu.memory_space<vmem>>, vector<1x16xf32>,
        %swap3A_580 = vector.shape_cast %swap3A_579 : vector<1x16xf32> to vector<16xf32>
        %swap3A_581 = vector.shape_cast %mul3A_576 : vector<16xf32> to vector<1x16xf32>
        tpu.vector_store %arg12[%swap3A_577, %swap3A_578], %swap3A_581 {strides = array<i32>} : memref<112x128xf32, #tpu.memory_space<vmem>>, vector<1x16xf32>,
        %get3A_582 = arith.index_cast %add3A_570 : i32 to index
        %get3A_583 = arith.constant 16 : index
        %get3A_584 = tpu.vector_load %arg12[%get3A_582, %get3A_583] {strides = array<i32>} : memref<112x128xf32, #tpu.memory_space<vmem>>, vector<1x16xf32>,
        %get3A_585 = vector.shape_cast %get3A_584 : vector<1x16xf32> to vector<16xf32>
        %mul3A_586 = vector.broadcast %squeeze3A_566 : f32 to vector<16xf32>
        %mul3A_587 = arith.mulf %get3A_585, %mul3A_586 : vector<16xf32>
        %swap3A_588 = arith.index_cast %add3A_570 : i32 to index
        %swap3A_589 = arith.constant 16 : index
        %swap3A_590 = tpu.vector_load %arg12[%swap3A_588, %swap3A_589] {strides = array<i32>} : memref<112x128xf32, #tpu.memory_space<vmem>>, vector<1x16xf32>,
        %swap3A_591 = vector.shape_cast %swap3A_590 : vector<1x16xf32> to vector<16xf32>
        %swap3A_592 = vector.shape_cast %mul3A_587 : vector<16xf32> to vector<1x16xf32>
        tpu.vector_store %arg12[%swap3A_588, %swap3A_589], %swap3A_592 {strides = array<i32>} : memref<112x128xf32, #tpu.memory_space<vmem>>, vector<1x16xf32>,
        %get3A_593 = arith.index_cast %add3A_570 : i32 to index
        %get3A_594 = arith.constant 32 : index
        %get3A_595 = tpu.vector_load %arg12[%get3A_593, %get3A_594] {strides = array<i32>} : memref<112x128xf32, #tpu.memory_space<vmem>>, vector<1x16xf32>,
        %get3A_596 = vector.shape_cast %get3A_595 : vector<1x16xf32> to vector<16xf32>
        %mul3A_597 = vector.broadcast %squeeze3A_566 : f32 to vector<16xf32>
        %mul3A_598 = arith.mulf %get3A_596, %mul3A_597 : vector<16xf32>
        %swap3A_599 = arith.index_cast %add3A_570 : i32 to index
        %swap3A_600 = arith.constant 32 : index
        %swap3A_601 = tpu.vector_load %arg12[%swap3A_599, %swap3A_600] {strides = array<i32>} : memref<112x128xf32, #tpu.memory_space<vmem>>, vector<1x16xf32>,
        %swap3A_602 = vector.shape_cast %swap3A_601 : vector<1x16xf32> to vector<16xf32>
        %swap3A_603 = vector.shape_cast %mul3A_598 : vector<16xf32> to vector<1x16xf32>
        tpu.vector_store %arg12[%swap3A_599, %swap3A_600], %swap3A_603 {strides = array<i32>} : memref<112x128xf32, #tpu.memory_space<vmem>>, vector<1x16xf32>,
        %get3A_604 = arith.index_cast %add3A_570 : i32 to index
        %get3A_605 = arith.constant 48 : index
        %get3A_606 = tpu.vector_load %arg12[%get3A_604, %get3A_605] {strides = array<i32>} : memref<112x128xf32, #tpu.memory_space<vmem>>, vector<1x16xf32>,
        %get3A_607 = vector.shape_cast %get3A_606 : vector<1x16xf32> to vector<16xf32>
        %mul3A_608 = vector.broadcast %squeeze3A_566 : f32 to vector<16xf32>
        %mul3A_609 = arith.mulf %get3A_607, %mul3A_608 : vector<16xf32>
        %swap3A_610 = arith.index_cast %add3A_570 : i32 to index
        %swap3A_611 = arith.constant 48 : index
        %swap3A_612 = tpu.vector_load %arg12[%swap3A_610, %swap3A_611] {strides = array<i32>} : memref<112x128xf32, #tpu.memory_space<vmem>>, vector<1x16xf32>,
        %swap3A_613 = vector.shape_cast %swap3A_612 : vector<1x16xf32> to vector<16xf32>
        %swap3A_614 = vector.shape_cast %mul3A_609 : vector<16xf32> to vector<1x16xf32>
        tpu.vector_store %arg12[%swap3A_610, %swap3A_611], %swap3A_614 {strides = array<i32>} : memref<112x128xf32, #tpu.memory_space<vmem>>, vector<1x16xf32>,
        %get3A_615 = arith.index_cast %add3A_570 : i32 to index
        %get3A_616 = arith.constant 64 : index
        %get3A_617 = tpu.vector_load %arg12[%get3A_615, %get3A_616] {strides = array<i32>} : memref<112x128xf32, #tpu.memory_space<vmem>>, vector<1x16xf32>,
        %get3A_618 = vector.shape_cast %get3A_617 : vector<1x16xf32> to vector<16xf32>
        %mul3A_619 = vector.broadcast %squeeze3A_566 : f32 to vector<16xf32>
        %mul3A_620 = arith.mulf %get3A_618, %mul3A_619 : vector<16xf32>
        %swap3A_621 = arith.index_cast %add3A_570 : i32 to index
        %swap3A_622 = arith.constant 64 : index
        %swap3A_623 = tpu.vector_load %arg12[%swap3A_621, %swap3A_622] {strides = array<i32>} : memref<112x128xf32, #tpu.memory_space<vmem>>, vector<1x16xf32>,
        %swap3A_624 = vector.shape_cast %swap3A_623 : vector<1x16xf32> to vector<16xf32>
        %swap3A_625 = vector.shape_cast %mul3A_620 : vector<16xf32> to vector<1x16xf32>
        tpu.vector_store %arg12[%swap3A_621, %swap3A_622], %swap3A_625 {strides = array<i32>} : memref<112x128xf32, #tpu.memory_space<vmem>>, vector<1x16xf32>,
        %get3A_626 = arith.index_cast %add3A_570 : i32 to index
        %get3A_627 = arith.constant 80 : index
        %get3A_628 = tpu.vector_load %arg12[%get3A_626, %get3A_627] {strides = array<i32>} : memref<112x128xf32, #tpu.memory_space<vmem>>, vector<1x16xf32>,
        %get3A_629 = vector.shape_cast %get3A_628 : vector<1x16xf32> to vector<16xf32>
        %mul3A_630 = vector.broadcast %squeeze3A_566 : f32 to vector<16xf32>
        %mul3A_631 = arith.mulf %get3A_629, %mul3A_630 : vector<16xf32>
        %swap3A_632 = arith.index_cast %add3A_570 : i32 to index
        %swap3A_633 = arith.constant 80 : index
        %swap3A_634 = tpu.vector_load %arg12[%swap3A_632, %swap3A_633] {strides = array<i32>} : memref<112x128xf32, #tpu.memory_space<vmem>>, vector<1x16xf32>,
        %swap3A_635 = vector.shape_cast %swap3A_634 : vector<1x16xf32> to vector<16xf32>
        %swap3A_636 = vector.shape_cast %mul3A_631 : vector<16xf32> to vector<1x16xf32>
        tpu.vector_store %arg12[%swap3A_632, %swap3A_633], %swap3A_636 {strides = array<i32>} : memref<112x128xf32, #tpu.memory_space<vmem>>, vector<1x16xf32>,
        %get3A_637 = arith.index_cast %add3A_570 : i32 to index
        %get3A_638 = arith.constant 96 : index
        %get3A_639 = tpu.vector_load %arg12[%get3A_637, %get3A_638] {strides = array<i32>} : memref<112x128xf32, #tpu.memory_space<vmem>>, vector<1x16xf32>,
        %get3A_640 = vector.shape_cast %get3A_639 : vector<1x16xf32> to vector<16xf32>
        %mul3A_641 = vector.broadcast %squeeze3A_566 : f32 to vector<16xf32>
        %mul3A_642 = arith.mulf %get3A_640, %mul3A_641 : vector<16xf32>
        %swap3A_643 = arith.index_cast %add3A_570 : i32 to index
        %swap3A_644 = arith.constant 96 : index
        %swap3A_645 = tpu.vector_load %arg12[%swap3A_643, %swap3A_644] {strides = array<i32>} : memref<112x128xf32, #tpu.memory_space<vmem>>, vector<1x16xf32>,
        %swap3A_646 = vector.shape_cast %swap3A_645 : vector<1x16xf32> to vector<16xf32>
        %swap3A_647 = vector.shape_cast %mul3A_642 : vector<16xf32> to vector<1x16xf32>
        tpu.vector_store %arg12[%swap3A_643, %swap3A_644], %swap3A_647 {strides = array<i32>} : memref<112x128xf32, #tpu.memory_space<vmem>>, vector<1x16xf32>,
        %get3A_648 = arith.index_cast %add3A_570 : i32 to index
        %get3A_649 = arith.constant 112 : index
        %get3A_650 = tpu.vector_load %arg12[%get3A_648, %get3A_649] {strides = array<i32>} : memref<112x128xf32, #tpu.memory_space<vmem>>, vector<1x16xf32>,
        %get3A_651 = vector.shape_cast %get3A_650 : vector<1x16xf32> to vector<16xf32>
        %mul3A_652 = vector.broadcast %squeeze3A_566 : f32 to vector<16xf32>
        %mul3A_653 = arith.mulf %get3A_651, %mul3A_652 : vector<16xf32>
        %swap3A_654 = arith.index_cast %add3A_570 : i32 to index
        %swap3A_655 = arith.constant 112 : index
        %swap3A_656 = tpu.vector_load %arg12[%swap3A_654, %swap3A_655] {strides = array<i32>} : memref<112x128xf32, #tpu.memory_space<vmem>>, vector<1x16xf32>,
        %swap3A_657 = vector.shape_cast %swap3A_656 : vector<1x16xf32> to vector<16xf32>
        %swap3A_658 = vector.shape_cast %mul3A_653 : vector<16xf32> to vector<1x16xf32>
        tpu.vector_store %arg12[%swap3A_654, %swap3A_655], %swap3A_658 {strides = array<i32>} : memref<112x128xf32, #tpu.memory_space<vmem>>, vector<1x16xf32>,
        %slice3A_659 = vector.extract_strided_slice %get3A_97 {offsets = [6], sizes = [1], strides = [1]} : vector<16xf32> to vector<1xf32>
        %squeeze3A_660 = vector.extract %slice3A_659[0] : f32 from vector<1xf32>
        %mul3A_661 = arith.constant 16 : i32
        %mul3A_662 = arith.muli %scan3A_90, %mul3A_661 : i32
        %add3A_663 = arith.constant 6 : i32
        %add3A_664 = arith.addi %mul3A_662, %add3A_663 : i32
        %get3A_665 = arith.index_cast %add3A_664 : i32 to index
        %get3A_666 = arith.constant 0 : index
        %get3A_667 = tpu.vector_load %arg12[%get3A_665, %get3A_666] {strides = array<i32>} : memref<112x128xf32, #tpu.memory_space<vmem>>, vector<1x16xf32>,
        %get3A_668 = vector.shape_cast %get3A_667 : vector<1x16xf32> to vector<16xf32>
        %mul3A_669 = vector.broadcast %squeeze3A_660 : f32 to vector<16xf32>
        %mul3A_670 = arith.mulf %get3A_668, %mul3A_669 : vector<16xf32>
        %swap3A_671 = arith.index_cast %add3A_664 : i32 to index
        %swap3A_672 = arith.constant 0 : index
        %swap3A_673 = tpu.vector_load %arg12[%swap3A_671, %swap3A_672] {strides = array<i32>} : memref<112x128xf32, #tpu.memory_space<vmem>>, vector<1x16xf32>,
        %swap3A_674 = vector.shape_cast %swap3A_673 : vector<1x16xf32> to vector<16xf32>
        %swap3A_675 = vector.shape_cast %mul3A_670 : vector<16xf32> to vector<1x16xf32>
        tpu.vector_store %arg12[%swap3A_671, %swap3A_672], %swap3A_675 {strides = array<i32>} : memref<112x128xf32, #tpu.memory_space<vmem>>, vector<1x16xf32>,
        %get3A_676 = arith.index_cast %add3A_664 : i32 to index
        %get3A_677 = arith.constant 16 : index
        %get3A_678 = tpu.vector_load %arg12[%get3A_676, %get3A_677] {strides = array<i32>} : memref<112x128xf32, #tpu.memory_space<vmem>>, vector<1x16xf32>,
        %get3A_679 = vector.shape_cast %get3A_678 : vector<1x16xf32> to vector<16xf32>
        %mul3A_680 = vector.broadcast %squeeze3A_660 : f32 to vector<16xf32>
        %mul3A_681 = arith.mulf %get3A_679, %mul3A_680 : vector<16xf32>
        %swap3A_682 = arith.index_cast %add3A_664 : i32 to index
        %swap3A_683 = arith.constant 16 : index
        %swap3A_684 = tpu.vector_load %arg12[%swap3A_682, %swap3A_683] {strides = array<i32>} : memref<112x128xf32, #tpu.memory_space<vmem>>, vector<1x16xf32>,
        %swap3A_685 = vector.shape_cast %swap3A_684 : vector<1x16xf32> to vector<16xf32>
        %swap3A_686 = vector.shape_cast %mul3A_681 : vector<16xf32> to vector<1x16xf32>
        tpu.vector_store %arg12[%swap3A_682, %swap3A_683], %swap3A_686 {strides = array<i32>} : memref<112x128xf32, #tpu.memory_space<vmem>>, vector<1x16xf32>,
        %get3A_687 = arith.index_cast %add3A_664 : i32 to index
        %get3A_688 = arith.constant 32 : index
        %get3A_689 = tpu.vector_load %arg12[%get3A_687, %get3A_688] {strides = array<i32>} : memref<112x128xf32, #tpu.memory_space<vmem>>, vector<1x16xf32>,
        %get3A_690 = vector.shape_cast %get3A_689 : vector<1x16xf32> to vector<16xf32>
        %mul3A_691 = vector.broadcast %squeeze3A_660 : f32 to vector<16xf32>
        %mul3A_692 = arith.mulf %get3A_690, %mul3A_691 : vector<16xf32>
        %swap3A_693 = arith.index_cast %add3A_664 : i32 to index
        %swap3A_694 = arith.constant 32 : index
        %swap3A_695 = tpu.vector_load %arg12[%swap3A_693, %swap3A_694] {strides = array<i32>} : memref<112x128xf32, #tpu.memory_space<vmem>>, vector<1x16xf32>,
        %swap3A_696 = vector.shape_cast %swap3A_695 : vector<1x16xf32> to vector<16xf32>
        %swap3A_697 = vector.shape_cast %mul3A_692 : vector<16xf32> to vector<1x16xf32>
        tpu.vector_store %arg12[%swap3A_693, %swap3A_694], %swap3A_697 {strides = array<i32>} : memref<112x128xf32, #tpu.memory_space<vmem>>, vector<1x16xf32>,
        %get3A_698 = arith.index_cast %add3A_664 : i32 to index
        %get3A_699 = arith.constant 48 : index
        %get3A_700 = tpu.vector_load %arg12[%get3A_698, %get3A_699] {strides = array<i32>} : memref<112x128xf32, #tpu.memory_space<vmem>>, vector<1x16xf32>,
        %get3A_701 = vector.shape_cast %get3A_700 : vector<1x16xf32> to vector<16xf32>
        %mul3A_702 = vector.broadcast %squeeze3A_660 : f32 to vector<16xf32>
        %mul3A_703 = arith.mulf %get3A_701, %mul3A_702 : vector<16xf32>
        %swap3A_704 = arith.index_cast %add3A_664 : i32 to index
        %swap3A_705 = arith.constant 48 : index
        %swap3A_706 = tpu.vector_load %arg12[%swap3A_704, %swap3A_705] {strides = array<i32>} : memref<112x128xf32, #tpu.memory_space<vmem>>, vector<1x16xf32>,
        %swap3A_707 = vector.shape_cast %swap3A_706 : vector<1x16xf32> to vector<16xf32>
        %swap3A_708 = vector.shape_cast %mul3A_703 : vector<16xf32> to vector<1x16xf32>
        tpu.vector_store %arg12[%swap3A_704, %swap3A_705], %swap3A_708 {strides = array<i32>} : memref<112x128xf32, #tpu.memory_space<vmem>>, vector<1x16xf32>,
        %get3A_709 = arith.index_cast %add3A_664 : i32 to index
        %get3A_710 = arith.constant 64 : index
        %get3A_711 = tpu.vector_load %arg12[%get3A_709, %get3A_710] {strides = array<i32>} : memref<112x128xf32, #tpu.memory_space<vmem>>, vector<1x16xf32>,
        %get3A_712 = vector.shape_cast %get3A_711 : vector<1x16xf32> to vector<16xf32>
        %mul3A_713 = vector.broadcast %squeeze3A_660 : f32 to vector<16xf32>
        %mul3A_714 = arith.mulf %get3A_712, %mul3A_713 : vector<16xf32>
        %swap3A_715 = arith.index_cast %add3A_664 : i32 to index
        %swap3A_716 = arith.constant 64 : index
        %swap3A_717 = tpu.vector_load %arg12[%swap3A_715, %swap3A_716] {strides = array<i32>} : memref<112x128xf32, #tpu.memory_space<vmem>>, vector<1x16xf32>,
        %swap3A_718 = vector.shape_cast %swap3A_717 : vector<1x16xf32> to vector<16xf32>
        %swap3A_719 = vector.shape_cast %mul3A_714 : vector<16xf32> to vector<1x16xf32>
        tpu.vector_store %arg12[%swap3A_715, %swap3A_716], %swap3A_719 {strides = array<i32>} : memref<112x128xf32, #tpu.memory_space<vmem>>, vector<1x16xf32>,
        %get3A_720 = arith.index_cast %add3A_664 : i32 to index
        %get3A_721 = arith.constant 80 : index
        %get3A_722 = tpu.vector_load %arg12[%get3A_720, %get3A_721] {strides = array<i32>} : memref<112x128xf32, #tpu.memory_space<vmem>>, vector<1x16xf32>,
        %get3A_723 = vector.shape_cast %get3A_722 : vector<1x16xf32> to vector<16xf32>
        %mul3A_724 = vector.broadcast %squeeze3A_660 : f32 to vector<16xf32>
        %mul3A_725 = arith.mulf %get3A_723, %mul3A_724 : vector<16xf32>
        %swap3A_726 = arith.index_cast %add3A_664 : i32 to index
        %swap3A_727 = arith.constant 80 : index
        %swap3A_728 = tpu.vector_load %arg12[%swap3A_726, %swap3A_727] {strides = array<i32>} : memref<112x128xf32, #tpu.memory_space<vmem>>, vector<1x16xf32>,
        %swap3A_729 = vector.shape_cast %swap3A_728 : vector<1x16xf32> to vector<16xf32>
        %swap3A_730 = vector.shape_cast %mul3A_725 : vector<16xf32> to vector<1x16xf32>
        tpu.vector_store %arg12[%swap3A_726, %swap3A_727], %swap3A_730 {strides = array<i32>} : memref<112x128xf32, #tpu.memory_space<vmem>>, vector<1x16xf32>,
        %get3A_731 = arith.index_cast %add3A_664 : i32 to index
        %get3A_732 = arith.constant 96 : index
        %get3A_733 = tpu.vector_load %arg12[%get3A_731, %get3A_732] {strides = array<i32>} : memref<112x128xf32, #tpu.memory_space<vmem>>, vector<1x16xf32>,
        %get3A_734 = vector.shape_cast %get3A_733 : vector<1x16xf32> to vector<16xf32>
        %mul3A_735 = vector.broadcast %squeeze3A_660 : f32 to vector<16xf32>
        %mul3A_736 = arith.mulf %get3A_734, %mul3A_735 : vector<16xf32>
        %swap3A_737 = arith.index_cast %add3A_664 : i32 to index
        %swap3A_738 = arith.constant 96 : index
        %swap3A_739 = tpu.vector_load %arg12[%swap3A_737, %swap3A_738] {strides = array<i32>} : memref<112x128xf32, #tpu.memory_space<vmem>>, vector<1x16xf32>,
        %swap3A_740 = vector.shape_cast %swap3A_739 : vector<1x16xf32> to vector<16xf32>
        %swap3A_741 = vector.shape_cast %mul3A_736 : vector<16xf32> to vector<1x16xf32>
        tpu.vector_store %arg12[%swap3A_737, %swap3A_738], %swap3A_741 {strides = array<i32>} : memref<112x128xf32, #tpu.memory_space<vmem>>, vector<1x16xf32>,
        %get3A_742 = arith.index_cast %add3A_664 : i32 to index
        %get3A_743 = arith.constant 112 : index
        %get3A_744 = tpu.vector_load %arg12[%get3A_742, %get3A_743] {strides = array<i32>} : memref<112x128xf32, #tpu.memory_space<vmem>>, vector<1x16xf32>,
        %get3A_745 = vector.shape_cast %get3A_744 : vector<1x16xf32> to vector<16xf32>
        %mul3A_746 = vector.broadcast %squeeze3A_660 : f32 to vector<16xf32>
        %mul3A_747 = arith.mulf %get3A_745, %mul3A_746 : vector<16xf32>
        %swap3A_748 = arith.index_cast %add3A_664 : i32 to index
        %swap3A_749 = arith.constant 112 : index
        %swap3A_750 = tpu.vector_load %arg12[%swap3A_748, %swap3A_749] {strides = array<i32>} : memref<112x128xf32, #tpu.memory_space<vmem>>, vector<1x16xf32>,
        %swap3A_751 = vector.shape_cast %swap3A_750 : vector<1x16xf32> to vector<16xf32>
        %swap3A_752 = vector.shape_cast %mul3A_747 : vector<16xf32> to vector<1x16xf32>
        tpu.vector_store %arg12[%swap3A_748, %swap3A_749], %swap3A_752 {strides = array<i32>} : memref<112x128xf32, #tpu.memory_space<vmem>>, vector<1x16xf32>,
        %slice3A_753 = vector.extract_strided_slice %get3A_97 {offsets = [7], sizes = [1], strides = [1]} : vector<16xf32> to vector<1xf32>
        %squeeze3A_754 = vector.extract %slice3A_753[0] : f32 from vector<1xf32>
        %mul3A_755 = arith.constant 16 : i32
        %mul3A_756 = arith.muli %scan3A_90, %mul3A_755 : i32
        %add3A_757 = arith.constant 7 : i32
        %add3A_758 = arith.addi %mul3A_756, %add3A_757 : i32
        %get3A_759 = arith.index_cast %add3A_758 : i32 to index
        %get3A_760 = arith.constant 0 : index
        %get3A_761 = tpu.vector_load %arg12[%get3A_759, %get3A_760] {strides = array<i32>} : memref<112x128xf32, #tpu.memory_space<vmem>>, vector<1x16xf32>,
        %get3A_762 = vector.shape_cast %get3A_761 : vector<1x16xf32> to vector<16xf32>
        %mul3A_763 = vector.broadcast %squeeze3A_754 : f32 to vector<16xf32>
        %mul3A_764 = arith.mulf %get3A_762, %mul3A_763 : vector<16xf32>
        %swap3A_765 = arith.index_cast %add3A_758 : i32 to index
        %swap3A_766 = arith.constant 0 : index
        %swap3A_767 = tpu.vector_load %arg12[%swap3A_765, %swap3A_766] {strides = array<i32>} : memref<112x128xf32, #tpu.memory_space<vmem>>, vector<1x16xf32>,
        %swap3A_768 = vector.shape_cast %swap3A_767 : vector<1x16xf32> to vector<16xf32>
        %swap3A_769 = vector.shape_cast %mul3A_764 : vector<16xf32> to vector<1x16xf32>
        tpu.vector_store %arg12[%swap3A_765, %swap3A_766], %swap3A_769 {strides = array<i32>} : memref<112x128xf32, #tpu.memory_space<vmem>>, vector<1x16xf32>,
        %get3A_770 = arith.index_cast %add3A_758 : i32 to index
        %get3A_771 = arith.constant 16 : index
        %get3A_772 = tpu.vector_load %arg12[%get3A_770, %get3A_771] {strides = array<i32>} : memref<112x128xf32, #tpu.memory_space<vmem>>, vector<1x16xf32>,
        %get3A_773 = vector.shape_cast %get3A_772 : vector<1x16xf32> to vector<16xf32>
        %mul3A_774 = vector.broadcast %squeeze3A_754 : f32 to vector<16xf32>
        %mul3A_775 = arith.mulf %get3A_773, %mul3A_774 : vector<16xf32>
        %swap3A_776 = arith.index_cast %add3A_758 : i32 to index
        %swap3A_777 = arith.constant 16 : index
        %swap3A_778 = tpu.vector_load %arg12[%swap3A_776, %swap3A_777] {strides = array<i32>} : memref<112x128xf32, #tpu.memory_space<vmem>>, vector<1x16xf32>,
        %swap3A_779 = vector.shape_cast %swap3A_778 : vector<1x16xf32> to vector<16xf32>
        %swap3A_780 = vector.shape_cast %mul3A_775 : vector<16xf32> to vector<1x16xf32>
        tpu.vector_store %arg12[%swap3A_776, %swap3A_777], %swap3A_780 {strides = array<i32>} : memref<112x128xf32, #tpu.memory_space<vmem>>, vector<1x16xf32>,
        %get3A_781 = arith.index_cast %add3A_758 : i32 to index
        %get3A_782 = arith.constant 32 : index
        %get3A_783 = tpu.vector_load %arg12[%get3A_781, %get3A_782] {strides = array<i32>} : memref<112x128xf32, #tpu.memory_space<vmem>>, vector<1x16xf32>,
        %get3A_784 = vector.shape_cast %get3A_783 : vector<1x16xf32> to vector<16xf32>
        %mul3A_785 = vector.broadcast %squeeze3A_754 : f32 to vector<16xf32>
        %mul3A_786 = arith.mulf %get3A_784, %mul3A_785 : vector<16xf32>
        %swap3A_787 = arith.index_cast %add3A_758 : i32 to index
        %swap3A_788 = arith.constant 32 : index
        %swap3A_789 = tpu.vector_load %arg12[%swap3A_787, %swap3A_788] {strides = array<i32>} : memref<112x128xf32, #tpu.memory_space<vmem>>, vector<1x16xf32>,
        %swap3A_790 = vector.shape_cast %swap3A_789 : vector<1x16xf32> to vector<16xf32>
        %swap3A_791 = vector.shape_cast %mul3A_786 : vector<16xf32> to vector<1x16xf32>
        tpu.vector_store %arg12[%swap3A_787, %swap3A_788], %swap3A_791 {strides = array<i32>} : memref<112x128xf32, #tpu.memory_space<vmem>>, vector<1x16xf32>,
        %get3A_792 = arith.index_cast %add3A_758 : i32 to index
        %get3A_793 = arith.constant 48 : index
        %get3A_794 = tpu.vector_load %arg12[%get3A_792, %get3A_793] {strides = array<i32>} : memref<112x128xf32, #tpu.memory_space<vmem>>, vector<1x16xf32>,
        %get3A_795 = vector.shape_cast %get3A_794 : vector<1x16xf32> to vector<16xf32>
        %mul3A_796 = vector.broadcast %squeeze3A_754 : f32 to vector<16xf32>
        %mul3A_797 = arith.mulf %get3A_795, %mul3A_796 : vector<16xf32>
        %swap3A_798 = arith.index_cast %add3A_758 : i32 to index
        %swap3A_799 = arith.constant 48 : index
        %swap3A_800 = tpu.vector_load %arg12[%swap3A_798, %swap3A_799] {strides = array<i32>} : memref<112x128xf32, #tpu.memory_space<vmem>>, vector<1x16xf32>,
        %swap3A_801 = vector.shape_cast %swap3A_800 : vector<1x16xf32> to vector<16xf32>
        %swap3A_802 = vector.shape_cast %mul3A_797 : vector<16xf32> to vector<1x16xf32>
        tpu.vector_store %arg12[%swap3A_798, %swap3A_799], %swap3A_802 {strides = array<i32>} : memref<112x128xf32, #tpu.memory_space<vmem>>, vector<1x16xf32>,
        %get3A_803 = arith.index_cast %add3A_758 : i32 to index
        %get3A_804 = arith.constant 64 : index
        %get3A_805 = tpu.vector_load %arg12[%get3A_803, %get3A_804] {strides = array<i32>} : memref<112x128xf32, #tpu.memory_space<vmem>>, vector<1x16xf32>,
        %get3A_806 = vector.shape_cast %get3A_805 : vector<1x16xf32> to vector<16xf32>
        %mul3A_807 = vector.broadcast %squeeze3A_754 : f32 to vector<16xf32>
        %mul3A_808 = arith.mulf %get3A_806, %mul3A_807 : vector<16xf32>
        %swap3A_809 = arith.index_cast %add3A_758 : i32 to index
        %swap3A_810 = arith.constant 64 : index
        %swap3A_811 = tpu.vector_load %arg12[%swap3A_809, %swap3A_810] {strides = array<i32>} : memref<112x128xf32, #tpu.memory_space<vmem>>, vector<1x16xf32>,
        %swap3A_812 = vector.shape_cast %swap3A_811 : vector<1x16xf32> to vector<16xf32>
        %swap3A_813 = vector.shape_cast %mul3A_808 : vector<16xf32> to vector<1x16xf32>
        tpu.vector_store %arg12[%swap3A_809, %swap3A_810], %swap3A_813 {strides = array<i32>} : memref<112x128xf32, #tpu.memory_space<vmem>>, vector<1x16xf32>,
        %get3A_814 = arith.index_cast %add3A_758 : i32 to index
        %get3A_815 = arith.constant 80 : index
        %get3A_816 = tpu.vector_load %arg12[%get3A_814, %get3A_815] {strides = array<i32>} : memref<112x128xf32, #tpu.memory_space<vmem>>, vector<1x16xf32>,
        %get3A_817 = vector.shape_cast %get3A_816 : vector<1x16xf32> to vector<16xf32>
        %mul3A_818 = vector.broadcast %squeeze3A_754 : f32 to vector<16xf32>
        %mul3A_819 = arith.mulf %get3A_817, %mul3A_818 : vector<16xf32>
        %swap3A_820 = arith.index_cast %add3A_758 : i32 to index
        %swap3A_821 = arith.constant 80 : index
        %swap3A_822 = tpu.vector_load %arg12[%swap3A_820, %swap3A_821] {strides = array<i32>} : memref<112x128xf32, #tpu.memory_space<vmem>>, vector<1x16xf32>,
        %swap3A_823 = vector.shape_cast %swap3A_822 : vector<1x16xf32> to vector<16xf32>
        %swap3A_824 = vector.shape_cast %mul3A_819 : vector<16xf32> to vector<1x16xf32>
        tpu.vector_store %arg12[%swap3A_820, %swap3A_821], %swap3A_824 {strides = array<i32>} : memref<112x128xf32, #tpu.memory_space<vmem>>, vector<1x16xf32>,
        %get3A_825 = arith.index_cast %add3A_758 : i32 to index
        %get3A_826 = arith.constant 96 : index
        %get3A_827 = tpu.vector_load %arg12[%get3A_825, %get3A_826] {strides = array<i32>} : memref<112x128xf32, #tpu.memory_space<vmem>>, vector<1x16xf32>,
        %get3A_828 = vector.shape_cast %get3A_827 : vector<1x16xf32> to vector<16xf32>
        %mul3A_829 = vector.broadcast %squeeze3A_754 : f32 to vector<16xf32>
        %mul3A_830 = arith.mulf %get3A_828, %mul3A_829 : vector<16xf32>
        %swap3A_831 = arith.index_cast %add3A_758 : i32 to index
        %swap3A_832 = arith.constant 96 : index
        %swap3A_833 = tpu.vector_load %arg12[%swap3A_831, %swap3A_832] {strides = array<i32>} : memref<112x128xf32, #tpu.memory_space<vmem>>, vector<1x16xf32>,
        %swap3A_834 = vector.shape_cast %swap3A_833 : vector<1x16xf32> to vector<16xf32>
        %swap3A_835 = vector.shape_cast %mul3A_830 : vector<16xf32> to vector<1x16xf32>
        tpu.vector_store %arg12[%swap3A_831, %swap3A_832], %swap3A_835 {strides = array<i32>} : memref<112x128xf32, #tpu.memory_space<vmem>>, vector<1x16xf32>,
        %get3A_836 = arith.index_cast %add3A_758 : i32 to index
        %get3A_837 = arith.constant 112 : index
        %get3A_838 = tpu.vector_load %arg12[%get3A_836, %get3A_837] {strides = array<i32>} : memref<112x128xf32, #tpu.memory_space<vmem>>, vector<1x16xf32>,
        %get3A_839 = vector.shape_cast %get3A_838 : vector<1x16xf32> to vector<16xf32>
        %mul3A_840 = vector.broadcast %squeeze3A_754 : f32 to vector<16xf32>
        %mul3A_841 = arith.mulf %get3A_839, %mul3A_840 : vector<16xf32>
        %swap3A_842 = arith.index_cast %add3A_758 : i32 to index
        %swap3A_843 = arith.constant 112 : index
        %swap3A_844 = tpu.vector_load %arg12[%swap3A_842, %swap3A_843] {strides = array<i32>} : memref<112x128xf32, #tpu.memory_space<vmem>>, vector<1x16xf32>,
        %swap3A_845 = vector.shape_cast %swap3A_844 : vector<1x16xf32> to vector<16xf32>
        %swap3A_846 = vector.shape_cast %mul3A_841 : vector<16xf32> to vector<1x16xf32>
        tpu.vector_store %arg12[%swap3A_842, %swap3A_843], %swap3A_846 {strides = array<i32>} : memref<112x128xf32, #tpu.memory_space<vmem>>, vector<1x16xf32>,
        %slice3A_847 = vector.extract_strided_slice %get3A_97 {offsets = [8], sizes = [1], strides = [1]} : vector<16xf32> to vector<1xf32>
        %squeeze3A_848 = vector.extract %slice3A_847[0] : f32 from vector<1xf32>
        %mul3A_849 = arith.constant 16 : i32
        %mul3A_850 = arith.muli %scan3A_90, %mul3A_849 : i32
        %add3A_851 = arith.constant 8 : i32
        %add3A_852 = arith.addi %mul3A_850, %add3A_851 : i32
        %get3A_853 = arith.index_cast %add3A_852 : i32 to index
        %get3A_854 = arith.constant 0 : index
        %get3A_855 = tpu.vector_load %arg12[%get3A_853, %get3A_854] {strides = array<i32>} : memref<112x128xf32, #tpu.memory_space<vmem>>, vector<1x16xf32>,
        %get3A_856 = vector.shape_cast %get3A_855 : vector<1x16xf32> to vector<16xf32>
        %mul3A_857 = vector.broadcast %squeeze3A_848 : f32 to vector<16xf32>
        %mul3A_858 = arith.mulf %get3A_856, %mul3A_857 : vector<16xf32>
        %swap3A_859 = arith.index_cast %add3A_852 : i32 to index
        %swap3A_860 = arith.constant 0 : index
        %swap3A_861 = tpu.vector_load %arg12[%swap3A_859, %swap3A_860] {strides = array<i32>} : memref<112x128xf32, #tpu.memory_space<vmem>>, vector<1x16xf32>,
        %swap3A_862 = vector.shape_cast %swap3A_861 : vector<1x16xf32> to vector<16xf32>
        %swap3A_863 = vector.shape_cast %mul3A_858 : vector<16xf32> to vector<1x16xf32>
        tpu.vector_store %arg12[%swap3A_859, %swap3A_860], %swap3A_863 {strides = array<i32>} : memref<112x128xf32, #tpu.memory_space<vmem>>, vector<1x16xf32>,
        %get3A_864 = arith.index_cast %add3A_852 : i32 to index
        %get3A_865 = arith.constant 16 : index
        %get3A_866 = tpu.vector_load %arg12[%get3A_864, %get3A_865] {strides = array<i32>} : memref<112x128xf32, #tpu.memory_space<vmem>>, vector<1x16xf32>,
        %get3A_867 = vector.shape_cast %get3A_866 : vector<1x16xf32> to vector<16xf32>
        %mul3A_868 = vector.broadcast %squeeze3A_848 : f32 to vector<16xf32>
        %mul3A_869 = arith.mulf %get3A_867, %mul3A_868 : vector<16xf32>
        %swap3A_870 = arith.index_cast %add3A_852 : i32 to index
        %swap3A_871 = arith.constant 16 : index
        %swap3A_872 = tpu.vector_load %arg12[%swap3A_870, %swap3A_871] {strides = array<i32>} : memref<112x128xf32, #tpu.memory_space<vmem>>, vector<1x16xf32>,
        %swap3A_873 = vector.shape_cast %swap3A_872 : vector<1x16xf32> to vector<16xf32>
        %swap3A_874 = vector.shape_cast %mul3A_869 : vector<16xf32> to vector<1x16xf32>
        tpu.vector_store %arg12[%swap3A_870, %swap3A_871], %swap3A_874 {strides = array<i32>} : memref<112x128xf32, #tpu.memory_space<vmem>>, vector<1x16xf32>,
        %get3A_875 = arith.index_cast %add3A_852 : i32 to index
        %get3A_876 = arith.constant 32 : index
        %get3A_877 = tpu.vector_load %arg12[%get3A_875, %get3A_876] {strides = array<i32>} : memref<112x128xf32, #tpu.memory_space<vmem>>, vector<1x16xf32>,
        %get3A_878 = vector.shape_cast %get3A_877 : vector<1x16xf32> to vector<16xf32>
        %mul3A_879 = vector.broadcast %squeeze3A_848 : f32 to vector<16xf32>
        %mul3A_880 = arith.mulf %get3A_878, %mul3A_879 : vector<16xf32>
        %swap3A_881 = arith.index_cast %add3A_852 : i32 to index
        %swap3A_882 = arith.constant 32 : index
        %swap3A_883 = tpu.vector_load %arg12[%swap3A_881, %swap3A_882] {strides = array<i32>} : memref<112x128xf32, #tpu.memory_space<vmem>>, vector<1x16xf32>,
        %swap3A_884 = vector.shape_cast %swap3A_883 : vector<1x16xf32> to vector<16xf32>
        %swap3A_885 = vector.shape_cast %mul3A_880 : vector<16xf32> to vector<1x16xf32>
        tpu.vector_store %arg12[%swap3A_881, %swap3A_882], %swap3A_885 {strides = array<i32>} : memref<112x128xf32, #tpu.memory_space<vmem>>, vector<1x16xf32>,
        %get3A_886 = arith.index_cast %add3A_852 : i32 to index
        %get3A_887 = arith.constant 48 : index
        %get3A_888 = tpu.vector_load %arg12[%get3A_886, %get3A_887] {strides = array<i32>} : memref<112x128xf32, #tpu.memory_space<vmem>>, vector<1x16xf32>,
        %get3A_889 = vector.shape_cast %get3A_888 : vector<1x16xf32> to vector<16xf32>
        %mul3A_890 = vector.broadcast %squeeze3A_848 : f32 to vector<16xf32>
        %mul3A_891 = arith.mulf %get3A_889, %mul3A_890 : vector<16xf32>
        %swap3A_892 = arith.index_cast %add3A_852 : i32 to index
        %swap3A_893 = arith.constant 48 : index
        %swap3A_894 = tpu.vector_load %arg12[%swap3A_892, %swap3A_893] {strides = array<i32>} : memref<112x128xf32, #tpu.memory_space<vmem>>, vector<1x16xf32>,
        %swap3A_895 = vector.shape_cast %swap3A_894 : vector<1x16xf32> to vector<16xf32>
        %swap3A_896 = vector.shape_cast %mul3A_891 : vector<16xf32> to vector<1x16xf32>
        tpu.vector_store %arg12[%swap3A_892, %swap3A_893], %swap3A_896 {strides = array<i32>} : memref<112x128xf32, #tpu.memory_space<vmem>>, vector<1x16xf32>,
        %get3A_897 = arith.index_cast %add3A_852 : i32 to index
        %get3A_898 = arith.constant 64 : index
        %get3A_899 = tpu.vector_load %arg12[%get3A_897, %get3A_898] {strides = array<i32>} : memref<112x128xf32, #tpu.memory_space<vmem>>, vector<1x16xf32>,
        %get3A_900 = vector.shape_cast %get3A_899 : vector<1x16xf32> to vector<16xf32>
        %mul3A_901 = vector.broadcast %squeeze3A_848 : f32 to vector<16xf32>
        %mul3A_902 = arith.mulf %get3A_900, %mul3A_901 : vector<16xf32>
        %swap3A_903 = arith.index_cast %add3A_852 : i32 to index
        %swap3A_904 = arith.constant 64 : index
        %swap3A_905 = tpu.vector_load %arg12[%swap3A_903, %swap3A_904] {strides = array<i32>} : memref<112x128xf32, #tpu.memory_space<vmem>>, vector<1x16xf32>,
        %swap3A_906 = vector.shape_cast %swap3A_905 : vector<1x16xf32> to vector<16xf32>
        %swap3A_907 = vector.shape_cast %mul3A_902 : vector<16xf32> to vector<1x16xf32>
        tpu.vector_store %arg12[%swap3A_903, %swap3A_904], %swap3A_907 {strides = array<i32>} : memref<112x128xf32, #tpu.memory_space<vmem>>, vector<1x16xf32>,
        %get3A_908 = arith.index_cast %add3A_852 : i32 to index
        %get3A_909 = arith.constant 80 : index
        %get3A_910 = tpu.vector_load %arg12[%get3A_908, %get3A_909] {strides = array<i32>} : memref<112x128xf32, #tpu.memory_space<vmem>>, vector<1x16xf32>,
        %get3A_911 = vector.shape_cast %get3A_910 : vector<1x16xf32> to vector<16xf32>
        %mul3A_912 = vector.broadcast %squeeze3A_848 : f32 to vector<16xf32>
        %mul3A_913 = arith.mulf %get3A_911, %mul3A_912 : vector<16xf32>
        %swap3A_914 = arith.index_cast %add3A_852 : i32 to index
        %swap3A_915 = arith.constant 80 : index
        %swap3A_916 = tpu.vector_load %arg12[%swap3A_914, %swap3A_915] {strides = array<i32>} : memref<112x128xf32, #tpu.memory_space<vmem>>, vector<1x16xf32>,
        %swap3A_917 = vector.shape_cast %swap3A_916 : vector<1x16xf32> to vector<16xf32>
        %swap3A_918 = vector.shape_cast %mul3A_913 : vector<16xf32> to vector<1x16xf32>
        tpu.vector_store %arg12[%swap3A_914, %swap3A_915], %swap3A_918 {strides = array<i32>} : memref<112x128xf32, #tpu.memory_space<vmem>>, vector<1x16xf32>,
        %get3A_919 = arith.index_cast %add3A_852 : i32 to index
        %get3A_920 = arith.constant 96 : index
        %get3A_921 = tpu.vector_load %arg12[%get3A_919, %get3A_920] {strides = array<i32>} : memref<112x128xf32, #tpu.memory_space<vmem>>, vector<1x16xf32>,
        %get3A_922 = vector.shape_cast %get3A_921 : vector<1x16xf32> to vector<16xf32>
        %mul3A_923 = vector.broadcast %squeeze3A_848 : f32 to vector<16xf32>
        %mul3A_924 = arith.mulf %get3A_922, %mul3A_923 : vector<16xf32>
        %swap3A_925 = arith.index_cast %add3A_852 : i32 to index
        %swap3A_926 = arith.constant 96 : index
        %swap3A_927 = tpu.vector_load %arg12[%swap3A_925, %swap3A_926] {strides = array<i32>} : memref<112x128xf32, #tpu.memory_space<vmem>>, vector<1x16xf32>,
        %swap3A_928 = vector.shape_cast %swap3A_927 : vector<1x16xf32> to vector<16xf32>
        %swap3A_929 = vector.shape_cast %mul3A_924 : vector<16xf32> to vector<1x16xf32>
        tpu.vector_store %arg12[%swap3A_925, %swap3A_926], %swap3A_929 {strides = array<i32>} : memref<112x128xf32, #tpu.memory_space<vmem>>, vector<1x16xf32>,
        %get3A_930 = arith.index_cast %add3A_852 : i32 to index
        %get3A_931 = arith.constant 112 : index
        %get3A_932 = tpu.vector_load %arg12[%get3A_930, %get3A_931] {strides = array<i32>} : memref<112x128xf32, #tpu.memory_space<vmem>>, vector<1x16xf32>,
        %get3A_933 = vector.shape_cast %get3A_932 : vector<1x16xf32> to vector<16xf32>
        %mul3A_934 = vector.broadcast %squeeze3A_848 : f32 to vector<16xf32>
        %mul3A_935 = arith.mulf %get3A_933, %mul3A_934 : vector<16xf32>
        %swap3A_936 = arith.index_cast %add3A_852 : i32 to index
        %swap3A_937 = arith.constant 112 : index
        %swap3A_938 = tpu.vector_load %arg12[%swap3A_936, %swap3A_937] {strides = array<i32>} : memref<112x128xf32, #tpu.memory_space<vmem>>, vector<1x16xf32>,
        %swap3A_939 = vector.shape_cast %swap3A_938 : vector<1x16xf32> to vector<16xf32>
        %swap3A_940 = vector.shape_cast %mul3A_935 : vector<16xf32> to vector<1x16xf32>
        tpu.vector_store %arg12[%swap3A_936, %swap3A_937], %swap3A_940 {strides = array<i32>} : memref<112x128xf32, #tpu.memory_space<vmem>>, vector<1x16xf32>,
        %slice3A_941 = vector.extract_strided_slice %get3A_97 {offsets = [9], sizes = [1], strides = [1]} : vector<16xf32> to vector<1xf32>
        %squeeze3A_942 = vector.extract %slice3A_941[0] : f32 from vector<1xf32>
        %mul3A_943 = arith.constant 16 : i32
        %mul3A_944 = arith.muli %scan3A_90, %mul3A_943 : i32
        %add3A_945 = arith.constant 9 : i32
        %add3A_946 = arith.addi %mul3A_944, %add3A_945 : i32
        %get3A_947 = arith.index_cast %add3A_946 : i32 to index
        %get3A_948 = arith.constant 0 : index
        %get3A_949 = tpu.vector_load %arg12[%get3A_947, %get3A_948] {strides = array<i32>} : memref<112x128xf32, #tpu.memory_space<vmem>>, vector<1x16xf32>,
        %get3A_950 = vector.shape_cast %get3A_949 : vector<1x16xf32> to vector<16xf32>
        %mul3A_951 = vector.broadcast %squeeze3A_942 : f32 to vector<16xf32>
        %mul3A_952 = arith.mulf %get3A_950, %mul3A_951 : vector<16xf32>
        %swap3A_953 = arith.index_cast %add3A_946 : i32 to index
        %swap3A_954 = arith.constant 0 : index
        %swap3A_955 = tpu.vector_load %arg12[%swap3A_953, %swap3A_954] {strides = array<i32>} : memref<112x128xf32, #tpu.memory_space<vmem>>, vector<1x16xf32>,
        %swap3A_956 = vector.shape_cast %swap3A_955 : vector<1x16xf32> to vector<16xf32>
        %swap3A_957 = vector.shape_cast %mul3A_952 : vector<16xf32> to vector<1x16xf32>
        tpu.vector_store %arg12[%swap3A_953, %swap3A_954], %swap3A_957 {strides = array<i32>} : memref<112x128xf32, #tpu.memory_space<vmem>>, vector<1x16xf32>,
        %get3A_958 = arith.index_cast %add3A_946 : i32 to index
        %get3A_959 = arith.constant 16 : index
        %get3A_960 = tpu.vector_load %arg12[%get3A_958, %get3A_959] {strides = array<i32>} : memref<112x128xf32, #tpu.memory_space<vmem>>, vector<1x16xf32>,
        %get3A_961 = vector.shape_cast %get3A_960 : vector<1x16xf32> to vector<16xf32>
        %mul3A_962 = vector.broadcast %squeeze3A_942 : f32 to vector<16xf32>
        %mul3A_963 = arith.mulf %get3A_961, %mul3A_962 : vector<16xf32>
        %swap3A_964 = arith.index_cast %add3A_946 : i32 to index
        %swap3A_965 = arith.constant 16 : index
        %swap3A_966 = tpu.vector_load %arg12[%swap3A_964, %swap3A_965] {strides = array<i32>} : memref<112x128xf32, #tpu.memory_space<vmem>>, vector<1x16xf32>,
        %swap3A_967 = vector.shape_cast %swap3A_966 : vector<1x16xf32> to vector<16xf32>
        %swap3A_968 = vector.shape_cast %mul3A_963 : vector<16xf32> to vector<1x16xf32>
        tpu.vector_store %arg12[%swap3A_964, %swap3A_965], %swap3A_968 {strides = array<i32>} : memref<112x128xf32, #tpu.memory_space<vmem>>, vector<1x16xf32>,
        %get3A_969 = arith.index_cast %add3A_946 : i32 to index
        %get3A_970 = arith.constant 32 : index
        %get3A_971 = tpu.vector_load %arg12[%get3A_969, %get3A_970] {strides = array<i32>} : memref<112x128xf32, #tpu.memory_space<vmem>>, vector<1x16xf32>,
        %get3A_972 = vector.shape_cast %get3A_971 : vector<1x16xf32> to vector<16xf32>
        %mul3A_973 = vector.broadcast %squeeze3A_942 : f32 to vector<16xf32>
        %mul3A_974 = arith.mulf %get3A_972, %mul3A_973 : vector<16xf32>
        %swap3A_975 = arith.index_cast %add3A_946 : i32 to index
        %swap3A_976 = arith.constant 32 : index
        %swap3A_977 = tpu.vector_load %arg12[%swap3A_975, %swap3A_976] {strides = array<i32>} : memref<112x128xf32, #tpu.memory_space<vmem>>, vector<1x16xf32>,
        %swap3A_978 = vector.shape_cast %swap3A_977 : vector<1x16xf32> to vector<16xf32>
        %swap3A_979 = vector.shape_cast %mul3A_974 : vector<16xf32> to vector<1x16xf32>
        tpu.vector_store %arg12[%swap3A_975, %swap3A_976], %swap3A_979 {strides = array<i32>} : memref<112x128xf32, #tpu.memory_space<vmem>>, vector<1x16xf32>,
        %get3A_980 = arith.index_cast %add3A_946 : i32 to index
        %get3A_981 = arith.constant 48 : index
        %get3A_982 = tpu.vector_load %arg12[%get3A_980, %get3A_981] {strides = array<i32>} : memref<112x128xf32, #tpu.memory_space<vmem>>, vector<1x16xf32>,
        %get3A_983 = vector.shape_cast %get3A_982 : vector<1x16xf32> to vector<16xf32>
        %mul3A_984 = vector.broadcast %squeeze3A_942 : f32 to vector<16xf32>
        %mul3A_985 = arith.mulf %get3A_983, %mul3A_984 : vector<16xf32>
        %swap3A_986 = arith.index_cast %add3A_946 : i32 to index
        %swap3A_987 = arith.constant 48 : index
        %swap3A_988 = tpu.vector_load %arg12[%swap3A_986, %swap3A_987] {strides = array<i32>} : memref<112x128xf32, #tpu.memory_space<vmem>>, vector<1x16xf32>,
        %swap3A_989 = vector.shape_cast %swap3A_988 : vector<1x16xf32> to vector<16xf32>
        %swap3A_990 = vector.shape_cast %mul3A_985 : vector<16xf32> to vector<1x16xf32>
        tpu.vector_store %arg12[%swap3A_986, %swap3A_987], %swap3A_990 {strides = array<i32>} : memref<112x128xf32, #tpu.memory_space<vmem>>, vector<1x16xf32>,
        %get3A_991 = arith.index_cast %add3A_946 : i32 to index
        %get3A_992 = arith.constant 64 : index
        %get3A_993 = tpu.vector_load %arg12[%get3A_991, %get3A_992] {strides = array<i32>} : memref<112x128xf32, #tpu.memory_space<vmem>>, vector<1x16xf32>,
        %get3A_994 = vector.shape_cast %get3A_993 : vector<1x16xf32> to vector<16xf32>
        %mul3A_995 = vector.broadcast %squeeze3A_942 : f32 to vector<16xf32>
        %mul3A_996 = arith.mulf %get3A_994, %mul3A_995 : vector<16xf32>
        %swap3A_997 = arith.index_cast %add3A_946 : i32 to index
        %swap3A_998 = arith.constant 64 : index
        %swap3A_999 = tpu.vector_load %arg12[%swap3A_997, %swap3A_998] {strides = array<i32>} : memref<112x128xf32, #tpu.memory_space<vmem>>, vector<1x16xf32>,
        %swap3A_1000 = vector.shape_cast %swap3A_999 : vector<1x16xf32> to vector<16xf32>
        %swap3A_1001 = vector.shape_cast %mul3A_996 : vector<16xf32> to vector<1x16xf32>
        tpu.vector_store %arg12[%swap3A_997, %swap3A_998], %swap3A_1001 {strides = array<i32>} : memref<112x128xf32, #tpu.memory_space<vmem>>, vector<1x16xf32>,
        %get3A_1002 = arith.index_cast %add3A_946 : i32 to index
        %get3A_1003 = arith.constant 80 : index
        %get3A_1004 = tpu.vector_load %arg12[%get3A_1002, %get3A_1003] {strides = array<i32>} : memref<112x128xf32, #tpu.memory_space<vmem>>, vector<1x16xf32>,
        %get3A_1005 = vector.shape_cast %get3A_1004 : vector<1x16xf32> to vector<16xf32>
        %mul3A_1006 = vector.broadcast %squeeze3A_942 : f32 to vector<16xf32>
        %mul3A_1007 = arith.mulf %get3A_1005, %mul3A_1006 : vector<16xf32>
        %swap3A_1008 = arith.index_cast %add3A_946 : i32 to index
        %swap3A_1009 = arith.constant 80 : index
        %swap3A_1010 = tpu.vector_load %arg12[%swap3A_1008, %swap3A_1009] {strides = array<i32>} : memref<112x128xf32, #tpu.memory_space<vmem>>, vector<1x16xf32>,
        %swap3A_1011 = vector.shape_cast %swap3A_1010 : vector<1x16xf32> to vector<16xf32>
        %swap3A_1012 = vector.shape_cast %mul3A_1007 : vector<16xf32> to vector<1x16xf32>
        tpu.vector_store %arg12[%swap3A_1008, %swap3A_1009], %swap3A_1012 {strides = array<i32>} : memref<112x128xf32, #tpu.memory_space<vmem>>, vector<1x16xf32>,
        %get3A_1013 = arith.index_cast %add3A_946 : i32 to index
        %get3A_1014 = arith.constant 96 : index
        %get3A_1015 = tpu.vector_load %arg12[%get3A_1013, %get3A_1014] {strides = array<i32>} : memref<112x128xf32, #tpu.memory_space<vmem>>, vector<1x16xf32>,
        %get3A_1016 = vector.shape_cast %get3A_1015 : vector<1x16xf32> to vector<16xf32>
        %mul3A_1017 = vector.broadcast %squeeze3A_942 : f32 to vector<16xf32>
        %mul3A_1018 = arith.mulf %get3A_1016, %mul3A_1017 : vector<16xf32>
        %swap3A_1019 = arith.index_cast %add3A_946 : i32 to index
        %swap3A_1020 = arith.constant 96 : index
        %swap3A_1021 = tpu.vector_load %arg12[%swap3A_1019, %swap3A_1020] {strides = array<i32>} : memref<112x128xf32, #tpu.memory_space<vmem>>, vector<1x16xf32>,
        %swap3A_1022 = vector.shape_cast %swap3A_1021 : vector<1x16xf32> to vector<16xf32>
        %swap3A_1023 = vector.shape_cast %mul3A_1018 : vector<16xf32> to vector<1x16xf32>
        tpu.vector_store %arg12[%swap3A_1019, %swap3A_1020], %swap3A_1023 {strides = array<i32>} : memref<112x128xf32, #tpu.memory_space<vmem>>, vector<1x16xf32>,
        %get3A_1024 = arith.index_cast %add3A_946 : i32 to index
        %get3A_1025 = arith.constant 112 : index
        %get3A_1026 = tpu.vector_load %arg12[%get3A_1024, %get3A_1025] {strides = array<i32>} : memref<112x128xf32, #tpu.memory_space<vmem>>, vector<1x16xf32>,
        %get3A_1027 = vector.shape_cast %get3A_1026 : vector<1x16xf32> to vector<16xf32>
        %mul3A_1028 = vector.broadcast %squeeze3A_942 : f32 to vector<16xf32>
        %mul3A_1029 = arith.mulf %get3A_1027, %mul3A_1028 : vector<16xf32>
        %swap3A_1030 = arith.index_cast %add3A_946 : i32 to index
        %swap3A_1031 = arith.constant 112 : index
        %swap3A_1032 = tpu.vector_load %arg12[%swap3A_1030, %swap3A_1031] {strides = array<i32>} : memref<112x128xf32, #tpu.memory_space<vmem>>, vector<1x16xf32>,
        %swap3A_1033 = vector.shape_cast %swap3A_1032 : vector<1x16xf32> to vector<16xf32>
        %swap3A_1034 = vector.shape_cast %mul3A_1029 : vector<16xf32> to vector<1x16xf32>
        tpu.vector_store %arg12[%swap3A_1030, %swap3A_1031], %swap3A_1034 {strides = array<i32>} : memref<112x128xf32, #tpu.memory_space<vmem>>, vector<1x16xf32>,
        %slice3A_1035 = vector.extract_strided_slice %get3A_97 {offsets = [10], sizes = [1], strides = [1]} : vector<16xf32> to vector<1xf32>
        %squeeze3A_1036 = vector.extract %slice3A_1035[0] : f32 from vector<1xf32>
        %mul3A_1037 = arith.constant 16 : i32
        %mul3A_1038 = arith.muli %scan3A_90, %mul3A_1037 : i32
        %add3A_1039 = arith.constant 10 : i32
        %add3A_1040 = arith.addi %mul3A_1038, %add3A_1039 : i32
        %get3A_1041 = arith.index_cast %add3A_1040 : i32 to index
        %get3A_1042 = arith.constant 0 : index
        %get3A_1043 = tpu.vector_load %arg12[%get3A_1041, %get3A_1042] {strides = array<i32>} : memref<112x128xf32, #tpu.memory_space<vmem>>, vector<1x16xf32>,
        %get3A_1044 = vector.shape_cast %get3A_1043 : vector<1x16xf32> to vector<16xf32>
        %mul3A_1045 = vector.broadcast %squeeze3A_1036 : f32 to vector<16xf32>
        %mul3A_1046 = arith.mulf %get3A_1044, %mul3A_1045 : vector<16xf32>
        %swap3A_1047 = arith.index_cast %add3A_1040 : i32 to index
        %swap3A_1048 = arith.constant 0 : index
        %swap3A_1049 = tpu.vector_load %arg12[%swap3A_1047, %swap3A_1048] {strides = array<i32>} : memref<112x128xf32, #tpu.memory_space<vmem>>, vector<1x16xf32>,
        %swap3A_1050 = vector.shape_cast %swap3A_1049 : vector<1x16xf32> to vector<16xf32>
        %swap3A_1051 = vector.shape_cast %mul3A_1046 : vector<16xf32> to vector<1x16xf32>
        tpu.vector_store %arg12[%swap3A_1047, %swap3A_1048], %swap3A_1051 {strides = array<i32>} : memref<112x128xf32, #tpu.memory_space<vmem>>, vector<1x16xf32>,
        %get3A_1052 = arith.index_cast %add3A_1040 : i32 to index
        %get3A_1053 = arith.constant 16 : index
        %get3A_1054 = tpu.vector_load %arg12[%get3A_1052, %get3A_1053] {strides = array<i32>} : memref<112x128xf32, #tpu.memory_space<vmem>>, vector<1x16xf32>,
        %get3A_1055 = vector.shape_cast %get3A_1054 : vector<1x16xf32> to vector<16xf32>
        %mul3A_1056 = vector.broadcast %squeeze3A_1036 : f32 to vector<16xf32>
        %mul3A_1057 = arith.mulf %get3A_1055, %mul3A_1056 : vector<16xf32>
        %swap3A_1058 = arith.index_cast %add3A_1040 : i32 to index
        %swap3A_1059 = arith.constant 16 : index
        %swap3A_1060 = tpu.vector_load %arg12[%swap3A_1058, %swap3A_1059] {strides = array<i32>} : memref<112x128xf32, #tpu.memory_space<vmem>>, vector<1x16xf32>,
        %swap3A_1061 = vector.shape_cast %swap3A_1060 : vector<1x16xf32> to vector<16xf32>
        %swap3A_1062 = vector.shape_cast %mul3A_1057 : vector<16xf32> to vector<1x16xf32>
        tpu.vector_store %arg12[%swap3A_1058, %swap3A_1059], %swap3A_1062 {strides = array<i32>} : memref<112x128xf32, #tpu.memory_space<vmem>>, vector<1x16xf32>,
        %get3A_1063 = arith.index_cast %add3A_1040 : i32 to index
        %get3A_1064 = arith.constant 32 : index
        %get3A_1065 = tpu.vector_load %arg12[%get3A_1063, %get3A_1064] {strides = array<i32>} : memref<112x128xf32, #tpu.memory_space<vmem>>, vector<1x16xf32>,
        %get3A_1066 = vector.shape_cast %get3A_1065 : vector<1x16xf32> to vector<16xf32>
        %mul3A_1067 = vector.broadcast %squeeze3A_1036 : f32 to vector<16xf32>
        %mul3A_1068 = arith.mulf %get3A_1066, %mul3A_1067 : vector<16xf32>
        %swap3A_1069 = arith.index_cast %add3A_1040 : i32 to index
        %swap3A_1070 = arith.constant 32 : index
        %swap3A_1071 = tpu.vector_load %arg12[%swap3A_1069, %swap3A_1070] {strides = array<i32>} : memref<112x128xf32, #tpu.memory_space<vmem>>, vector<1x16xf32>,
        %swap3A_1072 = vector.shape_cast %swap3A_1071 : vector<1x16xf32> to vector<16xf32>
        %swap3A_1073 = vector.shape_cast %mul3A_1068 : vector<16xf32> to vector<1x16xf32>
        tpu.vector_store %arg12[%swap3A_1069, %swap3A_1070], %swap3A_1073 {strides = array<i32>} : memref<112x128xf32, #tpu.memory_space<vmem>>, vector<1x16xf32>,
        %get3A_1074 = arith.index_cast %add3A_1040 : i32 to index
        %get3A_1075 = arith.constant 48 : index
        %get3A_1076 = tpu.vector_load %arg12[%get3A_1074, %get3A_1075] {strides = array<i32>} : memref<112x128xf32, #tpu.memory_space<vmem>>, vector<1x16xf32>,
        %get3A_1077 = vector.shape_cast %get3A_1076 : vector<1x16xf32> to vector<16xf32>
        %mul3A_1078 = vector.broadcast %squeeze3A_1036 : f32 to vector<16xf32>
        %mul3A_1079 = arith.mulf %get3A_1077, %mul3A_1078 : vector<16xf32>
        %swap3A_1080 = arith.index_cast %add3A_1040 : i32 to index
        %swap3A_1081 = arith.constant 48 : index
        %swap3A_1082 = tpu.vector_load %arg12[%swap3A_1080, %swap3A_1081] {strides = array<i32>} : memref<112x128xf32, #tpu.memory_space<vmem>>, vector<1x16xf32>,
        %swap3A_1083 = vector.shape_cast %swap3A_1082 : vector<1x16xf32> to vector<16xf32>
        %swap3A_1084 = vector.shape_cast %mul3A_1079 : vector<16xf32> to vector<1x16xf32>
        tpu.vector_store %arg12[%swap3A_1080, %swap3A_1081], %swap3A_1084 {strides = array<i32>} : memref<112x128xf32, #tpu.memory_space<vmem>>, vector<1x16xf32>,
        %get3A_1085 = arith.index_cast %add3A_1040 : i32 to index
        %get3A_1086 = arith.constant 64 : index
        %get3A_1087 = tpu.vector_load %arg12[%get3A_1085, %get3A_1086] {strides = array<i32>} : memref<112x128xf32, #tpu.memory_space<vmem>>, vector<1x16xf32>,
        %get3A_1088 = vector.shape_cast %get3A_1087 : vector<1x16xf32> to vector<16xf32>
        %mul3A_1089 = vector.broadcast %squeeze3A_1036 : f32 to vector<16xf32>
        %mul3A_1090 = arith.mulf %get3A_1088, %mul3A_1089 : vector<16xf32>
        %swap3A_1091 = arith.index_cast %add3A_1040 : i32 to index
        %swap3A_1092 = arith.constant 64 : index
        %swap3A_1093 = tpu.vector_load %arg12[%swap3A_1091, %swap3A_1092] {strides = array<i32>} : memref<112x128xf32, #tpu.memory_space<vmem>>, vector<1x16xf32>,
        %swap3A_1094 = vector.shape_cast %swap3A_1093 : vector<1x16xf32> to vector<16xf32>
        %swap3A_1095 = vector.shape_cast %mul3A_1090 : vector<16xf32> to vector<1x16xf32>
        tpu.vector_store %arg12[%swap3A_1091, %swap3A_1092], %swap3A_1095 {strides = array<i32>} : memref<112x128xf32, #tpu.memory_space<vmem>>, vector<1x16xf32>,
        %get3A_1096 = arith.index_cast %add3A_1040 : i32 to index
        %get3A_1097 = arith.constant 80 : index
        %get3A_1098 = tpu.vector_load %arg12[%get3A_1096, %get3A_1097] {strides = array<i32>} : memref<112x128xf32, #tpu.memory_space<vmem>>, vector<1x16xf32>,
        %get3A_1099 = vector.shape_cast %get3A_1098 : vector<1x16xf32> to vector<16xf32>
        %mul3A_1100 = vector.broadcast %squeeze3A_1036 : f32 to vector<16xf32>
        %mul3A_1101 = arith.mulf %get3A_1099, %mul3A_1100 : vector<16xf32>
        %swap3A_1102 = arith.index_cast %add3A_1040 : i32 to index
        %swap3A_1103 = arith.constant 80 : index
        %swap3A_1104 = tpu.vector_load %arg12[%swap3A_1102, %swap3A_1103] {strides = array<i32>} : memref<112x128xf32, #tpu.memory_space<vmem>>, vector<1x16xf32>,
        %swap3A_1105 = vector.shape_cast %swap3A_1104 : vector<1x16xf32> to vector<16xf32>
        %swap3A_1106 = vector.shape_cast %mul3A_1101 : vector<16xf32> to vector<1x16xf32>
        tpu.vector_store %arg12[%swap3A_1102, %swap3A_1103], %swap3A_1106 {strides = array<i32>} : memref<112x128xf32, #tpu.memory_space<vmem>>, vector<1x16xf32>,
        %get3A_1107 = arith.index_cast %add3A_1040 : i32 to index
        %get3A_1108 = arith.constant 96 : index
        %get3A_1109 = tpu.vector_load %arg12[%get3A_1107, %get3A_1108] {strides = array<i32>} : memref<112x128xf32, #tpu.memory_space<vmem>>, vector<1x16xf32>,
        %get3A_1110 = vector.shape_cast %get3A_1109 : vector<1x16xf32> to vector<16xf32>
        %mul3A_1111 = vector.broadcast %squeeze3A_1036 : f32 to vector<16xf32>
        %mul3A_1112 = arith.mulf %get3A_1110, %mul3A_1111 : vector<16xf32>
        %swap3A_1113 = arith.index_cast %add3A_1040 : i32 to index
        %swap3A_1114 = arith.constant 96 : index
        %swap3A_1115 = tpu.vector_load %arg12[%swap3A_1113, %swap3A_1114] {strides = array<i32>} : memref<112x128xf32, #tpu.memory_space<vmem>>, vector<1x16xf32>,
        %swap3A_1116 = vector.shape_cast %swap3A_1115 : vector<1x16xf32> to vector<16xf32>
        %swap3A_1117 = vector.shape_cast %mul3A_1112 : vector<16xf32> to vector<1x16xf32>
        tpu.vector_store %arg12[%swap3A_1113, %swap3A_1114], %swap3A_1117 {strides = array<i32>} : memref<112x128xf32, #tpu.memory_space<vmem>>, vector<1x16xf32>,
        %get3A_1118 = arith.index_cast %add3A_1040 : i32 to index
        %get3A_1119 = arith.constant 112 : index
        %get3A_1120 = tpu.vector_load %arg12[%get3A_1118, %get3A_1119] {strides = array<i32>} : memref<112x128xf32, #tpu.memory_space<vmem>>, vector<1x16xf32>,
        %get3A_1121 = vector.shape_cast %get3A_1120 : vector<1x16xf32> to vector<16xf32>
        %mul3A_1122 = vector.broadcast %squeeze3A_1036 : f32 to vector<16xf32>
        %mul3A_1123 = arith.mulf %get3A_1121, %mul3A_1122 : vector<16xf32>
        %swap3A_1124 = arith.index_cast %add3A_1040 : i32 to index
        %swap3A_1125 = arith.constant 112 : index
        %swap3A_1126 = tpu.vector_load %arg12[%swap3A_1124, %swap3A_1125] {strides = array<i32>} : memref<112x128xf32, #tpu.memory_space<vmem>>, vector<1x16xf32>,
        %swap3A_1127 = vector.shape_cast %swap3A_1126 : vector<1x16xf32> to vector<16xf32>
        %swap3A_1128 = vector.shape_cast %mul3A_1123 : vector<16xf32> to vector<1x16xf32>
        tpu.vector_store %arg12[%swap3A_1124, %swap3A_1125], %swap3A_1128 {strides = array<i32>} : memref<112x128xf32, #tpu.memory_space<vmem>>, vector<1x16xf32>,
        %slice3A_1129 = vector.extract_strided_slice %get3A_97 {offsets = [11], sizes = [1], strides = [1]} : vector<16xf32> to vector<1xf32>
        %squeeze3A_1130 = vector.extract %slice3A_1129[0] : f32 from vector<1xf32>
        %mul3A_1131 = arith.constant 16 : i32
        %mul3A_1132 = arith.muli %scan3A_90, %mul3A_1131 : i32
        %add3A_1133 = arith.constant 11 : i32
        %add3A_1134 = arith.addi %mul3A_1132, %add3A_1133 : i32
        %get3A_1135 = arith.index_cast %add3A_1134 : i32 to index
        %get3A_1136 = arith.constant 0 : index
        %get3A_1137 = tpu.vector_load %arg12[%get3A_1135, %get3A_1136] {strides = array<i32>} : memref<112x128xf32, #tpu.memory_space<vmem>>, vector<1x16xf32>,
        %get3A_1138 = vector.shape_cast %get3A_1137 : vector<1x16xf32> to vector<16xf32>
        %mul3A_1139 = vector.broadcast %squeeze3A_1130 : f32 to vector<16xf32>
        %mul3A_1140 = arith.mulf %get3A_1138, %mul3A_1139 : vector<16xf32>
        %swap3A_1141 = arith.index_cast %add3A_1134 : i32 to index
        %swap3A_1142 = arith.constant 0 : index
        %swap3A_1143 = tpu.vector_load %arg12[%swap3A_1141, %swap3A_1142] {strides = array<i32>} : memref<112x128xf32, #tpu.memory_space<vmem>>, vector<1x16xf32>,
        %swap3A_1144 = vector.shape_cast %swap3A_1143 : vector<1x16xf32> to vector<16xf32>
        %swap3A_1145 = vector.shape_cast %mul3A_1140 : vector<16xf32> to vector<1x16xf32>
        tpu.vector_store %arg12[%swap3A_1141, %swap3A_1142], %swap3A_1145 {strides = array<i32>} : memref<112x128xf32, #tpu.memory_space<vmem>>, vector<1x16xf32>,
        %get3A_1146 = arith.index_cast %add3A_1134 : i32 to index
        %get3A_1147 = arith.constant 16 : index
        %get3A_1148 = tpu.vector_load %arg12[%get3A_1146, %get3A_1147] {strides = array<i32>} : memref<112x128xf32, #tpu.memory_space<vmem>>, vector<1x16xf32>,
        %get3A_1149 = vector.shape_cast %get3A_1148 : vector<1x16xf32> to vector<16xf32>
        %mul3A_1150 = vector.broadcast %squeeze3A_1130 : f32 to vector<16xf32>
        %mul3A_1151 = arith.mulf %get3A_1149, %mul3A_1150 : vector<16xf32>
        %swap3A_1152 = arith.index_cast %add3A_1134 : i32 to index
        %swap3A_1153 = arith.constant 16 : index
        %swap3A_1154 = tpu.vector_load %arg12[%swap3A_1152, %swap3A_1153] {strides = array<i32>} : memref<112x128xf32, #tpu.memory_space<vmem>>, vector<1x16xf32>,
        %swap3A_1155 = vector.shape_cast %swap3A_1154 : vector<1x16xf32> to vector<16xf32>
        %swap3A_1156 = vector.shape_cast %mul3A_1151 : vector<16xf32> to vector<1x16xf32>
        tpu.vector_store %arg12[%swap3A_1152, %swap3A_1153], %swap3A_1156 {strides = array<i32>} : memref<112x128xf32, #tpu.memory_space<vmem>>, vector<1x16xf32>,
        %get3A_1157 = arith.index_cast %add3A_1134 : i32 to index
        %get3A_1158 = arith.constant 32 : index
        %get3A_1159 = tpu.vector_load %arg12[%get3A_1157, %get3A_1158] {strides = array<i32>} : memref<112x128xf32, #tpu.memory_space<vmem>>, vector<1x16xf32>,
        %get3A_1160 = vector.shape_cast %get3A_1159 : vector<1x16xf32> to vector<16xf32>
        %mul3A_1161 = vector.broadcast %squeeze3A_1130 : f32 to vector<16xf32>
        %mul3A_1162 = arith.mulf %get3A_1160, %mul3A_1161 : vector<16xf32>
        %swap3A_1163 = arith.index_cast %add3A_1134 : i32 to index
        %swap3A_1164 = arith.constant 32 : index
        %swap3A_1165 = tpu.vector_load %arg12[%swap3A_1163, %swap3A_1164] {strides = array<i32>} : memref<112x128xf32, #tpu.memory_space<vmem>>, vector<1x16xf32>,
        %swap3A_1166 = vector.shape_cast %swap3A_1165 : vector<1x16xf32> to vector<16xf32>
        %swap3A_1167 = vector.shape_cast %mul3A_1162 : vector<16xf32> to vector<1x16xf32>
        tpu.vector_store %arg12[%swap3A_1163, %swap3A_1164], %swap3A_1167 {strides = array<i32>} : memref<112x128xf32, #tpu.memory_space<vmem>>, vector<1x16xf32>,
        %get3A_1168 = arith.index_cast %add3A_1134 : i32 to index
        %get3A_1169 = arith.constant 48 : index
        %get3A_1170 = tpu.vector_load %arg12[%get3A_1168, %get3A_1169] {strides = array<i32>} : memref<112x128xf32, #tpu.memory_space<vmem>>, vector<1x16xf32>,
        %get3A_1171 = vector.shape_cast %get3A_1170 : vector<1x16xf32> to vector<16xf32>
        %mul3A_1172 = vector.broadcast %squeeze3A_1130 : f32 to vector<16xf32>
        %mul3A_1173 = arith.mulf %get3A_1171, %mul3A_1172 : vector<16xf32>
        %swap3A_1174 = arith.index_cast %add3A_1134 : i32 to index
        %swap3A_1175 = arith.constant 48 : index
        %swap3A_1176 = tpu.vector_load %arg12[%swap3A_1174, %swap3A_1175] {strides = array<i32>} : memref<112x128xf32, #tpu.memory_space<vmem>>, vector<1x16xf32>,
        %swap3A_1177 = vector.shape_cast %swap3A_1176 : vector<1x16xf32> to vector<16xf32>
        %swap3A_1178 = vector.shape_cast %mul3A_1173 : vector<16xf32> to vector<1x16xf32>
        tpu.vector_store %arg12[%swap3A_1174, %swap3A_1175], %swap3A_1178 {strides = array<i32>} : memref<112x128xf32, #tpu.memory_space<vmem>>, vector<1x16xf32>,
        %get3A_1179 = arith.index_cast %add3A_1134 : i32 to index
        %get3A_1180 = arith.constant 64 : index
        %get3A_1181 = tpu.vector_load %arg12[%get3A_1179, %get3A_1180] {strides = array<i32>} : memref<112x128xf32, #tpu.memory_space<vmem>>, vector<1x16xf32>,
        %get3A_1182 = vector.shape_cast %get3A_1181 : vector<1x16xf32> to vector<16xf32>
        %mul3A_1183 = vector.broadcast %squeeze3A_1130 : f32 to vector<16xf32>
        %mul3A_1184 = arith.mulf %get3A_1182, %mul3A_1183 : vector<16xf32>
        %swap3A_1185 = arith.index_cast %add3A_1134 : i32 to index
        %swap3A_1186 = arith.constant 64 : index
        %swap3A_1187 = tpu.vector_load %arg12[%swap3A_1185, %swap3A_1186] {strides = array<i32>} : memref<112x128xf32, #tpu.memory_space<vmem>>, vector<1x16xf32>,
        %swap3A_1188 = vector.shape_cast %swap3A_1187 : vector<1x16xf32> to vector<16xf32>
        %swap3A_1189 = vector.shape_cast %mul3A_1184 : vector<16xf32> to vector<1x16xf32>
        tpu.vector_store %arg12[%swap3A_1185, %swap3A_1186], %swap3A_1189 {strides = array<i32>} : memref<112x128xf32, #tpu.memory_space<vmem>>, vector<1x16xf32>,
        %get3A_1190 = arith.index_cast %add3A_1134 : i32 to index
        %get3A_1191 = arith.constant 80 : index
        %get3A_1192 = tpu.vector_load %arg12[%get3A_1190, %get3A_1191] {strides = array<i32>} : memref<112x128xf32, #tpu.memory_space<vmem>>, vector<1x16xf32>,
        %get3A_1193 = vector.shape_cast %get3A_1192 : vector<1x16xf32> to vector<16xf32>
        %mul3A_1194 = vector.broadcast %squeeze3A_1130 : f32 to vector<16xf32>
        %mul3A_1195 = arith.mulf %get3A_1193, %mul3A_1194 : vector<16xf32>
        %swap3A_1196 = arith.index_cast %add3A_1134 : i32 to index
        %swap3A_1197 = arith.constant 80 : index
        %swap3A_1198 = tpu.vector_load %arg12[%swap3A_1196, %swap3A_1197] {strides = array<i32>} : memref<112x128xf32, #tpu.memory_space<vmem>>, vector<1x16xf32>,
        %swap3A_1199 = vector.shape_cast %swap3A_1198 : vector<1x16xf32> to vector<16xf32>
        %swap3A_1200 = vector.shape_cast %mul3A_1195 : vector<16xf32> to vector<1x16xf32>
        tpu.vector_store %arg12[%swap3A_1196, %swap3A_1197], %swap3A_1200 {strides = array<i32>} : memref<112x128xf32, #tpu.memory_space<vmem>>, vector<1x16xf32>,
        %get3A_1201 = arith.index_cast %add3A_1134 : i32 to index
        %get3A_1202 = arith.constant 96 : index
        %get3A_1203 = tpu.vector_load %arg12[%get3A_1201, %get3A_1202] {strides = array<i32>} : memref<112x128xf32, #tpu.memory_space<vmem>>, vector<1x16xf32>,
        %get3A_1204 = vector.shape_cast %get3A_1203 : vector<1x16xf32> to vector<16xf32>
        %mul3A_1205 = vector.broadcast %squeeze3A_1130 : f32 to vector<16xf32>
        %mul3A_1206 = arith.mulf %get3A_1204, %mul3A_1205 : vector<16xf32>
        %swap3A_1207 = arith.index_cast %add3A_1134 : i32 to index
        %swap3A_1208 = arith.constant 96 : index
        %swap3A_1209 = tpu.vector_load %arg12[%swap3A_1207, %swap3A_1208] {strides = array<i32>} : memref<112x128xf32, #tpu.memory_space<vmem>>, vector<1x16xf32>,
        %swap3A_1210 = vector.shape_cast %swap3A_1209 : vector<1x16xf32> to vector<16xf32>
        %swap3A_1211 = vector.shape_cast %mul3A_1206 : vector<16xf32> to vector<1x16xf32>
        tpu.vector_store %arg12[%swap3A_1207, %swap3A_1208], %swap3A_1211 {strides = array<i32>} : memref<112x128xf32, #tpu.memory_space<vmem>>, vector<1x16xf32>,
        %get3A_1212 = arith.index_cast %add3A_1134 : i32 to index
        %get3A_1213 = arith.constant 112 : index
        %get3A_1214 = tpu.vector_load %arg12[%get3A_1212, %get3A_1213] {strides = array<i32>} : memref<112x128xf32, #tpu.memory_space<vmem>>, vector<1x16xf32>,
        %get3A_1215 = vector.shape_cast %get3A_1214 : vector<1x16xf32> to vector<16xf32>
        %mul3A_1216 = vector.broadcast %squeeze3A_1130 : f32 to vector<16xf32>
        %mul3A_1217 = arith.mulf %get3A_1215, %mul3A_1216 : vector<16xf32>
        %swap3A_1218 = arith.index_cast %add3A_1134 : i32 to index
        %swap3A_1219 = arith.constant 112 : index
        %swap3A_1220 = tpu.vector_load %arg12[%swap3A_1218, %swap3A_1219] {strides = array<i32>} : memref<112x128xf32, #tpu.memory_space<vmem>>, vector<1x16xf32>,
        %swap3A_1221 = vector.shape_cast %swap3A_1220 : vector<1x16xf32> to vector<16xf32>
        %swap3A_1222 = vector.shape_cast %mul3A_1217 : vector<16xf32> to vector<1x16xf32>
        tpu.vector_store %arg12[%swap3A_1218, %swap3A_1219], %swap3A_1222 {strides = array<i32>} : memref<112x128xf32, #tpu.memory_space<vmem>>, vector<1x16xf32>,
        %slice3A_1223 = vector.extract_strided_slice %get3A_97 {offsets = [12], sizes = [1], strides = [1]} : vector<16xf32> to vector<1xf32>
        %squeeze3A_1224 = vector.extract %slice3A_1223[0] : f32 from vector<1xf32>
        %mul3A_1225 = arith.constant 16 : i32
        %mul3A_1226 = arith.muli %scan3A_90, %mul3A_1225 : i32
        %add3A_1227 = arith.constant 12 : i32
        %add3A_1228 = arith.addi %mul3A_1226, %add3A_1227 : i32
        %get3A_1229 = arith.index_cast %add3A_1228 : i32 to index
        %get3A_1230 = arith.constant 0 : index
        %get3A_1231 = tpu.vector_load %arg12[%get3A_1229, %get3A_1230] {strides = array<i32>} : memref<112x128xf32, #tpu.memory_space<vmem>>, vector<1x16xf32>,
        %get3A_1232 = vector.shape_cast %get3A_1231 : vector<1x16xf32> to vector<16xf32>
        %mul3A_1233 = vector.broadcast %squeeze3A_1224 : f32 to vector<16xf32>
        %mul3A_1234 = arith.mulf %get3A_1232, %mul3A_1233 : vector<16xf32>
        %swap3A_1235 = arith.index_cast %add3A_1228 : i32 to index
        %swap3A_1236 = arith.constant 0 : index
        %swap3A_1237 = tpu.vector_load %arg12[%swap3A_1235, %swap3A_1236] {strides = array<i32>} : memref<112x128xf32, #tpu.memory_space<vmem>>, vector<1x16xf32>,
        %swap3A_1238 = vector.shape_cast %swap3A_1237 : vector<1x16xf32> to vector<16xf32>
        %swap3A_1239 = vector.shape_cast %mul3A_1234 : vector<16xf32> to vector<1x16xf32>
        tpu.vector_store %arg12[%swap3A_1235, %swap3A_1236], %swap3A_1239 {strides = array<i32>} : memref<112x128xf32, #tpu.memory_space<vmem>>, vector<1x16xf32>,
        %get3A_1240 = arith.index_cast %add3A_1228 : i32 to index
        %get3A_1241 = arith.constant 16 : index
        %get3A_1242 = tpu.vector_load %arg12[%get3A_1240, %get3A_1241] {strides = array<i32>} : memref<112x128xf32, #tpu.memory_space<vmem>>, vector<1x16xf32>,
        %get3A_1243 = vector.shape_cast %get3A_1242 : vector<1x16xf32> to vector<16xf32>
        %mul3A_1244 = vector.broadcast %squeeze3A_1224 : f32 to vector<16xf32>
        %mul3A_1245 = arith.mulf %get3A_1243, %mul3A_1244 : vector<16xf32>
        %swap3A_1246 = arith.index_cast %add3A_1228 : i32 to index
        %swap3A_1247 = arith.constant 16 : index
        %swap3A_1248 = tpu.vector_load %arg12[%swap3A_1246, %swap3A_1247] {strides = array<i32>} : memref<112x128xf32, #tpu.memory_space<vmem>>, vector<1x16xf32>,
        %swap3A_1249 = vector.shape_cast %swap3A_1248 : vector<1x16xf32> to vector<16xf32>
        %swap3A_1250 = vector.shape_cast %mul3A_1245 : vector<16xf32> to vector<1x16xf32>
        tpu.vector_store %arg12[%swap3A_1246, %swap3A_1247], %swap3A_1250 {strides = array<i32>} : memref<112x128xf32, #tpu.memory_space<vmem>>, vector<1x16xf32>,
        %get3A_1251 = arith.index_cast %add3A_1228 : i32 to index
        %get3A_1252 = arith.constant 32 : index
        %get3A_1253 = tpu.vector_load %arg12[%get3A_1251, %get3A_1252] {strides = array<i32>} : memref<112x128xf32, #tpu.memory_space<vmem>>, vector<1x16xf32>,
        %get3A_1254 = vector.shape_cast %get3A_1253 : vector<1x16xf32> to vector<16xf32>
        %mul3A_1255 = vector.broadcast %squeeze3A_1224 : f32 to vector<16xf32>
        %mul3A_1256 = arith.mulf %get3A_1254, %mul3A_1255 : vector<16xf32>
        %swap3A_1257 = arith.index_cast %add3A_1228 : i32 to index
        %swap3A_1258 = arith.constant 32 : index
        %swap3A_1259 = tpu.vector_load %arg12[%swap3A_1257, %swap3A_1258] {strides = array<i32>} : memref<112x128xf32, #tpu.memory_space<vmem>>, vector<1x16xf32>,
        %swap3A_1260 = vector.shape_cast %swap3A_1259 : vector<1x16xf32> to vector<16xf32>
        %swap3A_1261 = vector.shape_cast %mul3A_1256 : vector<16xf32> to vector<1x16xf32>
        tpu.vector_store %arg12[%swap3A_1257, %swap3A_1258], %swap3A_1261 {strides = array<i32>} : memref<112x128xf32, #tpu.memory_space<vmem>>, vector<1x16xf32>,
        %get3A_1262 = arith.index_cast %add3A_1228 : i32 to index
        %get3A_1263 = arith.constant 48 : index
        %get3A_1264 = tpu.vector_load %arg12[%get3A_1262, %get3A_1263] {strides = array<i32>} : memref<112x128xf32, #tpu.memory_space<vmem>>, vector<1x16xf32>,
        %get3A_1265 = vector.shape_cast %get3A_1264 : vector<1x16xf32> to vector<16xf32>
        %mul3A_1266 = vector.broadcast %squeeze3A_1224 : f32 to vector<16xf32>
        %mul3A_1267 = arith.mulf %get3A_1265, %mul3A_1266 : vector<16xf32>
        %swap3A_1268 = arith.index_cast %add3A_1228 : i32 to index
        %swap3A_1269 = arith.constant 48 : index
        %swap3A_1270 = tpu.vector_load %arg12[%swap3A_1268, %swap3A_1269] {strides = array<i32>} : memref<112x128xf32, #tpu.memory_space<vmem>>, vector<1x16xf32>,
        %swap3A_1271 = vector.shape_cast %swap3A_1270 : vector<1x16xf32> to vector<16xf32>
        %swap3A_1272 = vector.shape_cast %mul3A_1267 : vector<16xf32> to vector<1x16xf32>
        tpu.vector_store %arg12[%swap3A_1268, %swap3A_1269], %swap3A_1272 {strides = array<i32>} : memref<112x128xf32, #tpu.memory_space<vmem>>, vector<1x16xf32>,
        %get3A_1273 = arith.index_cast %add3A_1228 : i32 to index
        %get3A_1274 = arith.constant 64 : index
        %get3A_1275 = tpu.vector_load %arg12[%get3A_1273, %get3A_1274] {strides = array<i32>} : memref<112x128xf32, #tpu.memory_space<vmem>>, vector<1x16xf32>,
        %get3A_1276 = vector.shape_cast %get3A_1275 : vector<1x16xf32> to vector<16xf32>
        %mul3A_1277 = vector.broadcast %squeeze3A_1224 : f32 to vector<16xf32>
        %mul3A_1278 = arith.mulf %get3A_1276, %mul3A_1277 : vector<16xf32>
        %swap3A_1279 = arith.index_cast %add3A_1228 : i32 to index
        %swap3A_1280 = arith.constant 64 : index
        %swap3A_1281 = tpu.vector_load %arg12[%swap3A_1279, %swap3A_1280] {strides = array<i32>} : memref<112x128xf32, #tpu.memory_space<vmem>>, vector<1x16xf32>,
        %swap3A_1282 = vector.shape_cast %swap3A_1281 : vector<1x16xf32> to vector<16xf32>
        %swap3A_1283 = vector.shape_cast %mul3A_1278 : vector<16xf32> to vector<1x16xf32>
        tpu.vector_store %arg12[%swap3A_1279, %swap3A_1280], %swap3A_1283 {strides = array<i32>} : memref<112x128xf32, #tpu.memory_space<vmem>>, vector<1x16xf32>,
        %get3A_1284 = arith.index_cast %add3A_1228 : i32 to index
        %get3A_1285 = arith.constant 80 : index
        %get3A_1286 = tpu.vector_load %arg12[%get3A_1284, %get3A_1285] {strides = array<i32>} : memref<112x128xf32, #tpu.memory_space<vmem>>, vector<1x16xf32>,
        %get3A_1287 = vector.shape_cast %get3A_1286 : vector<1x16xf32> to vector<16xf32>
        %mul3A_1288 = vector.broadcast %squeeze3A_1224 : f32 to vector<16xf32>
        %mul3A_1289 = arith.mulf %get3A_1287, %mul3A_1288 : vector<16xf32>
        %swap3A_1290 = arith.index_cast %add3A_1228 : i32 to index
        %swap3A_1291 = arith.constant 80 : index
        %swap3A_1292 = tpu.vector_load %arg12[%swap3A_1290, %swap3A_1291] {strides = array<i32>} : memref<112x128xf32, #tpu.memory_space<vmem>>, vector<1x16xf32>,
        %swap3A_1293 = vector.shape_cast %swap3A_1292 : vector<1x16xf32> to vector<16xf32>
        %swap3A_1294 = vector.shape_cast %mul3A_1289 : vector<16xf32> to vector<1x16xf32>
        tpu.vector_store %arg12[%swap3A_1290, %swap3A_1291], %swap3A_1294 {strides = array<i32>} : memref<112x128xf32, #tpu.memory_space<vmem>>, vector<1x16xf32>,
        %get3A_1295 = arith.index_cast %add3A_1228 : i32 to index
        %get3A_1296 = arith.constant 96 : index
        %get3A_1297 = tpu.vector_load %arg12[%get3A_1295, %get3A_1296] {strides = array<i32>} : memref<112x128xf32, #tpu.memory_space<vmem>>, vector<1x16xf32>,
        %get3A_1298 = vector.shape_cast %get3A_1297 : vector<1x16xf32> to vector<16xf32>
        %mul3A_1299 = vector.broadcast %squeeze3A_1224 : f32 to vector<16xf32>
        %mul3A_1300 = arith.mulf %get3A_1298, %mul3A_1299 : vector<16xf32>
        %swap3A_1301 = arith.index_cast %add3A_1228 : i32 to index
        %swap3A_1302 = arith.constant 96 : index
        %swap3A_1303 = tpu.vector_load %arg12[%swap3A_1301, %swap3A_1302] {strides = array<i32>} : memref<112x128xf32, #tpu.memory_space<vmem>>, vector<1x16xf32>,
        %swap3A_1304 = vector.shape_cast %swap3A_1303 : vector<1x16xf32> to vector<16xf32>
        %swap3A_1305 = vector.shape_cast %mul3A_1300 : vector<16xf32> to vector<1x16xf32>
        tpu.vector_store %arg12[%swap3A_1301, %swap3A_1302], %swap3A_1305 {strides = array<i32>} : memref<112x128xf32, #tpu.memory_space<vmem>>, vector<1x16xf32>,
        %get3A_1306 = arith.index_cast %add3A_1228 : i32 to index
        %get3A_1307 = arith.constant 112 : index
        %get3A_1308 = tpu.vector_load %arg12[%get3A_1306, %get3A_1307] {strides = array<i32>} : memref<112x128xf32, #tpu.memory_space<vmem>>, vector<1x16xf32>,
        %get3A_1309 = vector.shape_cast %get3A_1308 : vector<1x16xf32> to vector<16xf32>
        %mul3A_1310 = vector.broadcast %squeeze3A_1224 : f32 to vector<16xf32>
        %mul3A_1311 = arith.mulf %get3A_1309, %mul3A_1310 : vector<16xf32>
        %swap3A_1312 = arith.index_cast %add3A_1228 : i32 to index
        %swap3A_1313 = arith.constant 112 : index
        %swap3A_1314 = tpu.vector_load %arg12[%swap3A_1312, %swap3A_1313] {strides = array<i32>} : memref<112x128xf32, #tpu.memory_space<vmem>>, vector<1x16xf32>,
        %swap3A_1315 = vector.shape_cast %swap3A_1314 : vector<1x16xf32> to vector<16xf32>
        %swap3A_1316 = vector.shape_cast %mul3A_1311 : vector<16xf32> to vector<1x16xf32>
        tpu.vector_store %arg12[%swap3A_1312, %swap3A_1313], %swap3A_1316 {strides = array<i32>} : memref<112x128xf32, #tpu.memory_space<vmem>>, vector<1x16xf32>,
        %slice3A_1317 = vector.extract_strided_slice %get3A_97 {offsets = [13], sizes = [1], strides = [1]} : vector<16xf32> to vector<1xf32>
        %squeeze3A_1318 = vector.extract %slice3A_1317[0] : f32 from vector<1xf32>
        %mul3A_1319 = arith.constant 16 : i32
        %mul3A_1320 = arith.muli %scan3A_90, %mul3A_1319 : i32
        %add3A_1321 = arith.constant 13 : i32
        %add3A_1322 = arith.addi %mul3A_1320, %add3A_1321 : i32
        %get3A_1323 = arith.index_cast %add3A_1322 : i32 to index
        %get3A_1324 = arith.constant 0 : index
        %get3A_1325 = tpu.vector_load %arg12[%get3A_1323, %get3A_1324] {strides = array<i32>} : memref<112x128xf32, #tpu.memory_space<vmem>>, vector<1x16xf32>,
        %get3A_1326 = vector.shape_cast %get3A_1325 : vector<1x16xf32> to vector<16xf32>
        %mul3A_1327 = vector.broadcast %squeeze3A_1318 : f32 to vector<16xf32>
        %mul3A_1328 = arith.mulf %get3A_1326, %mul3A_1327 : vector<16xf32>
        %swap3A_1329 = arith.index_cast %add3A_1322 : i32 to index
        %swap3A_1330 = arith.constant 0 : index
        %swap3A_1331 = tpu.vector_load %arg12[%swap3A_1329, %swap3A_1330] {strides = array<i32>} : memref<112x128xf32, #tpu.memory_space<vmem>>, vector<1x16xf32>,
        %swap3A_1332 = vector.shape_cast %swap3A_1331 : vector<1x16xf32> to vector<16xf32>
        %swap3A_1333 = vector.shape_cast %mul3A_1328 : vector<16xf32> to vector<1x16xf32>
        tpu.vector_store %arg12[%swap3A_1329, %swap3A_1330], %swap3A_1333 {strides = array<i32>} : memref<112x128xf32, #tpu.memory_space<vmem>>, vector<1x16xf32>,
        %get3A_1334 = arith.index_cast %add3A_1322 : i32 to index
        %get3A_1335 = arith.constant 16 : index
        %get3A_1336 = tpu.vector_load %arg12[%get3A_1334, %get3A_1335] {strides = array<i32>} : memref<112x128xf32, #tpu.memory_space<vmem>>, vector<1x16xf32>,
        %get3A_1337 = vector.shape_cast %get3A_1336 : vector<1x16xf32> to vector<16xf32>
        %mul3A_1338 = vector.broadcast %squeeze3A_1318 : f32 to vector<16xf32>
        %mul3A_1339 = arith.mulf %get3A_1337, %mul3A_1338 : vector<16xf32>
        %swap3A_1340 = arith.index_cast %add3A_1322 : i32 to index
        %swap3A_1341 = arith.constant 16 : index
        %swap3A_1342 = tpu.vector_load %arg12[%swap3A_1340, %swap3A_1341] {strides = array<i32>} : memref<112x128xf32, #tpu.memory_space<vmem>>, vector<1x16xf32>,
        %swap3A_1343 = vector.shape_cast %swap3A_1342 : vector<1x16xf32> to vector<16xf32>
        %swap3A_1344 = vector.shape_cast %mul3A_1339 : vector<16xf32> to vector<1x16xf32>
        tpu.vector_store %arg12[%swap3A_1340, %swap3A_1341], %swap3A_1344 {strides = array<i32>} : memref<112x128xf32, #tpu.memory_space<vmem>>, vector<1x16xf32>,
        %get3A_1345 = arith.index_cast %add3A_1322 : i32 to index
        %get3A_1346 = arith.constant 32 : index
        %get3A_1347 = tpu.vector_load %arg12[%get3A_1345, %get3A_1346] {strides = array<i32>} : memref<112x128xf32, #tpu.memory_space<vmem>>, vector<1x16xf32>,
        %get3A_1348 = vector.shape_cast %get3A_1347 : vector<1x16xf32> to vector<16xf32>
        %mul3A_1349 = vector.broadcast %squeeze3A_1318 : f32 to vector<16xf32>
        %mul3A_1350 = arith.mulf %get3A_1348, %mul3A_1349 : vector<16xf32>
        %swap3A_1351 = arith.index_cast %add3A_1322 : i32 to index
        %swap3A_1352 = arith.constant 32 : index
        %swap3A_1353 = tpu.vector_load %arg12[%swap3A_1351, %swap3A_1352] {strides = array<i32>} : memref<112x128xf32, #tpu.memory_space<vmem>>, vector<1x16xf32>,
        %swap3A_1354 = vector.shape_cast %swap3A_1353 : vector<1x16xf32> to vector<16xf32>
        %swap3A_1355 = vector.shape_cast %mul3A_1350 : vector<16xf32> to vector<1x16xf32>
        tpu.vector_store %arg12[%swap3A_1351, %swap3A_1352], %swap3A_1355 {strides = array<i32>} : memref<112x128xf32, #tpu.memory_space<vmem>>, vector<1x16xf32>,
        %get3A_1356 = arith.index_cast %add3A_1322 : i32 to index
        %get3A_1357 = arith.constant 48 : index
        %get3A_1358 = tpu.vector_load %arg12[%get3A_1356, %get3A_1357] {strides = array<i32>} : memref<112x128xf32, #tpu.memory_space<vmem>>, vector<1x16xf32>,
        %get3A_1359 = vector.shape_cast %get3A_1358 : vector<1x16xf32> to vector<16xf32>
        %mul3A_1360 = vector.broadcast %squeeze3A_1318 : f32 to vector<16xf32>
        %mul3A_1361 = arith.mulf %get3A_1359, %mul3A_1360 : vector<16xf32>
        %swap3A_1362 = arith.index_cast %add3A_1322 : i32 to index
        %swap3A_1363 = arith.constant 48 : index
        %swap3A_1364 = tpu.vector_load %arg12[%swap3A_1362, %swap3A_1363] {strides = array<i32>} : memref<112x128xf32, #tpu.memory_space<vmem>>, vector<1x16xf32>,
        %swap3A_1365 = vector.shape_cast %swap3A_1364 : vector<1x16xf32> to vector<16xf32>
        %swap3A_1366 = vector.shape_cast %mul3A_1361 : vector<16xf32> to vector<1x16xf32>
        tpu.vector_store %arg12[%swap3A_1362, %swap3A_1363], %swap3A_1366 {strides = array<i32>} : memref<112x128xf32, #tpu.memory_space<vmem>>, vector<1x16xf32>,
        %get3A_1367 = arith.index_cast %add3A_1322 : i32 to index
        %get3A_1368 = arith.constant 64 : index
        %get3A_1369 = tpu.vector_load %arg12[%get3A_1367, %get3A_1368] {strides = array<i32>} : memref<112x128xf32, #tpu.memory_space<vmem>>, vector<1x16xf32>,
        %get3A_1370 = vector.shape_cast %get3A_1369 : vector<1x16xf32> to vector<16xf32>
        %mul3A_1371 = vector.broadcast %squeeze3A_1318 : f32 to vector<16xf32>
        %mul3A_1372 = arith.mulf %get3A_1370, %mul3A_1371 : vector<16xf32>
        %swap3A_1373 = arith.index_cast %add3A_1322 : i32 to index
        %swap3A_1374 = arith.constant 64 : index
        %swap3A_1375 = tpu.vector_load %arg12[%swap3A_1373, %swap3A_1374] {strides = array<i32>} : memref<112x128xf32, #tpu.memory_space<vmem>>, vector<1x16xf32>,
        %swap3A_1376 = vector.shape_cast %swap3A_1375 : vector<1x16xf32> to vector<16xf32>
        %swap3A_1377 = vector.shape_cast %mul3A_1372 : vector<16xf32> to vector<1x16xf32>
        tpu.vector_store %arg12[%swap3A_1373, %swap3A_1374], %swap3A_1377 {strides = array<i32>} : memref<112x128xf32, #tpu.memory_space<vmem>>, vector<1x16xf32>,
        %get3A_1378 = arith.index_cast %add3A_1322 : i32 to index
        %get3A_1379 = arith.constant 80 : index
        %get3A_1380 = tpu.vector_load %arg12[%get3A_1378, %get3A_1379] {strides = array<i32>} : memref<112x128xf32, #tpu.memory_space<vmem>>, vector<1x16xf32>,
        %get3A_1381 = vector.shape_cast %get3A_1380 : vector<1x16xf32> to vector<16xf32>
        %mul3A_1382 = vector.broadcast %squeeze3A_1318 : f32 to vector<16xf32>
        %mul3A_1383 = arith.mulf %get3A_1381, %mul3A_1382 : vector<16xf32>
        %swap3A_1384 = arith.index_cast %add3A_1322 : i32 to index
        %swap3A_1385 = arith.constant 80 : index
        %swap3A_1386 = tpu.vector_load %arg12[%swap3A_1384, %swap3A_1385] {strides = array<i32>} : memref<112x128xf32, #tpu.memory_space<vmem>>, vector<1x16xf32>,
        %swap3A_1387 = vector.shape_cast %swap3A_1386 : vector<1x16xf32> to vector<16xf32>
        %swap3A_1388 = vector.shape_cast %mul3A_1383 : vector<16xf32> to vector<1x16xf32>
        tpu.vector_store %arg12[%swap3A_1384, %swap3A_1385], %swap3A_1388 {strides = array<i32>} : memref<112x128xf32, #tpu.memory_space<vmem>>, vector<1x16xf32>,
        %get3A_1389 = arith.index_cast %add3A_1322 : i32 to index
        %get3A_1390 = arith.constant 96 : index
        %get3A_1391 = tpu.vector_load %arg12[%get3A_1389, %get3A_1390] {strides = array<i32>} : memref<112x128xf32, #tpu.memory_space<vmem>>, vector<1x16xf32>,
        %get3A_1392 = vector.shape_cast %get3A_1391 : vector<1x16xf32> to vector<16xf32>
        %mul3A_1393 = vector.broadcast %squeeze3A_1318 : f32 to vector<16xf32>
        %mul3A_1394 = arith.mulf %get3A_1392, %mul3A_1393 : vector<16xf32>
        %swap3A_1395 = arith.index_cast %add3A_1322 : i32 to index
        %swap3A_1396 = arith.constant 96 : index
        %swap3A_1397 = tpu.vector_load %arg12[%swap3A_1395, %swap3A_1396] {strides = array<i32>} : memref<112x128xf32, #tpu.memory_space<vmem>>, vector<1x16xf32>,
        %swap3A_1398 = vector.shape_cast %swap3A_1397 : vector<1x16xf32> to vector<16xf32>
        %swap3A_1399 = vector.shape_cast %mul3A_1394 : vector<16xf32> to vector<1x16xf32>
        tpu.vector_store %arg12[%swap3A_1395, %swap3A_1396], %swap3A_1399 {strides = array<i32>} : memref<112x128xf32, #tpu.memory_space<vmem>>, vector<1x16xf32>,
        %get3A_1400 = arith.index_cast %add3A_1322 : i32 to index
        %get3A_1401 = arith.constant 112 : index
        %get3A_1402 = tpu.vector_load %arg12[%get3A_1400, %get3A_1401] {strides = array<i32>} : memref<112x128xf32, #tpu.memory_space<vmem>>, vector<1x16xf32>,
        %get3A_1403 = vector.shape_cast %get3A_1402 : vector<1x16xf32> to vector<16xf32>
        %mul3A_1404 = vector.broadcast %squeeze3A_1318 : f32 to vector<16xf32>
        %mul3A_1405 = arith.mulf %get3A_1403, %mul3A_1404 : vector<16xf32>
        %swap3A_1406 = arith.index_cast %add3A_1322 : i32 to index
        %swap3A_1407 = arith.constant 112 : index
        %swap3A_1408 = tpu.vector_load %arg12[%swap3A_1406, %swap3A_1407] {strides = array<i32>} : memref<112x128xf32, #tpu.memory_space<vmem>>, vector<1x16xf32>,
        %swap3A_1409 = vector.shape_cast %swap3A_1408 : vector<1x16xf32> to vector<16xf32>
        %swap3A_1410 = vector.shape_cast %mul3A_1405 : vector<16xf32> to vector<1x16xf32>
        tpu.vector_store %arg12[%swap3A_1406, %swap3A_1407], %swap3A_1410 {strides = array<i32>} : memref<112x128xf32, #tpu.memory_space<vmem>>, vector<1x16xf32>,
        %slice3A_1411 = vector.extract_strided_slice %get3A_97 {offsets = [14], sizes = [1], strides = [1]} : vector<16xf32> to vector<1xf32>
        %squeeze3A_1412 = vector.extract %slice3A_1411[0] : f32 from vector<1xf32>
        %mul3A_1413 = arith.constant 16 : i32
        %mul3A_1414 = arith.muli %scan3A_90, %mul3A_1413 : i32
        %add3A_1415 = arith.constant 14 : i32
        %add3A_1416 = arith.addi %mul3A_1414, %add3A_1415 : i32
        %get3A_1417 = arith.index_cast %add3A_1416 : i32 to index
        %get3A_1418 = arith.constant 0 : index
        %get3A_1419 = tpu.vector_load %arg12[%get3A_1417, %get3A_1418] {strides = array<i32>} : memref<112x128xf32, #tpu.memory_space<vmem>>, vector<1x16xf32>,
        %get3A_1420 = vector.shape_cast %get3A_1419 : vector<1x16xf32> to vector<16xf32>
        %mul3A_1421 = vector.broadcast %squeeze3A_1412 : f32 to vector<16xf32>
        %mul3A_1422 = arith.mulf %get3A_1420, %mul3A_1421 : vector<16xf32>
        %swap3A_1423 = arith.index_cast %add3A_1416 : i32 to index
        %swap3A_1424 = arith.constant 0 : index
        %swap3A_1425 = tpu.vector_load %arg12[%swap3A_1423, %swap3A_1424] {strides = array<i32>} : memref<112x128xf32, #tpu.memory_space<vmem>>, vector<1x16xf32>,
        %swap3A_1426 = vector.shape_cast %swap3A_1425 : vector<1x16xf32> to vector<16xf32>
        %swap3A_1427 = vector.shape_cast %mul3A_1422 : vector<16xf32> to vector<1x16xf32>
        tpu.vector_store %arg12[%swap3A_1423, %swap3A_1424], %swap3A_1427 {strides = array<i32>} : memref<112x128xf32, #tpu.memory_space<vmem>>, vector<1x16xf32>,
        %get3A_1428 = arith.index_cast %add3A_1416 : i32 to index
        %get3A_1429 = arith.constant 16 : index
        %get3A_1430 = tpu.vector_load %arg12[%get3A_1428, %get3A_1429] {strides = array<i32>} : memref<112x128xf32, #tpu.memory_space<vmem>>, vector<1x16xf32>,
        %get3A_1431 = vector.shape_cast %get3A_1430 : vector<1x16xf32> to vector<16xf32>
        %mul3A_1432 = vector.broadcast %squeeze3A_1412 : f32 to vector<16xf32>
        %mul3A_1433 = arith.mulf %get3A_1431, %mul3A_1432 : vector<16xf32>
        %swap3A_1434 = arith.index_cast %add3A_1416 : i32 to index
        %swap3A_1435 = arith.constant 16 : index
        %swap3A_1436 = tpu.vector_load %arg12[%swap3A_1434, %swap3A_1435] {strides = array<i32>} : memref<112x128xf32, #tpu.memory_space<vmem>>, vector<1x16xf32>,
        %swap3A_1437 = vector.shape_cast %swap3A_1436 : vector<1x16xf32> to vector<16xf32>
        %swap3A_1438 = vector.shape_cast %mul3A_1433 : vector<16xf32> to vector<1x16xf32>
        tpu.vector_store %arg12[%swap3A_1434, %swap3A_1435], %swap3A_1438 {strides = array<i32>} : memref<112x128xf32, #tpu.memory_space<vmem>>, vector<1x16xf32>,
        %get3A_1439 = arith.index_cast %add3A_1416 : i32 to index
        %get3A_1440 = arith.constant 32 : index
        %get3A_1441 = tpu.vector_load %arg12[%get3A_1439, %get3A_1440] {strides = array<i32>} : memref<112x128xf32, #tpu.memory_space<vmem>>, vector<1x16xf32>,
        %get3A_1442 = vector.shape_cast %get3A_1441 : vector<1x16xf32> to vector<16xf32>
        %mul3A_1443 = vector.broadcast %squeeze3A_1412 : f32 to vector<16xf32>
        %mul3A_1444 = arith.mulf %get3A_1442, %mul3A_1443 : vector<16xf32>
        %swap3A_1445 = arith.index_cast %add3A_1416 : i32 to index
        %swap3A_1446 = arith.constant 32 : index
        %swap3A_1447 = tpu.vector_load %arg12[%swap3A_1445, %swap3A_1446] {strides = array<i32>} : memref<112x128xf32, #tpu.memory_space<vmem>>, vector<1x16xf32>,
        %swap3A_1448 = vector.shape_cast %swap3A_1447 : vector<1x16xf32> to vector<16xf32>
        %swap3A_1449 = vector.shape_cast %mul3A_1444 : vector<16xf32> to vector<1x16xf32>
        tpu.vector_store %arg12[%swap3A_1445, %swap3A_1446], %swap3A_1449 {strides = array<i32>} : memref<112x128xf32, #tpu.memory_space<vmem>>, vector<1x16xf32>,
        %get3A_1450 = arith.index_cast %add3A_1416 : i32 to index
        %get3A_1451 = arith.constant 48 : index
        %get3A_1452 = tpu.vector_load %arg12[%get3A_1450, %get3A_1451] {strides = array<i32>} : memref<112x128xf32, #tpu.memory_space<vmem>>, vector<1x16xf32>,
        %get3A_1453 = vector.shape_cast %get3A_1452 : vector<1x16xf32> to vector<16xf32>
        %mul3A_1454 = vector.broadcast %squeeze3A_1412 : f32 to vector<16xf32>
        %mul3A_1455 = arith.mulf %get3A_1453, %mul3A_1454 : vector<16xf32>
        %swap3A_1456 = arith.index_cast %add3A_1416 : i32 to index
        %swap3A_1457 = arith.constant 48 : index
        %swap3A_1458 = tpu.vector_load %arg12[%swap3A_1456, %swap3A_1457] {strides = array<i32>} : memref<112x128xf32, #tpu.memory_space<vmem>>, vector<1x16xf32>,
        %swap3A_1459 = vector.shape_cast %swap3A_1458 : vector<1x16xf32> to vector<16xf32>
        %swap3A_1460 = vector.shape_cast %mul3A_1455 : vector<16xf32> to vector<1x16xf32>
        tpu.vector_store %arg12[%swap3A_1456, %swap3A_1457], %swap3A_1460 {strides = array<i32>} : memref<112x128xf32, #tpu.memory_space<vmem>>, vector<1x16xf32>,
        %get3A_1461 = arith.index_cast %add3A_1416 : i32 to index
        %get3A_1462 = arith.constant 64 : index
        %get3A_1463 = tpu.vector_load %arg12[%get3A_1461, %get3A_1462] {strides = array<i32>} : memref<112x128xf32, #tpu.memory_space<vmem>>, vector<1x16xf32>,
        %get3A_1464 = vector.shape_cast %get3A_1463 : vector<1x16xf32> to vector<16xf32>
        %mul3A_1465 = vector.broadcast %squeeze3A_1412 : f32 to vector<16xf32>
        %mul3A_1466 = arith.mulf %get3A_1464, %mul3A_1465 : vector<16xf32>
        %swap3A_1467 = arith.index_cast %add3A_1416 : i32 to index
        %swap3A_1468 = arith.constant 64 : index
        %swap3A_1469 = tpu.vector_load %arg12[%swap3A_1467, %swap3A_1468] {strides = array<i32>} : memref<112x128xf32, #tpu.memory_space<vmem>>, vector<1x16xf32>,
        %swap3A_1470 = vector.shape_cast %swap3A_1469 : vector<1x16xf32> to vector<16xf32>
        %swap3A_1471 = vector.shape_cast %mul3A_1466 : vector<16xf32> to vector<1x16xf32>
        tpu.vector_store %arg12[%swap3A_1467, %swap3A_1468], %swap3A_1471 {strides = array<i32>} : memref<112x128xf32, #tpu.memory_space<vmem>>, vector<1x16xf32>,
        %get3A_1472 = arith.index_cast %add3A_1416 : i32 to index
        %get3A_1473 = arith.constant 80 : index
        %get3A_1474 = tpu.vector_load %arg12[%get3A_1472, %get3A_1473] {strides = array<i32>} : memref<112x128xf32, #tpu.memory_space<vmem>>, vector<1x16xf32>,
        %get3A_1475 = vector.shape_cast %get3A_1474 : vector<1x16xf32> to vector<16xf32>
        %mul3A_1476 = vector.broadcast %squeeze3A_1412 : f32 to vector<16xf32>
        %mul3A_1477 = arith.mulf %get3A_1475, %mul3A_1476 : vector<16xf32>
        %swap3A_1478 = arith.index_cast %add3A_1416 : i32 to index
        %swap3A_1479 = arith.constant 80 : index
        %swap3A_1480 = tpu.vector_load %arg12[%swap3A_1478, %swap3A_1479] {strides = array<i32>} : memref<112x128xf32, #tpu.memory_space<vmem>>, vector<1x16xf32>,
        %swap3A_1481 = vector.shape_cast %swap3A_1480 : vector<1x16xf32> to vector<16xf32>
        %swap3A_1482 = vector.shape_cast %mul3A_1477 : vector<16xf32> to vector<1x16xf32>
        tpu.vector_store %arg12[%swap3A_1478, %swap3A_1479], %swap3A_1482 {strides = array<i32>} : memref<112x128xf32, #tpu.memory_space<vmem>>, vector<1x16xf32>,
        %get3A_1483 = arith.index_cast %add3A_1416 : i32 to index
        %get3A_1484 = arith.constant 96 : index
        %get3A_1485 = tpu.vector_load %arg12[%get3A_1483, %get3A_1484] {strides = array<i32>} : memref<112x128xf32, #tpu.memory_space<vmem>>, vector<1x16xf32>,
        %get3A_1486 = vector.shape_cast %get3A_1485 : vector<1x16xf32> to vector<16xf32>
        %mul3A_1487 = vector.broadcast %squeeze3A_1412 : f32 to vector<16xf32>
        %mul3A_1488 = arith.mulf %get3A_1486, %mul3A_1487 : vector<16xf32>
        %swap3A_1489 = arith.index_cast %add3A_1416 : i32 to index
        %swap3A_1490 = arith.constant 96 : index
        %swap3A_1491 = tpu.vector_load %arg12[%swap3A_1489, %swap3A_1490] {strides = array<i32>} : memref<112x128xf32, #tpu.memory_space<vmem>>, vector<1x16xf32>,
        %swap3A_1492 = vector.shape_cast %swap3A_1491 : vector<1x16xf32> to vector<16xf32>
        %swap3A_1493 = vector.shape_cast %mul3A_1488 : vector<16xf32> to vector<1x16xf32>
        tpu.vector_store %arg12[%swap3A_1489, %swap3A_1490], %swap3A_1493 {strides = array<i32>} : memref<112x128xf32, #tpu.memory_space<vmem>>, vector<1x16xf32>,
        %get3A_1494 = arith.index_cast %add3A_1416 : i32 to index
        %get3A_1495 = arith.constant 112 : index
        %get3A_1496 = tpu.vector_load %arg12[%get3A_1494, %get3A_1495] {strides = array<i32>} : memref<112x128xf32, #tpu.memory_space<vmem>>, vector<1x16xf32>,
        %get3A_1497 = vector.shape_cast %get3A_1496 : vector<1x16xf32> to vector<16xf32>
        %mul3A_1498 = vector.broadcast %squeeze3A_1412 : f32 to vector<16xf32>
        %mul3A_1499 = arith.mulf %get3A_1497, %mul3A_1498 : vector<16xf32>
        %swap3A_1500 = arith.index_cast %add3A_1416 : i32 to index
        %swap3A_1501 = arith.constant 112 : index
        %swap3A_1502 = tpu.vector_load %arg12[%swap3A_1500, %swap3A_1501] {strides = array<i32>} : memref<112x128xf32, #tpu.memory_space<vmem>>, vector<1x16xf32>,
        %swap3A_1503 = vector.shape_cast %swap3A_1502 : vector<1x16xf32> to vector<16xf32>
        %swap3A_1504 = vector.shape_cast %mul3A_1499 : vector<16xf32> to vector<1x16xf32>
        tpu.vector_store %arg12[%swap3A_1500, %swap3A_1501], %swap3A_1504 {strides = array<i32>} : memref<112x128xf32, #tpu.memory_space<vmem>>, vector<1x16xf32>,
        %slice3A_1505 = vector.extract_strided_slice %get3A_97 {offsets = [15], sizes = [1], strides = [1]} : vector<16xf32> to vector<1xf32>
        %squeeze3A_1506 = vector.extract %slice3A_1505[0] : f32 from vector<1xf32>
        %mul3A_1507 = arith.constant 16 : i32
        %mul3A_1508 = arith.muli %scan3A_90, %mul3A_1507 : i32
        %add3A_1509 = arith.constant 15 : i32
        %add3A_1510 = arith.addi %mul3A_1508, %add3A_1509 : i32
        %get3A_1511 = arith.index_cast %add3A_1510 : i32 to index
        %get3A_1512 = arith.constant 0 : index
        %get3A_1513 = tpu.vector_load %arg12[%get3A_1511, %get3A_1512] {strides = array<i32>} : memref<112x128xf32, #tpu.memory_space<vmem>>, vector<1x16xf32>,
        %get3A_1514 = vector.shape_cast %get3A_1513 : vector<1x16xf32> to vector<16xf32>
        %mul3A_1515 = vector.broadcast %squeeze3A_1506 : f32 to vector<16xf32>
        %mul3A_1516 = arith.mulf %get3A_1514, %mul3A_1515 : vector<16xf32>
        %swap3A_1517 = arith.index_cast %add3A_1510 : i32 to index
        %swap3A_1518 = arith.constant 0 : index
        %swap3A_1519 = tpu.vector_load %arg12[%swap3A_1517, %swap3A_1518] {strides = array<i32>} : memref<112x128xf32, #tpu.memory_space<vmem>>, vector<1x16xf32>,
        %swap3A_1520 = vector.shape_cast %swap3A_1519 : vector<1x16xf32> to vector<16xf32>
        %swap3A_1521 = vector.shape_cast %mul3A_1516 : vector<16xf32> to vector<1x16xf32>
        tpu.vector_store %arg12[%swap3A_1517, %swap3A_1518], %swap3A_1521 {strides = array<i32>} : memref<112x128xf32, #tpu.memory_space<vmem>>, vector<1x16xf32>,
        %get3A_1522 = arith.index_cast %add3A_1510 : i32 to index
        %get3A_1523 = arith.constant 16 : index
        %get3A_1524 = tpu.vector_load %arg12[%get3A_1522, %get3A_1523] {strides = array<i32>} : memref<112x128xf32, #tpu.memory_space<vmem>>, vector<1x16xf32>,
        %get3A_1525 = vector.shape_cast %get3A_1524 : vector<1x16xf32> to vector<16xf32>
        %mul3A_1526 = vector.broadcast %squeeze3A_1506 : f32 to vector<16xf32>
        %mul3A_1527 = arith.mulf %get3A_1525, %mul3A_1526 : vector<16xf32>
        %swap3A_1528 = arith.index_cast %add3A_1510 : i32 to index
        %swap3A_1529 = arith.constant 16 : index
        %swap3A_1530 = tpu.vector_load %arg12[%swap3A_1528, %swap3A_1529] {strides = array<i32>} : memref<112x128xf32, #tpu.memory_space<vmem>>, vector<1x16xf32>,
        %swap3A_1531 = vector.shape_cast %swap3A_1530 : vector<1x16xf32> to vector<16xf32>
        %swap3A_1532 = vector.shape_cast %mul3A_1527 : vector<16xf32> to vector<1x16xf32>
        tpu.vector_store %arg12[%swap3A_1528, %swap3A_1529], %swap3A_1532 {strides = array<i32>} : memref<112x128xf32, #tpu.memory_space<vmem>>, vector<1x16xf32>,
        %get3A_1533 = arith.index_cast %add3A_1510 : i32 to index
        %get3A_1534 = arith.constant 32 : index
        %get3A_1535 = tpu.vector_load %arg12[%get3A_1533, %get3A_1534] {strides = array<i32>} : memref<112x128xf32, #tpu.memory_space<vmem>>, vector<1x16xf32>,
        %get3A_1536 = vector.shape_cast %get3A_1535 : vector<1x16xf32> to vector<16xf32>
        %mul3A_1537 = vector.broadcast %squeeze3A_1506 : f32 to vector<16xf32>
        %mul3A_1538 = arith.mulf %get3A_1536, %mul3A_1537 : vector<16xf32>
        %swap3A_1539 = arith.index_cast %add3A_1510 : i32 to index
        %swap3A_1540 = arith.constant 32 : index
        %swap3A_1541 = tpu.vector_load %arg12[%swap3A_1539, %swap3A_1540] {strides = array<i32>} : memref<112x128xf32, #tpu.memory_space<vmem>>, vector<1x16xf32>,
        %swap3A_1542 = vector.shape_cast %swap3A_1541 : vector<1x16xf32> to vector<16xf32>
        %swap3A_1543 = vector.shape_cast %mul3A_1538 : vector<16xf32> to vector<1x16xf32>
        tpu.vector_store %arg12[%swap3A_1539, %swap3A_1540], %swap3A_1543 {strides = array<i32>} : memref<112x128xf32, #tpu.memory_space<vmem>>, vector<1x16xf32>,
        %get3A_1544 = arith.index_cast %add3A_1510 : i32 to index
        %get3A_1545 = arith.constant 48 : index
        %get3A_1546 = tpu.vector_load %arg12[%get3A_1544, %get3A_1545] {strides = array<i32>} : memref<112x128xf32, #tpu.memory_space<vmem>>, vector<1x16xf32>,
        %get3A_1547 = vector.shape_cast %get3A_1546 : vector<1x16xf32> to vector<16xf32>
        %mul3A_1548 = vector.broadcast %squeeze3A_1506 : f32 to vector<16xf32>
        %mul3A_1549 = arith.mulf %get3A_1547, %mul3A_1548 : vector<16xf32>
        %swap3A_1550 = arith.index_cast %add3A_1510 : i32 to index
        %swap3A_1551 = arith.constant 48 : index
        %swap3A_1552 = tpu.vector_load %arg12[%swap3A_1550, %swap3A_1551] {strides = array<i32>} : memref<112x128xf32, #tpu.memory_space<vmem>>, vector<1x16xf32>,
        %swap3A_1553 = vector.shape_cast %swap3A_1552 : vector<1x16xf32> to vector<16xf32>
        %swap3A_1554 = vector.shape_cast %mul3A_1549 : vector<16xf32> to vector<1x16xf32>
        tpu.vector_store %arg12[%swap3A_1550, %swap3A_1551], %swap3A_1554 {strides = array<i32>} : memref<112x128xf32, #tpu.memory_space<vmem>>, vector<1x16xf32>,
        %get3A_1555 = arith.index_cast %add3A_1510 : i32 to index
        %get3A_1556 = arith.constant 64 : index
        %get3A_1557 = tpu.vector_load %arg12[%get3A_1555, %get3A_1556] {strides = array<i32>} : memref<112x128xf32, #tpu.memory_space<vmem>>, vector<1x16xf32>,
        %get3A_1558 = vector.shape_cast %get3A_1557 : vector<1x16xf32> to vector<16xf32>
        %mul3A_1559 = vector.broadcast %squeeze3A_1506 : f32 to vector<16xf32>
        %mul3A_1560 = arith.mulf %get3A_1558, %mul3A_1559 : vector<16xf32>
        %swap3A_1561 = arith.index_cast %add3A_1510 : i32 to index
        %swap3A_1562 = arith.constant 64 : index
        %swap3A_1563 = tpu.vector_load %arg12[%swap3A_1561, %swap3A_1562] {strides = array<i32>} : memref<112x128xf32, #tpu.memory_space<vmem>>, vector<1x16xf32>,
        %swap3A_1564 = vector.shape_cast %swap3A_1563 : vector<1x16xf32> to vector<16xf32>
        %swap3A_1565 = vector.shape_cast %mul3A_1560 : vector<16xf32> to vector<1x16xf32>
        tpu.vector_store %arg12[%swap3A_1561, %swap3A_1562], %swap3A_1565 {strides = array<i32>} : memref<112x128xf32, #tpu.memory_space<vmem>>, vector<1x16xf32>,
        %get3A_1566 = arith.index_cast %add3A_1510 : i32 to index
        %get3A_1567 = arith.constant 80 : index
        %get3A_1568 = tpu.vector_load %arg12[%get3A_1566, %get3A_1567] {strides = array<i32>} : memref<112x128xf32, #tpu.memory_space<vmem>>, vector<1x16xf32>,
        %get3A_1569 = vector.shape_cast %get3A_1568 : vector<1x16xf32> to vector<16xf32>
        %mul3A_1570 = vector.broadcast %squeeze3A_1506 : f32 to vector<16xf32>
        %mul3A_1571 = arith.mulf %get3A_1569, %mul3A_1570 : vector<16xf32>
        %swap3A_1572 = arith.index_cast %add3A_1510 : i32 to index
        %swap3A_1573 = arith.constant 80 : index
        %swap3A_1574 = tpu.vector_load %arg12[%swap3A_1572, %swap3A_1573] {strides = array<i32>} : memref<112x128xf32, #tpu.memory_space<vmem>>, vector<1x16xf32>,
        %swap3A_1575 = vector.shape_cast %swap3A_1574 : vector<1x16xf32> to vector<16xf32>
        %swap3A_1576 = vector.shape_cast %mul3A_1571 : vector<16xf32> to vector<1x16xf32>
        tpu.vector_store %arg12[%swap3A_1572, %swap3A_1573], %swap3A_1576 {strides = array<i32>} : memref<112x128xf32, #tpu.memory_space<vmem>>, vector<1x16xf32>,
        %get3A_1577 = arith.index_cast %add3A_1510 : i32 to index
        %get3A_1578 = arith.constant 96 : index
        %get3A_1579 = tpu.vector_load %arg12[%get3A_1577, %get3A_1578] {strides = array<i32>} : memref<112x128xf32, #tpu.memory_space<vmem>>, vector<1x16xf32>,
        %get3A_1580 = vector.shape_cast %get3A_1579 : vector<1x16xf32> to vector<16xf32>
        %mul3A_1581 = vector.broadcast %squeeze3A_1506 : f32 to vector<16xf32>
        %mul3A_1582 = arith.mulf %get3A_1580, %mul3A_1581 : vector<16xf32>
        %swap3A_1583 = arith.index_cast %add3A_1510 : i32 to index
        %swap3A_1584 = arith.constant 96 : index
        %swap3A_1585 = tpu.vector_load %arg12[%swap3A_1583, %swap3A_1584] {strides = array<i32>} : memref<112x128xf32, #tpu.memory_space<vmem>>, vector<1x16xf32>,
        %swap3A_1586 = vector.shape_cast %swap3A_1585 : vector<1x16xf32> to vector<16xf32>
        %swap3A_1587 = vector.shape_cast %mul3A_1582 : vector<16xf32> to vector<1x16xf32>
        tpu.vector_store %arg12[%swap3A_1583, %swap3A_1584], %swap3A_1587 {strides = array<i32>} : memref<112x128xf32, #tpu.memory_space<vmem>>, vector<1x16xf32>,
        %get3A_1588 = arith.index_cast %add3A_1510 : i32 to index
        %get3A_1589 = arith.constant 112 : index
        %get3A_1590 = tpu.vector_load %arg12[%get3A_1588, %get3A_1589] {strides = array<i32>} : memref<112x128xf32, #tpu.memory_space<vmem>>, vector<1x16xf32>,
        %get3A_1591 = vector.shape_cast %get3A_1590 : vector<1x16xf32> to vector<16xf32>
        %mul3A_1592 = vector.broadcast %squeeze3A_1506 : f32 to vector<16xf32>
        %mul3A_1593 = arith.mulf %get3A_1591, %mul3A_1592 : vector<16xf32>
        %swap3A_1594 = arith.index_cast %add3A_1510 : i32 to index
        %swap3A_1595 = arith.constant 112 : index
        %swap3A_1596 = tpu.vector_load %arg12[%swap3A_1594, %swap3A_1595] {strides = array<i32>} : memref<112x128xf32, #tpu.memory_space<vmem>>, vector<1x16xf32>,
        %swap3A_1597 = vector.shape_cast %swap3A_1596 : vector<1x16xf32> to vector<16xf32>
        %swap3A_1598 = vector.shape_cast %mul3A_1593 : vector<16xf32> to vector<1x16xf32>
        tpu.vector_store %arg12[%swap3A_1594, %swap3A_1595], %swap3A_1598 {strides = array<i32>} : memref<112x128xf32, #tpu.memory_space<vmem>>, vector<1x16xf32>,
      }
      %scan3A_54 = arith.constant 7 : i32
      %dma_wait3A_55 = arith.constant 0 : i32
      %dma_wait3A_56 = tpu.memref_slice %arg4[%add3A, %add3A_37, %dma_wait3A_55] : memref<32x90x112xi32, #tpu.memory_space<hbm>> -> memref<1x1x112xi32, #tpu.memory_space<hbm>>
      %dma_wait3A_57 = tpu.memref_squeeze %dma_wait3A_56 : memref<1x1x112xi32, #tpu.memory_space<hbm>> -> memref<112xi32, #tpu.memory_space<hbm>>
      %dma_wait3A_58 = arith.constant 0 : i32
      %dma_wait3A_59 = tpu.memref_slice %arg4[%add3A, %add3A_37, %dma_wait3A_58] : memref<32x90x112xi32, #tpu.memory_space<hbm>> -> memref<1x1x112xi32, #tpu.memory_space<hbm>>
      %dma_wait3A_60 = tpu.memref_squeeze %dma_wait3A_59 : memref<1x1x112xi32, #tpu.memory_space<hbm>> -> memref<112xi32, #tpu.memory_space<hbm>>
      tpu.wait_dma2 semaphore(%arg17 : memref<!tpu.dma_semaphore, #tpu.memory_space<semaphore_mem>>) src(%dma_wait3A_60 : memref<112xi32, #tpu.memory_space<hbm>>) dst(%arg10 : memref<112xi32, #tpu.memory_space<vmem>>)
      "tpu.region"() ({
        %run_scoped3A = tpu.sem_alloc : memref<!tpu.dma_semaphore, #tpu.memory_space<semaphore_mem>>
        %dma_start3A_90 = arith.constant 0 : i32
        %dma_start3A_91 = arith.constant 0 : i32
        %dma_start3A_92 = tpu.memref_slice %arg14[%dma_start3A_90, %dma_start3A_91] : memref<10000x128xf32, #tpu.memory_space<vmem_shared>> -> memref<10000x128xf32, #tpu.memory_space<vmem_shared>>
        tpu.enqueue_indirect_dma source(%arg12 : memref<112x128xf32, #tpu.memory_space<vmem>>) target(%dma_start3A_92 : memref<10000x128xf32, #tpu.memory_space<vmem_shared>>) offsets(%arg10 : memref<112xi32, #tpu.memory_space<vmem>>) semaphore(%run_scoped3A : memref<!tpu.dma_semaphore, #tpu.memory_space<semaphore_mem>>) {add = true}
        %dma_wait3A_93 = arith.constant 0 : i32
        %dma_wait3A_94 = arith.constant 0 : i32
        %dma_wait3A_95 = tpu.memref_slice %arg14[%dma_wait3A_93, %dma_wait3A_94] : memref<10000x128xf32, #tpu.memory_space<vmem_shared>> -> memref<10000x128xf32, #tpu.memory_space<vmem_shared>>
        tpu.wait_indirect_dma semaphore(%run_scoped3A : memref<!tpu.dma_semaphore, #tpu.memory_space<semaphore_mem>>) src(%arg12 : memref<112x128xf32, #tpu.memory_space<vmem>>) dst(%dma_wait3A_95 : memref<10000x128xf32, #tpu.memory_space<vmem_shared>>)
        tpu.yield
      }) : () -> ()
      %mul3A_61 = arith.constant 2 : i32
      %mul3A_62 = arith.muli %scan3A_33, %mul3A_61 : i32
      %add3A_63 = arith.constant 1 : i32
      %add3A_64 = arith.addi %mul3A_62, %add3A_63 : i32
      %mul3A_65 = arith.constant 112 : i32
      %mul3A_66 = arith.muli %add3A_64, %mul3A_65 : i32
      %dma_wait3A_67 = tpu.memref_slice %arg8[%mul3A_66] : memref<10080xi32, #tpu.memory_space<vmem>> -> memref<112xi32, #tpu.memory_space<vmem>>
      %dma_wait3A_68 = arith.constant 0 : i32
      %dma_wait3A_69 = arith.constant 0 : i32
      %dma_wait3A_70 = tpu.memref_slice %arg2[%dma_wait3A_68, %dma_wait3A_69] : memref<10000x128xf32, #tpu.memory_space<hbm>> -> memref<10000x128xf32, #tpu.memory_space<hbm>>
      tpu.wait_indirect_dma semaphore(%arg16 : memref<!tpu.dma_semaphore, #tpu.memory_space<semaphore_mem>>) src(%dma_wait3A_70 : memref<10000x128xf32, #tpu.memory_space<hbm>>) dst(%arg13 : memref<112x128xf32, #tpu.memory_space<vmem>>)
      %add3A_71 = arith.constant 1 : i32
      %add3A_72 = arith.addi %add3A_64, %add3A_71 : i32
      %lt3A_73 = arith.constant 90 : i32
      %lt3A_74 = arith.cmpi slt, %add3A_72, %lt3A_73 : i32
      %convert_element_type3A_75 = arith.extui %lt3A_74 : i1 to i32
      %cond3A_76 = arith.constant 0 : i32
      %cond3A_77 = arith.cmpi ne, %convert_element_type3A_75, %cond3A_76 : i32
      scf.if %cond3A_77 {
        %add3A_90 = arith.constant 1 : i32
        %add3A_91 = arith.addi %add3A_64, %add3A_90 : i32
        %mul3A_92 = arith.constant 112 : i32
        %mul3A_93 = arith.muli %add3A_91, %mul3A_92 : i32
        %dma_start3A_94 = tpu.memref_slice %arg8[%mul3A_93] : memref<10080xi32, #tpu.memory_space<vmem>> -> memref<112xi32, #tpu.memory_space<vmem>>
        %dma_start3A_95 = arith.constant 0 : i32
        %dma_start3A_96 = arith.constant 0 : i32
        %dma_start3A_97 = tpu.memref_slice %arg2[%dma_start3A_95, %dma_start3A_96] : memref<10000x128xf32, #tpu.memory_space<hbm>> -> memref<10000x128xf32, #tpu.memory_space<hbm>>
        tpu.enqueue_indirect_dma source(%dma_start3A_97 : memref<10000x128xf32, #tpu.memory_space<hbm>>) target(%arg12 : memref<112x128xf32, #tpu.memory_space<vmem>>) offsets(%dma_start3A_94 : memref<112xi32, #tpu.memory_space<vmem>>) semaphore(%arg15 : memref<!tpu.dma_semaphore, #tpu.memory_space<semaphore_mem>>)
        %add3A_98 = arith.constant 1 : i32
        %add3A_99 = arith.addi %add3A_64, %add3A_98 : i32
        %dma_start3A_100 = arith.constant 0 : i32
        %dma_start3A_101 = tpu.memref_slice %arg4[%add3A, %add3A_99, %dma_start3A_100] : memref<32x90x112xi32, #tpu.memory_space<hbm>> -> memref<1x1x112xi32, #tpu.memory_space<hbm>>
        %dma_start3A_102 = tpu.memref_squeeze %dma_start3A_101 : memref<1x1x112xi32, #tpu.memory_space<hbm>> -> memref<112xi32, #tpu.memory_space<hbm>>
        %dma_start3A_103 = arith.constant 0 : i32
        %dma_start3A_104 = tpu.memref_slice %arg4[%add3A, %add3A_99, %dma_start3A_103] : memref<32x90x112xi32, #tpu.memory_space<hbm>> -> memref<1x1x112xi32, #tpu.memory_space<hbm>>
        %dma_start3A_105 = tpu.memref_squeeze %dma_start3A_104 : memref<1x1x112xi32, #tpu.memory_space<hbm>> -> memref<112xi32, #tpu.memory_space<hbm>>
        tpu.enqueue_dma source(%dma_start3A_105 : memref<112xi32, #tpu.memory_space<hbm>>) target(%arg10 : memref<112xi32, #tpu.memory_space<vmem>>) target_semaphore(%arg17 : memref<!tpu.dma_semaphore, #tpu.memory_space<semaphore_mem>>)
      } else {
      }
      %scan3A_78 = arith.constant 0 : i32
      %scan3A_79 = arith.constant 0 : i32
      %scan3A_80 = arith.constant 7 : i32
      %scan3A_81 = arith.addi %scan3A_79, %scan3A_80 : i32
      %scan3A_82 = arith.constant 1 : i32
      scf.for %scan3A_90 = %scan3A_79 to %scan3A_81 step %scan3A_82  : i32 {
        %mul3A_91 = arith.constant 112 : i32
        %mul3A_92 = arith.muli %add3A_64, %mul3A_91 : i32
        %mul3A_93 = arith.constant 16 : i32
        %mul3A_94 = arith.muli %scan3A_90, %mul3A_93 : i32
        %add3A_95 = arith.addi %mul3A_92, %mul3A_94 : i32
        %get3A = arith.index_cast %add3A_95 : i32 to index
        %get3A_96 = tpu.vector_load %arg9[%get3A] {strides = array<i32>} : memref<10080xf32, #tpu.memory_space<vmem>>, vector<16xf32>,
        %get3A_97 = vector.shape_cast %get3A_96 : vector<16xf32> to vector<16xf32>
        %slice3A = vector.extract_strided_slice %get3A_97 {offsets = [0], sizes = [1], strides = [1]} : vector<16xf32> to vector<1xf32>
        %squeeze3A = vector.extract %slice3A[0] : f32 from vector<1xf32>
        %mul3A_98 = arith.constant 16 : i32
        %mul3A_99 = arith.muli %scan3A_90, %mul3A_98 : i32
        %add3A_100 = arith.constant 0 : i32
        %add3A_101 = arith.addi %mul3A_99, %add3A_100 : i32
        %get3A_102 = arith.index_cast %add3A_101 : i32 to index
        %get3A_103 = arith.constant 0 : index
        %get3A_104 = tpu.vector_load %arg13[%get3A_102, %get3A_103] {strides = array<i32>} : memref<112x128xf32, #tpu.memory_space<vmem>>, vector<1x16xf32>,
        %get3A_105 = vector.shape_cast %get3A_104 : vector<1x16xf32> to vector<16xf32>
        %mul3A_106 = vector.broadcast %squeeze3A : f32 to vector<16xf32>
        %mul3A_107 = arith.mulf %get3A_105, %mul3A_106 : vector<16xf32>
        %swap3A = arith.index_cast %add3A_101 : i32 to index
        %swap3A_108 = arith.constant 0 : index
        %swap3A_109 = tpu.vector_load %arg13[%swap3A, %swap3A_108] {strides = array<i32>} : memref<112x128xf32, #tpu.memory_space<vmem>>, vector<1x16xf32>,
        %swap3A_110 = vector.shape_cast %swap3A_109 : vector<1x16xf32> to vector<16xf32>
        %swap3A_111 = vector.shape_cast %mul3A_107 : vector<16xf32> to vector<1x16xf32>
        tpu.vector_store %arg13[%swap3A, %swap3A_108], %swap3A_111 {strides = array<i32>} : memref<112x128xf32, #tpu.memory_space<vmem>>, vector<1x16xf32>,
        %get3A_112 = arith.index_cast %add3A_101 : i32 to index
        %get3A_113 = arith.constant 16 : index
        %get3A_114 = tpu.vector_load %arg13[%get3A_112, %get3A_113] {strides = array<i32>} : memref<112x128xf32, #tpu.memory_space<vmem>>, vector<1x16xf32>,
        %get3A_115 = vector.shape_cast %get3A_114 : vector<1x16xf32> to vector<16xf32>
        %mul3A_116 = vector.broadcast %squeeze3A : f32 to vector<16xf32>
        %mul3A_117 = arith.mulf %get3A_115, %mul3A_116 : vector<16xf32>
        %swap3A_118 = arith.index_cast %add3A_101 : i32 to index
        %swap3A_119 = arith.constant 16 : index
        %swap3A_120 = tpu.vector_load %arg13[%swap3A_118, %swap3A_119] {strides = array<i32>} : memref<112x128xf32, #tpu.memory_space<vmem>>, vector<1x16xf32>,
        %swap3A_121 = vector.shape_cast %swap3A_120 : vector<1x16xf32> to vector<16xf32>
        %swap3A_122 = vector.shape_cast %mul3A_117 : vector<16xf32> to vector<1x16xf32>
        tpu.vector_store %arg13[%swap3A_118, %swap3A_119], %swap3A_122 {strides = array<i32>} : memref<112x128xf32, #tpu.memory_space<vmem>>, vector<1x16xf32>,
        %get3A_123 = arith.index_cast %add3A_101 : i32 to index
        %get3A_124 = arith.constant 32 : index
        %get3A_125 = tpu.vector_load %arg13[%get3A_123, %get3A_124] {strides = array<i32>} : memref<112x128xf32, #tpu.memory_space<vmem>>, vector<1x16xf32>,
        %get3A_126 = vector.shape_cast %get3A_125 : vector<1x16xf32> to vector<16xf32>
        %mul3A_127 = vector.broadcast %squeeze3A : f32 to vector<16xf32>
        %mul3A_128 = arith.mulf %get3A_126, %mul3A_127 : vector<16xf32>
        %swap3A_129 = arith.index_cast %add3A_101 : i32 to index
        %swap3A_130 = arith.constant 32 : index
        %swap3A_131 = tpu.vector_load %arg13[%swap3A_129, %swap3A_130] {strides = array<i32>} : memref<112x128xf32, #tpu.memory_space<vmem>>, vector<1x16xf32>,
        %swap3A_132 = vector.shape_cast %swap3A_131 : vector<1x16xf32> to vector<16xf32>
        %swap3A_133 = vector.shape_cast %mul3A_128 : vector<16xf32> to vector<1x16xf32>
        tpu.vector_store %arg13[%swap3A_129, %swap3A_130], %swap3A_133 {strides = array<i32>} : memref<112x128xf32, #tpu.memory_space<vmem>>, vector<1x16xf32>,
        %get3A_134 = arith.index_cast %add3A_101 : i32 to index
        %get3A_135 = arith.constant 48 : index
        %get3A_136 = tpu.vector_load %arg13[%get3A_134, %get3A_135] {strides = array<i32>} : memref<112x128xf32, #tpu.memory_space<vmem>>, vector<1x16xf32>,
        %get3A_137 = vector.shape_cast %get3A_136 : vector<1x16xf32> to vector<16xf32>
        %mul3A_138 = vector.broadcast %squeeze3A : f32 to vector<16xf32>
        %mul3A_139 = arith.mulf %get3A_137, %mul3A_138 : vector<16xf32>
        %swap3A_140 = arith.index_cast %add3A_101 : i32 to index
        %swap3A_141 = arith.constant 48 : index
        %swap3A_142 = tpu.vector_load %arg13[%swap3A_140, %swap3A_141] {strides = array<i32>} : memref<112x128xf32, #tpu.memory_space<vmem>>, vector<1x16xf32>,
        %swap3A_143 = vector.shape_cast %swap3A_142 : vector<1x16xf32> to vector<16xf32>
        %swap3A_144 = vector.shape_cast %mul3A_139 : vector<16xf32> to vector<1x16xf32>
        tpu.vector_store %arg13[%swap3A_140, %swap3A_141], %swap3A_144 {strides = array<i32>} : memref<112x128xf32, #tpu.memory_space<vmem>>, vector<1x16xf32>,
        %get3A_145 = arith.index_cast %add3A_101 : i32 to index
        %get3A_146 = arith.constant 64 : index
        %get3A_147 = tpu.vector_load %arg13[%get3A_145, %get3A_146] {strides = array<i32>} : memref<112x128xf32, #tpu.memory_space<vmem>>, vector<1x16xf32>,
        %get3A_148 = vector.shape_cast %get3A_147 : vector<1x16xf32> to vector<16xf32>
        %mul3A_149 = vector.broadcast %squeeze3A : f32 to vector<16xf32>
        %mul3A_150 = arith.mulf %get3A_148, %mul3A_149 : vector<16xf32>
        %swap3A_151 = arith.index_cast %add3A_101 : i32 to index
        %swap3A_152 = arith.constant 64 : index
        %swap3A_153 = tpu.vector_load %arg13[%swap3A_151, %swap3A_152] {strides = array<i32>} : memref<112x128xf32, #tpu.memory_space<vmem>>, vector<1x16xf32>,
        %swap3A_154 = vector.shape_cast %swap3A_153 : vector<1x16xf32> to vector<16xf32>
        %swap3A_155 = vector.shape_cast %mul3A_150 : vector<16xf32> to vector<1x16xf32>
        tpu.vector_store %arg13[%swap3A_151, %swap3A_152], %swap3A_155 {strides = array<i32>} : memref<112x128xf32, #tpu.memory_space<vmem>>, vector<1x16xf32>,
        %get3A_156 = arith.index_cast %add3A_101 : i32 to index
        %get3A_157 = arith.constant 80 : index
        %get3A_158 = tpu.vector_load %arg13[%get3A_156, %get3A_157] {strides = array<i32>} : memref<112x128xf32, #tpu.memory_space<vmem>>, vector<1x16xf32>,
        %get3A_159 = vector.shape_cast %get3A_158 : vector<1x16xf32> to vector<16xf32>
        %mul3A_160 = vector.broadcast %squeeze3A : f32 to vector<16xf32>
        %mul3A_161 = arith.mulf %get3A_159, %mul3A_160 : vector<16xf32>
        %swap3A_162 = arith.index_cast %add3A_101 : i32 to index
        %swap3A_163 = arith.constant 80 : index
        %swap3A_164 = tpu.vector_load %arg13[%swap3A_162, %swap3A_163] {strides = array<i32>} : memref<112x128xf32, #tpu.memory_space<vmem>>, vector<1x16xf32>,
        %swap3A_165 = vector.shape_cast %swap3A_164 : vector<1x16xf32> to vector<16xf32>
        %swap3A_166 = vector.shape_cast %mul3A_161 : vector<16xf32> to vector<1x16xf32>
        tpu.vector_store %arg13[%swap3A_162, %swap3A_163], %swap3A_166 {strides = array<i32>} : memref<112x128xf32, #tpu.memory_space<vmem>>, vector<1x16xf32>,
        %get3A_167 = arith.index_cast %add3A_101 : i32 to index
        %get3A_168 = arith.constant 96 : index
        %get3A_169 = tpu.vector_load %arg13[%get3A_167, %get3A_168] {strides = array<i32>} : memref<112x128xf32, #tpu.memory_space<vmem>>, vector<1x16xf32>,
        %get3A_170 = vector.shape_cast %get3A_169 : vector<1x16xf32> to vector<16xf32>
        %mul3A_171 = vector.broadcast %squeeze3A : f32 to vector<16xf32>
        %mul3A_172 = arith.mulf %get3A_170, %mul3A_171 : vector<16xf32>
        %swap3A_173 = arith.index_cast %add3A_101 : i32 to index
        %swap3A_174 = arith.constant 96 : index
        %swap3A_175 = tpu.vector_load %arg13[%swap3A_173, %swap3A_174] {strides = array<i32>} : memref<112x128xf32, #tpu.memory_space<vmem>>, vector<1x16xf32>,
        %swap3A_176 = vector.shape_cast %swap3A_175 : vector<1x16xf32> to vector<16xf32>
        %swap3A_177 = vector.shape_cast %mul3A_172 : vector<16xf32> to vector<1x16xf32>
        tpu.vector_store %arg13[%swap3A_173, %swap3A_174], %swap3A_177 {strides = array<i32>} : memref<112x128xf32, #tpu.memory_space<vmem>>, vector<1x16xf32>,
        %get3A_178 = arith.index_cast %add3A_101 : i32 to index
        %get3A_179 = arith.constant 112 : index
        %get3A_180 = tpu.vector_load %arg13[%get3A_178, %get3A_179] {strides = array<i32>} : memref<112x128xf32, #tpu.memory_space<vmem>>, vector<1x16xf32>,
        %get3A_181 = vector.shape_cast %get3A_180 : vector<1x16xf32> to vector<16xf32>
        %mul3A_182 = vector.broadcast %squeeze3A : f32 to vector<16xf32>
        %mul3A_183 = arith.mulf %get3A_181, %mul3A_182 : vector<16xf32>
        %swap3A_184 = arith.index_cast %add3A_101 : i32 to index
        %swap3A_185 = arith.constant 112 : index
        %swap3A_186 = tpu.vector_load %arg13[%swap3A_184, %swap3A_185] {strides = array<i32>} : memref<112x128xf32, #tpu.memory_space<vmem>>, vector<1x16xf32>,
        %swap3A_187 = vector.shape_cast %swap3A_186 : vector<1x16xf32> to vector<16xf32>
        %swap3A_188 = vector.shape_cast %mul3A_183 : vector<16xf32> to vector<1x16xf32>
        tpu.vector_store %arg13[%swap3A_184, %swap3A_185], %swap3A_188 {strides = array<i32>} : memref<112x128xf32, #tpu.memory_space<vmem>>, vector<1x16xf32>,
        %slice3A_189 = vector.extract_strided_slice %get3A_97 {offsets = [1], sizes = [1], strides = [1]} : vector<16xf32> to vector<1xf32>
        %squeeze3A_190 = vector.extract %slice3A_189[0] : f32 from vector<1xf32>
        %mul3A_191 = arith.constant 16 : i32
        %mul3A_192 = arith.muli %scan3A_90, %mul3A_191 : i32
        %add3A_193 = arith.constant 1 : i32
        %add3A_194 = arith.addi %mul3A_192, %add3A_193 : i32
        %get3A_195 = arith.index_cast %add3A_194 : i32 to index
        %get3A_196 = arith.constant 0 : index
        %get3A_197 = tpu.vector_load %arg13[%get3A_195, %get3A_196] {strides = array<i32>} : memref<112x128xf32, #tpu.memory_space<vmem>>, vector<1x16xf32>,
        %get3A_198 = vector.shape_cast %get3A_197 : vector<1x16xf32> to vector<16xf32>
        %mul3A_199 = vector.broadcast %squeeze3A_190 : f32 to vector<16xf32>
        %mul3A_200 = arith.mulf %get3A_198, %mul3A_199 : vector<16xf32>
        %swap3A_201 = arith.index_cast %add3A_194 : i32 to index
        %swap3A_202 = arith.constant 0 : index
        %swap3A_203 = tpu.vector_load %arg13[%swap3A_201, %swap3A_202] {strides = array<i32>} : memref<112x128xf32, #tpu.memory_space<vmem>>, vector<1x16xf32>,
        %swap3A_204 = vector.shape_cast %swap3A_203 : vector<1x16xf32> to vector<16xf32>
        %swap3A_205 = vector.shape_cast %mul3A_200 : vector<16xf32> to vector<1x16xf32>
        tpu.vector_store %arg13[%swap3A_201, %swap3A_202], %swap3A_205 {strides = array<i32>} : memref<112x128xf32, #tpu.memory_space<vmem>>, vector<1x16xf32>,
        %get3A_206 = arith.index_cast %add3A_194 : i32 to index
        %get3A_207 = arith.constant 16 : index
        %get3A_208 = tpu.vector_load %arg13[%get3A_206, %get3A_207] {strides = array<i32>} : memref<112x128xf32, #tpu.memory_space<vmem>>, vector<1x16xf32>,
        %get3A_209 = vector.shape_cast %get3A_208 : vector<1x16xf32> to vector<16xf32>
        %mul3A_210 = vector.broadcast %squeeze3A_190 : f32 to vector<16xf32>
        %mul3A_211 = arith.mulf %get3A_209, %mul3A_210 : vector<16xf32>
        %swap3A_212 = arith.index_cast %add3A_194 : i32 to index
        %swap3A_213 = arith.constant 16 : index
        %swap3A_214 = tpu.vector_load %arg13[%swap3A_212, %swap3A_213] {strides = array<i32>} : memref<112x128xf32, #tpu.memory_space<vmem>>, vector<1x16xf32>,
        %swap3A_215 = vector.shape_cast %swap3A_214 : vector<1x16xf32> to vector<16xf32>
        %swap3A_216 = vector.shape_cast %mul3A_211 : vector<16xf32> to vector<1x16xf32>
        tpu.vector_store %arg13[%swap3A_212, %swap3A_213], %swap3A_216 {strides = array<i32>} : memref<112x128xf32, #tpu.memory_space<vmem>>, vector<1x16xf32>,
        %get3A_217 = arith.index_cast %add3A_194 : i32 to index
        %get3A_218 = arith.constant 32 : index
        %get3A_219 = tpu.vector_load %arg13[%get3A_217, %get3A_218] {strides = array<i32>} : memref<112x128xf32, #tpu.memory_space<vmem>>, vector<1x16xf32>,
        %get3A_220 = vector.shape_cast %get3A_219 : vector<1x16xf32> to vector<16xf32>
        %mul3A_221 = vector.broadcast %squeeze3A_190 : f32 to vector<16xf32>
        %mul3A_222 = arith.mulf %get3A_220, %mul3A_221 : vector<16xf32>
        %swap3A_223 = arith.index_cast %add3A_194 : i32 to index
        %swap3A_224 = arith.constant 32 : index
        %swap3A_225 = tpu.vector_load %arg13[%swap3A_223, %swap3A_224] {strides = array<i32>} : memref<112x128xf32, #tpu.memory_space<vmem>>, vector<1x16xf32>,
        %swap3A_226 = vector.shape_cast %swap3A_225 : vector<1x16xf32> to vector<16xf32>
        %swap3A_227 = vector.shape_cast %mul3A_222 : vector<16xf32> to vector<1x16xf32>
        tpu.vector_store %arg13[%swap3A_223, %swap3A_224], %swap3A_227 {strides = array<i32>} : memref<112x128xf32, #tpu.memory_space<vmem>>, vector<1x16xf32>,
        %get3A_228 = arith.index_cast %add3A_194 : i32 to index
        %get3A_229 = arith.constant 48 : index
        %get3A_230 = tpu.vector_load %arg13[%get3A_228, %get3A_229] {strides = array<i32>} : memref<112x128xf32, #tpu.memory_space<vmem>>, vector<1x16xf32>,
        %get3A_231 = vector.shape_cast %get3A_230 : vector<1x16xf32> to vector<16xf32>
        %mul3A_232 = vector.broadcast %squeeze3A_190 : f32 to vector<16xf32>
        %mul3A_233 = arith.mulf %get3A_231, %mul3A_232 : vector<16xf32>
        %swap3A_234 = arith.index_cast %add3A_194 : i32 to index
        %swap3A_235 = arith.constant 48 : index
        %swap3A_236 = tpu.vector_load %arg13[%swap3A_234, %swap3A_235] {strides = array<i32>} : memref<112x128xf32, #tpu.memory_space<vmem>>, vector<1x16xf32>,
        %swap3A_237 = vector.shape_cast %swap3A_236 : vector<1x16xf32> to vector<16xf32>
        %swap3A_238 = vector.shape_cast %mul3A_233 : vector<16xf32> to vector<1x16xf32>
        tpu.vector_store %arg13[%swap3A_234, %swap3A_235], %swap3A_238 {strides = array<i32>} : memref<112x128xf32, #tpu.memory_space<vmem>>, vector<1x16xf32>,
        %get3A_239 = arith.index_cast %add3A_194 : i32 to index
        %get3A_240 = arith.constant 64 : index
        %get3A_241 = tpu.vector_load %arg13[%get3A_239, %get3A_240] {strides = array<i32>} : memref<112x128xf32, #tpu.memory_space<vmem>>, vector<1x16xf32>,
        %get3A_242 = vector.shape_cast %get3A_241 : vector<1x16xf32> to vector<16xf32>
        %mul3A_243 = vector.broadcast %squeeze3A_190 : f32 to vector<16xf32>
        %mul3A_244 = arith.mulf %get3A_242, %mul3A_243 : vector<16xf32>
        %swap3A_245 = arith.index_cast %add3A_194 : i32 to index
        %swap3A_246 = arith.constant 64 : index
        %swap3A_247 = tpu.vector_load %arg13[%swap3A_245, %swap3A_246] {strides = array<i32>} : memref<112x128xf32, #tpu.memory_space<vmem>>, vector<1x16xf32>,
        %swap3A_248 = vector.shape_cast %swap3A_247 : vector<1x16xf32> to vector<16xf32>
        %swap3A_249 = vector.shape_cast %mul3A_244 : vector<16xf32> to vector<1x16xf32>
        tpu.vector_store %arg13[%swap3A_245, %swap3A_246], %swap3A_249 {strides = array<i32>} : memref<112x128xf32, #tpu.memory_space<vmem>>, vector<1x16xf32>,
        %get3A_250 = arith.index_cast %add3A_194 : i32 to index
        %get3A_251 = arith.constant 80 : index
        %get3A_252 = tpu.vector_load %arg13[%get3A_250, %get3A_251] {strides = array<i32>} : memref<112x128xf32, #tpu.memory_space<vmem>>, vector<1x16xf32>,
        %get3A_253 = vector.shape_cast %get3A_252 : vector<1x16xf32> to vector<16xf32>
        %mul3A_254 = vector.broadcast %squeeze3A_190 : f32 to vector<16xf32>
        %mul3A_255 = arith.mulf %get3A_253, %mul3A_254 : vector<16xf32>
        %swap3A_256 = arith.index_cast %add3A_194 : i32 to index
        %swap3A_257 = arith.constant 80 : index
        %swap3A_258 = tpu.vector_load %arg13[%swap3A_256, %swap3A_257] {strides = array<i32>} : memref<112x128xf32, #tpu.memory_space<vmem>>, vector<1x16xf32>,
        %swap3A_259 = vector.shape_cast %swap3A_258 : vector<1x16xf32> to vector<16xf32>
        %swap3A_260 = vector.shape_cast %mul3A_255 : vector<16xf32> to vector<1x16xf32>
        tpu.vector_store %arg13[%swap3A_256, %swap3A_257], %swap3A_260 {strides = array<i32>} : memref<112x128xf32, #tpu.memory_space<vmem>>, vector<1x16xf32>,
        %get3A_261 = arith.index_cast %add3A_194 : i32 to index
        %get3A_262 = arith.constant 96 : index
        %get3A_263 = tpu.vector_load %arg13[%get3A_261, %get3A_262] {strides = array<i32>} : memref<112x128xf32, #tpu.memory_space<vmem>>, vector<1x16xf32>,
        %get3A_264 = vector.shape_cast %get3A_263 : vector<1x16xf32> to vector<16xf32>
        %mul3A_265 = vector.broadcast %squeeze3A_190 : f32 to vector<16xf32>
        %mul3A_266 = arith.mulf %get3A_264, %mul3A_265 : vector<16xf32>
        %swap3A_267 = arith.index_cast %add3A_194 : i32 to index
        %swap3A_268 = arith.constant 96 : index
        %swap3A_269 = tpu.vector_load %arg13[%swap3A_267, %swap3A_268] {strides = array<i32>} : memref<112x128xf32, #tpu.memory_space<vmem>>, vector<1x16xf32>,
        %swap3A_270 = vector.shape_cast %swap3A_269 : vector<1x16xf32> to vector<16xf32>
        %swap3A_271 = vector.shape_cast %mul3A_266 : vector<16xf32> to vector<1x16xf32>
        tpu.vector_store %arg13[%swap3A_267, %swap3A_268], %swap3A_271 {strides = array<i32>} : memref<112x128xf32, #tpu.memory_space<vmem>>, vector<1x16xf32>,
        %get3A_272 = arith.index_cast %add3A_194 : i32 to index
        %get3A_273 = arith.constant 112 : index
        %get3A_274 = tpu.vector_load %arg13[%get3A_272, %get3A_273] {strides = array<i32>} : memref<112x128xf32, #tpu.memory_space<vmem>>, vector<1x16xf32>,
        %get3A_275 = vector.shape_cast %get3A_274 : vector<1x16xf32> to vector<16xf32>
        %mul3A_276 = vector.broadcast %squeeze3A_190 : f32 to vector<16xf32>
        %mul3A_277 = arith.mulf %get3A_275, %mul3A_276 : vector<16xf32>
        %swap3A_278 = arith.index_cast %add3A_194 : i32 to index
        %swap3A_279 = arith.constant 112 : index
        %swap3A_280 = tpu.vector_load %arg13[%swap3A_278, %swap3A_279] {strides = array<i32>} : memref<112x128xf32, #tpu.memory_space<vmem>>, vector<1x16xf32>,
        %swap3A_281 = vector.shape_cast %swap3A_280 : vector<1x16xf32> to vector<16xf32>
        %swap3A_282 = vector.shape_cast %mul3A_277 : vector<16xf32> to vector<1x16xf32>
        tpu.vector_store %arg13[%swap3A_278, %swap3A_279], %swap3A_282 {strides = array<i32>} : memref<112x128xf32, #tpu.memory_space<vmem>>, vector<1x16xf32>,
        %slice3A_283 = vector.extract_strided_slice %get3A_97 {offsets = [2], sizes = [1], strides = [1]} : vector<16xf32> to vector<1xf32>
        %squeeze3A_284 = vector.extract %slice3A_283[0] : f32 from vector<1xf32>
        %mul3A_285 = arith.constant 16 : i32
        %mul3A_286 = arith.muli %scan3A_90, %mul3A_285 : i32
        %add3A_287 = arith.constant 2 : i32
        %add3A_288 = arith.addi %mul3A_286, %add3A_287 : i32
        %get3A_289 = arith.index_cast %add3A_288 : i32 to index
        %get3A_290 = arith.constant 0 : index
        %get3A_291 = tpu.vector_load %arg13[%get3A_289, %get3A_290] {strides = array<i32>} : memref<112x128xf32, #tpu.memory_space<vmem>>, vector<1x16xf32>,
        %get3A_292 = vector.shape_cast %get3A_291 : vector<1x16xf32> to vector<16xf32>
        %mul3A_293 = vector.broadcast %squeeze3A_284 : f32 to vector<16xf32>
        %mul3A_294 = arith.mulf %get3A_292, %mul3A_293 : vector<16xf32>
        %swap3A_295 = arith.index_cast %add3A_288 : i32 to index
        %swap3A_296 = arith.constant 0 : index
        %swap3A_297 = tpu.vector_load %arg13[%swap3A_295, %swap3A_296] {strides = array<i32>} : memref<112x128xf32, #tpu.memory_space<vmem>>, vector<1x16xf32>,
        %swap3A_298 = vector.shape_cast %swap3A_297 : vector<1x16xf32> to vector<16xf32>
        %swap3A_299 = vector.shape_cast %mul3A_294 : vector<16xf32> to vector<1x16xf32>
        tpu.vector_store %arg13[%swap3A_295, %swap3A_296], %swap3A_299 {strides = array<i32>} : memref<112x128xf32, #tpu.memory_space<vmem>>, vector<1x16xf32>,
        %get3A_300 = arith.index_cast %add3A_288 : i32 to index
        %get3A_301 = arith.constant 16 : index
        %get3A_302 = tpu.vector_load %arg13[%get3A_300, %get3A_301] {strides = array<i32>} : memref<112x128xf32, #tpu.memory_space<vmem>>, vector<1x16xf32>,
        %get3A_303 = vector.shape_cast %get3A_302 : vector<1x16xf32> to vector<16xf32>
        %mul3A_304 = vector.broadcast %squeeze3A_284 : f32 to vector<16xf32>
        %mul3A_305 = arith.mulf %get3A_303, %mul3A_304 : vector<16xf32>
        %swap3A_306 = arith.index_cast %add3A_288 : i32 to index
        %swap3A_307 = arith.constant 16 : index
        %swap3A_308 = tpu.vector_load %arg13[%swap3A_306, %swap3A_307] {strides = array<i32>} : memref<112x128xf32, #tpu.memory_space<vmem>>, vector<1x16xf32>,
        %swap3A_309 = vector.shape_cast %swap3A_308 : vector<1x16xf32> to vector<16xf32>
        %swap3A_310 = vector.shape_cast %mul3A_305 : vector<16xf32> to vector<1x16xf32>
        tpu.vector_store %arg13[%swap3A_306, %swap3A_307], %swap3A_310 {strides = array<i32>} : memref<112x128xf32, #tpu.memory_space<vmem>>, vector<1x16xf32>,
        %get3A_311 = arith.index_cast %add3A_288 : i32 to index
        %get3A_312 = arith.constant 32 : index
        %get3A_313 = tpu.vector_load %arg13[%get3A_311, %get3A_312] {strides = array<i32>} : memref<112x128xf32, #tpu.memory_space<vmem>>, vector<1x16xf32>,
        %get3A_314 = vector.shape_cast %get3A_313 : vector<1x16xf32> to vector<16xf32>
        %mul3A_315 = vector.broadcast %squeeze3A_284 : f32 to vector<16xf32>
        %mul3A_316 = arith.mulf %get3A_314, %mul3A_315 : vector<16xf32>
        %swap3A_317 = arith.index_cast %add3A_288 : i32 to index
        %swap3A_318 = arith.constant 32 : index
        %swap3A_319 = tpu.vector_load %arg13[%swap3A_317, %swap3A_318] {strides = array<i32>} : memref<112x128xf32, #tpu.memory_space<vmem>>, vector<1x16xf32>,
        %swap3A_320 = vector.shape_cast %swap3A_319 : vector<1x16xf32> to vector<16xf32>
        %swap3A_321 = vector.shape_cast %mul3A_316 : vector<16xf32> to vector<1x16xf32>
        tpu.vector_store %arg13[%swap3A_317, %swap3A_318], %swap3A_321 {strides = array<i32>} : memref<112x128xf32, #tpu.memory_space<vmem>>, vector<1x16xf32>,
        %get3A_322 = arith.index_cast %add3A_288 : i32 to index
        %get3A_323 = arith.constant 48 : index
        %get3A_324 = tpu.vector_load %arg13[%get3A_322, %get3A_323] {strides = array<i32>} : memref<112x128xf32, #tpu.memory_space<vmem>>, vector<1x16xf32>,
        %get3A_325 = vector.shape_cast %get3A_324 : vector<1x16xf32> to vector<16xf32>
        %mul3A_326 = vector.broadcast %squeeze3A_284 : f32 to vector<16xf32>
        %mul3A_327 = arith.mulf %get3A_325, %mul3A_326 : vector<16xf32>
        %swap3A_328 = arith.index_cast %add3A_288 : i32 to index
        %swap3A_329 = arith.constant 48 : index
        %swap3A_330 = tpu.vector_load %arg13[%swap3A_328, %swap3A_329] {strides = array<i32>} : memref<112x128xf32, #tpu.memory_space<vmem>>, vector<1x16xf32>,
        %swap3A_331 = vector.shape_cast %swap3A_330 : vector<1x16xf32> to vector<16xf32>
        %swap3A_332 = vector.shape_cast %mul3A_327 : vector<16xf32> to vector<1x16xf32>
        tpu.vector_store %arg13[%swap3A_328, %swap3A_329], %swap3A_332 {strides = array<i32>} : memref<112x128xf32, #tpu.memory_space<vmem>>, vector<1x16xf32>,
        %get3A_333 = arith.index_cast %add3A_288 : i32 to index
        %get3A_334 = arith.constant 64 : index
        %get3A_335 = tpu.vector_load %arg13[%get3A_333, %get3A_334] {strides = array<i32>} : memref<112x128xf32, #tpu.memory_space<vmem>>, vector<1x16xf32>,
        %get3A_336 = vector.shape_cast %get3A_335 : vector<1x16xf32> to vector<16xf32>
        %mul3A_337 = vector.broadcast %squeeze3A_284 : f32 to vector<16xf32>
        %mul3A_338 = arith.mulf %get3A_336, %mul3A_337 : vector<16xf32>
        %swap3A_339 = arith.index_cast %add3A_288 : i32 to index
        %swap3A_340 = arith.constant 64 : index
        %swap3A_341 = tpu.vector_load %arg13[%swap3A_339, %swap3A_340] {strides = array<i32>} : memref<112x128xf32, #tpu.memory_space<vmem>>, vector<1x16xf32>,
        %swap3A_342 = vector.shape_cast %swap3A_341 : vector<1x16xf32> to vector<16xf32>
        %swap3A_343 = vector.shape_cast %mul3A_338 : vector<16xf32> to vector<1x16xf32>
        tpu.vector_store %arg13[%swap3A_339, %swap3A_340], %swap3A_343 {strides = array<i32>} : memref<112x128xf32, #tpu.memory_space<vmem>>, vector<1x16xf32>,
        %get3A_344 = arith.index_cast %add3A_288 : i32 to index
        %get3A_345 = arith.constant 80 : index
        %get3A_346 = tpu.vector_load %arg13[%get3A_344, %get3A_345] {strides = array<i32>} : memref<112x128xf32, #tpu.memory_space<vmem>>, vector<1x16xf32>,
        %get3A_347 = vector.shape_cast %get3A_346 : vector<1x16xf32> to vector<16xf32>
        %mul3A_348 = vector.broadcast %squeeze3A_284 : f32 to vector<16xf32>
        %mul3A_349 = arith.mulf %get3A_347, %mul3A_348 : vector<16xf32>
        %swap3A_350 = arith.index_cast %add3A_288 : i32 to index
        %swap3A_351 = arith.constant 80 : index
        %swap3A_352 = tpu.vector_load %arg13[%swap3A_350, %swap3A_351] {strides = array<i32>} : memref<112x128xf32, #tpu.memory_space<vmem>>, vector<1x16xf32>,
        %swap3A_353 = vector.shape_cast %swap3A_352 : vector<1x16xf32> to vector<16xf32>
        %swap3A_354 = vector.shape_cast %mul3A_349 : vector<16xf32> to vector<1x16xf32>
        tpu.vector_store %arg13[%swap3A_350, %swap3A_351], %swap3A_354 {strides = array<i32>} : memref<112x128xf32, #tpu.memory_space<vmem>>, vector<1x16xf32>,
        %get3A_355 = arith.index_cast %add3A_288 : i32 to index
        %get3A_356 = arith.constant 96 : index
        %get3A_357 = tpu.vector_load %arg13[%get3A_355, %get3A_356] {strides = array<i32>} : memref<112x128xf32, #tpu.memory_space<vmem>>, vector<1x16xf32>,
        %get3A_358 = vector.shape_cast %get3A_357 : vector<1x16xf32> to vector<16xf32>
        %mul3A_359 = vector.broadcast %squeeze3A_284 : f32 to vector<16xf32>
        %mul3A_360 = arith.mulf %get3A_358, %mul3A_359 : vector<16xf32>
        %swap3A_361 = arith.index_cast %add3A_288 : i32 to index
        %swap3A_362 = arith.constant 96 : index
        %swap3A_363 = tpu.vector_load %arg13[%swap3A_361, %swap3A_362] {strides = array<i32>} : memref<112x128xf32, #tpu.memory_space<vmem>>, vector<1x16xf32>,
        %swap3A_364 = vector.shape_cast %swap3A_363 : vector<1x16xf32> to vector<16xf32>
        %swap3A_365 = vector.shape_cast %mul3A_360 : vector<16xf32> to vector<1x16xf32>
        tpu.vector_store %arg13[%swap3A_361, %swap3A_362], %swap3A_365 {strides = array<i32>} : memref<112x128xf32, #tpu.memory_space<vmem>>, vector<1x16xf32>,
        %get3A_366 = arith.index_cast %add3A_288 : i32 to index
        %get3A_367 = arith.constant 112 : index
        %get3A_368 = tpu.vector_load %arg13[%get3A_366, %get3A_367] {strides = array<i32>} : memref<112x128xf32, #tpu.memory_space<vmem>>, vector<1x16xf32>,
        %get3A_369 = vector.shape_cast %get3A_368 : vector<1x16xf32> to vector<16xf32>
        %mul3A_370 = vector.broadcast %squeeze3A_284 : f32 to vector<16xf32>
        %mul3A_371 = arith.mulf %get3A_369, %mul3A_370 : vector<16xf32>
        %swap3A_372 = arith.index_cast %add3A_288 : i32 to index
        %swap3A_373 = arith.constant 112 : index
        %swap3A_374 = tpu.vector_load %arg13[%swap3A_372, %swap3A_373] {strides = array<i32>} : memref<112x128xf32, #tpu.memory_space<vmem>>, vector<1x16xf32>,
        %swap3A_375 = vector.shape_cast %swap3A_374 : vector<1x16xf32> to vector<16xf32>
        %swap3A_376 = vector.shape_cast %mul3A_371 : vector<16xf32> to vector<1x16xf32>
        tpu.vector_store %arg13[%swap3A_372, %swap3A_373], %swap3A_376 {strides = array<i32>} : memref<112x128xf32, #tpu.memory_space<vmem>>, vector<1x16xf32>,
        %slice3A_377 = vector.extract_strided_slice %get3A_97 {offsets = [3], sizes = [1], strides = [1]} : vector<16xf32> to vector<1xf32>
        %squeeze3A_378 = vector.extract %slice3A_377[0] : f32 from vector<1xf32>
        %mul3A_379 = arith.constant 16 : i32
        %mul3A_380 = arith.muli %scan3A_90, %mul3A_379 : i32
        %add3A_381 = arith.constant 3 : i32
        %add3A_382 = arith.addi %mul3A_380, %add3A_381 : i32
        %get3A_383 = arith.index_cast %add3A_382 : i32 to index
        %get3A_384 = arith.constant 0 : index
        %get3A_385 = tpu.vector_load %arg13[%get3A_383, %get3A_384] {strides = array<i32>} : memref<112x128xf32, #tpu.memory_space<vmem>>, vector<1x16xf32>,
        %get3A_386 = vector.shape_cast %get3A_385 : vector<1x16xf32> to vector<16xf32>
        %mul3A_387 = vector.broadcast %squeeze3A_378 : f32 to vector<16xf32>
        %mul3A_388 = arith.mulf %get3A_386, %mul3A_387 : vector<16xf32>
        %swap3A_389 = arith.index_cast %add3A_382 : i32 to index
        %swap3A_390 = arith.constant 0 : index
        %swap3A_391 = tpu.vector_load %arg13[%swap3A_389, %swap3A_390] {strides = array<i32>} : memref<112x128xf32, #tpu.memory_space<vmem>>, vector<1x16xf32>,
        %swap3A_392 = vector.shape_cast %swap3A_391 : vector<1x16xf32> to vector<16xf32>
        %swap3A_393 = vector.shape_cast %mul3A_388 : vector<16xf32> to vector<1x16xf32>
        tpu.vector_store %arg13[%swap3A_389, %swap3A_390], %swap3A_393 {strides = array<i32>} : memref<112x128xf32, #tpu.memory_space<vmem>>, vector<1x16xf32>,
        %get3A_394 = arith.index_cast %add3A_382 : i32 to index
        %get3A_395 = arith.constant 16 : index
        %get3A_396 = tpu.vector_load %arg13[%get3A_394, %get3A_395] {strides = array<i32>} : memref<112x128xf32, #tpu.memory_space<vmem>>, vector<1x16xf32>,
        %get3A_397 = vector.shape_cast %get3A_396 : vector<1x16xf32> to vector<16xf32>
        %mul3A_398 = vector.broadcast %squeeze3A_378 : f32 to vector<16xf32>
        %mul3A_399 = arith.mulf %get3A_397, %mul3A_398 : vector<16xf32>
        %swap3A_400 = arith.index_cast %add3A_382 : i32 to index
        %swap3A_401 = arith.constant 16 : index
        %swap3A_402 = tpu.vector_load %arg13[%swap3A_400, %swap3A_401] {strides = array<i32>} : memref<112x128xf32, #tpu.memory_space<vmem>>, vector<1x16xf32>,
        %swap3A_403 = vector.shape_cast %swap3A_402 : vector<1x16xf32> to vector<16xf32>
        %swap3A_404 = vector.shape_cast %mul3A_399 : vector<16xf32> to vector<1x16xf32>
        tpu.vector_store %arg13[%swap3A_400, %swap3A_401], %swap3A_404 {strides = array<i32>} : memref<112x128xf32, #tpu.memory_space<vmem>>, vector<1x16xf32>,
        %get3A_405 = arith.index_cast %add3A_382 : i32 to index
        %get3A_406 = arith.constant 32 : index
        %get3A_407 = tpu.vector_load %arg13[%get3A_405, %get3A_406] {strides = array<i32>} : memref<112x128xf32, #tpu.memory_space<vmem>>, vector<1x16xf32>,
        %get3A_408 = vector.shape_cast %get3A_407 : vector<1x16xf32> to vector<16xf32>
        %mul3A_409 = vector.broadcast %squeeze3A_378 : f32 to vector<16xf32>
        %mul3A_410 = arith.mulf %get3A_408, %mul3A_409 : vector<16xf32>
        %swap3A_411 = arith.index_cast %add3A_382 : i32 to index
        %swap3A_412 = arith.constant 32 : index
        %swap3A_413 = tpu.vector_load %arg13[%swap3A_411, %swap3A_412] {strides = array<i32>} : memref<112x128xf32, #tpu.memory_space<vmem>>, vector<1x16xf32>,
        %swap3A_414 = vector.shape_cast %swap3A_413 : vector<1x16xf32> to vector<16xf32>
        %swap3A_415 = vector.shape_cast %mul3A_410 : vector<16xf32> to vector<1x16xf32>
        tpu.vector_store %arg13[%swap3A_411, %swap3A_412], %swap3A_415 {strides = array<i32>} : memref<112x128xf32, #tpu.memory_space<vmem>>, vector<1x16xf32>,
        %get3A_416 = arith.index_cast %add3A_382 : i32 to index
        %get3A_417 = arith.constant 48 : index
        %get3A_418 = tpu.vector_load %arg13[%get3A_416, %get3A_417] {strides = array<i32>} : memref<112x128xf32, #tpu.memory_space<vmem>>, vector<1x16xf32>,
        %get3A_419 = vector.shape_cast %get3A_418 : vector<1x16xf32> to vector<16xf32>
        %mul3A_420 = vector.broadcast %squeeze3A_378 : f32 to vector<16xf32>
        %mul3A_421 = arith.mulf %get3A_419, %mul3A_420 : vector<16xf32>
        %swap3A_422 = arith.index_cast %add3A_382 : i32 to index
        %swap3A_423 = arith.constant 48 : index
        %swap3A_424 = tpu.vector_load %arg13[%swap3A_422, %swap3A_423] {strides = array<i32>} : memref<112x128xf32, #tpu.memory_space<vmem>>, vector<1x16xf32>,
        %swap3A_425 = vector.shape_cast %swap3A_424 : vector<1x16xf32> to vector<16xf32>
        %swap3A_426 = vector.shape_cast %mul3A_421 : vector<16xf32> to vector<1x16xf32>
        tpu.vector_store %arg13[%swap3A_422, %swap3A_423], %swap3A_426 {strides = array<i32>} : memref<112x128xf32, #tpu.memory_space<vmem>>, vector<1x16xf32>,
        %get3A_427 = arith.index_cast %add3A_382 : i32 to index
        %get3A_428 = arith.constant 64 : index
        %get3A_429 = tpu.vector_load %arg13[%get3A_427, %get3A_428] {strides = array<i32>} : memref<112x128xf32, #tpu.memory_space<vmem>>, vector<1x16xf32>,
        %get3A_430 = vector.shape_cast %get3A_429 : vector<1x16xf32> to vector<16xf32>
        %mul3A_431 = vector.broadcast %squeeze3A_378 : f32 to vector<16xf32>
        %mul3A_432 = arith.mulf %get3A_430, %mul3A_431 : vector<16xf32>
        %swap3A_433 = arith.index_cast %add3A_382 : i32 to index
        %swap3A_434 = arith.constant 64 : index
        %swap3A_435 = tpu.vector_load %arg13[%swap3A_433, %swap3A_434] {strides = array<i32>} : memref<112x128xf32, #tpu.memory_space<vmem>>, vector<1x16xf32>,
        %swap3A_436 = vector.shape_cast %swap3A_435 : vector<1x16xf32> to vector<16xf32>
        %swap3A_437 = vector.shape_cast %mul3A_432 : vector<16xf32> to vector<1x16xf32>
        tpu.vector_store %arg13[%swap3A_433, %swap3A_434], %swap3A_437 {strides = array<i32>} : memref<112x128xf32, #tpu.memory_space<vmem>>, vector<1x16xf32>,
        %get3A_438 = arith.index_cast %add3A_382 : i32 to index
        %get3A_439 = arith.constant 80 : index
        %get3A_440 = tpu.vector_load %arg13[%get3A_438, %get3A_439] {strides = array<i32>} : memref<112x128xf32, #tpu.memory_space<vmem>>, vector<1x16xf32>,
        %get3A_441 = vector.shape_cast %get3A_440 : vector<1x16xf32> to vector<16xf32>
        %mul3A_442 = vector.broadcast %squeeze3A_378 : f32 to vector<16xf32>
        %mul3A_443 = arith.mulf %get3A_441, %mul3A_442 : vector<16xf32>
        %swap3A_444 = arith.index_cast %add3A_382 : i32 to index
        %swap3A_445 = arith.constant 80 : index
        %swap3A_446 = tpu.vector_load %arg13[%swap3A_444, %swap3A_445] {strides = array<i32>} : memref<112x128xf32, #tpu.memory_space<vmem>>, vector<1x16xf32>,
        %swap3A_447 = vector.shape_cast %swap3A_446 : vector<1x16xf32> to vector<16xf32>
        %swap3A_448 = vector.shape_cast %mul3A_443 : vector<16xf32> to vector<1x16xf32>
        tpu.vector_store %arg13[%swap3A_444, %swap3A_445], %swap3A_448 {strides = array<i32>} : memref<112x128xf32, #tpu.memory_space<vmem>>, vector<1x16xf32>,
        %get3A_449 = arith.index_cast %add3A_382 : i32 to index
        %get3A_450 = arith.constant 96 : index
        %get3A_451 = tpu.vector_load %arg13[%get3A_449, %get3A_450] {strides = array<i32>} : memref<112x128xf32, #tpu.memory_space<vmem>>, vector<1x16xf32>,
        %get3A_452 = vector.shape_cast %get3A_451 : vector<1x16xf32> to vector<16xf32>
        %mul3A_453 = vector.broadcast %squeeze3A_378 : f32 to vector<16xf32>
        %mul3A_454 = arith.mulf %get3A_452, %mul3A_453 : vector<16xf32>
        %swap3A_455 = arith.index_cast %add3A_382 : i32 to index
        %swap3A_456 = arith.constant 96 : index
        %swap3A_457 = tpu.vector_load %arg13[%swap3A_455, %swap3A_456] {strides = array<i32>} : memref<112x128xf32, #tpu.memory_space<vmem>>, vector<1x16xf32>,
        %swap3A_458 = vector.shape_cast %swap3A_457 : vector<1x16xf32> to vector<16xf32>
        %swap3A_459 = vector.shape_cast %mul3A_454 : vector<16xf32> to vector<1x16xf32>
        tpu.vector_store %arg13[%swap3A_455, %swap3A_456], %swap3A_459 {strides = array<i32>} : memref<112x128xf32, #tpu.memory_space<vmem>>, vector<1x16xf32>,
        %get3A_460 = arith.index_cast %add3A_382 : i32 to index
        %get3A_461 = arith.constant 112 : index
        %get3A_462 = tpu.vector_load %arg13[%get3A_460, %get3A_461] {strides = array<i32>} : memref<112x128xf32, #tpu.memory_space<vmem>>, vector<1x16xf32>,
        %get3A_463 = vector.shape_cast %get3A_462 : vector<1x16xf32> to vector<16xf32>
        %mul3A_464 = vector.broadcast %squeeze3A_378 : f32 to vector<16xf32>
        %mul3A_465 = arith.mulf %get3A_463, %mul3A_464 : vector<16xf32>
        %swap3A_466 = arith.index_cast %add3A_382 : i32 to index
        %swap3A_467 = arith.constant 112 : index
        %swap3A_468 = tpu.vector_load %arg13[%swap3A_466, %swap3A_467] {strides = array<i32>} : memref<112x128xf32, #tpu.memory_space<vmem>>, vector<1x16xf32>,
        %swap3A_469 = vector.shape_cast %swap3A_468 : vector<1x16xf32> to vector<16xf32>
        %swap3A_470 = vector.shape_cast %mul3A_465 : vector<16xf32> to vector<1x16xf32>
        tpu.vector_store %arg13[%swap3A_466, %swap3A_467], %swap3A_470 {strides = array<i32>} : memref<112x128xf32, #tpu.memory_space<vmem>>, vector<1x16xf32>,
        %slice3A_471 = vector.extract_strided_slice %get3A_97 {offsets = [4], sizes = [1], strides = [1]} : vector<16xf32> to vector<1xf32>
        %squeeze3A_472 = vector.extract %slice3A_471[0] : f32 from vector<1xf32>
        %mul3A_473 = arith.constant 16 : i32
        %mul3A_474 = arith.muli %scan3A_90, %mul3A_473 : i32
        %add3A_475 = arith.constant 4 : i32
        %add3A_476 = arith.addi %mul3A_474, %add3A_475 : i32
        %get3A_477 = arith.index_cast %add3A_476 : i32 to index
        %get3A_478 = arith.constant 0 : index
        %get3A_479 = tpu.vector_load %arg13[%get3A_477, %get3A_478] {strides = array<i32>} : memref<112x128xf32, #tpu.memory_space<vmem>>, vector<1x16xf32>,
        %get3A_480 = vector.shape_cast %get3A_479 : vector<1x16xf32> to vector<16xf32>
        %mul3A_481 = vector.broadcast %squeeze3A_472 : f32 to vector<16xf32>
        %mul3A_482 = arith.mulf %get3A_480, %mul3A_481 : vector<16xf32>
        %swap3A_483 = arith.index_cast %add3A_476 : i32 to index
        %swap3A_484 = arith.constant 0 : index
        %swap3A_485 = tpu.vector_load %arg13[%swap3A_483, %swap3A_484] {strides = array<i32>} : memref<112x128xf32, #tpu.memory_space<vmem>>, vector<1x16xf32>,
        %swap3A_486 = vector.shape_cast %swap3A_485 : vector<1x16xf32> to vector<16xf32>
        %swap3A_487 = vector.shape_cast %mul3A_482 : vector<16xf32> to vector<1x16xf32>
        tpu.vector_store %arg13[%swap3A_483, %swap3A_484], %swap3A_487 {strides = array<i32>} : memref<112x128xf32, #tpu.memory_space<vmem>>, vector<1x16xf32>,
        %get3A_488 = arith.index_cast %add3A_476 : i32 to index
        %get3A_489 = arith.constant 16 : index
        %get3A_490 = tpu.vector_load %arg13[%get3A_488, %get3A_489] {strides = array<i32>} : memref<112x128xf32, #tpu.memory_space<vmem>>, vector<1x16xf32>,
        %get3A_491 = vector.shape_cast %get3A_490 : vector<1x16xf32> to vector<16xf32>
        %mul3A_492 = vector.broadcast %squeeze3A_472 : f32 to vector<16xf32>
        %mul3A_493 = arith.mulf %get3A_491, %mul3A_492 : vector<16xf32>
        %swap3A_494 = arith.index_cast %add3A_476 : i32 to index
        %swap3A_495 = arith.constant 16 : index
        %swap3A_496 = tpu.vector_load %arg13[%swap3A_494, %swap3A_495] {strides = array<i32>} : memref<112x128xf32, #tpu.memory_space<vmem>>, vector<1x16xf32>,
        %swap3A_497 = vector.shape_cast %swap3A_496 : vector<1x16xf32> to vector<16xf32>
        %swap3A_498 = vector.shape_cast %mul3A_493 : vector<16xf32> to vector<1x16xf32>
        tpu.vector_store %arg13[%swap3A_494, %swap3A_495], %swap3A_498 {strides = array<i32>} : memref<112x128xf32, #tpu.memory_space<vmem>>, vector<1x16xf32>,
        %get3A_499 = arith.index_cast %add3A_476 : i32 to index
        %get3A_500 = arith.constant 32 : index
        %get3A_501 = tpu.vector_load %arg13[%get3A_499, %get3A_500] {strides = array<i32>} : memref<112x128xf32, #tpu.memory_space<vmem>>, vector<1x16xf32>,
        %get3A_502 = vector.shape_cast %get3A_501 : vector<1x16xf32> to vector<16xf32>
        %mul3A_503 = vector.broadcast %squeeze3A_472 : f32 to vector<16xf32>
        %mul3A_504 = arith.mulf %get3A_502, %mul3A_503 : vector<16xf32>
        %swap3A_505 = arith.index_cast %add3A_476 : i32 to index
        %swap3A_506 = arith.constant 32 : index
        %swap3A_507 = tpu.vector_load %arg13[%swap3A_505, %swap3A_506] {strides = array<i32>} : memref<112x128xf32, #tpu.memory_space<vmem>>, vector<1x16xf32>,
        %swap3A_508 = vector.shape_cast %swap3A_507 : vector<1x16xf32> to vector<16xf32>
        %swap3A_509 = vector.shape_cast %mul3A_504 : vector<16xf32> to vector<1x16xf32>
        tpu.vector_store %arg13[%swap3A_505, %swap3A_506], %swap3A_509 {strides = array<i32>} : memref<112x128xf32, #tpu.memory_space<vmem>>, vector<1x16xf32>,
        %get3A_510 = arith.index_cast %add3A_476 : i32 to index
        %get3A_511 = arith.constant 48 : index
        %get3A_512 = tpu.vector_load %arg13[%get3A_510, %get3A_511] {strides = array<i32>} : memref<112x128xf32, #tpu.memory_space<vmem>>, vector<1x16xf32>,
        %get3A_513 = vector.shape_cast %get3A_512 : vector<1x16xf32> to vector<16xf32>
        %mul3A_514 = vector.broadcast %squeeze3A_472 : f32 to vector<16xf32>
        %mul3A_515 = arith.mulf %get3A_513, %mul3A_514 : vector<16xf32>
        %swap3A_516 = arith.index_cast %add3A_476 : i32 to index
        %swap3A_517 = arith.constant 48 : index
        %swap3A_518 = tpu.vector_load %arg13[%swap3A_516, %swap3A_517] {strides = array<i32>} : memref<112x128xf32, #tpu.memory_space<vmem>>, vector<1x16xf32>,
        %swap3A_519 = vector.shape_cast %swap3A_518 : vector<1x16xf32> to vector<16xf32>
        %swap3A_520 = vector.shape_cast %mul3A_515 : vector<16xf32> to vector<1x16xf32>
        tpu.vector_store %arg13[%swap3A_516, %swap3A_517], %swap3A_520 {strides = array<i32>} : memref<112x128xf32, #tpu.memory_space<vmem>>, vector<1x16xf32>,
        %get3A_521 = arith.index_cast %add3A_476 : i32 to index
        %get3A_522 = arith.constant 64 : index
        %get3A_523 = tpu.vector_load %arg13[%get3A_521, %get3A_522] {strides = array<i32>} : memref<112x128xf32, #tpu.memory_space<vmem>>, vector<1x16xf32>,
        %get3A_524 = vector.shape_cast %get3A_523 : vector<1x16xf32> to vector<16xf32>
        %mul3A_525 = vector.broadcast %squeeze3A_472 : f32 to vector<16xf32>
        %mul3A_526 = arith.mulf %get3A_524, %mul3A_525 : vector<16xf32>
        %swap3A_527 = arith.index_cast %add3A_476 : i32 to index
        %swap3A_528 = arith.constant 64 : index
        %swap3A_529 = tpu.vector_load %arg13[%swap3A_527, %swap3A_528] {strides = array<i32>} : memref<112x128xf32, #tpu.memory_space<vmem>>, vector<1x16xf32>,
        %swap3A_530 = vector.shape_cast %swap3A_529 : vector<1x16xf32> to vector<16xf32>
        %swap3A_531 = vector.shape_cast %mul3A_526 : vector<16xf32> to vector<1x16xf32>
        tpu.vector_store %arg13[%swap3A_527, %swap3A_528], %swap3A_531 {strides = array<i32>} : memref<112x128xf32, #tpu.memory_space<vmem>>, vector<1x16xf32>,
        %get3A_532 = arith.index_cast %add3A_476 : i32 to index
        %get3A_533 = arith.constant 80 : index
        %get3A_534 = tpu.vector_load %arg13[%get3A_532, %get3A_533] {strides = array<i32>} : memref<112x128xf32, #tpu.memory_space<vmem>>, vector<1x16xf32>,
        %get3A_535 = vector.shape_cast %get3A_534 : vector<1x16xf32> to vector<16xf32>
        %mul3A_536 = vector.broadcast %squeeze3A_472 : f32 to vector<16xf32>
        %mul3A_537 = arith.mulf %get3A_535, %mul3A_536 : vector<16xf32>
        %swap3A_538 = arith.index_cast %add3A_476 : i32 to index
        %swap3A_539 = arith.constant 80 : index
        %swap3A_540 = tpu.vector_load %arg13[%swap3A_538, %swap3A_539] {strides = array<i32>} : memref<112x128xf32, #tpu.memory_space<vmem>>, vector<1x16xf32>,
        %swap3A_541 = vector.shape_cast %swap3A_540 : vector<1x16xf32> to vector<16xf32>
        %swap3A_542 = vector.shape_cast %mul3A_537 : vector<16xf32> to vector<1x16xf32>
        tpu.vector_store %arg13[%swap3A_538, %swap3A_539], %swap3A_542 {strides = array<i32>} : memref<112x128xf32, #tpu.memory_space<vmem>>, vector<1x16xf32>,
        %get3A_543 = arith.index_cast %add3A_476 : i32 to index
        %get3A_544 = arith.constant 96 : index
        %get3A_545 = tpu.vector_load %arg13[%get3A_543, %get3A_544] {strides = array<i32>} : memref<112x128xf32, #tpu.memory_space<vmem>>, vector<1x16xf32>,
        %get3A_546 = vector.shape_cast %get3A_545 : vector<1x16xf32> to vector<16xf32>
        %mul3A_547 = vector.broadcast %squeeze3A_472 : f32 to vector<16xf32>
        %mul3A_548 = arith.mulf %get3A_546, %mul3A_547 : vector<16xf32>
        %swap3A_549 = arith.index_cast %add3A_476 : i32 to index
        %swap3A_550 = arith.constant 96 : index
        %swap3A_551 = tpu.vector_load %arg13[%swap3A_549, %swap3A_550] {strides = array<i32>} : memref<112x128xf32, #tpu.memory_space<vmem>>, vector<1x16xf32>,
        %swap3A_552 = vector.shape_cast %swap3A_551 : vector<1x16xf32> to vector<16xf32>
        %swap3A_553 = vector.shape_cast %mul3A_548 : vector<16xf32> to vector<1x16xf32>
        tpu.vector_store %arg13[%swap3A_549, %swap3A_550], %swap3A_553 {strides = array<i32>} : memref<112x128xf32, #tpu.memory_space<vmem>>, vector<1x16xf32>,
        %get3A_554 = arith.index_cast %add3A_476 : i32 to index
        %get3A_555 = arith.constant 112 : index
        %get3A_556 = tpu.vector_load %arg13[%get3A_554, %get3A_555] {strides = array<i32>} : memref<112x128xf32, #tpu.memory_space<vmem>>, vector<1x16xf32>,
        %get3A_557 = vector.shape_cast %get3A_556 : vector<1x16xf32> to vector<16xf32>
        %mul3A_558 = vector.broadcast %squeeze3A_472 : f32 to vector<16xf32>
        %mul3A_559 = arith.mulf %get3A_557, %mul3A_558 : vector<16xf32>
        %swap3A_560 = arith.index_cast %add3A_476 : i32 to index
        %swap3A_561 = arith.constant 112 : index
        %swap3A_562 = tpu.vector_load %arg13[%swap3A_560, %swap3A_561] {strides = array<i32>} : memref<112x128xf32, #tpu.memory_space<vmem>>, vector<1x16xf32>,
        %swap3A_563 = vector.shape_cast %swap3A_562 : vector<1x16xf32> to vector<16xf32>
        %swap3A_564 = vector.shape_cast %mul3A_559 : vector<16xf32> to vector<1x16xf32>
        tpu.vector_store %arg13[%swap3A_560, %swap3A_561], %swap3A_564 {strides = array<i32>} : memref<112x128xf32, #tpu.memory_space<vmem>>, vector<1x16xf32>,
        %slice3A_565 = vector.extract_strided_slice %get3A_97 {offsets = [5], sizes = [1], strides = [1]} : vector<16xf32> to vector<1xf32>
        %squeeze3A_566 = vector.extract %slice3A_565[0] : f32 from vector<1xf32>
        %mul3A_567 = arith.constant 16 : i32
        %mul3A_568 = arith.muli %scan3A_90, %mul3A_567 : i32
        %add3A_569 = arith.constant 5 : i32
        %add3A_570 = arith.addi %mul3A_568, %add3A_569 : i32
        %get3A_571 = arith.index_cast %add3A_570 : i32 to index
        %get3A_572 = arith.constant 0 : index
        %get3A_573 = tpu.vector_load %arg13[%get3A_571, %get3A_572] {strides = array<i32>} : memref<112x128xf32, #tpu.memory_space<vmem>>, vector<1x16xf32>,
        %get3A_574 = vector.shape_cast %get3A_573 : vector<1x16xf32> to vector<16xf32>
        %mul3A_575 = vector.broadcast %squeeze3A_566 : f32 to vector<16xf32>
        %mul3A_576 = arith.mulf %get3A_574, %mul3A_575 : vector<16xf32>
        %swap3A_577 = arith.index_cast %add3A_570 : i32 to index
        %swap3A_578 = arith.constant 0 : index
        %swap3A_579 = tpu.vector_load %arg13[%swap3A_577, %swap3A_578] {strides = array<i32>} : memref<112x128xf32, #tpu.memory_space<vmem>>, vector<1x16xf32>,
        %swap3A_580 = vector.shape_cast %swap3A_579 : vector<1x16xf32> to vector<16xf32>
        %swap3A_581 = vector.shape_cast %mul3A_576 : vector<16xf32> to vector<1x16xf32>
        tpu.vector_store %arg13[%swap3A_577, %swap3A_578], %swap3A_581 {strides = array<i32>} : memref<112x128xf32, #tpu.memory_space<vmem>>, vector<1x16xf32>,
        %get3A_582 = arith.index_cast %add3A_570 : i32 to index
        %get3A_583 = arith.constant 16 : index
        %get3A_584 = tpu.vector_load %arg13[%get3A_582, %get3A_583] {strides = array<i32>} : memref<112x128xf32, #tpu.memory_space<vmem>>, vector<1x16xf32>,
        %get3A_585 = vector.shape_cast %get3A_584 : vector<1x16xf32> to vector<16xf32>
        %mul3A_586 = vector.broadcast %squeeze3A_566 : f32 to vector<16xf32>
        %mul3A_587 = arith.mulf %get3A_585, %mul3A_586 : vector<16xf32>
        %swap3A_588 = arith.index_cast %add3A_570 : i32 to index
        %swap3A_589 = arith.constant 16 : index
        %swap3A_590 = tpu.vector_load %arg13[%swap3A_588, %swap3A_589] {strides = array<i32>} : memref<112x128xf32, #tpu.memory_space<vmem>>, vector<1x16xf32>,
        %swap3A_591 = vector.shape_cast %swap3A_590 : vector<1x16xf32> to vector<16xf32>
        %swap3A_592 = vector.shape_cast %mul3A_587 : vector<16xf32> to vector<1x16xf32>
        tpu.vector_store %arg13[%swap3A_588, %swap3A_589], %swap3A_592 {strides = array<i32>} : memref<112x128xf32, #tpu.memory_space<vmem>>, vector<1x16xf32>,
        %get3A_593 = arith.index_cast %add3A_570 : i32 to index
        %get3A_594 = arith.constant 32 : index
        %get3A_595 = tpu.vector_load %arg13[%get3A_593, %get3A_594] {strides = array<i32>} : memref<112x128xf32, #tpu.memory_space<vmem>>, vector<1x16xf32>,
        %get3A_596 = vector.shape_cast %get3A_595 : vector<1x16xf32> to vector<16xf32>
        %mul3A_597 = vector.broadcast %squeeze3A_566 : f32 to vector<16xf32>
        %mul3A_598 = arith.mulf %get3A_596, %mul3A_597 : vector<16xf32>
        %swap3A_599 = arith.index_cast %add3A_570 : i32 to index
        %swap3A_600 = arith.constant 32 : index
        %swap3A_601 = tpu.vector_load %arg13[%swap3A_599, %swap3A_600] {strides = array<i32>} : memref<112x128xf32, #tpu.memory_space<vmem>>, vector<1x16xf32>,
        %swap3A_602 = vector.shape_cast %swap3A_601 : vector<1x16xf32> to vector<16xf32>
        %swap3A_603 = vector.shape_cast %mul3A_598 : vector<16xf32> to vector<1x16xf32>
        tpu.vector_store %arg13[%swap3A_599, %swap3A_600], %swap3A_603 {strides = array<i32>} : memref<112x128xf32, #tpu.memory_space<vmem>>, vector<1x16xf32>,
        %get3A_604 = arith.index_cast %add3A_570 : i32 to index
        %get3A_605 = arith.constant 48 : index
        %get3A_606 = tpu.vector_load %arg13[%get3A_604, %get3A_605] {strides = array<i32>} : memref<112x128xf32, #tpu.memory_space<vmem>>, vector<1x16xf32>,
        %get3A_607 = vector.shape_cast %get3A_606 : vector<1x16xf32> to vector<16xf32>
        %mul3A_608 = vector.broadcast %squeeze3A_566 : f32 to vector<16xf32>
        %mul3A_609 = arith.mulf %get3A_607, %mul3A_608 : vector<16xf32>
        %swap3A_610 = arith.index_cast %add3A_570 : i32 to index
        %swap3A_611 = arith.constant 48 : index
        %swap3A_612 = tpu.vector_load %arg13[%swap3A_610, %swap3A_611] {strides = array<i32>} : memref<112x128xf32, #tpu.memory_space<vmem>>, vector<1x16xf32>,
        %swap3A_613 = vector.shape_cast %swap3A_612 : vector<1x16xf32> to vector<16xf32>
        %swap3A_614 = vector.shape_cast %mul3A_609 : vector<16xf32> to vector<1x16xf32>
        tpu.vector_store %arg13[%swap3A_610, %swap3A_611], %swap3A_614 {strides = array<i32>} : memref<112x128xf32, #tpu.memory_space<vmem>>, vector<1x16xf32>,
        %get3A_615 = arith.index_cast %add3A_570 : i32 to index
        %get3A_616 = arith.constant 64 : index
        %get3A_617 = tpu.vector_load %arg13[%get3A_615, %get3A_616] {strides = array<i32>} : memref<112x128xf32, #tpu.memory_space<vmem>>, vector<1x16xf32>,
        %get3A_618 = vector.shape_cast %get3A_617 : vector<1x16xf32> to vector<16xf32>
        %mul3A_619 = vector.broadcast %squeeze3A_566 : f32 to vector<16xf32>
        %mul3A_620 = arith.mulf %get3A_618, %mul3A_619 : vector<16xf32>
        %swap3A_621 = arith.index_cast %add3A_570 : i32 to index
        %swap3A_622 = arith.constant 64 : index
        %swap3A_623 = tpu.vector_load %arg13[%swap3A_621, %swap3A_622] {strides = array<i32>} : memref<112x128xf32, #tpu.memory_space<vmem>>, vector<1x16xf32>,
        %swap3A_624 = vector.shape_cast %swap3A_623 : vector<1x16xf32> to vector<16xf32>
        %swap3A_625 = vector.shape_cast %mul3A_620 : vector<16xf32> to vector<1x16xf32>
        tpu.vector_store %arg13[%swap3A_621, %swap3A_622], %swap3A_625 {strides = array<i32>} : memref<112x128xf32, #tpu.memory_space<vmem>>, vector<1x16xf32>,
        %get3A_626 = arith.index_cast %add3A_570 : i32 to index
        %get3A_627 = arith.constant 80 : index
        %get3A_628 = tpu.vector_load %arg13[%get3A_626, %get3A_627] {strides = array<i32>} : memref<112x128xf32, #tpu.memory_space<vmem>>, vector<1x16xf32>,
        %get3A_629 = vector.shape_cast %get3A_628 : vector<1x16xf32> to vector<16xf32>
        %mul3A_630 = vector.broadcast %squeeze3A_566 : f32 to vector<16xf32>
        %mul3A_631 = arith.mulf %get3A_629, %mul3A_630 : vector<16xf32>
        %swap3A_632 = arith.index_cast %add3A_570 : i32 to index
        %swap3A_633 = arith.constant 80 : index
        %swap3A_634 = tpu.vector_load %arg13[%swap3A_632, %swap3A_633] {strides = array<i32>} : memref<112x128xf32, #tpu.memory_space<vmem>>, vector<1x16xf32>,
        %swap3A_635 = vector.shape_cast %swap3A_634 : vector<1x16xf32> to vector<16xf32>
        %swap3A_636 = vector.shape_cast %mul3A_631 : vector<16xf32> to vector<1x16xf32>
        tpu.vector_store %arg13[%swap3A_632, %swap3A_633], %swap3A_636 {strides = array<i32>} : memref<112x128xf32, #tpu.memory_space<vmem>>, vector<1x16xf32>,
        %get3A_637 = arith.index_cast %add3A_570 : i32 to index
        %get3A_638 = arith.constant 96 : index
        %get3A_639 = tpu.vector_load %arg13[%get3A_637, %get3A_638] {strides = array<i32>} : memref<112x128xf32, #tpu.memory_space<vmem>>, vector<1x16xf32>,
        %get3A_640 = vector.shape_cast %get3A_639 : vector<1x16xf32> to vector<16xf32>
        %mul3A_641 = vector.broadcast %squeeze3A_566 : f32 to vector<16xf32>
        %mul3A_642 = arith.mulf %get3A_640, %mul3A_641 : vector<16xf32>
        %swap3A_643 = arith.index_cast %add3A_570 : i32 to index
        %swap3A_644 = arith.constant 96 : index
        %swap3A_645 = tpu.vector_load %arg13[%swap3A_643, %swap3A_644] {strides = array<i32>} : memref<112x128xf32, #tpu.memory_space<vmem>>, vector<1x16xf32>,
        %swap3A_646 = vector.shape_cast %swap3A_645 : vector<1x16xf32> to vector<16xf32>
        %swap3A_647 = vector.shape_cast %mul3A_642 : vector<16xf32> to vector<1x16xf32>
        tpu.vector_store %arg13[%swap3A_643, %swap3A_644], %swap3A_647 {strides = array<i32>} : memref<112x128xf32, #tpu.memory_space<vmem>>, vector<1x16xf32>,
        %get3A_648 = arith.index_cast %add3A_570 : i32 to index
        %get3A_649 = arith.constant 112 : index
        %get3A_650 = tpu.vector_load %arg13[%get3A_648, %get3A_649] {strides = array<i32>} : memref<112x128xf32, #tpu.memory_space<vmem>>, vector<1x16xf32>,
        %get3A_651 = vector.shape_cast %get3A_650 : vector<1x16xf32> to vector<16xf32>
        %mul3A_652 = vector.broadcast %squeeze3A_566 : f32 to vector<16xf32>
        %mul3A_653 = arith.mulf %get3A_651, %mul3A_652 : vector<16xf32>
        %swap3A_654 = arith.index_cast %add3A_570 : i32 to index
        %swap3A_655 = arith.constant 112 : index
        %swap3A_656 = tpu.vector_load %arg13[%swap3A_654, %swap3A_655] {strides = array<i32>} : memref<112x128xf32, #tpu.memory_space<vmem>>, vector<1x16xf32>,
        %swap3A_657 = vector.shape_cast %swap3A_656 : vector<1x16xf32> to vector<16xf32>
        %swap3A_658 = vector.shape_cast %mul3A_653 : vector<16xf32> to vector<1x16xf32>
        tpu.vector_store %arg13[%swap3A_654, %swap3A_655], %swap3A_658 {strides = array<i32>} : memref<112x128xf32, #tpu.memory_space<vmem>>, vector<1x16xf32>,
        %slice3A_659 = vector.extract_strided_slice %get3A_97 {offsets = [6], sizes = [1], strides = [1]} : vector<16xf32> to vector<1xf32>
        %squeeze3A_660 = vector.extract %slice3A_659[0] : f32 from vector<1xf32>
        %mul3A_661 = arith.constant 16 : i32
        %mul3A_662 = arith.muli %scan3A_90, %mul3A_661 : i32
        %add3A_663 = arith.constant 6 : i32
        %add3A_664 = arith.addi %mul3A_662, %add3A_663 : i32
        %get3A_665 = arith.index_cast %add3A_664 : i32 to index
        %get3A_666 = arith.constant 0 : index
        %get3A_667 = tpu.vector_load %arg13[%get3A_665, %get3A_666] {strides = array<i32>} : memref<112x128xf32, #tpu.memory_space<vmem>>, vector<1x16xf32>,
        %get3A_668 = vector.shape_cast %get3A_667 : vector<1x16xf32> to vector<16xf32>
        %mul3A_669 = vector.broadcast %squeeze3A_660 : f32 to vector<16xf32>
        %mul3A_670 = arith.mulf %get3A_668, %mul3A_669 : vector<16xf32>
        %swap3A_671 = arith.index_cast %add3A_664 : i32 to index
        %swap3A_672 = arith.constant 0 : index
        %swap3A_673 = tpu.vector_load %arg13[%swap3A_671, %swap3A_672] {strides = array<i32>} : memref<112x128xf32, #tpu.memory_space<vmem>>, vector<1x16xf32>,
        %swap3A_674 = vector.shape_cast %swap3A_673 : vector<1x16xf32> to vector<16xf32>
        %swap3A_675 = vector.shape_cast %mul3A_670 : vector<16xf32> to vector<1x16xf32>
        tpu.vector_store %arg13[%swap3A_671, %swap3A_672], %swap3A_675 {strides = array<i32>} : memref<112x128xf32, #tpu.memory_space<vmem>>, vector<1x16xf32>,
        %get3A_676 = arith.index_cast %add3A_664 : i32 to index
        %get3A_677 = arith.constant 16 : index
        %get3A_678 = tpu.vector_load %arg13[%get3A_676, %get3A_677] {strides = array<i32>} : memref<112x128xf32, #tpu.memory_space<vmem>>, vector<1x16xf32>,
        %get3A_679 = vector.shape_cast %get3A_678 : vector<1x16xf32> to vector<16xf32>
        %mul3A_680 = vector.broadcast %squeeze3A_660 : f32 to vector<16xf32>
        %mul3A_681 = arith.mulf %get3A_679, %mul3A_680 : vector<16xf32>
        %swap3A_682 = arith.index_cast %add3A_664 : i32 to index
        %swap3A_683 = arith.constant 16 : index
        %swap3A_684 = tpu.vector_load %arg13[%swap3A_682, %swap3A_683] {strides = array<i32>} : memref<112x128xf32, #tpu.memory_space<vmem>>, vector<1x16xf32>,
        %swap3A_685 = vector.shape_cast %swap3A_684 : vector<1x16xf32> to vector<16xf32>
        %swap3A_686 = vector.shape_cast %mul3A_681 : vector<16xf32> to vector<1x16xf32>
        tpu.vector_store %arg13[%swap3A_682, %swap3A_683], %swap3A_686 {strides = array<i32>} : memref<112x128xf32, #tpu.memory_space<vmem>>, vector<1x16xf32>,
        %get3A_687 = arith.index_cast %add3A_664 : i32 to index
        %get3A_688 = arith.constant 32 : index
        %get3A_689 = tpu.vector_load %arg13[%get3A_687, %get3A_688] {strides = array<i32>} : memref<112x128xf32, #tpu.memory_space<vmem>>, vector<1x16xf32>,
        %get3A_690 = vector.shape_cast %get3A_689 : vector<1x16xf32> to vector<16xf32>
        %mul3A_691 = vector.broadcast %squeeze3A_660 : f32 to vector<16xf32>
        %mul3A_692 = arith.mulf %get3A_690, %mul3A_691 : vector<16xf32>
        %swap3A_693 = arith.index_cast %add3A_664 : i32 to index
        %swap3A_694 = arith.constant 32 : index
        %swap3A_695 = tpu.vector_load %arg13[%swap3A_693, %swap3A_694] {strides = array<i32>} : memref<112x128xf32, #tpu.memory_space<vmem>>, vector<1x16xf32>,
        %swap3A_696 = vector.shape_cast %swap3A_695 : vector<1x16xf32> to vector<16xf32>
        %swap3A_697 = vector.shape_cast %mul3A_692 : vector<16xf32> to vector<1x16xf32>
        tpu.vector_store %arg13[%swap3A_693, %swap3A_694], %swap3A_697 {strides = array<i32>} : memref<112x128xf32, #tpu.memory_space<vmem>>, vector<1x16xf32>,
        %get3A_698 = arith.index_cast %add3A_664 : i32 to index
        %get3A_699 = arith.constant 48 : index
        %get3A_700 = tpu.vector_load %arg13[%get3A_698, %get3A_699] {strides = array<i32>} : memref<112x128xf32, #tpu.memory_space<vmem>>, vector<1x16xf32>,
        %get3A_701 = vector.shape_cast %get3A_700 : vector<1x16xf32> to vector<16xf32>
        %mul3A_702 = vector.broadcast %squeeze3A_660 : f32 to vector<16xf32>
        %mul3A_703 = arith.mulf %get3A_701, %mul3A_702 : vector<16xf32>
        %swap3A_704 = arith.index_cast %add3A_664 : i32 to index
        %swap3A_705 = arith.constant 48 : index
        %swap3A_706 = tpu.vector_load %arg13[%swap3A_704, %swap3A_705] {strides = array<i32>} : memref<112x128xf32, #tpu.memory_space<vmem>>, vector<1x16xf32>,
        %swap3A_707 = vector.shape_cast %swap3A_706 : vector<1x16xf32> to vector<16xf32>
        %swap3A_708 = vector.shape_cast %mul3A_703 : vector<16xf32> to vector<1x16xf32>
        tpu.vector_store %arg13[%swap3A_704, %swap3A_705], %swap3A_708 {strides = array<i32>} : memref<112x128xf32, #tpu.memory_space<vmem>>, vector<1x16xf32>,
        %get3A_709 = arith.index_cast %add3A_664 : i32 to index
        %get3A_710 = arith.constant 64 : index
        %get3A_711 = tpu.vector_load %arg13[%get3A_709, %get3A_710] {strides = array<i32>} : memref<112x128xf32, #tpu.memory_space<vmem>>, vector<1x16xf32>,
        %get3A_712 = vector.shape_cast %get3A_711 : vector<1x16xf32> to vector<16xf32>
        %mul3A_713 = vector.broadcast %squeeze3A_660 : f32 to vector<16xf32>
        %mul3A_714 = arith.mulf %get3A_712, %mul3A_713 : vector<16xf32>
        %swap3A_715 = arith.index_cast %add3A_664 : i32 to index
        %swap3A_716 = arith.constant 64 : index
        %swap3A_717 = tpu.vector_load %arg13[%swap3A_715, %swap3A_716] {strides = array<i32>} : memref<112x128xf32, #tpu.memory_space<vmem>>, vector<1x16xf32>,
        %swap3A_718 = vector.shape_cast %swap3A_717 : vector<1x16xf32> to vector<16xf32>
        %swap3A_719 = vector.shape_cast %mul3A_714 : vector<16xf32> to vector<1x16xf32>
        tpu.vector_store %arg13[%swap3A_715, %swap3A_716], %swap3A_719 {strides = array<i32>} : memref<112x128xf32, #tpu.memory_space<vmem>>, vector<1x16xf32>,
        %get3A_720 = arith.index_cast %add3A_664 : i32 to index
        %get3A_721 = arith.constant 80 : index
        %get3A_722 = tpu.vector_load %arg13[%get3A_720, %get3A_721] {strides = array<i32>} : memref<112x128xf32, #tpu.memory_space<vmem>>, vector<1x16xf32>,
        %get3A_723 = vector.shape_cast %get3A_722 : vector<1x16xf32> to vector<16xf32>
        %mul3A_724 = vector.broadcast %squeeze3A_660 : f32 to vector<16xf32>
        %mul3A_725 = arith.mulf %get3A_723, %mul3A_724 : vector<16xf32>
        %swap3A_726 = arith.index_cast %add3A_664 : i32 to index
        %swap3A_727 = arith.constant 80 : index
        %swap3A_728 = tpu.vector_load %arg13[%swap3A_726, %swap3A_727] {strides = array<i32>} : memref<112x128xf32, #tpu.memory_space<vmem>>, vector<1x16xf32>,
        %swap3A_729 = vector.shape_cast %swap3A_728 : vector<1x16xf32> to vector<16xf32>
        %swap3A_730 = vector.shape_cast %mul3A_725 : vector<16xf32> to vector<1x16xf32>
        tpu.vector_store %arg13[%swap3A_726, %swap3A_727], %swap3A_730 {strides = array<i32>} : memref<112x128xf32, #tpu.memory_space<vmem>>, vector<1x16xf32>,
        %get3A_731 = arith.index_cast %add3A_664 : i32 to index
        %get3A_732 = arith.constant 96 : index
        %get3A_733 = tpu.vector_load %arg13[%get3A_731, %get3A_732] {strides = array<i32>} : memref<112x128xf32, #tpu.memory_space<vmem>>, vector<1x16xf32>,
        %get3A_734 = vector.shape_cast %get3A_733 : vector<1x16xf32> to vector<16xf32>
        %mul3A_735 = vector.broadcast %squeeze3A_660 : f32 to vector<16xf32>
        %mul3A_736 = arith.mulf %get3A_734, %mul3A_735 : vector<16xf32>
        %swap3A_737 = arith.index_cast %add3A_664 : i32 to index
        %swap3A_738 = arith.constant 96 : index
        %swap3A_739 = tpu.vector_load %arg13[%swap3A_737, %swap3A_738] {strides = array<i32>} : memref<112x128xf32, #tpu.memory_space<vmem>>, vector<1x16xf32>,
        %swap3A_740 = vector.shape_cast %swap3A_739 : vector<1x16xf32> to vector<16xf32>
        %swap3A_741 = vector.shape_cast %mul3A_736 : vector<16xf32> to vector<1x16xf32>
        tpu.vector_store %arg13[%swap3A_737, %swap3A_738], %swap3A_741 {strides = array<i32>} : memref<112x128xf32, #tpu.memory_space<vmem>>, vector<1x16xf32>,
        %get3A_742 = arith.index_cast %add3A_664 : i32 to index
        %get3A_743 = arith.constant 112 : index
        %get3A_744 = tpu.vector_load %arg13[%get3A_742, %get3A_743] {strides = array<i32>} : memref<112x128xf32, #tpu.memory_space<vmem>>, vector<1x16xf32>,
        %get3A_745 = vector.shape_cast %get3A_744 : vector<1x16xf32> to vector<16xf32>
        %mul3A_746 = vector.broadcast %squeeze3A_660 : f32 to vector<16xf32>
        %mul3A_747 = arith.mulf %get3A_745, %mul3A_746 : vector<16xf32>
        %swap3A_748 = arith.index_cast %add3A_664 : i32 to index
        %swap3A_749 = arith.constant 112 : index
        %swap3A_750 = tpu.vector_load %arg13[%swap3A_748, %swap3A_749] {strides = array<i32>} : memref<112x128xf32, #tpu.memory_space<vmem>>, vector<1x16xf32>,
        %swap3A_751 = vector.shape_cast %swap3A_750 : vector<1x16xf32> to vector<16xf32>
        %swap3A_752 = vector.shape_cast %mul3A_747 : vector<16xf32> to vector<1x16xf32>
        tpu.vector_store %arg13[%swap3A_748, %swap3A_749], %swap3A_752 {strides = array<i32>} : memref<112x128xf32, #tpu.memory_space<vmem>>, vector<1x16xf32>,
        %slice3A_753 = vector.extract_strided_slice %get3A_97 {offsets = [7], sizes = [1], strides = [1]} : vector<16xf32> to vector<1xf32>
        %squeeze3A_754 = vector.extract %slice3A_753[0] : f32 from vector<1xf32>
        %mul3A_755 = arith.constant 16 : i32
        %mul3A_756 = arith.muli %scan3A_90, %mul3A_755 : i32
        %add3A_757 = arith.constant 7 : i32
        %add3A_758 = arith.addi %mul3A_756, %add3A_757 : i32
        %get3A_759 = arith.index_cast %add3A_758 : i32 to index
        %get3A_760 = arith.constant 0 : index
        %get3A_761 = tpu.vector_load %arg13[%get3A_759, %get3A_760] {strides = array<i32>} : memref<112x128xf32, #tpu.memory_space<vmem>>, vector<1x16xf32>,
        %get3A_762 = vector.shape_cast %get3A_761 : vector<1x16xf32> to vector<16xf32>
        %mul3A_763 = vector.broadcast %squeeze3A_754 : f32 to vector<16xf32>
        %mul3A_764 = arith.mulf %get3A_762, %mul3A_763 : vector<16xf32>
        %swap3A_765 = arith.index_cast %add3A_758 : i32 to index
        %swap3A_766 = arith.constant 0 : index
        %swap3A_767 = tpu.vector_load %arg13[%swap3A_765, %swap3A_766] {strides = array<i32>} : memref<112x128xf32, #tpu.memory_space<vmem>>, vector<1x16xf32>,
        %swap3A_768 = vector.shape_cast %swap3A_767 : vector<1x16xf32> to vector<16xf32>
        %swap3A_769 = vector.shape_cast %mul3A_764 : vector<16xf32> to vector<1x16xf32>
        tpu.vector_store %arg13[%swap3A_765, %swap3A_766], %swap3A_769 {strides = array<i32>} : memref<112x128xf32, #tpu.memory_space<vmem>>, vector<1x16xf32>,
        %get3A_770 = arith.index_cast %add3A_758 : i32 to index
        %get3A_771 = arith.constant 16 : index
        %get3A_772 = tpu.vector_load %arg13[%get3A_770, %get3A_771] {strides = array<i32>} : memref<112x128xf32, #tpu.memory_space<vmem>>, vector<1x16xf32>,
        %get3A_773 = vector.shape_cast %get3A_772 : vector<1x16xf32> to vector<16xf32>
        %mul3A_774 = vector.broadcast %squeeze3A_754 : f32 to vector<16xf32>
        %mul3A_775 = arith.mulf %get3A_773, %mul3A_774 : vector<16xf32>
        %swap3A_776 = arith.index_cast %add3A_758 : i32 to index
        %swap3A_777 = arith.constant 16 : index
        %swap3A_778 = tpu.vector_load %arg13[%swap3A_776, %swap3A_777] {strides = array<i32>} : memref<112x128xf32, #tpu.memory_space<vmem>>, vector<1x16xf32>,
        %swap3A_779 = vector.shape_cast %swap3A_778 : vector<1x16xf32> to vector<16xf32>
        %swap3A_780 = vector.shape_cast %mul3A_775 : vector<16xf32> to vector<1x16xf32>
        tpu.vector_store %arg13[%swap3A_776, %swap3A_777], %swap3A_780 {strides = array<i32>} : memref<112x128xf32, #tpu.memory_space<vmem>>, vector<1x16xf32>,
        %get3A_781 = arith.index_cast %add3A_758 : i32 to index
        %get3A_782 = arith.constant 32 : index
        %get3A_783 = tpu.vector_load %arg13[%get3A_781, %get3A_782] {strides = array<i32>} : memref<112x128xf32, #tpu.memory_space<vmem>>, vector<1x16xf32>,
        %get3A_784 = vector.shape_cast %get3A_783 : vector<1x16xf32> to vector<16xf32>
        %mul3A_785 = vector.broadcast %squeeze3A_754 : f32 to vector<16xf32>
        %mul3A_786 = arith.mulf %get3A_784, %mul3A_785 : vector<16xf32>
        %swap3A_787 = arith.index_cast %add3A_758 : i32 to index
        %swap3A_788 = arith.constant 32 : index
        %swap3A_789 = tpu.vector_load %arg13[%swap3A_787, %swap3A_788] {strides = array<i32>} : memref<112x128xf32, #tpu.memory_space<vmem>>, vector<1x16xf32>,
        %swap3A_790 = vector.shape_cast %swap3A_789 : vector<1x16xf32> to vector<16xf32>
        %swap3A_791 = vector.shape_cast %mul3A_786 : vector<16xf32> to vector<1x16xf32>
        tpu.vector_store %arg13[%swap3A_787, %swap3A_788], %swap3A_791 {strides = array<i32>} : memref<112x128xf32, #tpu.memory_space<vmem>>, vector<1x16xf32>,
        %get3A_792 = arith.index_cast %add3A_758 : i32 to index
        %get3A_793 = arith.constant 48 : index
        %get3A_794 = tpu.vector_load %arg13[%get3A_792, %get3A_793] {strides = array<i32>} : memref<112x128xf32, #tpu.memory_space<vmem>>, vector<1x16xf32>,
        %get3A_795 = vector.shape_cast %get3A_794 : vector<1x16xf32> to vector<16xf32>
        %mul3A_796 = vector.broadcast %squeeze3A_754 : f32 to vector<16xf32>
        %mul3A_797 = arith.mulf %get3A_795, %mul3A_796 : vector<16xf32>
        %swap3A_798 = arith.index_cast %add3A_758 : i32 to index
        %swap3A_799 = arith.constant 48 : index
        %swap3A_800 = tpu.vector_load %arg13[%swap3A_798, %swap3A_799] {strides = array<i32>} : memref<112x128xf32, #tpu.memory_space<vmem>>, vector<1x16xf32>,
        %swap3A_801 = vector.shape_cast %swap3A_800 : vector<1x16xf32> to vector<16xf32>
        %swap3A_802 = vector.shape_cast %mul3A_797 : vector<16xf32> to vector<1x16xf32>
        tpu.vector_store %arg13[%swap3A_798, %swap3A_799], %swap3A_802 {strides = array<i32>} : memref<112x128xf32, #tpu.memory_space<vmem>>, vector<1x16xf32>,
        %get3A_803 = arith.index_cast %add3A_758 : i32 to index
        %get3A_804 = arith.constant 64 : index
        %get3A_805 = tpu.vector_load %arg13[%get3A_803, %get3A_804] {strides = array<i32>} : memref<112x128xf32, #tpu.memory_space<vmem>>, vector<1x16xf32>,
        %get3A_806 = vector.shape_cast %get3A_805 : vector<1x16xf32> to vector<16xf32>
        %mul3A_807 = vector.broadcast %squeeze3A_754 : f32 to vector<16xf32>
        %mul3A_808 = arith.mulf %get3A_806, %mul3A_807 : vector<16xf32>
        %swap3A_809 = arith.index_cast %add3A_758 : i32 to index
        %swap3A_810 = arith.constant 64 : index
        %swap3A_811 = tpu.vector_load %arg13[%swap3A_809, %swap3A_810] {strides = array<i32>} : memref<112x128xf32, #tpu.memory_space<vmem>>, vector<1x16xf32>,
        %swap3A_812 = vector.shape_cast %swap3A_811 : vector<1x16xf32> to vector<16xf32>
        %swap3A_813 = vector.shape_cast %mul3A_808 : vector<16xf32> to vector<1x16xf32>
        tpu.vector_store %arg13[%swap3A_809, %swap3A_810], %swap3A_813 {strides = array<i32>} : memref<112x128xf32, #tpu.memory_space<vmem>>, vector<1x16xf32>,
        %get3A_814 = arith.index_cast %add3A_758 : i32 to index
        %get3A_815 = arith.constant 80 : index
        %get3A_816 = tpu.vector_load %arg13[%get3A_814, %get3A_815] {strides = array<i32>} : memref<112x128xf32, #tpu.memory_space<vmem>>, vector<1x16xf32>,
        %get3A_817 = vector.shape_cast %get3A_816 : vector<1x16xf32> to vector<16xf32>
        %mul3A_818 = vector.broadcast %squeeze3A_754 : f32 to vector<16xf32>
        %mul3A_819 = arith.mulf %get3A_817, %mul3A_818 : vector<16xf32>
        %swap3A_820 = arith.index_cast %add3A_758 : i32 to index
        %swap3A_821 = arith.constant 80 : index
        %swap3A_822 = tpu.vector_load %arg13[%swap3A_820, %swap3A_821] {strides = array<i32>} : memref<112x128xf32, #tpu.memory_space<vmem>>, vector<1x16xf32>,
        %swap3A_823 = vector.shape_cast %swap3A_822 : vector<1x16xf32> to vector<16xf32>
        %swap3A_824 = vector.shape_cast %mul3A_819 : vector<16xf32> to vector<1x16xf32>
        tpu.vector_store %arg13[%swap3A_820, %swap3A_821], %swap3A_824 {strides = array<i32>} : memref<112x128xf32, #tpu.memory_space<vmem>>, vector<1x16xf32>,
        %get3A_825 = arith.index_cast %add3A_758 : i32 to index
        %get3A_826 = arith.constant 96 : index
        %get3A_827 = tpu.vector_load %arg13[%get3A_825, %get3A_826] {strides = array<i32>} : memref<112x128xf32, #tpu.memory_space<vmem>>, vector<1x16xf32>,
        %get3A_828 = vector.shape_cast %get3A_827 : vector<1x16xf32> to vector<16xf32>
        %mul3A_829 = vector.broadcast %squeeze3A_754 : f32 to vector<16xf32>
        %mul3A_830 = arith.mulf %get3A_828, %mul3A_829 : vector<16xf32>
        %swap3A_831 = arith.index_cast %add3A_758 : i32 to index
        %swap3A_832 = arith.constant 96 : index
        %swap3A_833 = tpu.vector_load %arg13[%swap3A_831, %swap3A_832] {strides = array<i32>} : memref<112x128xf32, #tpu.memory_space<vmem>>, vector<1x16xf32>,
        %swap3A_834 = vector.shape_cast %swap3A_833 : vector<1x16xf32> to vector<16xf32>
        %swap3A_835 = vector.shape_cast %mul3A_830 : vector<16xf32> to vector<1x16xf32>
        tpu.vector_store %arg13[%swap3A_831, %swap3A_832], %swap3A_835 {strides = array<i32>} : memref<112x128xf32, #tpu.memory_space<vmem>>, vector<1x16xf32>,
        %get3A_836 = arith.index_cast %add3A_758 : i32 to index
        %get3A_837 = arith.constant 112 : index
        %get3A_838 = tpu.vector_load %arg13[%get3A_836, %get3A_837] {strides = array<i32>} : memref<112x128xf32, #tpu.memory_space<vmem>>, vector<1x16xf32>,
        %get3A_839 = vector.shape_cast %get3A_838 : vector<1x16xf32> to vector<16xf32>
        %mul3A_840 = vector.broadcast %squeeze3A_754 : f32 to vector<16xf32>
        %mul3A_841 = arith.mulf %get3A_839, %mul3A_840 : vector<16xf32>
        %swap3A_842 = arith.index_cast %add3A_758 : i32 to index
        %swap3A_843 = arith.constant 112 : index
        %swap3A_844 = tpu.vector_load %arg13[%swap3A_842, %swap3A_843] {strides = array<i32>} : memref<112x128xf32, #tpu.memory_space<vmem>>, vector<1x16xf32>,
        %swap3A_845 = vector.shape_cast %swap3A_844 : vector<1x16xf32> to vector<16xf32>
        %swap3A_846 = vector.shape_cast %mul3A_841 : vector<16xf32> to vector<1x16xf32>
        tpu.vector_store %arg13[%swap3A_842, %swap3A_843], %swap3A_846 {strides = array<i32>} : memref<112x128xf32, #tpu.memory_space<vmem>>, vector<1x16xf32>,
        %slice3A_847 = vector.extract_strided_slice %get3A_97 {offsets = [8], sizes = [1], strides = [1]} : vector<16xf32> to vector<1xf32>
        %squeeze3A_848 = vector.extract %slice3A_847[0] : f32 from vector<1xf32>
        %mul3A_849 = arith.constant 16 : i32
        %mul3A_850 = arith.muli %scan3A_90, %mul3A_849 : i32
        %add3A_851 = arith.constant 8 : i32
        %add3A_852 = arith.addi %mul3A_850, %add3A_851 : i32
        %get3A_853 = arith.index_cast %add3A_852 : i32 to index
        %get3A_854 = arith.constant 0 : index
        %get3A_855 = tpu.vector_load %arg13[%get3A_853, %get3A_854] {strides = array<i32>} : memref<112x128xf32, #tpu.memory_space<vmem>>, vector<1x16xf32>,
        %get3A_856 = vector.shape_cast %get3A_855 : vector<1x16xf32> to vector<16xf32>
        %mul3A_857 = vector.broadcast %squeeze3A_848 : f32 to vector<16xf32>
        %mul3A_858 = arith.mulf %get3A_856, %mul3A_857 : vector<16xf32>
        %swap3A_859 = arith.index_cast %add3A_852 : i32 to index
        %swap3A_860 = arith.constant 0 : index
        %swap3A_861 = tpu.vector_load %arg13[%swap3A_859, %swap3A_860] {strides = array<i32>} : memref<112x128xf32, #tpu.memory_space<vmem>>, vector<1x16xf32>,
        %swap3A_862 = vector.shape_cast %swap3A_861 : vector<1x16xf32> to vector<16xf32>
        %swap3A_863 = vector.shape_cast %mul3A_858 : vector<16xf32> to vector<1x16xf32>
        tpu.vector_store %arg13[%swap3A_859, %swap3A_860], %swap3A_863 {strides = array<i32>} : memref<112x128xf32, #tpu.memory_space<vmem>>, vector<1x16xf32>,
        %get3A_864 = arith.index_cast %add3A_852 : i32 to index
        %get3A_865 = arith.constant 16 : index
        %get3A_866 = tpu.vector_load %arg13[%get3A_864, %get3A_865] {strides = array<i32>} : memref<112x128xf32, #tpu.memory_space<vmem>>, vector<1x16xf32>,
        %get3A_867 = vector.shape_cast %get3A_866 : vector<1x16xf32> to vector<16xf32>
        %mul3A_868 = vector.broadcast %squeeze3A_848 : f32 to vector<16xf32>
        %mul3A_869 = arith.mulf %get3A_867, %mul3A_868 : vector<16xf32>
        %swap3A_870 = arith.index_cast %add3A_852 : i32 to index
        %swap3A_871 = arith.constant 16 : index
        %swap3A_872 = tpu.vector_load %arg13[%swap3A_870, %swap3A_871] {strides = array<i32>} : memref<112x128xf32, #tpu.memory_space<vmem>>, vector<1x16xf32>,
        %swap3A_873 = vector.shape_cast %swap3A_872 : vector<1x16xf32> to vector<16xf32>
        %swap3A_874 = vector.shape_cast %mul3A_869 : vector<16xf32> to vector<1x16xf32>
        tpu.vector_store %arg13[%swap3A_870, %swap3A_871], %swap3A_874 {strides = array<i32>} : memref<112x128xf32, #tpu.memory_space<vmem>>, vector<1x16xf32>,
        %get3A_875 = arith.index_cast %add3A_852 : i32 to index
        %get3A_876 = arith.constant 32 : index
        %get3A_877 = tpu.vector_load %arg13[%get3A_875, %get3A_876] {strides = array<i32>} : memref<112x128xf32, #tpu.memory_space<vmem>>, vector<1x16xf32>,
        %get3A_878 = vector.shape_cast %get3A_877 : vector<1x16xf32> to vector<16xf32>
        %mul3A_879 = vector.broadcast %squeeze3A_848 : f32 to vector<16xf32>
        %mul3A_880 = arith.mulf %get3A_878, %mul3A_879 : vector<16xf32>
        %swap3A_881 = arith.index_cast %add3A_852 : i32 to index
        %swap3A_882 = arith.constant 32 : index
        %swap3A_883 = tpu.vector_load %arg13[%swap3A_881, %swap3A_882] {strides = array<i32>} : memref<112x128xf32, #tpu.memory_space<vmem>>, vector<1x16xf32>,
        %swap3A_884 = vector.shape_cast %swap3A_883 : vector<1x16xf32> to vector<16xf32>
        %swap3A_885 = vector.shape_cast %mul3A_880 : vector<16xf32> to vector<1x16xf32>
        tpu.vector_store %arg13[%swap3A_881, %swap3A_882], %swap3A_885 {strides = array<i32>} : memref<112x128xf32, #tpu.memory_space<vmem>>, vector<1x16xf32>,
        %get3A_886 = arith.index_cast %add3A_852 : i32 to index
        %get3A_887 = arith.constant 48 : index
        %get3A_888 = tpu.vector_load %arg13[%get3A_886, %get3A_887] {strides = array<i32>} : memref<112x128xf32, #tpu.memory_space<vmem>>, vector<1x16xf32>,
        %get3A_889 = vector.shape_cast %get3A_888 : vector<1x16xf32> to vector<16xf32>
        %mul3A_890 = vector.broadcast %squeeze3A_848 : f32 to vector<16xf32>
        %mul3A_891 = arith.mulf %get3A_889, %mul3A_890 : vector<16xf32>
        %swap3A_892 = arith.index_cast %add3A_852 : i32 to index
        %swap3A_893 = arith.constant 48 : index
        %swap3A_894 = tpu.vector_load %arg13[%swap3A_892, %swap3A_893] {strides = array<i32>} : memref<112x128xf32, #tpu.memory_space<vmem>>, vector<1x16xf32>,
        %swap3A_895 = vector.shape_cast %swap3A_894 : vector<1x16xf32> to vector<16xf32>
        %swap3A_896 = vector.shape_cast %mul3A_891 : vector<16xf32> to vector<1x16xf32>
        tpu.vector_store %arg13[%swap3A_892, %swap3A_893], %swap3A_896 {strides = array<i32>} : memref<112x128xf32, #tpu.memory_space<vmem>>, vector<1x16xf32>,
        %get3A_897 = arith.index_cast %add3A_852 : i32 to index
        %get3A_898 = arith.constant 64 : index
        %get3A_899 = tpu.vector_load %arg13[%get3A_897, %get3A_898] {strides = array<i32>} : memref<112x128xf32, #tpu.memory_space<vmem>>, vector<1x16xf32>,
        %get3A_900 = vector.shape_cast %get3A_899 : vector<1x16xf32> to vector<16xf32>
        %mul3A_901 = vector.broadcast %squeeze3A_848 : f32 to vector<16xf32>
        %mul3A_902 = arith.mulf %get3A_900, %mul3A_901 : vector<16xf32>
        %swap3A_903 = arith.index_cast %add3A_852 : i32 to index
        %swap3A_904 = arith.constant 64 : index
        %swap3A_905 = tpu.vector_load %arg13[%swap3A_903, %swap3A_904] {strides = array<i32>} : memref<112x128xf32, #tpu.memory_space<vmem>>, vector<1x16xf32>,
        %swap3A_906 = vector.shape_cast %swap3A_905 : vector<1x16xf32> to vector<16xf32>
        %swap3A_907 = vector.shape_cast %mul3A_902 : vector<16xf32> to vector<1x16xf32>
        tpu.vector_store %arg13[%swap3A_903, %swap3A_904], %swap3A_907 {strides = array<i32>} : memref<112x128xf32, #tpu.memory_space<vmem>>, vector<1x16xf32>,
        %get3A_908 = arith.index_cast %add3A_852 : i32 to index
        %get3A_909 = arith.constant 80 : index
        %get3A_910 = tpu.vector_load %arg13[%get3A_908, %get3A_909] {strides = array<i32>} : memref<112x128xf32, #tpu.memory_space<vmem>>, vector<1x16xf32>,
        %get3A_911 = vector.shape_cast %get3A_910 : vector<1x16xf32> to vector<16xf32>
        %mul3A_912 = vector.broadcast %squeeze3A_848 : f32 to vector<16xf32>
        %mul3A_913 = arith.mulf %get3A_911, %mul3A_912 : vector<16xf32>
        %swap3A_914 = arith.index_cast %add3A_852 : i32 to index
        %swap3A_915 = arith.constant 80 : index
        %swap3A_916 = tpu.vector_load %arg13[%swap3A_914, %swap3A_915] {strides = array<i32>} : memref<112x128xf32, #tpu.memory_space<vmem>>, vector<1x16xf32>,
        %swap3A_917 = vector.shape_cast %swap3A_916 : vector<1x16xf32> to vector<16xf32>
        %swap3A_918 = vector.shape_cast %mul3A_913 : vector<16xf32> to vector<1x16xf32>
        tpu.vector_store %arg13[%swap3A_914, %swap3A_915], %swap3A_918 {strides = array<i32>} : memref<112x128xf32, #tpu.memory_space<vmem>>, vector<1x16xf32>,
        %get3A_919 = arith.index_cast %add3A_852 : i32 to index
        %get3A_920 = arith.constant 96 : index
        %get3A_921 = tpu.vector_load %arg13[%get3A_919, %get3A_920] {strides = array<i32>} : memref<112x128xf32, #tpu.memory_space<vmem>>, vector<1x16xf32>,
        %get3A_922 = vector.shape_cast %get3A_921 : vector<1x16xf32> to vector<16xf32>
        %mul3A_923 = vector.broadcast %squeeze3A_848 : f32 to vector<16xf32>
        %mul3A_924 = arith.mulf %get3A_922, %mul3A_923 : vector<16xf32>
        %swap3A_925 = arith.index_cast %add3A_852 : i32 to index
        %swap3A_926 = arith.constant 96 : index
        %swap3A_927 = tpu.vector_load %arg13[%swap3A_925, %swap3A_926] {strides = array<i32>} : memref<112x128xf32, #tpu.memory_space<vmem>>, vector<1x16xf32>,
        %swap3A_928 = vector.shape_cast %swap3A_927 : vector<1x16xf32> to vector<16xf32>
        %swap3A_929 = vector.shape_cast %mul3A_924 : vector<16xf32> to vector<1x16xf32>
        tpu.vector_store %arg13[%swap3A_925, %swap3A_926], %swap3A_929 {strides = array<i32>} : memref<112x128xf32, #tpu.memory_space<vmem>>, vector<1x16xf32>,
        %get3A_930 = arith.index_cast %add3A_852 : i32 to index
        %get3A_931 = arith.constant 112 : index
        %get3A_932 = tpu.vector_load %arg13[%get3A_930, %get3A_931] {strides = array<i32>} : memref<112x128xf32, #tpu.memory_space<vmem>>, vector<1x16xf32>,
        %get3A_933 = vector.shape_cast %get3A_932 : vector<1x16xf32> to vector<16xf32>
        %mul3A_934 = vector.broadcast %squeeze3A_848 : f32 to vector<16xf32>
        %mul3A_935 = arith.mulf %get3A_933, %mul3A_934 : vector<16xf32>
        %swap3A_936 = arith.index_cast %add3A_852 : i32 to index
        %swap3A_937 = arith.constant 112 : index
        %swap3A_938 = tpu.vector_load %arg13[%swap3A_936, %swap3A_937] {strides = array<i32>} : memref<112x128xf32, #tpu.memory_space<vmem>>, vector<1x16xf32>,
        %swap3A_939 = vector.shape_cast %swap3A_938 : vector<1x16xf32> to vector<16xf32>
        %swap3A_940 = vector.shape_cast %mul3A_935 : vector<16xf32> to vector<1x16xf32>
        tpu.vector_store %arg13[%swap3A_936, %swap3A_937], %swap3A_940 {strides = array<i32>} : memref<112x128xf32, #tpu.memory_space<vmem>>, vector<1x16xf32>,
        %slice3A_941 = vector.extract_strided_slice %get3A_97 {offsets = [9], sizes = [1], strides = [1]} : vector<16xf32> to vector<1xf32>
        %squeeze3A_942 = vector.extract %slice3A_941[0] : f32 from vector<1xf32>
        %mul3A_943 = arith.constant 16 : i32
        %mul3A_944 = arith.muli %scan3A_90, %mul3A_943 : i32
        %add3A_945 = arith.constant 9 : i32
        %add3A_946 = arith.addi %mul3A_944, %add3A_945 : i32
        %get3A_947 = arith.index_cast %add3A_946 : i32 to index
        %get3A_948 = arith.constant 0 : index
        %get3A_949 = tpu.vector_load %arg13[%get3A_947, %get3A_948] {strides = array<i32>} : memref<112x128xf32, #tpu.memory_space<vmem>>, vector<1x16xf32>,
        %get3A_950 = vector.shape_cast %get3A_949 : vector<1x16xf32> to vector<16xf32>
        %mul3A_951 = vector.broadcast %squeeze3A_942 : f32 to vector<16xf32>
        %mul3A_952 = arith.mulf %get3A_950, %mul3A_951 : vector<16xf32>
        %swap3A_953 = arith.index_cast %add3A_946 : i32 to index
        %swap3A_954 = arith.constant 0 : index
        %swap3A_955 = tpu.vector_load %arg13[%swap3A_953, %swap3A_954] {strides = array<i32>} : memref<112x128xf32, #tpu.memory_space<vmem>>, vector<1x16xf32>,
        %swap3A_956 = vector.shape_cast %swap3A_955 : vector<1x16xf32> to vector<16xf32>
        %swap3A_957 = vector.shape_cast %mul3A_952 : vector<16xf32> to vector<1x16xf32>
        tpu.vector_store %arg13[%swap3A_953, %swap3A_954], %swap3A_957 {strides = array<i32>} : memref<112x128xf32, #tpu.memory_space<vmem>>, vector<1x16xf32>,
        %get3A_958 = arith.index_cast %add3A_946 : i32 to index
        %get3A_959 = arith.constant 16 : index
        %get3A_960 = tpu.vector_load %arg13[%get3A_958, %get3A_959] {strides = array<i32>} : memref<112x128xf32, #tpu.memory_space<vmem>>, vector<1x16xf32>,
        %get3A_961 = vector.shape_cast %get3A_960 : vector<1x16xf32> to vector<16xf32>
        %mul3A_962 = vector.broadcast %squeeze3A_942 : f32 to vector<16xf32>
        %mul3A_963 = arith.mulf %get3A_961, %mul3A_962 : vector<16xf32>
        %swap3A_964 = arith.index_cast %add3A_946 : i32 to index
        %swap3A_965 = arith.constant 16 : index
        %swap3A_966 = tpu.vector_load %arg13[%swap3A_964, %swap3A_965] {strides = array<i32>} : memref<112x128xf32, #tpu.memory_space<vmem>>, vector<1x16xf32>,
        %swap3A_967 = vector.shape_cast %swap3A_966 : vector<1x16xf32> to vector<16xf32>
        %swap3A_968 = vector.shape_cast %mul3A_963 : vector<16xf32> to vector<1x16xf32>
        tpu.vector_store %arg13[%swap3A_964, %swap3A_965], %swap3A_968 {strides = array<i32>} : memref<112x128xf32, #tpu.memory_space<vmem>>, vector<1x16xf32>,
        %get3A_969 = arith.index_cast %add3A_946 : i32 to index
        %get3A_970 = arith.constant 32 : index
        %get3A_971 = tpu.vector_load %arg13[%get3A_969, %get3A_970] {strides = array<i32>} : memref<112x128xf32, #tpu.memory_space<vmem>>, vector<1x16xf32>,
        %get3A_972 = vector.shape_cast %get3A_971 : vector<1x16xf32> to vector<16xf32>
        %mul3A_973 = vector.broadcast %squeeze3A_942 : f32 to vector<16xf32>
        %mul3A_974 = arith.mulf %get3A_972, %mul3A_973 : vector<16xf32>
        %swap3A_975 = arith.index_cast %add3A_946 : i32 to index
        %swap3A_976 = arith.constant 32 : index
        %swap3A_977 = tpu.vector_load %arg13[%swap3A_975, %swap3A_976] {strides = array<i32>} : memref<112x128xf32, #tpu.memory_space<vmem>>, vector<1x16xf32>,
        %swap3A_978 = vector.shape_cast %swap3A_977 : vector<1x16xf32> to vector<16xf32>
        %swap3A_979 = vector.shape_cast %mul3A_974 : vector<16xf32> to vector<1x16xf32>
        tpu.vector_store %arg13[%swap3A_975, %swap3A_976], %swap3A_979 {strides = array<i32>} : memref<112x128xf32, #tpu.memory_space<vmem>>, vector<1x16xf32>,
        %get3A_980 = arith.index_cast %add3A_946 : i32 to index
        %get3A_981 = arith.constant 48 : index
        %get3A_982 = tpu.vector_load %arg13[%get3A_980, %get3A_981] {strides = array<i32>} : memref<112x128xf32, #tpu.memory_space<vmem>>, vector<1x16xf32>,
        %get3A_983 = vector.shape_cast %get3A_982 : vector<1x16xf32> to vector<16xf32>
        %mul3A_984 = vector.broadcast %squeeze3A_942 : f32 to vector<16xf32>
        %mul3A_985 = arith.mulf %get3A_983, %mul3A_984 : vector<16xf32>
        %swap3A_986 = arith.index_cast %add3A_946 : i32 to index
        %swap3A_987 = arith.constant 48 : index
        %swap3A_988 = tpu.vector_load %arg13[%swap3A_986, %swap3A_987] {strides = array<i32>} : memref<112x128xf32, #tpu.memory_space<vmem>>, vector<1x16xf32>,
        %swap3A_989 = vector.shape_cast %swap3A_988 : vector<1x16xf32> to vector<16xf32>
        %swap3A_990 = vector.shape_cast %mul3A_985 : vector<16xf32> to vector<1x16xf32>
        tpu.vector_store %arg13[%swap3A_986, %swap3A_987], %swap3A_990 {strides = array<i32>} : memref<112x128xf32, #tpu.memory_space<vmem>>, vector<1x16xf32>,
        %get3A_991 = arith.index_cast %add3A_946 : i32 to index
        %get3A_992 = arith.constant 64 : index
        %get3A_993 = tpu.vector_load %arg13[%get3A_991, %get3A_992] {strides = array<i32>} : memref<112x128xf32, #tpu.memory_space<vmem>>, vector<1x16xf32>,
        %get3A_994 = vector.shape_cast %get3A_993 : vector<1x16xf32> to vector<16xf32>
        %mul3A_995 = vector.broadcast %squeeze3A_942 : f32 to vector<16xf32>
        %mul3A_996 = arith.mulf %get3A_994, %mul3A_995 : vector<16xf32>
        %swap3A_997 = arith.index_cast %add3A_946 : i32 to index
        %swap3A_998 = arith.constant 64 : index
        %swap3A_999 = tpu.vector_load %arg13[%swap3A_997, %swap3A_998] {strides = array<i32>} : memref<112x128xf32, #tpu.memory_space<vmem>>, vector<1x16xf32>,
        %swap3A_1000 = vector.shape_cast %swap3A_999 : vector<1x16xf32> to vector<16xf32>
        %swap3A_1001 = vector.shape_cast %mul3A_996 : vector<16xf32> to vector<1x16xf32>
        tpu.vector_store %arg13[%swap3A_997, %swap3A_998], %swap3A_1001 {strides = array<i32>} : memref<112x128xf32, #tpu.memory_space<vmem>>, vector<1x16xf32>,
        %get3A_1002 = arith.index_cast %add3A_946 : i32 to index
        %get3A_1003 = arith.constant 80 : index
        %get3A_1004 = tpu.vector_load %arg13[%get3A_1002, %get3A_1003] {strides = array<i32>} : memref<112x128xf32, #tpu.memory_space<vmem>>, vector<1x16xf32>,
        %get3A_1005 = vector.shape_cast %get3A_1004 : vector<1x16xf32> to vector<16xf32>
        %mul3A_1006 = vector.broadcast %squeeze3A_942 : f32 to vector<16xf32>
        %mul3A_1007 = arith.mulf %get3A_1005, %mul3A_1006 : vector<16xf32>
        %swap3A_1008 = arith.index_cast %add3A_946 : i32 to index
        %swap3A_1009 = arith.constant 80 : index
        %swap3A_1010 = tpu.vector_load %arg13[%swap3A_1008, %swap3A_1009] {strides = array<i32>} : memref<112x128xf32, #tpu.memory_space<vmem>>, vector<1x16xf32>,
        %swap3A_1011 = vector.shape_cast %swap3A_1010 : vector<1x16xf32> to vector<16xf32>
        %swap3A_1012 = vector.shape_cast %mul3A_1007 : vector<16xf32> to vector<1x16xf32>
        tpu.vector_store %arg13[%swap3A_1008, %swap3A_1009], %swap3A_1012 {strides = array<i32>} : memref<112x128xf32, #tpu.memory_space<vmem>>, vector<1x16xf32>,
        %get3A_1013 = arith.index_cast %add3A_946 : i32 to index
        %get3A_1014 = arith.constant 96 : index
        %get3A_1015 = tpu.vector_load %arg13[%get3A_1013, %get3A_1014] {strides = array<i32>} : memref<112x128xf32, #tpu.memory_space<vmem>>, vector<1x16xf32>,
        %get3A_1016 = vector.shape_cast %get3A_1015 : vector<1x16xf32> to vector<16xf32>
        %mul3A_1017 = vector.broadcast %squeeze3A_942 : f32 to vector<16xf32>
        %mul3A_1018 = arith.mulf %get3A_1016, %mul3A_1017 : vector<16xf32>
        %swap3A_1019 = arith.index_cast %add3A_946 : i32 to index
        %swap3A_1020 = arith.constant 96 : index
        %swap3A_1021 = tpu.vector_load %arg13[%swap3A_1019, %swap3A_1020] {strides = array<i32>} : memref<112x128xf32, #tpu.memory_space<vmem>>, vector<1x16xf32>,
        %swap3A_1022 = vector.shape_cast %swap3A_1021 : vector<1x16xf32> to vector<16xf32>
        %swap3A_1023 = vector.shape_cast %mul3A_1018 : vector<16xf32> to vector<1x16xf32>
        tpu.vector_store %arg13[%swap3A_1019, %swap3A_1020], %swap3A_1023 {strides = array<i32>} : memref<112x128xf32, #tpu.memory_space<vmem>>, vector<1x16xf32>,
        %get3A_1024 = arith.index_cast %add3A_946 : i32 to index
        %get3A_1025 = arith.constant 112 : index
        %get3A_1026 = tpu.vector_load %arg13[%get3A_1024, %get3A_1025] {strides = array<i32>} : memref<112x128xf32, #tpu.memory_space<vmem>>, vector<1x16xf32>,
        %get3A_1027 = vector.shape_cast %get3A_1026 : vector<1x16xf32> to vector<16xf32>
        %mul3A_1028 = vector.broadcast %squeeze3A_942 : f32 to vector<16xf32>
        %mul3A_1029 = arith.mulf %get3A_1027, %mul3A_1028 : vector<16xf32>
        %swap3A_1030 = arith.index_cast %add3A_946 : i32 to index
        %swap3A_1031 = arith.constant 112 : index
        %swap3A_1032 = tpu.vector_load %arg13[%swap3A_1030, %swap3A_1031] {strides = array<i32>} : memref<112x128xf32, #tpu.memory_space<vmem>>, vector<1x16xf32>,
        %swap3A_1033 = vector.shape_cast %swap3A_1032 : vector<1x16xf32> to vector<16xf32>
        %swap3A_1034 = vector.shape_cast %mul3A_1029 : vector<16xf32> to vector<1x16xf32>
        tpu.vector_store %arg13[%swap3A_1030, %swap3A_1031], %swap3A_1034 {strides = array<i32>} : memref<112x128xf32, #tpu.memory_space<vmem>>, vector<1x16xf32>,
        %slice3A_1035 = vector.extract_strided_slice %get3A_97 {offsets = [10], sizes = [1], strides = [1]} : vector<16xf32> to vector<1xf32>
        %squeeze3A_1036 = vector.extract %slice3A_1035[0] : f32 from vector<1xf32>
        %mul3A_1037 = arith.constant 16 : i32
        %mul3A_1038 = arith.muli %scan3A_90, %mul3A_1037 : i32
        %add3A_1039 = arith.constant 10 : i32
        %add3A_1040 = arith.addi %mul3A_1038, %add3A_1039 : i32
        %get3A_1041 = arith.index_cast %add3A_1040 : i32 to index
        %get3A_1042 = arith.constant 0 : index
        %get3A_1043 = tpu.vector_load %arg13[%get3A_1041, %get3A_1042] {strides = array<i32>} : memref<112x128xf32, #tpu.memory_space<vmem>>, vector<1x16xf32>,
        %get3A_1044 = vector.shape_cast %get3A_1043 : vector<1x16xf32> to vector<16xf32>
        %mul3A_1045 = vector.broadcast %squeeze3A_1036 : f32 to vector<16xf32>
        %mul3A_1046 = arith.mulf %get3A_1044, %mul3A_1045 : vector<16xf32>
        %swap3A_1047 = arith.index_cast %add3A_1040 : i32 to index
        %swap3A_1048 = arith.constant 0 : index
        %swap3A_1049 = tpu.vector_load %arg13[%swap3A_1047, %swap3A_1048] {strides = array<i32>} : memref<112x128xf32, #tpu.memory_space<vmem>>, vector<1x16xf32>,
        %swap3A_1050 = vector.shape_cast %swap3A_1049 : vector<1x16xf32> to vector<16xf32>
        %swap3A_1051 = vector.shape_cast %mul3A_1046 : vector<16xf32> to vector<1x16xf32>
        tpu.vector_store %arg13[%swap3A_1047, %swap3A_1048], %swap3A_1051 {strides = array<i32>} : memref<112x128xf32, #tpu.memory_space<vmem>>, vector<1x16xf32>,
        %get3A_1052 = arith.index_cast %add3A_1040 : i32 to index
        %get3A_1053 = arith.constant 16 : index
        %get3A_1054 = tpu.vector_load %arg13[%get3A_1052, %get3A_1053] {strides = array<i32>} : memref<112x128xf32, #tpu.memory_space<vmem>>, vector<1x16xf32>,
        %get3A_1055 = vector.shape_cast %get3A_1054 : vector<1x16xf32> to vector<16xf32>
        %mul3A_1056 = vector.broadcast %squeeze3A_1036 : f32 to vector<16xf32>
        %mul3A_1057 = arith.mulf %get3A_1055, %mul3A_1056 : vector<16xf32>
        %swap3A_1058 = arith.index_cast %add3A_1040 : i32 to index
        %swap3A_1059 = arith.constant 16 : index
        %swap3A_1060 = tpu.vector_load %arg13[%swap3A_1058, %swap3A_1059] {strides = array<i32>} : memref<112x128xf32, #tpu.memory_space<vmem>>, vector<1x16xf32>,
        %swap3A_1061 = vector.shape_cast %swap3A_1060 : vector<1x16xf32> to vector<16xf32>
        %swap3A_1062 = vector.shape_cast %mul3A_1057 : vector<16xf32> to vector<1x16xf32>
        tpu.vector_store %arg13[%swap3A_1058, %swap3A_1059], %swap3A_1062 {strides = array<i32>} : memref<112x128xf32, #tpu.memory_space<vmem>>, vector<1x16xf32>,
        %get3A_1063 = arith.index_cast %add3A_1040 : i32 to index
        %get3A_1064 = arith.constant 32 : index
        %get3A_1065 = tpu.vector_load %arg13[%get3A_1063, %get3A_1064] {strides = array<i32>} : memref<112x128xf32, #tpu.memory_space<vmem>>, vector<1x16xf32>,
        %get3A_1066 = vector.shape_cast %get3A_1065 : vector<1x16xf32> to vector<16xf32>
        %mul3A_1067 = vector.broadcast %squeeze3A_1036 : f32 to vector<16xf32>
        %mul3A_1068 = arith.mulf %get3A_1066, %mul3A_1067 : vector<16xf32>
        %swap3A_1069 = arith.index_cast %add3A_1040 : i32 to index
        %swap3A_1070 = arith.constant 32 : index
        %swap3A_1071 = tpu.vector_load %arg13[%swap3A_1069, %swap3A_1070] {strides = array<i32>} : memref<112x128xf32, #tpu.memory_space<vmem>>, vector<1x16xf32>,
        %swap3A_1072 = vector.shape_cast %swap3A_1071 : vector<1x16xf32> to vector<16xf32>
        %swap3A_1073 = vector.shape_cast %mul3A_1068 : vector<16xf32> to vector<1x16xf32>
        tpu.vector_store %arg13[%swap3A_1069, %swap3A_1070], %swap3A_1073 {strides = array<i32>} : memref<112x128xf32, #tpu.memory_space<vmem>>, vector<1x16xf32>,
        %get3A_1074 = arith.index_cast %add3A_1040 : i32 to index
        %get3A_1075 = arith.constant 48 : index
        %get3A_1076 = tpu.vector_load %arg13[%get3A_1074, %get3A_1075] {strides = array<i32>} : memref<112x128xf32, #tpu.memory_space<vmem>>, vector<1x16xf32>,
        %get3A_1077 = vector.shape_cast %get3A_1076 : vector<1x16xf32> to vector<16xf32>
        %mul3A_1078 = vector.broadcast %squeeze3A_1036 : f32 to vector<16xf32>
        %mul3A_1079 = arith.mulf %get3A_1077, %mul3A_1078 : vector<16xf32>
        %swap3A_1080 = arith.index_cast %add3A_1040 : i32 to index
        %swap3A_1081 = arith.constant 48 : index
        %swap3A_1082 = tpu.vector_load %arg13[%swap3A_1080, %swap3A_1081] {strides = array<i32>} : memref<112x128xf32, #tpu.memory_space<vmem>>, vector<1x16xf32>,
        %swap3A_1083 = vector.shape_cast %swap3A_1082 : vector<1x16xf32> to vector<16xf32>
        %swap3A_1084 = vector.shape_cast %mul3A_1079 : vector<16xf32> to vector<1x16xf32>
        tpu.vector_store %arg13[%swap3A_1080, %swap3A_1081], %swap3A_1084 {strides = array<i32>} : memref<112x128xf32, #tpu.memory_space<vmem>>, vector<1x16xf32>,
        %get3A_1085 = arith.index_cast %add3A_1040 : i32 to index
        %get3A_1086 = arith.constant 64 : index
        %get3A_1087 = tpu.vector_load %arg13[%get3A_1085, %get3A_1086] {strides = array<i32>} : memref<112x128xf32, #tpu.memory_space<vmem>>, vector<1x16xf32>,
        %get3A_1088 = vector.shape_cast %get3A_1087 : vector<1x16xf32> to vector<16xf32>
        %mul3A_1089 = vector.broadcast %squeeze3A_1036 : f32 to vector<16xf32>
        %mul3A_1090 = arith.mulf %get3A_1088, %mul3A_1089 : vector<16xf32>
        %swap3A_1091 = arith.index_cast %add3A_1040 : i32 to index
        %swap3A_1092 = arith.constant 64 : index
        %swap3A_1093 = tpu.vector_load %arg13[%swap3A_1091, %swap3A_1092] {strides = array<i32>} : memref<112x128xf32, #tpu.memory_space<vmem>>, vector<1x16xf32>,
        %swap3A_1094 = vector.shape_cast %swap3A_1093 : vector<1x16xf32> to vector<16xf32>
        %swap3A_1095 = vector.shape_cast %mul3A_1090 : vector<16xf32> to vector<1x16xf32>
        tpu.vector_store %arg13[%swap3A_1091, %swap3A_1092], %swap3A_1095 {strides = array<i32>} : memref<112x128xf32, #tpu.memory_space<vmem>>, vector<1x16xf32>,
        %get3A_1096 = arith.index_cast %add3A_1040 : i32 to index
        %get3A_1097 = arith.constant 80 : index
        %get3A_1098 = tpu.vector_load %arg13[%get3A_1096, %get3A_1097] {strides = array<i32>} : memref<112x128xf32, #tpu.memory_space<vmem>>, vector<1x16xf32>,
        %get3A_1099 = vector.shape_cast %get3A_1098 : vector<1x16xf32> to vector<16xf32>
        %mul3A_1100 = vector.broadcast %squeeze3A_1036 : f32 to vector<16xf32>
        %mul3A_1101 = arith.mulf %get3A_1099, %mul3A_1100 : vector<16xf32>
        %swap3A_1102 = arith.index_cast %add3A_1040 : i32 to index
        %swap3A_1103 = arith.constant 80 : index
        %swap3A_1104 = tpu.vector_load %arg13[%swap3A_1102, %swap3A_1103] {strides = array<i32>} : memref<112x128xf32, #tpu.memory_space<vmem>>, vector<1x16xf32>,
        %swap3A_1105 = vector.shape_cast %swap3A_1104 : vector<1x16xf32> to vector<16xf32>
        %swap3A_1106 = vector.shape_cast %mul3A_1101 : vector<16xf32> to vector<1x16xf32>
        tpu.vector_store %arg13[%swap3A_1102, %swap3A_1103], %swap3A_1106 {strides = array<i32>} : memref<112x128xf32, #tpu.memory_space<vmem>>, vector<1x16xf32>,
        %get3A_1107 = arith.index_cast %add3A_1040 : i32 to index
        %get3A_1108 = arith.constant 96 : index
        %get3A_1109 = tpu.vector_load %arg13[%get3A_1107, %get3A_1108] {strides = array<i32>} : memref<112x128xf32, #tpu.memory_space<vmem>>, vector<1x16xf32>,
        %get3A_1110 = vector.shape_cast %get3A_1109 : vector<1x16xf32> to vector<16xf32>
        %mul3A_1111 = vector.broadcast %squeeze3A_1036 : f32 to vector<16xf32>
        %mul3A_1112 = arith.mulf %get3A_1110, %mul3A_1111 : vector<16xf32>
        %swap3A_1113 = arith.index_cast %add3A_1040 : i32 to index
        %swap3A_1114 = arith.constant 96 : index
        %swap3A_1115 = tpu.vector_load %arg13[%swap3A_1113, %swap3A_1114] {strides = array<i32>} : memref<112x128xf32, #tpu.memory_space<vmem>>, vector<1x16xf32>,
        %swap3A_1116 = vector.shape_cast %swap3A_1115 : vector<1x16xf32> to vector<16xf32>
        %swap3A_1117 = vector.shape_cast %mul3A_1112 : vector<16xf32> to vector<1x16xf32>
        tpu.vector_store %arg13[%swap3A_1113, %swap3A_1114], %swap3A_1117 {strides = array<i32>} : memref<112x128xf32, #tpu.memory_space<vmem>>, vector<1x16xf32>,
        %get3A_1118 = arith.index_cast %add3A_1040 : i32 to index
        %get3A_1119 = arith.constant 112 : index
        %get3A_1120 = tpu.vector_load %arg13[%get3A_1118, %get3A_1119] {strides = array<i32>} : memref<112x128xf32, #tpu.memory_space<vmem>>, vector<1x16xf32>,
        %get3A_1121 = vector.shape_cast %get3A_1120 : vector<1x16xf32> to vector<16xf32>
        %mul3A_1122 = vector.broadcast %squeeze3A_1036 : f32 to vector<16xf32>
        %mul3A_1123 = arith.mulf %get3A_1121, %mul3A_1122 : vector<16xf32>
        %swap3A_1124 = arith.index_cast %add3A_1040 : i32 to index
        %swap3A_1125 = arith.constant 112 : index
        %swap3A_1126 = tpu.vector_load %arg13[%swap3A_1124, %swap3A_1125] {strides = array<i32>} : memref<112x128xf32, #tpu.memory_space<vmem>>, vector<1x16xf32>,
        %swap3A_1127 = vector.shape_cast %swap3A_1126 : vector<1x16xf32> to vector<16xf32>
        %swap3A_1128 = vector.shape_cast %mul3A_1123 : vector<16xf32> to vector<1x16xf32>
        tpu.vector_store %arg13[%swap3A_1124, %swap3A_1125], %swap3A_1128 {strides = array<i32>} : memref<112x128xf32, #tpu.memory_space<vmem>>, vector<1x16xf32>,
        %slice3A_1129 = vector.extract_strided_slice %get3A_97 {offsets = [11], sizes = [1], strides = [1]} : vector<16xf32> to vector<1xf32>
        %squeeze3A_1130 = vector.extract %slice3A_1129[0] : f32 from vector<1xf32>
        %mul3A_1131 = arith.constant 16 : i32
        %mul3A_1132 = arith.muli %scan3A_90, %mul3A_1131 : i32
        %add3A_1133 = arith.constant 11 : i32
        %add3A_1134 = arith.addi %mul3A_1132, %add3A_1133 : i32
        %get3A_1135 = arith.index_cast %add3A_1134 : i32 to index
        %get3A_1136 = arith.constant 0 : index
        %get3A_1137 = tpu.vector_load %arg13[%get3A_1135, %get3A_1136] {strides = array<i32>} : memref<112x128xf32, #tpu.memory_space<vmem>>, vector<1x16xf32>,
        %get3A_1138 = vector.shape_cast %get3A_1137 : vector<1x16xf32> to vector<16xf32>
        %mul3A_1139 = vector.broadcast %squeeze3A_1130 : f32 to vector<16xf32>
        %mul3A_1140 = arith.mulf %get3A_1138, %mul3A_1139 : vector<16xf32>
        %swap3A_1141 = arith.index_cast %add3A_1134 : i32 to index
        %swap3A_1142 = arith.constant 0 : index
        %swap3A_1143 = tpu.vector_load %arg13[%swap3A_1141, %swap3A_1142] {strides = array<i32>} : memref<112x128xf32, #tpu.memory_space<vmem>>, vector<1x16xf32>,
        %swap3A_1144 = vector.shape_cast %swap3A_1143 : vector<1x16xf32> to vector<16xf32>
        %swap3A_1145 = vector.shape_cast %mul3A_1140 : vector<16xf32> to vector<1x16xf32>
        tpu.vector_store %arg13[%swap3A_1141, %swap3A_1142], %swap3A_1145 {strides = array<i32>} : memref<112x128xf32, #tpu.memory_space<vmem>>, vector<1x16xf32>,
        %get3A_1146 = arith.index_cast %add3A_1134 : i32 to index
        %get3A_1147 = arith.constant 16 : index
        %get3A_1148 = tpu.vector_load %arg13[%get3A_1146, %get3A_1147] {strides = array<i32>} : memref<112x128xf32, #tpu.memory_space<vmem>>, vector<1x16xf32>,
        %get3A_1149 = vector.shape_cast %get3A_1148 : vector<1x16xf32> to vector<16xf32>
        %mul3A_1150 = vector.broadcast %squeeze3A_1130 : f32 to vector<16xf32>
        %mul3A_1151 = arith.mulf %get3A_1149, %mul3A_1150 : vector<16xf32>
        %swap3A_1152 = arith.index_cast %add3A_1134 : i32 to index
        %swap3A_1153 = arith.constant 16 : index
        %swap3A_1154 = tpu.vector_load %arg13[%swap3A_1152, %swap3A_1153] {strides = array<i32>} : memref<112x128xf32, #tpu.memory_space<vmem>>, vector<1x16xf32>,
        %swap3A_1155 = vector.shape_cast %swap3A_1154 : vector<1x16xf32> to vector<16xf32>
        %swap3A_1156 = vector.shape_cast %mul3A_1151 : vector<16xf32> to vector<1x16xf32>
        tpu.vector_store %arg13[%swap3A_1152, %swap3A_1153], %swap3A_1156 {strides = array<i32>} : memref<112x128xf32, #tpu.memory_space<vmem>>, vector<1x16xf32>,
        %get3A_1157 = arith.index_cast %add3A_1134 : i32 to index
        %get3A_1158 = arith.constant 32 : index
        %get3A_1159 = tpu.vector_load %arg13[%get3A_1157, %get3A_1158] {strides = array<i32>} : memref<112x128xf32, #tpu.memory_space<vmem>>, vector<1x16xf32>,
        %get3A_1160 = vector.shape_cast %get3A_1159 : vector<1x16xf32> to vector<16xf32>
        %mul3A_1161 = vector.broadcast %squeeze3A_1130 : f32 to vector<16xf32>
        %mul3A_1162 = arith.mulf %get3A_1160, %mul3A_1161 : vector<16xf32>
        %swap3A_1163 = arith.index_cast %add3A_1134 : i32 to index
        %swap3A_1164 = arith.constant 32 : index
        %swap3A_1165 = tpu.vector_load %arg13[%swap3A_1163, %swap3A_1164] {strides = array<i32>} : memref<112x128xf32, #tpu.memory_space<vmem>>, vector<1x16xf32>,
        %swap3A_1166 = vector.shape_cast %swap3A_1165 : vector<1x16xf32> to vector<16xf32>
        %swap3A_1167 = vector.shape_cast %mul3A_1162 : vector<16xf32> to vector<1x16xf32>
        tpu.vector_store %arg13[%swap3A_1163, %swap3A_1164], %swap3A_1167 {strides = array<i32>} : memref<112x128xf32, #tpu.memory_space<vmem>>, vector<1x16xf32>,
        %get3A_1168 = arith.index_cast %add3A_1134 : i32 to index
        %get3A_1169 = arith.constant 48 : index
        %get3A_1170 = tpu.vector_load %arg13[%get3A_1168, %get3A_1169] {strides = array<i32>} : memref<112x128xf32, #tpu.memory_space<vmem>>, vector<1x16xf32>,
        %get3A_1171 = vector.shape_cast %get3A_1170 : vector<1x16xf32> to vector<16xf32>
        %mul3A_1172 = vector.broadcast %squeeze3A_1130 : f32 to vector<16xf32>
        %mul3A_1173 = arith.mulf %get3A_1171, %mul3A_1172 : vector<16xf32>
        %swap3A_1174 = arith.index_cast %add3A_1134 : i32 to index
        %swap3A_1175 = arith.constant 48 : index
        %swap3A_1176 = tpu.vector_load %arg13[%swap3A_1174, %swap3A_1175] {strides = array<i32>} : memref<112x128xf32, #tpu.memory_space<vmem>>, vector<1x16xf32>,
        %swap3A_1177 = vector.shape_cast %swap3A_1176 : vector<1x16xf32> to vector<16xf32>
        %swap3A_1178 = vector.shape_cast %mul3A_1173 : vector<16xf32> to vector<1x16xf32>
        tpu.vector_store %arg13[%swap3A_1174, %swap3A_1175], %swap3A_1178 {strides = array<i32>} : memref<112x128xf32, #tpu.memory_space<vmem>>, vector<1x16xf32>,
        %get3A_1179 = arith.index_cast %add3A_1134 : i32 to index
        %get3A_1180 = arith.constant 64 : index
        %get3A_1181 = tpu.vector_load %arg13[%get3A_1179, %get3A_1180] {strides = array<i32>} : memref<112x128xf32, #tpu.memory_space<vmem>>, vector<1x16xf32>,
        %get3A_1182 = vector.shape_cast %get3A_1181 : vector<1x16xf32> to vector<16xf32>
        %mul3A_1183 = vector.broadcast %squeeze3A_1130 : f32 to vector<16xf32>
        %mul3A_1184 = arith.mulf %get3A_1182, %mul3A_1183 : vector<16xf32>
        %swap3A_1185 = arith.index_cast %add3A_1134 : i32 to index
        %swap3A_1186 = arith.constant 64 : index
        %swap3A_1187 = tpu.vector_load %arg13[%swap3A_1185, %swap3A_1186] {strides = array<i32>} : memref<112x128xf32, #tpu.memory_space<vmem>>, vector<1x16xf32>,
        %swap3A_1188 = vector.shape_cast %swap3A_1187 : vector<1x16xf32> to vector<16xf32>
        %swap3A_1189 = vector.shape_cast %mul3A_1184 : vector<16xf32> to vector<1x16xf32>
        tpu.vector_store %arg13[%swap3A_1185, %swap3A_1186], %swap3A_1189 {strides = array<i32>} : memref<112x128xf32, #tpu.memory_space<vmem>>, vector<1x16xf32>,
        %get3A_1190 = arith.index_cast %add3A_1134 : i32 to index
        %get3A_1191 = arith.constant 80 : index
        %get3A_1192 = tpu.vector_load %arg13[%get3A_1190, %get3A_1191] {strides = array<i32>} : memref<112x128xf32, #tpu.memory_space<vmem>>, vector<1x16xf32>,
        %get3A_1193 = vector.shape_cast %get3A_1192 : vector<1x16xf32> to vector<16xf32>
        %mul3A_1194 = vector.broadcast %squeeze3A_1130 : f32 to vector<16xf32>
        %mul3A_1195 = arith.mulf %get3A_1193, %mul3A_1194 : vector<16xf32>
        %swap3A_1196 = arith.index_cast %add3A_1134 : i32 to index
        %swap3A_1197 = arith.constant 80 : index
        %swap3A_1198 = tpu.vector_load %arg13[%swap3A_1196, %swap3A_1197] {strides = array<i32>} : memref<112x128xf32, #tpu.memory_space<vmem>>, vector<1x16xf32>,
        %swap3A_1199 = vector.shape_cast %swap3A_1198 : vector<1x16xf32> to vector<16xf32>
        %swap3A_1200 = vector.shape_cast %mul3A_1195 : vector<16xf32> to vector<1x16xf32>
        tpu.vector_store %arg13[%swap3A_1196, %swap3A_1197], %swap3A_1200 {strides = array<i32>} : memref<112x128xf32, #tpu.memory_space<vmem>>, vector<1x16xf32>,
        %get3A_1201 = arith.index_cast %add3A_1134 : i32 to index
        %get3A_1202 = arith.constant 96 : index
        %get3A_1203 = tpu.vector_load %arg13[%get3A_1201, %get3A_1202] {strides = array<i32>} : memref<112x128xf32, #tpu.memory_space<vmem>>, vector<1x16xf32>,
        %get3A_1204 = vector.shape_cast %get3A_1203 : vector<1x16xf32> to vector<16xf32>
        %mul3A_1205 = vector.broadcast %squeeze3A_1130 : f32 to vector<16xf32>
        %mul3A_1206 = arith.mulf %get3A_1204, %mul3A_1205 : vector<16xf32>
        %swap3A_1207 = arith.index_cast %add3A_1134 : i32 to index
        %swap3A_1208 = arith.constant 96 : index
        %swap3A_1209 = tpu.vector_load %arg13[%swap3A_1207, %swap3A_1208] {strides = array<i32>} : memref<112x128xf32, #tpu.memory_space<vmem>>, vector<1x16xf32>,
        %swap3A_1210 = vector.shape_cast %swap3A_1209 : vector<1x16xf32> to vector<16xf32>
        %swap3A_1211 = vector.shape_cast %mul3A_1206 : vector<16xf32> to vector<1x16xf32>
        tpu.vector_store %arg13[%swap3A_1207, %swap3A_1208], %swap3A_1211 {strides = array<i32>} : memref<112x128xf32, #tpu.memory_space<vmem>>, vector<1x16xf32>,
        %get3A_1212 = arith.index_cast %add3A_1134 : i32 to index
        %get3A_1213 = arith.constant 112 : index
        %get3A_1214 = tpu.vector_load %arg13[%get3A_1212, %get3A_1213] {strides = array<i32>} : memref<112x128xf32, #tpu.memory_space<vmem>>, vector<1x16xf32>,
        %get3A_1215 = vector.shape_cast %get3A_1214 : vector<1x16xf32> to vector<16xf32>
        %mul3A_1216 = vector.broadcast %squeeze3A_1130 : f32 to vector<16xf32>
        %mul3A_1217 = arith.mulf %get3A_1215, %mul3A_1216 : vector<16xf32>
        %swap3A_1218 = arith.index_cast %add3A_1134 : i32 to index
        %swap3A_1219 = arith.constant 112 : index
        %swap3A_1220 = tpu.vector_load %arg13[%swap3A_1218, %swap3A_1219] {strides = array<i32>} : memref<112x128xf32, #tpu.memory_space<vmem>>, vector<1x16xf32>,
        %swap3A_1221 = vector.shape_cast %swap3A_1220 : vector<1x16xf32> to vector<16xf32>
        %swap3A_1222 = vector.shape_cast %mul3A_1217 : vector<16xf32> to vector<1x16xf32>
        tpu.vector_store %arg13[%swap3A_1218, %swap3A_1219], %swap3A_1222 {strides = array<i32>} : memref<112x128xf32, #tpu.memory_space<vmem>>, vector<1x16xf32>,
        %slice3A_1223 = vector.extract_strided_slice %get3A_97 {offsets = [12], sizes = [1], strides = [1]} : vector<16xf32> to vector<1xf32>
        %squeeze3A_1224 = vector.extract %slice3A_1223[0] : f32 from vector<1xf32>
        %mul3A_1225 = arith.constant 16 : i32
        %mul3A_1226 = arith.muli %scan3A_90, %mul3A_1225 : i32
        %add3A_1227 = arith.constant 12 : i32
        %add3A_1228 = arith.addi %mul3A_1226, %add3A_1227 : i32
        %get3A_1229 = arith.index_cast %add3A_1228 : i32 to index
        %get3A_1230 = arith.constant 0 : index
        %get3A_1231 = tpu.vector_load %arg13[%get3A_1229, %get3A_1230] {strides = array<i32>} : memref<112x128xf32, #tpu.memory_space<vmem>>, vector<1x16xf32>,
        %get3A_1232 = vector.shape_cast %get3A_1231 : vector<1x16xf32> to vector<16xf32>
        %mul3A_1233 = vector.broadcast %squeeze3A_1224 : f32 to vector<16xf32>
        %mul3A_1234 = arith.mulf %get3A_1232, %mul3A_1233 : vector<16xf32>
        %swap3A_1235 = arith.index_cast %add3A_1228 : i32 to index
        %swap3A_1236 = arith.constant 0 : index
        %swap3A_1237 = tpu.vector_load %arg13[%swap3A_1235, %swap3A_1236] {strides = array<i32>} : memref<112x128xf32, #tpu.memory_space<vmem>>, vector<1x16xf32>,
        %swap3A_1238 = vector.shape_cast %swap3A_1237 : vector<1x16xf32> to vector<16xf32>
        %swap3A_1239 = vector.shape_cast %mul3A_1234 : vector<16xf32> to vector<1x16xf32>
        tpu.vector_store %arg13[%swap3A_1235, %swap3A_1236], %swap3A_1239 {strides = array<i32>} : memref<112x128xf32, #tpu.memory_space<vmem>>, vector<1x16xf32>,
        %get3A_1240 = arith.index_cast %add3A_1228 : i32 to index
        %get3A_1241 = arith.constant 16 : index
        %get3A_1242 = tpu.vector_load %arg13[%get3A_1240, %get3A_1241] {strides = array<i32>} : memref<112x128xf32, #tpu.memory_space<vmem>>, vector<1x16xf32>,
        %get3A_1243 = vector.shape_cast %get3A_1242 : vector<1x16xf32> to vector<16xf32>
        %mul3A_1244 = vector.broadcast %squeeze3A_1224 : f32 to vector<16xf32>
        %mul3A_1245 = arith.mulf %get3A_1243, %mul3A_1244 : vector<16xf32>
        %swap3A_1246 = arith.index_cast %add3A_1228 : i32 to index
        %swap3A_1247 = arith.constant 16 : index
        %swap3A_1248 = tpu.vector_load %arg13[%swap3A_1246, %swap3A_1247] {strides = array<i32>} : memref<112x128xf32, #tpu.memory_space<vmem>>, vector<1x16xf32>,
        %swap3A_1249 = vector.shape_cast %swap3A_1248 : vector<1x16xf32> to vector<16xf32>
        %swap3A_1250 = vector.shape_cast %mul3A_1245 : vector<16xf32> to vector<1x16xf32>
        tpu.vector_store %arg13[%swap3A_1246, %swap3A_1247], %swap3A_1250 {strides = array<i32>} : memref<112x128xf32, #tpu.memory_space<vmem>>, vector<1x16xf32>,
        %get3A_1251 = arith.index_cast %add3A_1228 : i32 to index
        %get3A_1252 = arith.constant 32 : index
        %get3A_1253 = tpu.vector_load %arg13[%get3A_1251, %get3A_1252] {strides = array<i32>} : memref<112x128xf32, #tpu.memory_space<vmem>>, vector<1x16xf32>,
        %get3A_1254 = vector.shape_cast %get3A_1253 : vector<1x16xf32> to vector<16xf32>
        %mul3A_1255 = vector.broadcast %squeeze3A_1224 : f32 to vector<16xf32>
        %mul3A_1256 = arith.mulf %get3A_1254, %mul3A_1255 : vector<16xf32>
        %swap3A_1257 = arith.index_cast %add3A_1228 : i32 to index
        %swap3A_1258 = arith.constant 32 : index
        %swap3A_1259 = tpu.vector_load %arg13[%swap3A_1257, %swap3A_1258] {strides = array<i32>} : memref<112x128xf32, #tpu.memory_space<vmem>>, vector<1x16xf32>,
        %swap3A_1260 = vector.shape_cast %swap3A_1259 : vector<1x16xf32> to vector<16xf32>
        %swap3A_1261 = vector.shape_cast %mul3A_1256 : vector<16xf32> to vector<1x16xf32>
        tpu.vector_store %arg13[%swap3A_1257, %swap3A_1258], %swap3A_1261 {strides = array<i32>} : memref<112x128xf32, #tpu.memory_space<vmem>>, vector<1x16xf32>,
        %get3A_1262 = arith.index_cast %add3A_1228 : i32 to index
        %get3A_1263 = arith.constant 48 : index
        %get3A_1264 = tpu.vector_load %arg13[%get3A_1262, %get3A_1263] {strides = array<i32>} : memref<112x128xf32, #tpu.memory_space<vmem>>, vector<1x16xf32>,
        %get3A_1265 = vector.shape_cast %get3A_1264 : vector<1x16xf32> to vector<16xf32>
        %mul3A_1266 = vector.broadcast %squeeze3A_1224 : f32 to vector<16xf32>
        %mul3A_1267 = arith.mulf %get3A_1265, %mul3A_1266 : vector<16xf32>
        %swap3A_1268 = arith.index_cast %add3A_1228 : i32 to index
        %swap3A_1269 = arith.constant 48 : index
        %swap3A_1270 = tpu.vector_load %arg13[%swap3A_1268, %swap3A_1269] {strides = array<i32>} : memref<112x128xf32, #tpu.memory_space<vmem>>, vector<1x16xf32>,
        %swap3A_1271 = vector.shape_cast %swap3A_1270 : vector<1x16xf32> to vector<16xf32>
        %swap3A_1272 = vector.shape_cast %mul3A_1267 : vector<16xf32> to vector<1x16xf32>
        tpu.vector_store %arg13[%swap3A_1268, %swap3A_1269], %swap3A_1272 {strides = array<i32>} : memref<112x128xf32, #tpu.memory_space<vmem>>, vector<1x16xf32>,
        %get3A_1273 = arith.index_cast %add3A_1228 : i32 to index
        %get3A_1274 = arith.constant 64 : index
        %get3A_1275 = tpu.vector_load %arg13[%get3A_1273, %get3A_1274] {strides = array<i32>} : memref<112x128xf32, #tpu.memory_space<vmem>>, vector<1x16xf32>,
        %get3A_1276 = vector.shape_cast %get3A_1275 : vector<1x16xf32> to vector<16xf32>
        %mul3A_1277 = vector.broadcast %squeeze3A_1224 : f32 to vector<16xf32>
        %mul3A_1278 = arith.mulf %get3A_1276, %mul3A_1277 : vector<16xf32>
        %swap3A_1279 = arith.index_cast %add3A_1228 : i32 to index
        %swap3A_1280 = arith.constant 64 : index
        %swap3A_1281 = tpu.vector_load %arg13[%swap3A_1279, %swap3A_1280] {strides = array<i32>} : memref<112x128xf32, #tpu.memory_space<vmem>>, vector<1x16xf32>,
        %swap3A_1282 = vector.shape_cast %swap3A_1281 : vector<1x16xf32> to vector<16xf32>
        %swap3A_1283 = vector.shape_cast %mul3A_1278 : vector<16xf32> to vector<1x16xf32>
        tpu.vector_store %arg13[%swap3A_1279, %swap3A_1280], %swap3A_1283 {strides = array<i32>} : memref<112x128xf32, #tpu.memory_space<vmem>>, vector<1x16xf32>,
        %get3A_1284 = arith.index_cast %add3A_1228 : i32 to index
        %get3A_1285 = arith.constant 80 : index
        %get3A_1286 = tpu.vector_load %arg13[%get3A_1284, %get3A_1285] {strides = array<i32>} : memref<112x128xf32, #tpu.memory_space<vmem>>, vector<1x16xf32>,
        %get3A_1287 = vector.shape_cast %get3A_1286 : vector<1x16xf32> to vector<16xf32>
        %mul3A_1288 = vector.broadcast %squeeze3A_1224 : f32 to vector<16xf32>
        %mul3A_1289 = arith.mulf %get3A_1287, %mul3A_1288 : vector<16xf32>
        %swap3A_1290 = arith.index_cast %add3A_1228 : i32 to index
        %swap3A_1291 = arith.constant 80 : index
        %swap3A_1292 = tpu.vector_load %arg13[%swap3A_1290, %swap3A_1291] {strides = array<i32>} : memref<112x128xf32, #tpu.memory_space<vmem>>, vector<1x16xf32>,
        %swap3A_1293 = vector.shape_cast %swap3A_1292 : vector<1x16xf32> to vector<16xf32>
        %swap3A_1294 = vector.shape_cast %mul3A_1289 : vector<16xf32> to vector<1x16xf32>
        tpu.vector_store %arg13[%swap3A_1290, %swap3A_1291], %swap3A_1294 {strides = array<i32>} : memref<112x128xf32, #tpu.memory_space<vmem>>, vector<1x16xf32>,
        %get3A_1295 = arith.index_cast %add3A_1228 : i32 to index
        %get3A_1296 = arith.constant 96 : index
        %get3A_1297 = tpu.vector_load %arg13[%get3A_1295, %get3A_1296] {strides = array<i32>} : memref<112x128xf32, #tpu.memory_space<vmem>>, vector<1x16xf32>,
        %get3A_1298 = vector.shape_cast %get3A_1297 : vector<1x16xf32> to vector<16xf32>
        %mul3A_1299 = vector.broadcast %squeeze3A_1224 : f32 to vector<16xf32>
        %mul3A_1300 = arith.mulf %get3A_1298, %mul3A_1299 : vector<16xf32>
        %swap3A_1301 = arith.index_cast %add3A_1228 : i32 to index
        %swap3A_1302 = arith.constant 96 : index
        %swap3A_1303 = tpu.vector_load %arg13[%swap3A_1301, %swap3A_1302] {strides = array<i32>} : memref<112x128xf32, #tpu.memory_space<vmem>>, vector<1x16xf32>,
        %swap3A_1304 = vector.shape_cast %swap3A_1303 : vector<1x16xf32> to vector<16xf32>
        %swap3A_1305 = vector.shape_cast %mul3A_1300 : vector<16xf32> to vector<1x16xf32>
        tpu.vector_store %arg13[%swap3A_1301, %swap3A_1302], %swap3A_1305 {strides = array<i32>} : memref<112x128xf32, #tpu.memory_space<vmem>>, vector<1x16xf32>,
        %get3A_1306 = arith.index_cast %add3A_1228 : i32 to index
        %get3A_1307 = arith.constant 112 : index
        %get3A_1308 = tpu.vector_load %arg13[%get3A_1306, %get3A_1307] {strides = array<i32>} : memref<112x128xf32, #tpu.memory_space<vmem>>, vector<1x16xf32>,
        %get3A_1309 = vector.shape_cast %get3A_1308 : vector<1x16xf32> to vector<16xf32>
        %mul3A_1310 = vector.broadcast %squeeze3A_1224 : f32 to vector<16xf32>
        %mul3A_1311 = arith.mulf %get3A_1309, %mul3A_1310 : vector<16xf32>
        %swap3A_1312 = arith.index_cast %add3A_1228 : i32 to index
        %swap3A_1313 = arith.constant 112 : index
        %swap3A_1314 = tpu.vector_load %arg13[%swap3A_1312, %swap3A_1313] {strides = array<i32>} : memref<112x128xf32, #tpu.memory_space<vmem>>, vector<1x16xf32>,
        %swap3A_1315 = vector.shape_cast %swap3A_1314 : vector<1x16xf32> to vector<16xf32>
        %swap3A_1316 = vector.shape_cast %mul3A_1311 : vector<16xf32> to vector<1x16xf32>
        tpu.vector_store %arg13[%swap3A_1312, %swap3A_1313], %swap3A_1316 {strides = array<i32>} : memref<112x128xf32, #tpu.memory_space<vmem>>, vector<1x16xf32>,
        %slice3A_1317 = vector.extract_strided_slice %get3A_97 {offsets = [13], sizes = [1], strides = [1]} : vector<16xf32> to vector<1xf32>
        %squeeze3A_1318 = vector.extract %slice3A_1317[0] : f32 from vector<1xf32>
        %mul3A_1319 = arith.constant 16 : i32
        %mul3A_1320 = arith.muli %scan3A_90, %mul3A_1319 : i32
        %add3A_1321 = arith.constant 13 : i32
        %add3A_1322 = arith.addi %mul3A_1320, %add3A_1321 : i32
        %get3A_1323 = arith.index_cast %add3A_1322 : i32 to index
        %get3A_1324 = arith.constant 0 : index
        %get3A_1325 = tpu.vector_load %arg13[%get3A_1323, %get3A_1324] {strides = array<i32>} : memref<112x128xf32, #tpu.memory_space<vmem>>, vector<1x16xf32>,
        %get3A_1326 = vector.shape_cast %get3A_1325 : vector<1x16xf32> to vector<16xf32>
        %mul3A_1327 = vector.broadcast %squeeze3A_1318 : f32 to vector<16xf32>
        %mul3A_1328 = arith.mulf %get3A_1326, %mul3A_1327 : vector<16xf32>
        %swap3A_1329 = arith.index_cast %add3A_1322 : i32 to index
        %swap3A_1330 = arith.constant 0 : index
        %swap3A_1331 = tpu.vector_load %arg13[%swap3A_1329, %swap3A_1330] {strides = array<i32>} : memref<112x128xf32, #tpu.memory_space<vmem>>, vector<1x16xf32>,
        %swap3A_1332 = vector.shape_cast %swap3A_1331 : vector<1x16xf32> to vector<16xf32>
        %swap3A_1333 = vector.shape_cast %mul3A_1328 : vector<16xf32> to vector<1x16xf32>
        tpu.vector_store %arg13[%swap3A_1329, %swap3A_1330], %swap3A_1333 {strides = array<i32>} : memref<112x128xf32, #tpu.memory_space<vmem>>, vector<1x16xf32>,
        %get3A_1334 = arith.index_cast %add3A_1322 : i32 to index
        %get3A_1335 = arith.constant 16 : index
        %get3A_1336 = tpu.vector_load %arg13[%get3A_1334, %get3A_1335] {strides = array<i32>} : memref<112x128xf32, #tpu.memory_space<vmem>>, vector<1x16xf32>,
        %get3A_1337 = vector.shape_cast %get3A_1336 : vector<1x16xf32> to vector<16xf32>
        %mul3A_1338 = vector.broadcast %squeeze3A_1318 : f32 to vector<16xf32>
        %mul3A_1339 = arith.mulf %get3A_1337, %mul3A_1338 : vector<16xf32>
        %swap3A_1340 = arith.index_cast %add3A_1322 : i32 to index
        %swap3A_1341 = arith.constant 16 : index
        %swap3A_1342 = tpu.vector_load %arg13[%swap3A_1340, %swap3A_1341] {strides = array<i32>} : memref<112x128xf32, #tpu.memory_space<vmem>>, vector<1x16xf32>,
        %swap3A_1343 = vector.shape_cast %swap3A_1342 : vector<1x16xf32> to vector<16xf32>
        %swap3A_1344 = vector.shape_cast %mul3A_1339 : vector<16xf32> to vector<1x16xf32>
        tpu.vector_store %arg13[%swap3A_1340, %swap3A_1341], %swap3A_1344 {strides = array<i32>} : memref<112x128xf32, #tpu.memory_space<vmem>>, vector<1x16xf32>,
        %get3A_1345 = arith.index_cast %add3A_1322 : i32 to index
        %get3A_1346 = arith.constant 32 : index
        %get3A_1347 = tpu.vector_load %arg13[%get3A_1345, %get3A_1346] {strides = array<i32>} : memref<112x128xf32, #tpu.memory_space<vmem>>, vector<1x16xf32>,
        %get3A_1348 = vector.shape_cast %get3A_1347 : vector<1x16xf32> to vector<16xf32>
        %mul3A_1349 = vector.broadcast %squeeze3A_1318 : f32 to vector<16xf32>
        %mul3A_1350 = arith.mulf %get3A_1348, %mul3A_1349 : vector<16xf32>
        %swap3A_1351 = arith.index_cast %add3A_1322 : i32 to index
        %swap3A_1352 = arith.constant 32 : index
        %swap3A_1353 = tpu.vector_load %arg13[%swap3A_1351, %swap3A_1352] {strides = array<i32>} : memref<112x128xf32, #tpu.memory_space<vmem>>, vector<1x16xf32>,
        %swap3A_1354 = vector.shape_cast %swap3A_1353 : vector<1x16xf32> to vector<16xf32>
        %swap3A_1355 = vector.shape_cast %mul3A_1350 : vector<16xf32> to vector<1x16xf32>
        tpu.vector_store %arg13[%swap3A_1351, %swap3A_1352], %swap3A_1355 {strides = array<i32>} : memref<112x128xf32, #tpu.memory_space<vmem>>, vector<1x16xf32>,
        %get3A_1356 = arith.index_cast %add3A_1322 : i32 to index
        %get3A_1357 = arith.constant 48 : index
        %get3A_1358 = tpu.vector_load %arg13[%get3A_1356, %get3A_1357] {strides = array<i32>} : memref<112x128xf32, #tpu.memory_space<vmem>>, vector<1x16xf32>,
        %get3A_1359 = vector.shape_cast %get3A_1358 : vector<1x16xf32> to vector<16xf32>
        %mul3A_1360 = vector.broadcast %squeeze3A_1318 : f32 to vector<16xf32>
        %mul3A_1361 = arith.mulf %get3A_1359, %mul3A_1360 : vector<16xf32>
        %swap3A_1362 = arith.index_cast %add3A_1322 : i32 to index
        %swap3A_1363 = arith.constant 48 : index
        %swap3A_1364 = tpu.vector_load %arg13[%swap3A_1362, %swap3A_1363] {strides = array<i32>} : memref<112x128xf32, #tpu.memory_space<vmem>>, vector<1x16xf32>,
        %swap3A_1365 = vector.shape_cast %swap3A_1364 : vector<1x16xf32> to vector<16xf32>
        %swap3A_1366 = vector.shape_cast %mul3A_1361 : vector<16xf32> to vector<1x16xf32>
        tpu.vector_store %arg13[%swap3A_1362, %swap3A_1363], %swap3A_1366 {strides = array<i32>} : memref<112x128xf32, #tpu.memory_space<vmem>>, vector<1x16xf32>,
        %get3A_1367 = arith.index_cast %add3A_1322 : i32 to index
        %get3A_1368 = arith.constant 64 : index
        %get3A_1369 = tpu.vector_load %arg13[%get3A_1367, %get3A_1368] {strides = array<i32>} : memref<112x128xf32, #tpu.memory_space<vmem>>, vector<1x16xf32>,
        %get3A_1370 = vector.shape_cast %get3A_1369 : vector<1x16xf32> to vector<16xf32>
        %mul3A_1371 = vector.broadcast %squeeze3A_1318 : f32 to vector<16xf32>
        %mul3A_1372 = arith.mulf %get3A_1370, %mul3A_1371 : vector<16xf32>
        %swap3A_1373 = arith.index_cast %add3A_1322 : i32 to index
        %swap3A_1374 = arith.constant 64 : index
        %swap3A_1375 = tpu.vector_load %arg13[%swap3A_1373, %swap3A_1374] {strides = array<i32>} : memref<112x128xf32, #tpu.memory_space<vmem>>, vector<1x16xf32>,
        %swap3A_1376 = vector.shape_cast %swap3A_1375 : vector<1x16xf32> to vector<16xf32>
        %swap3A_1377 = vector.shape_cast %mul3A_1372 : vector<16xf32> to vector<1x16xf32>
        tpu.vector_store %arg13[%swap3A_1373, %swap3A_1374], %swap3A_1377 {strides = array<i32>} : memref<112x128xf32, #tpu.memory_space<vmem>>, vector<1x16xf32>,
        %get3A_1378 = arith.index_cast %add3A_1322 : i32 to index
        %get3A_1379 = arith.constant 80 : index
        %get3A_1380 = tpu.vector_load %arg13[%get3A_1378, %get3A_1379] {strides = array<i32>} : memref<112x128xf32, #tpu.memory_space<vmem>>, vector<1x16xf32>,
        %get3A_1381 = vector.shape_cast %get3A_1380 : vector<1x16xf32> to vector<16xf32>
        %mul3A_1382 = vector.broadcast %squeeze3A_1318 : f32 to vector<16xf32>
        %mul3A_1383 = arith.mulf %get3A_1381, %mul3A_1382 : vector<16xf32>
        %swap3A_1384 = arith.index_cast %add3A_1322 : i32 to index
        %swap3A_1385 = arith.constant 80 : index
        %swap3A_1386 = tpu.vector_load %arg13[%swap3A_1384, %swap3A_1385] {strides = array<i32>} : memref<112x128xf32, #tpu.memory_space<vmem>>, vector<1x16xf32>,
        %swap3A_1387 = vector.shape_cast %swap3A_1386 : vector<1x16xf32> to vector<16xf32>
        %swap3A_1388 = vector.shape_cast %mul3A_1383 : vector<16xf32> to vector<1x16xf32>
        tpu.vector_store %arg13[%swap3A_1384, %swap3A_1385], %swap3A_1388 {strides = array<i32>} : memref<112x128xf32, #tpu.memory_space<vmem>>, vector<1x16xf32>,
        %get3A_1389 = arith.index_cast %add3A_1322 : i32 to index
        %get3A_1390 = arith.constant 96 : index
        %get3A_1391 = tpu.vector_load %arg13[%get3A_1389, %get3A_1390] {strides = array<i32>} : memref<112x128xf32, #tpu.memory_space<vmem>>, vector<1x16xf32>,
        %get3A_1392 = vector.shape_cast %get3A_1391 : vector<1x16xf32> to vector<16xf32>
        %mul3A_1393 = vector.broadcast %squeeze3A_1318 : f32 to vector<16xf32>
        %mul3A_1394 = arith.mulf %get3A_1392, %mul3A_1393 : vector<16xf32>
        %swap3A_1395 = arith.index_cast %add3A_1322 : i32 to index
        %swap3A_1396 = arith.constant 96 : index
        %swap3A_1397 = tpu.vector_load %arg13[%swap3A_1395, %swap3A_1396] {strides = array<i32>} : memref<112x128xf32, #tpu.memory_space<vmem>>, vector<1x16xf32>,
        %swap3A_1398 = vector.shape_cast %swap3A_1397 : vector<1x16xf32> to vector<16xf32>
        %swap3A_1399 = vector.shape_cast %mul3A_1394 : vector<16xf32> to vector<1x16xf32>
        tpu.vector_store %arg13[%swap3A_1395, %swap3A_1396], %swap3A_1399 {strides = array<i32>} : memref<112x128xf32, #tpu.memory_space<vmem>>, vector<1x16xf32>,
        %get3A_1400 = arith.index_cast %add3A_1322 : i32 to index
        %get3A_1401 = arith.constant 112 : index
        %get3A_1402 = tpu.vector_load %arg13[%get3A_1400, %get3A_1401] {strides = array<i32>} : memref<112x128xf32, #tpu.memory_space<vmem>>, vector<1x16xf32>,
        %get3A_1403 = vector.shape_cast %get3A_1402 : vector<1x16xf32> to vector<16xf32>
        %mul3A_1404 = vector.broadcast %squeeze3A_1318 : f32 to vector<16xf32>
        %mul3A_1405 = arith.mulf %get3A_1403, %mul3A_1404 : vector<16xf32>
        %swap3A_1406 = arith.index_cast %add3A_1322 : i32 to index
        %swap3A_1407 = arith.constant 112 : index
        %swap3A_1408 = tpu.vector_load %arg13[%swap3A_1406, %swap3A_1407] {strides = array<i32>} : memref<112x128xf32, #tpu.memory_space<vmem>>, vector<1x16xf32>,
        %swap3A_1409 = vector.shape_cast %swap3A_1408 : vector<1x16xf32> to vector<16xf32>
        %swap3A_1410 = vector.shape_cast %mul3A_1405 : vector<16xf32> to vector<1x16xf32>
        tpu.vector_store %arg13[%swap3A_1406, %swap3A_1407], %swap3A_1410 {strides = array<i32>} : memref<112x128xf32, #tpu.memory_space<vmem>>, vector<1x16xf32>,
        %slice3A_1411 = vector.extract_strided_slice %get3A_97 {offsets = [14], sizes = [1], strides = [1]} : vector<16xf32> to vector<1xf32>
        %squeeze3A_1412 = vector.extract %slice3A_1411[0] : f32 from vector<1xf32>
        %mul3A_1413 = arith.constant 16 : i32
        %mul3A_1414 = arith.muli %scan3A_90, %mul3A_1413 : i32
        %add3A_1415 = arith.constant 14 : i32
        %add3A_1416 = arith.addi %mul3A_1414, %add3A_1415 : i32
        %get3A_1417 = arith.index_cast %add3A_1416 : i32 to index
        %get3A_1418 = arith.constant 0 : index
        %get3A_1419 = tpu.vector_load %arg13[%get3A_1417, %get3A_1418] {strides = array<i32>} : memref<112x128xf32, #tpu.memory_space<vmem>>, vector<1x16xf32>,
        %get3A_1420 = vector.shape_cast %get3A_1419 : vector<1x16xf32> to vector<16xf32>
        %mul3A_1421 = vector.broadcast %squeeze3A_1412 : f32 to vector<16xf32>
        %mul3A_1422 = arith.mulf %get3A_1420, %mul3A_1421 : vector<16xf32>
        %swap3A_1423 = arith.index_cast %add3A_1416 : i32 to index
        %swap3A_1424 = arith.constant 0 : index
        %swap3A_1425 = tpu.vector_load %arg13[%swap3A_1423, %swap3A_1424] {strides = array<i32>} : memref<112x128xf32, #tpu.memory_space<vmem>>, vector<1x16xf32>,
        %swap3A_1426 = vector.shape_cast %swap3A_1425 : vector<1x16xf32> to vector<16xf32>
        %swap3A_1427 = vector.shape_cast %mul3A_1422 : vector<16xf32> to vector<1x16xf32>
        tpu.vector_store %arg13[%swap3A_1423, %swap3A_1424], %swap3A_1427 {strides = array<i32>} : memref<112x128xf32, #tpu.memory_space<vmem>>, vector<1x16xf32>,
        %get3A_1428 = arith.index_cast %add3A_1416 : i32 to index
        %get3A_1429 = arith.constant 16 : index
        %get3A_1430 = tpu.vector_load %arg13[%get3A_1428, %get3A_1429] {strides = array<i32>} : memref<112x128xf32, #tpu.memory_space<vmem>>, vector<1x16xf32>,
        %get3A_1431 = vector.shape_cast %get3A_1430 : vector<1x16xf32> to vector<16xf32>
        %mul3A_1432 = vector.broadcast %squeeze3A_1412 : f32 to vector<16xf32>
        %mul3A_1433 = arith.mulf %get3A_1431, %mul3A_1432 : vector<16xf32>
        %swap3A_1434 = arith.index_cast %add3A_1416 : i32 to index
        %swap3A_1435 = arith.constant 16 : index
        %swap3A_1436 = tpu.vector_load %arg13[%swap3A_1434, %swap3A_1435] {strides = array<i32>} : memref<112x128xf32, #tpu.memory_space<vmem>>, vector<1x16xf32>,
        %swap3A_1437 = vector.shape_cast %swap3A_1436 : vector<1x16xf32> to vector<16xf32>
        %swap3A_1438 = vector.shape_cast %mul3A_1433 : vector<16xf32> to vector<1x16xf32>
        tpu.vector_store %arg13[%swap3A_1434, %swap3A_1435], %swap3A_1438 {strides = array<i32>} : memref<112x128xf32, #tpu.memory_space<vmem>>, vector<1x16xf32>,
        %get3A_1439 = arith.index_cast %add3A_1416 : i32 to index
        %get3A_1440 = arith.constant 32 : index
        %get3A_1441 = tpu.vector_load %arg13[%get3A_1439, %get3A_1440] {strides = array<i32>} : memref<112x128xf32, #tpu.memory_space<vmem>>, vector<1x16xf32>,
        %get3A_1442 = vector.shape_cast %get3A_1441 : vector<1x16xf32> to vector<16xf32>
        %mul3A_1443 = vector.broadcast %squeeze3A_1412 : f32 to vector<16xf32>
        %mul3A_1444 = arith.mulf %get3A_1442, %mul3A_1443 : vector<16xf32>
        %swap3A_1445 = arith.index_cast %add3A_1416 : i32 to index
        %swap3A_1446 = arith.constant 32 : index
        %swap3A_1447 = tpu.vector_load %arg13[%swap3A_1445, %swap3A_1446] {strides = array<i32>} : memref<112x128xf32, #tpu.memory_space<vmem>>, vector<1x16xf32>,
        %swap3A_1448 = vector.shape_cast %swap3A_1447 : vector<1x16xf32> to vector<16xf32>
        %swap3A_1449 = vector.shape_cast %mul3A_1444 : vector<16xf32> to vector<1x16xf32>
        tpu.vector_store %arg13[%swap3A_1445, %swap3A_1446], %swap3A_1449 {strides = array<i32>} : memref<112x128xf32, #tpu.memory_space<vmem>>, vector<1x16xf32>,
        %get3A_1450 = arith.index_cast %add3A_1416 : i32 to index
        %get3A_1451 = arith.constant 48 : index
        %get3A_1452 = tpu.vector_load %arg13[%get3A_1450, %get3A_1451] {strides = array<i32>} : memref<112x128xf32, #tpu.memory_space<vmem>>, vector<1x16xf32>,
        %get3A_1453 = vector.shape_cast %get3A_1452 : vector<1x16xf32> to vector<16xf32>
        %mul3A_1454 = vector.broadcast %squeeze3A_1412 : f32 to vector<16xf32>
        %mul3A_1455 = arith.mulf %get3A_1453, %mul3A_1454 : vector<16xf32>
        %swap3A_1456 = arith.index_cast %add3A_1416 : i32 to index
        %swap3A_1457 = arith.constant 48 : index
        %swap3A_1458 = tpu.vector_load %arg13[%swap3A_1456, %swap3A_1457] {strides = array<i32>} : memref<112x128xf32, #tpu.memory_space<vmem>>, vector<1x16xf32>,
        %swap3A_1459 = vector.shape_cast %swap3A_1458 : vector<1x16xf32> to vector<16xf32>
        %swap3A_1460 = vector.shape_cast %mul3A_1455 : vector<16xf32> to vector<1x16xf32>
        tpu.vector_store %arg13[%swap3A_1456, %swap3A_1457], %swap3A_1460 {strides = array<i32>} : memref<112x128xf32, #tpu.memory_space<vmem>>, vector<1x16xf32>,
        %get3A_1461 = arith.index_cast %add3A_1416 : i32 to index
        %get3A_1462 = arith.constant 64 : index
        %get3A_1463 = tpu.vector_load %arg13[%get3A_1461, %get3A_1462] {strides = array<i32>} : memref<112x128xf32, #tpu.memory_space<vmem>>, vector<1x16xf32>,
        %get3A_1464 = vector.shape_cast %get3A_1463 : vector<1x16xf32> to vector<16xf32>
        %mul3A_1465 = vector.broadcast %squeeze3A_1412 : f32 to vector<16xf32>
        %mul3A_1466 = arith.mulf %get3A_1464, %mul3A_1465 : vector<16xf32>
        %swap3A_1467 = arith.index_cast %add3A_1416 : i32 to index
        %swap3A_1468 = arith.constant 64 : index
        %swap3A_1469 = tpu.vector_load %arg13[%swap3A_1467, %swap3A_1468] {strides = array<i32>} : memref<112x128xf32, #tpu.memory_space<vmem>>, vector<1x16xf32>,
        %swap3A_1470 = vector.shape_cast %swap3A_1469 : vector<1x16xf32> to vector<16xf32>
        %swap3A_1471 = vector.shape_cast %mul3A_1466 : vector<16xf32> to vector<1x16xf32>
        tpu.vector_store %arg13[%swap3A_1467, %swap3A_1468], %swap3A_1471 {strides = array<i32>} : memref<112x128xf32, #tpu.memory_space<vmem>>, vector<1x16xf32>,
        %get3A_1472 = arith.index_cast %add3A_1416 : i32 to index
        %get3A_1473 = arith.constant 80 : index
        %get3A_1474 = tpu.vector_load %arg13[%get3A_1472, %get3A_1473] {strides = array<i32>} : memref<112x128xf32, #tpu.memory_space<vmem>>, vector<1x16xf32>,
        %get3A_1475 = vector.shape_cast %get3A_1474 : vector<1x16xf32> to vector<16xf32>
        %mul3A_1476 = vector.broadcast %squeeze3A_1412 : f32 to vector<16xf32>
        %mul3A_1477 = arith.mulf %get3A_1475, %mul3A_1476 : vector<16xf32>
        %swap3A_1478 = arith.index_cast %add3A_1416 : i32 to index
        %swap3A_1479 = arith.constant 80 : index
        %swap3A_1480 = tpu.vector_load %arg13[%swap3A_1478, %swap3A_1479] {strides = array<i32>} : memref<112x128xf32, #tpu.memory_space<vmem>>, vector<1x16xf32>,
        %swap3A_1481 = vector.shape_cast %swap3A_1480 : vector<1x16xf32> to vector<16xf32>
        %swap3A_1482 = vector.shape_cast %mul3A_1477 : vector<16xf32> to vector<1x16xf32>
        tpu.vector_store %arg13[%swap3A_1478, %swap3A_1479], %swap3A_1482 {strides = array<i32>} : memref<112x128xf32, #tpu.memory_space<vmem>>, vector<1x16xf32>,
        %get3A_1483 = arith.index_cast %add3A_1416 : i32 to index
        %get3A_1484 = arith.constant 96 : index
        %get3A_1485 = tpu.vector_load %arg13[%get3A_1483, %get3A_1484] {strides = array<i32>} : memref<112x128xf32, #tpu.memory_space<vmem>>, vector<1x16xf32>,
        %get3A_1486 = vector.shape_cast %get3A_1485 : vector<1x16xf32> to vector<16xf32>
        %mul3A_1487 = vector.broadcast %squeeze3A_1412 : f32 to vector<16xf32>
        %mul3A_1488 = arith.mulf %get3A_1486, %mul3A_1487 : vector<16xf32>
        %swap3A_1489 = arith.index_cast %add3A_1416 : i32 to index
        %swap3A_1490 = arith.constant 96 : index
        %swap3A_1491 = tpu.vector_load %arg13[%swap3A_1489, %swap3A_1490] {strides = array<i32>} : memref<112x128xf32, #tpu.memory_space<vmem>>, vector<1x16xf32>,
        %swap3A_1492 = vector.shape_cast %swap3A_1491 : vector<1x16xf32> to vector<16xf32>
        %swap3A_1493 = vector.shape_cast %mul3A_1488 : vector<16xf32> to vector<1x16xf32>
        tpu.vector_store %arg13[%swap3A_1489, %swap3A_1490], %swap3A_1493 {strides = array<i32>} : memref<112x128xf32, #tpu.memory_space<vmem>>, vector<1x16xf32>,
        %get3A_1494 = arith.index_cast %add3A_1416 : i32 to index
        %get3A_1495 = arith.constant 112 : index
        %get3A_1496 = tpu.vector_load %arg13[%get3A_1494, %get3A_1495] {strides = array<i32>} : memref<112x128xf32, #tpu.memory_space<vmem>>, vector<1x16xf32>,
        %get3A_1497 = vector.shape_cast %get3A_1496 : vector<1x16xf32> to vector<16xf32>
        %mul3A_1498 = vector.broadcast %squeeze3A_1412 : f32 to vector<16xf32>
        %mul3A_1499 = arith.mulf %get3A_1497, %mul3A_1498 : vector<16xf32>
        %swap3A_1500 = arith.index_cast %add3A_1416 : i32 to index
        %swap3A_1501 = arith.constant 112 : index
        %swap3A_1502 = tpu.vector_load %arg13[%swap3A_1500, %swap3A_1501] {strides = array<i32>} : memref<112x128xf32, #tpu.memory_space<vmem>>, vector<1x16xf32>,
        %swap3A_1503 = vector.shape_cast %swap3A_1502 : vector<1x16xf32> to vector<16xf32>
        %swap3A_1504 = vector.shape_cast %mul3A_1499 : vector<16xf32> to vector<1x16xf32>
        tpu.vector_store %arg13[%swap3A_1500, %swap3A_1501], %swap3A_1504 {strides = array<i32>} : memref<112x128xf32, #tpu.memory_space<vmem>>, vector<1x16xf32>,
        %slice3A_1505 = vector.extract_strided_slice %get3A_97 {offsets = [15], sizes = [1], strides = [1]} : vector<16xf32> to vector<1xf32>
        %squeeze3A_1506 = vector.extract %slice3A_1505[0] : f32 from vector<1xf32>
        %mul3A_1507 = arith.constant 16 : i32
        %mul3A_1508 = arith.muli %scan3A_90, %mul3A_1507 : i32
        %add3A_1509 = arith.constant 15 : i32
        %add3A_1510 = arith.addi %mul3A_1508, %add3A_1509 : i32
        %get3A_1511 = arith.index_cast %add3A_1510 : i32 to index
        %get3A_1512 = arith.constant 0 : index
        %get3A_1513 = tpu.vector_load %arg13[%get3A_1511, %get3A_1512] {strides = array<i32>} : memref<112x128xf32, #tpu.memory_space<vmem>>, vector<1x16xf32>,
        %get3A_1514 = vector.shape_cast %get3A_1513 : vector<1x16xf32> to vector<16xf32>
        %mul3A_1515 = vector.broadcast %squeeze3A_1506 : f32 to vector<16xf32>
        %mul3A_1516 = arith.mulf %get3A_1514, %mul3A_1515 : vector<16xf32>
        %swap3A_1517 = arith.index_cast %add3A_1510 : i32 to index
        %swap3A_1518 = arith.constant 0 : index
        %swap3A_1519 = tpu.vector_load %arg13[%swap3A_1517, %swap3A_1518] {strides = array<i32>} : memref<112x128xf32, #tpu.memory_space<vmem>>, vector<1x16xf32>,
        %swap3A_1520 = vector.shape_cast %swap3A_1519 : vector<1x16xf32> to vector<16xf32>
        %swap3A_1521 = vector.shape_cast %mul3A_1516 : vector<16xf32> to vector<1x16xf32>
        tpu.vector_store %arg13[%swap3A_1517, %swap3A_1518], %swap3A_1521 {strides = array<i32>} : memref<112x128xf32, #tpu.memory_space<vmem>>, vector<1x16xf32>,
        %get3A_1522 = arith.index_cast %add3A_1510 : i32 to index
        %get3A_1523 = arith.constant 16 : index
        %get3A_1524 = tpu.vector_load %arg13[%get3A_1522, %get3A_1523] {strides = array<i32>} : memref<112x128xf32, #tpu.memory_space<vmem>>, vector<1x16xf32>,
        %get3A_1525 = vector.shape_cast %get3A_1524 : vector<1x16xf32> to vector<16xf32>
        %mul3A_1526 = vector.broadcast %squeeze3A_1506 : f32 to vector<16xf32>
        %mul3A_1527 = arith.mulf %get3A_1525, %mul3A_1526 : vector<16xf32>
        %swap3A_1528 = arith.index_cast %add3A_1510 : i32 to index
        %swap3A_1529 = arith.constant 16 : index
        %swap3A_1530 = tpu.vector_load %arg13[%swap3A_1528, %swap3A_1529] {strides = array<i32>} : memref<112x128xf32, #tpu.memory_space<vmem>>, vector<1x16xf32>,
        %swap3A_1531 = vector.shape_cast %swap3A_1530 : vector<1x16xf32> to vector<16xf32>
        %swap3A_1532 = vector.shape_cast %mul3A_1527 : vector<16xf32> to vector<1x16xf32>
        tpu.vector_store %arg13[%swap3A_1528, %swap3A_1529], %swap3A_1532 {strides = array<i32>} : memref<112x128xf32, #tpu.memory_space<vmem>>, vector<1x16xf32>,
        %get3A_1533 = arith.index_cast %add3A_1510 : i32 to index
        %get3A_1534 = arith.constant 32 : index
        %get3A_1535 = tpu.vector_load %arg13[%get3A_1533, %get3A_1534] {strides = array<i32>} : memref<112x128xf32, #tpu.memory_space<vmem>>, vector<1x16xf32>,
        %get3A_1536 = vector.shape_cast %get3A_1535 : vector<1x16xf32> to vector<16xf32>
        %mul3A_1537 = vector.broadcast %squeeze3A_1506 : f32 to vector<16xf32>
        %mul3A_1538 = arith.mulf %get3A_1536, %mul3A_1537 : vector<16xf32>
        %swap3A_1539 = arith.index_cast %add3A_1510 : i32 to index
        %swap3A_1540 = arith.constant 32 : index
        %swap3A_1541 = tpu.vector_load %arg13[%swap3A_1539, %swap3A_1540] {strides = array<i32>} : memref<112x128xf32, #tpu.memory_space<vmem>>, vector<1x16xf32>,
        %swap3A_1542 = vector.shape_cast %swap3A_1541 : vector<1x16xf32> to vector<16xf32>
        %swap3A_1543 = vector.shape_cast %mul3A_1538 : vector<16xf32> to vector<1x16xf32>
        tpu.vector_store %arg13[%swap3A_1539, %swap3A_1540], %swap3A_1543 {strides = array<i32>} : memref<112x128xf32, #tpu.memory_space<vmem>>, vector<1x16xf32>,
        %get3A_1544 = arith.index_cast %add3A_1510 : i32 to index
        %get3A_1545 = arith.constant 48 : index
        %get3A_1546 = tpu.vector_load %arg13[%get3A_1544, %get3A_1545] {strides = array<i32>} : memref<112x128xf32, #tpu.memory_space<vmem>>, vector<1x16xf32>,
        %get3A_1547 = vector.shape_cast %get3A_1546 : vector<1x16xf32> to vector<16xf32>
        %mul3A_1548 = vector.broadcast %squeeze3A_1506 : f32 to vector<16xf32>
        %mul3A_1549 = arith.mulf %get3A_1547, %mul3A_1548 : vector<16xf32>
        %swap3A_1550 = arith.index_cast %add3A_1510 : i32 to index
        %swap3A_1551 = arith.constant 48 : index
        %swap3A_1552 = tpu.vector_load %arg13[%swap3A_1550, %swap3A_1551] {strides = array<i32>} : memref<112x128xf32, #tpu.memory_space<vmem>>, vector<1x16xf32>,
        %swap3A_1553 = vector.shape_cast %swap3A_1552 : vector<1x16xf32> to vector<16xf32>
        %swap3A_1554 = vector.shape_cast %mul3A_1549 : vector<16xf32> to vector<1x16xf32>
        tpu.vector_store %arg13[%swap3A_1550, %swap3A_1551], %swap3A_1554 {strides = array<i32>} : memref<112x128xf32, #tpu.memory_space<vmem>>, vector<1x16xf32>,
        %get3A_1555 = arith.index_cast %add3A_1510 : i32 to index
        %get3A_1556 = arith.constant 64 : index
        %get3A_1557 = tpu.vector_load %arg13[%get3A_1555, %get3A_1556] {strides = array<i32>} : memref<112x128xf32, #tpu.memory_space<vmem>>, vector<1x16xf32>,
        %get3A_1558 = vector.shape_cast %get3A_1557 : vector<1x16xf32> to vector<16xf32>
        %mul3A_1559 = vector.broadcast %squeeze3A_1506 : f32 to vector<16xf32>
        %mul3A_1560 = arith.mulf %get3A_1558, %mul3A_1559 : vector<16xf32>
        %swap3A_1561 = arith.index_cast %add3A_1510 : i32 to index
        %swap3A_1562 = arith.constant 64 : index
        %swap3A_1563 = tpu.vector_load %arg13[%swap3A_1561, %swap3A_1562] {strides = array<i32>} : memref<112x128xf32, #tpu.memory_space<vmem>>, vector<1x16xf32>,
        %swap3A_1564 = vector.shape_cast %swap3A_1563 : vector<1x16xf32> to vector<16xf32>
        %swap3A_1565 = vector.shape_cast %mul3A_1560 : vector<16xf32> to vector<1x16xf32>
        tpu.vector_store %arg13[%swap3A_1561, %swap3A_1562], %swap3A_1565 {strides = array<i32>} : memref<112x128xf32, #tpu.memory_space<vmem>>, vector<1x16xf32>,
        %get3A_1566 = arith.index_cast %add3A_1510 : i32 to index
        %get3A_1567 = arith.constant 80 : index
        %get3A_1568 = tpu.vector_load %arg13[%get3A_1566, %get3A_1567] {strides = array<i32>} : memref<112x128xf32, #tpu.memory_space<vmem>>, vector<1x16xf32>,
        %get3A_1569 = vector.shape_cast %get3A_1568 : vector<1x16xf32> to vector<16xf32>
        %mul3A_1570 = vector.broadcast %squeeze3A_1506 : f32 to vector<16xf32>
        %mul3A_1571 = arith.mulf %get3A_1569, %mul3A_1570 : vector<16xf32>
        %swap3A_1572 = arith.index_cast %add3A_1510 : i32 to index
        %swap3A_1573 = arith.constant 80 : index
        %swap3A_1574 = tpu.vector_load %arg13[%swap3A_1572, %swap3A_1573] {strides = array<i32>} : memref<112x128xf32, #tpu.memory_space<vmem>>, vector<1x16xf32>,
        %swap3A_1575 = vector.shape_cast %swap3A_1574 : vector<1x16xf32> to vector<16xf32>
        %swap3A_1576 = vector.shape_cast %mul3A_1571 : vector<16xf32> to vector<1x16xf32>
        tpu.vector_store %arg13[%swap3A_1572, %swap3A_1573], %swap3A_1576 {strides = array<i32>} : memref<112x128xf32, #tpu.memory_space<vmem>>, vector<1x16xf32>,
        %get3A_1577 = arith.index_cast %add3A_1510 : i32 to index
        %get3A_1578 = arith.constant 96 : index
        %get3A_1579 = tpu.vector_load %arg13[%get3A_1577, %get3A_1578] {strides = array<i32>} : memref<112x128xf32, #tpu.memory_space<vmem>>, vector<1x16xf32>,
        %get3A_1580 = vector.shape_cast %get3A_1579 : vector<1x16xf32> to vector<16xf32>
        %mul3A_1581 = vector.broadcast %squeeze3A_1506 : f32 to vector<16xf32>
        %mul3A_1582 = arith.mulf %get3A_1580, %mul3A_1581 : vector<16xf32>
        %swap3A_1583 = arith.index_cast %add3A_1510 : i32 to index
        %swap3A_1584 = arith.constant 96 : index
        %swap3A_1585 = tpu.vector_load %arg13[%swap3A_1583, %swap3A_1584] {strides = array<i32>} : memref<112x128xf32, #tpu.memory_space<vmem>>, vector<1x16xf32>,
        %swap3A_1586 = vector.shape_cast %swap3A_1585 : vector<1x16xf32> to vector<16xf32>
        %swap3A_1587 = vector.shape_cast %mul3A_1582 : vector<16xf32> to vector<1x16xf32>
        tpu.vector_store %arg13[%swap3A_1583, %swap3A_1584], %swap3A_1587 {strides = array<i32>} : memref<112x128xf32, #tpu.memory_space<vmem>>, vector<1x16xf32>,
        %get3A_1588 = arith.index_cast %add3A_1510 : i32 to index
        %get3A_1589 = arith.constant 112 : index
        %get3A_1590 = tpu.vector_load %arg13[%get3A_1588, %get3A_1589] {strides = array<i32>} : memref<112x128xf32, #tpu.memory_space<vmem>>, vector<1x16xf32>,
        %get3A_1591 = vector.shape_cast %get3A_1590 : vector<1x16xf32> to vector<16xf32>
        %mul3A_1592 = vector.broadcast %squeeze3A_1506 : f32 to vector<16xf32>
        %mul3A_1593 = arith.mulf %get3A_1591, %mul3A_1592 : vector<16xf32>
        %swap3A_1594 = arith.index_cast %add3A_1510 : i32 to index
        %swap3A_1595 = arith.constant 112 : index
        %swap3A_1596 = tpu.vector_load %arg13[%swap3A_1594, %swap3A_1595] {strides = array<i32>} : memref<112x128xf32, #tpu.memory_space<vmem>>, vector<1x16xf32>,
        %swap3A_1597 = vector.shape_cast %swap3A_1596 : vector<1x16xf32> to vector<16xf32>
        %swap3A_1598 = vector.shape_cast %mul3A_1593 : vector<16xf32> to vector<1x16xf32>
        tpu.vector_store %arg13[%swap3A_1594, %swap3A_1595], %swap3A_1598 {strides = array<i32>} : memref<112x128xf32, #tpu.memory_space<vmem>>, vector<1x16xf32>,
      }
      %scan3A_83 = arith.constant 7 : i32
      %dma_wait3A_84 = arith.constant 0 : i32
      %dma_wait3A_85 = tpu.memref_slice %arg4[%add3A, %add3A_64, %dma_wait3A_84] : memref<32x90x112xi32, #tpu.memory_space<hbm>> -> memref<1x1x112xi32, #tpu.memory_space<hbm>>
      %dma_wait3A_86 = tpu.memref_squeeze %dma_wait3A_85 : memref<1x1x112xi32, #tpu.memory_space<hbm>> -> memref<112xi32, #tpu.memory_space<hbm>>
      %dma_wait3A_87 = arith.constant 0 : i32
      %dma_wait3A_88 = tpu.memref_slice %arg4[%add3A, %add3A_64, %dma_wait3A_87] : memref<32x90x112xi32, #tpu.memory_space<hbm>> -> memref<1x1x112xi32, #tpu.memory_space<hbm>>
      %dma_wait3A_89 = tpu.memref_squeeze %dma_wait3A_88 : memref<1x1x112xi32, #tpu.memory_space<hbm>> -> memref<112xi32, #tpu.memory_space<hbm>>
      tpu.wait_dma2 semaphore(%arg18 : memref<!tpu.dma_semaphore, #tpu.memory_space<semaphore_mem>>) src(%dma_wait3A_89 : memref<112xi32, #tpu.memory_space<hbm>>) dst(%arg11 : memref<112xi32, #tpu.memory_space<vmem>>)
      "tpu.region"() ({
        %run_scoped3A = tpu.sem_alloc : memref<!tpu.dma_semaphore, #tpu.memory_space<semaphore_mem>>
        %dma_start3A_90 = arith.constant 0 : i32
        %dma_start3A_91 = arith.constant 0 : i32
        %dma_start3A_92 = tpu.memref_slice %arg14[%dma_start3A_90, %dma_start3A_91] : memref<10000x128xf32, #tpu.memory_space<vmem_shared>> -> memref<10000x128xf32, #tpu.memory_space<vmem_shared>>
        tpu.enqueue_indirect_dma source(%arg13 : memref<112x128xf32, #tpu.memory_space<vmem>>) target(%dma_start3A_92 : memref<10000x128xf32, #tpu.memory_space<vmem_shared>>) offsets(%arg11 : memref<112xi32, #tpu.memory_space<vmem>>) semaphore(%run_scoped3A : memref<!tpu.dma_semaphore, #tpu.memory_space<semaphore_mem>>) {add = true}
        %dma_wait3A_93 = arith.constant 0 : i32
        %dma_wait3A_94 = arith.constant 0 : i32
        %dma_wait3A_95 = tpu.memref_slice %arg14[%dma_wait3A_93, %dma_wait3A_94] : memref<10000x128xf32, #tpu.memory_space<vmem_shared>> -> memref<10000x128xf32, #tpu.memory_space<vmem_shared>>
        tpu.wait_indirect_dma semaphore(%run_scoped3A : memref<!tpu.dma_semaphore, #tpu.memory_space<semaphore_mem>>) src(%arg13 : memref<112x128xf32, #tpu.memory_space<vmem>>) dst(%dma_wait3A_95 : memref<10000x128xf32, #tpu.memory_space<vmem_shared>>)
        tpu.yield
      }) : () -> ()
    }
    %scan3A_22 = arith.constant 45 : i32
    %barrier3A_23 = arith.constant 0 : index
    tpu.barrier barrier_id(%barrier3A_23)
    %mul3A_24 = arith.constant 624 : i32
    %mul3A_25 = arith.muli %arg1, %mul3A_24 : i32
    %mul3A_26 = arith.constant 624 : i32
    %mul3A_27 = arith.muli %arg1, %mul3A_26 : i32
    "tpu.region"() ({
      %run_scoped3A = tpu.sem_alloc : memref<!tpu.dma_semaphore, #tpu.memory_space<semaphore_mem>>
      %dma_start3A_33 = arith.constant 0 : i32
      %dma_start3A_34 = tpu.memref_slice %arg7[%arg0, %mul3A_27, %dma_start3A_33] : memref<2x10000x128xf32, #tpu.memory_space<hbm>> -> memref<1x624x128xf32, #tpu.memory_space<hbm>>
      %dma_start3A_35 = tpu.memref_squeeze %dma_start3A_34 : memref<1x624x128xf32, #tpu.memory_space<hbm>> -> memref<624x128xf32, #tpu.memory_space<hbm>>
      %dma_start3A_36 = arith.constant 0 : i32
      %dma_start3A_37 = tpu.memref_slice %arg14[%mul3A_25, %dma_start3A_36] : memref<10000x128xf32, #tpu.memory_space<vmem_shared>> -> memref<624x128xf32, #tpu.memory_space<vmem_shared>>
      tpu.enqueue_dma source(%dma_start3A_37 : memref<624x128xf32, #tpu.memory_space<vmem_shared>>) target(%dma_start3A_35 : memref<624x128xf32, #tpu.memory_space<hbm>>) target_semaphore(%run_scoped3A : memref<!tpu.dma_semaphore, #tpu.memory_space<semaphore_mem>>)
      %dma_wait3A = arith.constant 0 : i32
      %dma_wait3A_38 = tpu.memref_slice %arg7[%arg0, %mul3A_27, %dma_wait3A] : memref<2x10000x128xf32, #tpu.memory_space<hbm>> -> memref<1x624x128xf32, #tpu.memory_space<hbm>>
      %dma_wait3A_39 = tpu.memref_squeeze %dma_wait3A_38 : memref<1x624x128xf32, #tpu.memory_space<hbm>> -> memref<624x128xf32, #tpu.memory_space<hbm>>
      %dma_wait3A_40 = arith.constant 0 : i32
      %dma_wait3A_41 = tpu.memref_slice %arg14[%mul3A_25, %dma_wait3A_40] : memref<10000x128xf32, #tpu.memory_space<vmem_shared>> -> memref<624x128xf32, #tpu.memory_space<vmem_shared>>
      tpu.wait_dma2 semaphore(%run_scoped3A : memref<!tpu.dma_semaphore, #tpu.memory_space<semaphore_mem>>) src(%dma_wait3A_41 : memref<624x128xf32, #tpu.memory_space<vmem_shared>>) dst(%dma_wait3A_39 : memref<624x128xf32, #tpu.memory_space<hbm>>)
      tpu.yield
    }) : () -> ()
    %eq3A_28 = arith.constant 15 : i32
    %eq3A_29 = arith.cmpi eq, %arg1, %eq3A_28 : i32
    %convert_element_type3A_30 = arith.extui %eq3A_29 : i1 to i32
    %cond3A_31 = arith.constant 0 : i32
    %cond3A_32 = arith.cmpi ne, %convert_element_type3A_30, %cond3A_31 : i32
    scf.if %cond3A_32 {
      "tpu.region"() ({
        %run_scoped3A = tpu.sem_alloc : memref<!tpu.dma_semaphore, #tpu.memory_space<semaphore_mem>>
        %dma_start3A_33 = arith.constant 9984 : i32
        %dma_start3A_34 = arith.constant 0 : i32
        %dma_start3A_35 = tpu.memref_slice %arg7[%arg0, %dma_start3A_33, %dma_start3A_34] : memref<2x10000x128xf32, #tpu.memory_space<hbm>> -> memref<1x16x128xf32, #tpu.memory_space<hbm>>
        %dma_start3A_36 = tpu.memref_squeeze %dma_start3A_35 : memref<1x16x128xf32, #tpu.memory_space<hbm>> -> memref<16x128xf32, #tpu.memory_space<hbm>>
        %dma_start3A_37 = arith.constant 9984 : i32
        %dma_start3A_38 = arith.constant 0 : i32
        %dma_start3A_39 = tpu.memref_slice %arg14[%dma_start3A_37, %dma_start3A_38] : memref<10000x128xf32, #tpu.memory_space<vmem_shared>> -> memref<16x128xf32, #tpu.memory_space<vmem_shared>>
        tpu.enqueue_dma source(%dma_start3A_39 : memref<16x128xf32, #tpu.memory_space<vmem_shared>>) target(%dma_start3A_36 : memref<16x128xf32, #tpu.memory_space<hbm>>) target_semaphore(%run_scoped3A : memref<!tpu.dma_semaphore, #tpu.memory_space<semaphore_mem>>)
        %dma_wait3A = arith.constant 9984 : i32
        %dma_wait3A_40 = arith.constant 0 : i32
        %dma_wait3A_41 = tpu.memref_slice %arg7[%arg0, %dma_wait3A, %dma_wait3A_40] : memref<2x10000x128xf32, #tpu.memory_space<hbm>> -> memref<1x16x128xf32, #tpu.memory_space<hbm>>
        %dma_wait3A_42 = tpu.memref_squeeze %dma_wait3A_41 : memref<1x16x128xf32, #tpu.memory_space<hbm>> -> memref<16x128xf32, #tpu.memory_space<hbm>>
        %dma_wait3A_43 = arith.constant 9984 : i32
        %dma_wait3A_44 = arith.constant 0 : i32
        %dma_wait3A_45 = tpu.memref_slice %arg14[%dma_wait3A_43, %dma_wait3A_44] : memref<10000x128xf32, #tpu.memory_space<vmem_shared>> -> memref<16x128xf32, #tpu.memory_space<vmem_shared>>
        tpu.wait_dma2 semaphore(%run_scoped3A : memref<!tpu.dma_semaphore, #tpu.memory_space<semaphore_mem>>) src(%dma_wait3A_45 : memref<16x128xf32, #tpu.memory_space<vmem_shared>>) dst(%dma_wait3A_42 : memref<16x128xf32, #tpu.memory_space<hbm>>)
        tpu.yield
      }) : () -> ()
    } else {
    }
    return
  }
}

module attributes {stable_mosaic.version = 14 : i64} {
  func.func @_head_body(%arg0: i32, %arg1: memref<1000x128xf32, #tpu.memory_space<vmem>>, %arg2: memref<128x128xf32, #tpu.memory_space<vmem>>, %arg3: memref<1000x128xf32, #tpu.memory_space<vmem>>) attributes {dimension_semantics = [#tpu.dimension_semantics<arbitrary>], iteration_bounds = array<i64: 10>, scalar_prefetch = 0 : i64, scratch_operands = 0 : i64, tpu.core_type = #tpu.core_type<tc>, window_params = [{transform_indices = @transform_0, window_bounds = array<i64: 1000, 128>}, {pipeline_mode = #tpu.pipeline_mode<synchronous>, transform_indices = @transform_1, window_bounds = array<i64: 128, 128>}, {transform_indices = @transform_2, window_bounds = array<i64: 1000, 128>}]} {
    %get3A = arith.constant 0 : index
    %get3A_0 = arith.constant 0 : index
    %get3A_1 = vector.load %arg1[%get3A, %get3A_0] : memref<1000x128xf32, #tpu.memory_space<vmem>>, vector<1000x128xf32>
    %mul3A = arith.mulf %get3A_1, %get3A_1 : vector<1000x128xf32>
    %reduce_sum3A = arith.constant dense<0.000000e+00> : vector<1000xf32>
    %reduce_sum3A_2 = vector.multi_reduction <add>, %mul3A, %reduce_sum3A [1] : vector<1000x128xf32> to vector<1000xf32>
    %broadcast_in_dim3A = vector.shape_cast %reduce_sum3A_2 : vector<1000xf32> to vector<1000x1xf32>
    %sqrt3A = math.sqrt %broadcast_in_dim3A : vector<1000x1xf32>
    %jit3A = arith.constant 1.000000e-15 : f32
    %max3A = vector.broadcast %jit3A : f32 to vector<1000x1xf32>
    %max3A_3 = arith.maximumf %max3A, %sqrt3A : vector<1000x1xf32>
    %jit3A_4 = arith.constant 0.999989986 : f32
    %min3A = vector.broadcast %jit3A_4 : f32 to vector<1000x1xf32>
    %min3A_5 = arith.minimumf %min3A, %max3A_3 : vector<1000x1xf32>
    %add3A = arith.constant 1.000000e+00 : f32
    %add3A_6 = vector.broadcast %add3A : f32 to vector<1000x1xf32>
    %add3A_7 = arith.addf %add3A_6, %min3A_5 : vector<1000x1xf32>
    %sub3A = arith.constant 1.000000e+00 : f32
    %sub3A_8 = vector.broadcast %sub3A : f32 to vector<1000x1xf32>
    %sub3A_9 = arith.subf %sub3A_8, %min3A_5 : vector<1000x1xf32>
    %div3A = arith.divf %add3A_7, %sub3A_9 : vector<1000x1xf32>
    %log3A = math.log %div3A : vector<1000x1xf32>
    %mul3A_10 = arith.constant 5.000000e-01 : f32
    %mul3A_11 = vector.broadcast %mul3A_10 : f32 to vector<1000x1xf32>
    %mul3A_12 = arith.mulf %mul3A_11, %log3A : vector<1000x1xf32>
    %mul3A_13 = vector.broadcast %mul3A_12 : vector<1000x1xf32> to vector<1000x128xf32>
    %mul3A_14 = arith.mulf %mul3A_13, %get3A_1 : vector<1000x128xf32>
    %div3A_15 = vector.broadcast %max3A_3 : vector<1000x1xf32> to vector<1000x128xf32>
    %div3A_16 = arith.divf %mul3A_14, %div3A_15 : vector<1000x128xf32>
    %get3A_17 = arith.constant 0 : index
    %get3A_18 = arith.constant 0 : index
    %get3A_19 = vector.load %arg2[%get3A_17, %get3A_18] : memref<128x128xf32, #tpu.memory_space<vmem>>, vector<128x128xf32>
    %dot_general3A = arith.constant dense<0.000000e+00> : vector<1000x128xf32>
    %dot_general3A_20 = tpu.matmul %div3A_16, %get3A_19, %dot_general3A {dimension_numbers = #tpu.dot_dimension_numbers<[1], [0], [0], [1], [0, 0, 1, 1], [], []>, transpose_lhs_hint = false} : vector<1000x128xf32>, vector<128x128xf32>, vector<1000x128xf32> -> vector<1000x128xf32>
    %swap3A = arith.constant 0 : index
    %swap3A_21 = arith.constant 0 : index
    %swap3A_22 = vector.load %arg3[%swap3A, %swap3A_21] : memref<1000x128xf32, #tpu.memory_space<vmem>>, vector<1000x128xf32>
    tpu.vector_store %arg3[%swap3A, %swap3A_21], %dot_general3A_20 {strides = array<i32>} : memref<1000x128xf32, #tpu.memory_space<vmem>>, vector<1000x128xf32>,
    return
  }
  func.func @transform_0(%arg0: i32) -> (i32, i32) {
    %c0_i32 = arith.constant 0 : i32
    %c0_i32_0 = arith.constant 0 : i32
    return %arg0, %c0_i32 : i32, i32
  }
  func.func @transform_1(%arg0: i32) -> (i32, i32) {
    %c0_i32 = arith.constant 0 : i32
    %c0_i32_0 = arith.constant 0 : i32
    %c0_i32_1 = arith.constant 0 : i32
    return %c0_i32, %c0_i32_0 : i32, i32
  }
  func.func @transform_2(%arg0: i32) -> (i32, i32) {
    %c0_i32 = arith.constant 0 : i32
    %c0_i32_0 = arith.constant 0 : i32
    return %arg0, %c0_i32 : i32, i32
  }
}

module attributes {stable_mosaic.version = 14 : i64} {
  func.func @_tail_body(%arg0: i32, %arg1: memref<2x1000x128xf32, #tpu.memory_space<vmem>>, %arg2: memref<1x128xf32, #tpu.memory_space<vmem>>, %arg3: memref<1000x128xf32, #tpu.memory_space<vmem>>) attributes {dimension_semantics = [#tpu.dimension_semantics<arbitrary>], iteration_bounds = array<i64: 10>, scalar_prefetch = 0 : i64, scratch_operands = 0 : i64, tpu.core_type = #tpu.core_type<tc>, window_params = [{transform_indices = @transform_0, window_bounds = array<i64: 2, 1000, 128>}, {pipeline_mode = #tpu.pipeline_mode<synchronous>, transform_indices = @transform_1, window_bounds = array<i64: 1, 128>}, {transform_indices = @transform_2, window_bounds = array<i64: 1000, 128>}]} {
    %get3A = arith.constant 0 : index
    %get3A_0 = arith.constant 0 : index
    %get3A_1 = arith.constant 0 : index
    %get3A_2 = vector.load %arg1[%get3A, %get3A_0, %get3A_1] : memref<2x1000x128xf32, #tpu.memory_space<vmem>>, vector<1x1000x128xf32>
    %get3A_3 = vector.shape_cast %get3A_2 : vector<1x1000x128xf32> to vector<1000x128xf32>
    %get3A_4 = arith.constant 1 : index
    %get3A_5 = arith.constant 0 : index
    %get3A_6 = arith.constant 0 : index
    %get3A_7 = vector.load %arg1[%get3A_4, %get3A_5, %get3A_6] : memref<2x1000x128xf32, #tpu.memory_space<vmem>>, vector<1x1000x128xf32>
    %get3A_8 = vector.shape_cast %get3A_7 : vector<1x1000x128xf32> to vector<1000x128xf32>
    %add3A = arith.addf %get3A_3, %get3A_8 : vector<1000x128xf32>
    %mul3A = arith.mulf %add3A, %add3A : vector<1000x128xf32>
    %reduce_sum3A = arith.constant dense<0.000000e+00> : vector<1000xf32>
    %reduce_sum3A_9 = vector.multi_reduction <add>, %mul3A, %reduce_sum3A [1] : vector<1000x128xf32> to vector<1000xf32>
    %broadcast_in_dim3A = vector.shape_cast %reduce_sum3A_9 : vector<1000xf32> to vector<1000x1xf32>
    %sqrt3A = math.sqrt %broadcast_in_dim3A : vector<1000x1xf32>
    %jit3A = arith.constant 1.000000e-15 : f32
    %max3A = vector.broadcast %jit3A : f32 to vector<1000x1xf32>
    %max3A_10 = arith.maximumf %max3A, %sqrt3A : vector<1000x1xf32>
    %tanh3A = math.tanh %max3A_10 : vector<1000x1xf32>
    %mul3A_11 = vector.broadcast %tanh3A : vector<1000x1xf32> to vector<1000x128xf32>
    %mul3A_12 = arith.mulf %mul3A_11, %add3A : vector<1000x128xf32>
    %div3A = vector.broadcast %max3A_10 : vector<1000x1xf32> to vector<1000x128xf32>
    %div3A_13 = arith.divf %mul3A_12, %div3A : vector<1000x128xf32>
    %mul3A_14 = arith.mulf %div3A_13, %div3A_13 : vector<1000x128xf32>
    %reduce_sum3A_15 = arith.constant dense<0.000000e+00> : vector<1000xf32>
    %reduce_sum3A_16 = vector.multi_reduction <add>, %mul3A_14, %reduce_sum3A_15 [1] : vector<1000x128xf32> to vector<1000xf32>
    %broadcast_in_dim3A_17 = vector.shape_cast %reduce_sum3A_16 : vector<1000xf32> to vector<1000x1xf32>
    %sqrt3A_18 = math.sqrt %broadcast_in_dim3A_17 : vector<1000x1xf32>
    %jit3A_19 = arith.constant 1.000000e-15 : f32
    %max3A_20 = vector.broadcast %jit3A_19 : f32 to vector<1000x1xf32>
    %max3A_21 = arith.maximumf %max3A_20, %sqrt3A_18 : vector<1000x1xf32>
    %gt3A = arith.constant 0.999989986 : f32
    %gt3A_22 = vector.broadcast %gt3A : f32 to vector<1000x1xf32>
    %gt3A_23 = arith.cmpf ogt, %max3A_21, %gt3A_22 : vector<1000x1xf32>
    %div3A_24 = arith.constant 0.999989986 : f32
    %div3A_25 = vector.broadcast %div3A_24 : f32 to vector<1000x1xf32>
    %div3A_26 = arith.divf %div3A_25, %max3A_21 : vector<1000x1xf32>
    %jit3A_27 = arith.constant 1.000000e+00 : f32
    %broadcast_in_dim3A_28 = vector.broadcast %jit3A_27 : f32 to vector<1000x1xf32>
    %select_n3A = arith.select %gt3A_23, %div3A_26, %broadcast_in_dim3A_28 : vector<1000x1xi1>, vector<1000x1xf32>
    %mul3A_29 = vector.broadcast %select_n3A : vector<1000x1xf32> to vector<1000x128xf32>
    %mul3A_30 = arith.mulf %div3A_13, %mul3A_29 : vector<1000x128xf32>
    %get3A_31 = arith.constant 0 : index
    %get3A_32 = arith.constant 0 : index
    %get3A_33 = vector.load %arg2[%get3A_31, %get3A_32] : memref<1x128xf32, #tpu.memory_space<vmem>>, vector<1x128xf32>
    %mul3A_34 = arith.mulf %get3A_33, %get3A_33 : vector<1x128xf32>
    %reduce_sum3A_35 = arith.constant dense<0.000000e+00> : vector<1xf32>
    %reduce_sum3A_36 = vector.multi_reduction <add>, %mul3A_34, %reduce_sum3A_35 [1] : vector<1x128xf32> to vector<1xf32>
    %broadcast_in_dim3A_37 = vector.shape_cast %reduce_sum3A_36 : vector<1xf32> to vector<1x1xf32>
    %sqrt3A_38 = math.sqrt %broadcast_in_dim3A_37 : vector<1x1xf32>
    %jit3A_39 = arith.constant 1.000000e-15 : f32
    %max3A_40 = vector.broadcast %jit3A_39 : f32 to vector<1x1xf32>
    %max3A_41 = arith.maximumf %max3A_40, %sqrt3A_38 : vector<1x1xf32>
    %tanh3A_42 = math.tanh %max3A_41 : vector<1x1xf32>
    %mul3A_43 = vector.broadcast %tanh3A_42 : vector<1x1xf32> to vector<1x128xf32>
    %mul3A_44 = arith.mulf %mul3A_43, %get3A_33 : vector<1x128xf32>
    %div3A_45 = vector.broadcast %max3A_41 : vector<1x1xf32> to vector<1x128xf32>
    %div3A_46 = arith.divf %mul3A_44, %div3A_45 : vector<1x128xf32>
    %mul3A_47 = arith.mulf %div3A_46, %div3A_46 : vector<1x128xf32>
    %reduce_sum3A_48 = arith.constant dense<0.000000e+00> : vector<1xf32>
    %reduce_sum3A_49 = vector.multi_reduction <add>, %mul3A_47, %reduce_sum3A_48 [1] : vector<1x128xf32> to vector<1xf32>
    %broadcast_in_dim3A_50 = vector.shape_cast %reduce_sum3A_49 : vector<1xf32> to vector<1x1xf32>
    %sqrt3A_51 = math.sqrt %broadcast_in_dim3A_50 : vector<1x1xf32>
    %jit3A_52 = arith.constant 1.000000e-15 : f32
    %max3A_53 = vector.broadcast %jit3A_52 : f32 to vector<1x1xf32>
    %max3A_54 = arith.maximumf %max3A_53, %sqrt3A_51 : vector<1x1xf32>
    %gt3A_55 = arith.constant 0.999989986 : f32
    %gt3A_56 = vector.broadcast %gt3A_55 : f32 to vector<1x1xf32>
    %gt3A_57 = arith.cmpf ogt, %max3A_54, %gt3A_56 : vector<1x1xf32>
    %div3A_58 = arith.constant 0.999989986 : f32
    %div3A_59 = vector.broadcast %div3A_58 : f32 to vector<1x1xf32>
    %div3A_60 = arith.divf %div3A_59, %max3A_54 : vector<1x1xf32>
    %jit3A_61 = arith.constant 1.000000e+00 : f32
    %broadcast_in_dim3A_62 = vector.broadcast %jit3A_61 : f32 to vector<1x1xf32>
    %select_n3A_63 = arith.select %gt3A_57, %div3A_60, %broadcast_in_dim3A_62 : vector<1x1xi1>, vector<1x1xf32>
    %mul3A_64 = vector.broadcast %select_n3A_63 : vector<1x1xf32> to vector<1x128xf32>
    %mul3A_65 = arith.mulf %div3A_46, %mul3A_64 : vector<1x128xf32>
    %mul3A_66 = vector.broadcast %mul3A_65 : vector<1x128xf32> to vector<1000x128xf32>
    %mul3A_67 = arith.mulf %mul3A_30, %mul3A_66 : vector<1000x128xf32>
    %reduce_sum3A_68 = arith.constant dense<0.000000e+00> : vector<1000xf32>
    %reduce_sum3A_69 = vector.multi_reduction <add>, %mul3A_67, %reduce_sum3A_68 [1] : vector<1000x128xf32> to vector<1000xf32>
    %broadcast_in_dim3A_70 = vector.shape_cast %reduce_sum3A_69 : vector<1000xf32> to vector<1000x1xf32>
    %mul3A_71 = arith.mulf %mul3A_30, %mul3A_30 : vector<1000x128xf32>
    %reduce_sum3A_72 = arith.constant dense<0.000000e+00> : vector<1000xf32>
    %reduce_sum3A_73 = vector.multi_reduction <add>, %mul3A_71, %reduce_sum3A_72 [1] : vector<1000x128xf32> to vector<1000xf32>
    %broadcast_in_dim3A_74 = vector.shape_cast %reduce_sum3A_73 : vector<1000xf32> to vector<1000x1xf32>
    %mul3A_75 = arith.mulf %mul3A_65, %mul3A_65 : vector<1x128xf32>
    %reduce_sum3A_76 = arith.constant dense<0.000000e+00> : vector<1xf32>
    %reduce_sum3A_77 = vector.multi_reduction <add>, %mul3A_75, %reduce_sum3A_76 [1] : vector<1x128xf32> to vector<1xf32>
    %broadcast_in_dim3A_78 = vector.shape_cast %reduce_sum3A_77 : vector<1xf32> to vector<1x1xf32>
    %mul3A_79 = arith.constant 2.000000e+00 : f32
    %mul3A_80 = vector.broadcast %mul3A_79 : f32 to vector<1000x1xf32>
    %mul3A_81 = arith.mulf %mul3A_80, %broadcast_in_dim3A_70 : vector<1000x1xf32>
    %add3A_82 = arith.constant 1.000000e+00 : f32
    %add3A_83 = vector.broadcast %add3A_82 : f32 to vector<1000x1xf32>
    %add3A_84 = arith.addf %add3A_83, %mul3A_81 : vector<1000x1xf32>
    %add3A_85 = vector.broadcast %broadcast_in_dim3A_78 : vector<1x1xf32> to vector<1000x1xf32>
    %add3A_86 = arith.addf %add3A_84, %add3A_85 : vector<1000x1xf32>
    %mul3A_87 = vector.broadcast %add3A_86 : vector<1000x1xf32> to vector<1000x128xf32>
    %mul3A_88 = arith.mulf %mul3A_87, %mul3A_30 : vector<1000x128xf32>
    %sub3A = arith.constant 1.000000e+00 : f32
    %sub3A_89 = vector.broadcast %sub3A : f32 to vector<1000x1xf32>
    %sub3A_90 = arith.subf %sub3A_89, %broadcast_in_dim3A_74 : vector<1000x1xf32>
    %mul3A_91 = vector.broadcast %sub3A_90 : vector<1000x1xf32> to vector<1000x128xf32>
    %mul3A_92 = vector.broadcast %mul3A_65 : vector<1x128xf32> to vector<1000x128xf32>
    %mul3A_93 = arith.mulf %mul3A_91, %mul3A_92 : vector<1000x128xf32>
    %add3A_94 = arith.addf %mul3A_88, %mul3A_93 : vector<1000x128xf32>
    %mul3A_95 = arith.constant 2.000000e+00 : f32
    %mul3A_96 = vector.broadcast %mul3A_95 : f32 to vector<1000x1xf32>
    %mul3A_97 = arith.mulf %mul3A_96, %broadcast_in_dim3A_70 : vector<1000x1xf32>
    %add3A_98 = arith.constant 1.000000e+00 : f32
    %add3A_99 = vector.broadcast %add3A_98 : f32 to vector<1000x1xf32>
    %add3A_100 = arith.addf %add3A_99, %mul3A_97 : vector<1000x1xf32>
    %mul3A_101 = vector.broadcast %broadcast_in_dim3A_78 : vector<1x1xf32> to vector<1000x1xf32>
    %mul3A_102 = arith.mulf %broadcast_in_dim3A_74, %mul3A_101 : vector<1000x1xf32>
    %add3A_103 = arith.addf %add3A_100, %mul3A_102 : vector<1000x1xf32>
    %jit3A_104 = arith.constant 1.000000e-15 : f32
    %max3A_105 = vector.broadcast %jit3A_104 : f32 to vector<1000x1xf32>
    %max3A_106 = arith.maximumf %max3A_105, %add3A_103 : vector<1000x1xf32>
    %div3A_107 = vector.broadcast %max3A_106 : vector<1000x1xf32> to vector<1000x128xf32>
    %div3A_108 = arith.divf %add3A_94, %div3A_107 : vector<1000x128xf32>
    %mul3A_109 = arith.mulf %div3A_108, %div3A_108 : vector<1000x128xf32>
    %reduce_sum3A_110 = arith.constant dense<0.000000e+00> : vector<1000xf32>
    %reduce_sum3A_111 = vector.multi_reduction <add>, %mul3A_109, %reduce_sum3A_110 [1] : vector<1000x128xf32> to vector<1000xf32>
    %broadcast_in_dim3A_112 = vector.shape_cast %reduce_sum3A_111 : vector<1000xf32> to vector<1000x1xf32>
    %sqrt3A_113 = math.sqrt %broadcast_in_dim3A_112 : vector<1000x1xf32>
    %jit3A_114 = arith.constant 1.000000e-15 : f32
    %max3A_115 = vector.broadcast %jit3A_114 : f32 to vector<1000x1xf32>
    %max3A_116 = arith.maximumf %max3A_115, %sqrt3A_113 : vector<1000x1xf32>
    %gt3A_117 = arith.constant 0.999989986 : f32
    %gt3A_118 = vector.broadcast %gt3A_117 : f32 to vector<1000x1xf32>
    %gt3A_119 = arith.cmpf ogt, %max3A_116, %gt3A_118 : vector<1000x1xf32>
    %div3A_120 = arith.constant 0.999989986 : f32
    %div3A_121 = vector.broadcast %div3A_120 : f32 to vector<1000x1xf32>
    %div3A_122 = arith.divf %div3A_121, %max3A_116 : vector<1000x1xf32>
    %jit3A_123 = arith.constant 1.000000e+00 : f32
    %broadcast_in_dim3A_124 = vector.broadcast %jit3A_123 : f32 to vector<1000x1xf32>
    %select_n3A_125 = arith.select %gt3A_119, %div3A_122, %broadcast_in_dim3A_124 : vector<1000x1xi1>, vector<1000x1xf32>
    %mul3A_126 = vector.broadcast %select_n3A_125 : vector<1000x1xf32> to vector<1000x128xf32>
    %mul3A_127 = arith.mulf %div3A_108, %mul3A_126 : vector<1000x128xf32>
    %swap3A = arith.constant 0 : index
    %swap3A_128 = arith.constant 0 : index
    %swap3A_129 = vector.load %arg3[%swap3A, %swap3A_128] : memref<1000x128xf32, #tpu.memory_space<vmem>>, vector<1000x128xf32>
    tpu.vector_store %arg3[%swap3A, %swap3A_128], %mul3A_127 {strides = array<i32>} : memref<1000x128xf32, #tpu.memory_space<vmem>>, vector<1000x128xf32>,
    return
  }
  func.func @transform_0(%arg0: i32) -> (i32, i32, i32) {
    %c0_i32 = arith.constant 0 : i32
    %c0_i32_0 = arith.constant 0 : i32
    %c0_i32_1 = arith.constant 0 : i32
    return %c0_i32, %arg0, %c0_i32_0 : i32, i32, i32
  }
  func.func @transform_1(%arg0: i32) -> (i32, i32) {
    %c0_i32 = arith.constant 0 : i32
    %c0_i32_0 = arith.constant 0 : i32
    %c0_i32_1 = arith.constant 0 : i32
    return %c0_i32, %c0_i32_0 : i32, i32
  }
  func.func @transform_2(%arg0: i32) -> (i32, i32) {
    %c0_i32 = arith.constant 0 : i32
    %c0_i32_0 = arith.constant 0 : i32
    return %arg0, %c0_i32 : i32, i32
  }
}

</mosaic_0001>

<sc_bundles>
// kernel: kernel.5.cloned.1.call-start
scs
__scs_entry_jumppad:
0x0: {  	(pc) =	sbr.rel $0x88, $3  }
0x1: {  	(tag) =	ssettag $0x0;
	lr =	simm.s32 $0x1  }
0x2: {  	[smem:$0x3F9C] =	sst lr;
	_ =	strace $0xD0000000  }
0x3: {  	_ = 	snop  }
0x4: {  	_ = 	snop  }
0x5: {  	_ = 	snop  }
0x6: {  	_ = 	snop  }
0x7: {  	_ = 	snop  }
__scs_overlays_trampoline_lowered:
0x8: {  	[smem:$0x3FAB] =	sst s0  }
0x9: {  	[smem:$0x3FAC] =	sst s1  }
0xa: {  	[smem:$0x3FAD] =	sst s2  }
0xb: {  	[smem:$0x3FAE] =	sst s3  }
0xc: {  	[smem:$0x3FAF] =	sst s4  }
0xd: {  	[smem:$0x3FB0] =	sst s5  }
0xe: {  	[smem:$0x3FB1] =	sst s6  }
0xf: {  	[smem:$0x3FB2] =	sst s7  }
0x10: {  	[smem:$0x3FB3] =	sst s8  }
0x11: {  	[smem:$0x3FB4] =	sst s9;
	s0 =	simm.s32 @!p0 $0x0  }
0x12: {  	s1 =	sld [smem:$0x3F9A];
	s0 =	simm.s32 @p0 $0x1  }
0x13: {  	[smem:$0x3FB5] =	sst s0;
	s0 =	simm.s32 @!p1 $0x0  }
0x14: {  	s2 =	sld [smem:$0x3F99];
	s0 =	simm.s32 @p1 $0x1  }
0x15: {  	[smem:$0x3FB6] =	sst s0;
	s0 =	simm.s32 @!p2 $0x0  }
0x16: {  	s3 =	sld [smem:$0x3FDB];
	s0 =	simm.s32 @p2 $0x1  }
0x17: {  	s4 =	simm.s32 $0x1BF5;
	[smem:$0x3FB8] =	sst s0  }
0x18: {  	s0 =	sld [smem:$0x3F9B];
	_ =	swait.ge [sflag:s4], $0x0  }
0x19: {  	s7 =	sld [smem:$0x3F9C]  }
0x1a: {  	s8 =	sadd.s32 $0xFFFFE003, lr  }
0x1b: {  	s9 =	sadd.s32 $0xFFFFFEF7, lr;
	s5 =	simm.s32 $0xFFFFFFFF;
	p2 =	slt.u32 s8, $0xFFFFF086  }
0x1c: {  	p1 =	slt.u32 s9, $0xF7A;
	s5 =	simm.s32 @!p2 $0x0  }
0x1d: {  	s5 =	simm.s32 @p1 $0x1;
	p0 =	seq.s32 s7, s2  }
0x1e: {  	s7 =	smul.u32 @!p0 $0xF7A, s2;
	p2 =	seq.s32 @!p0 s5, $0x0  }
0x1f: {  	s9 =	smul.u32 $0xF7A, s1;
	s8 =	simm.s32 @!p0 $0x1BF5;
	p2 =	por !p2, p0  }
0x20: {  	[sflag:s8] =	ssyncset.s32 @!p0 $0xFFFFF086;
	s6 =	sadd.s32 @!p0 s3, s7;
	s7 =	simm.s32 @!p0 $0x108  }
0x21: {  	s3 =	sadd.s32 s3, s9;
	s6 =	sadd.s32 @!p0 $0x88, s6;
	s7 =	simm.s32 @p2 $0x1082  }
0x22: {  	[simem:s7], [sflag:s8] =	dma.local @!p0 [hbm:s6], $0xF7A  }
0x23: {  	s9 =	sor.u32 $0xD0000000, s2;
	s6 =	simm.s32 $0x108;
	_ =	swait.ge @!p0 [sflag:s8], $0x0  }
0x24: {  	s3 =	sadd.s32 $0x88, s3;
	s6 =	simm.s32 @!p1 $0x1082;
	[sflag:s4] =	ssyncset.s32 $0xFFFFF086  }
0x25: {  	[simem:s6], [sflag:s4] =	dma.local [hbm:s3], $0xF7A  }
0x26: {  	[smem:$0x3F9C] =	sst s1;
	(tag) =	ssettag s2;
	_ =	strace s9  }
0x27: {  	s1 =	sld [smem:$0x3FAC]  }
0x28: {  	s2 =	sld [smem:$0x3FAD]  }
0x29: {  	s4 =	sld [smem:$0x3FAF]  }
0x2a: {  	p0 =	seq.s32 s5, $0x0;
	s5 =	sld [smem:$0x3FB0]  }
0x2b: {  	s6 =	sld [smem:$0x3FB1]  }
0x2c: {  	s7 =	sld [smem:$0x3FB2]  }
0x2d: {  	s3 =	simm.s32 $0x108;
	s8 =	sld [smem:$0x3FB3]  }
0x2e: {  	s3 =	simm.s32 @!p0 $0x1082;
	s9 =	sld [smem:$0x3FB4]  }
0x2f: {  	lr =	sadd.s32 s0, s3;
	s0 =	sld [smem:$0x3FAB]  }
0x30: {  	s3 =	sld [smem:$0x3FAE]  }
0x31: {  	[smem:$0x3FB7] =	sst s10  }
0x32: {  	s10 =	sld [smem:$0x3FB5];
	_ =	sdelay $0x3  }
0x33: {  	p0 =	seq.s32 s10, $0x1;
	s10 =	sld [smem:$0x3FB7];
	_ =	sdelay $0x3  }
0x34: {  	[smem:$0x3FB7] =	sst s10  }
0x35: {  	s10 =	sld [smem:$0x3FB6];
	_ =	sdelay $0x3  }
0x36: {  	p1 =	seq.s32 s10, $0x1;
	s10 =	sld [smem:$0x3FB7];
	_ =	sdelay $0x3  }
0x37: {  	[smem:$0x3FB7] =	sst s10  }
0x38: {  	s10 =	sld [smem:$0x3FB8]  }
0x39: {  	_ = 	snop;
	(pc) =	sbr.ind lr, $3  }
0x3a: {  	_ = 	snop  }
0x3b: {  	_ = 	snop  }
0x3c: {  	p2 =	seq.s32 s10, $0x1;
	s10 =	sld [smem:$0x3FB7]  }
0x3d: {  	_ =	shalt  }
0x3e: {  	_ =	shalt  }
0x3f: {  	_ =	shalt  }
0x40: {  	_ =	shalt  }
0x41: {  	_ =	shalt  }
0x42: {  	_ =	shalt  }
0x43: {  	_ =	shalt  }
0x44: {  	_ =	shalt  }
0x45: {  	_ =	shalt  }
0x46: {  	_ =	shalt  }
0x47: {  	_ =	shalt  }
0x48: {  	_ =	shalt  }
0x49: {  	_ =	shalt  }
0x4a: {  	_ =	shalt  }
0x4b: {  	_ =	shalt  }
0x4c: {  	_ =	shalt  }
0x4d: {  	_ =	shalt  }
0x4e: {  	_ =	shalt  }
0x4f: {  	_ =	shalt  }
0x50: {  	_ =	shalt  }
0x51: {  	_ =	shalt  }
0x52: {  	_ =	shalt  }
0x53: {  	_ =	shalt  }
0x54: {  	_ =	shalt  }
0x55: {  	_ =	shalt  }
0x56: {  	_ =	shalt  }
0x57: {  	_ =	shalt  }
0x58: {  	_ =	shalt  }
0x59: {  	_ =	shalt  }
0x5a: {  	_ =	shalt  }
0x5b: {  	_ =	shalt  }
0x5c: {  	_ =	shalt  }
0x5d: {  	_ =	shalt  }
0x5e: {  	_ =	shalt  }
0x5f: {  	_ =	shalt  }
0x60: {  	_ =	shalt  }
0x61: {  	_ =	shalt  }
0x62: {  	_ =	shalt  }
0x63: {  	_ =	shalt  }
0x64: {  	_ =	shalt  }
0x65: {  	_ =	shalt  }
0x66: {  	_ =	shalt  }
0x67: {  	_ =	shalt  }
0x68: {  	_ =	shalt  }
0x69: {  	_ =	shalt  }
0x6a: {  	_ =	shalt  }
0x6b: {  	_ =	shalt  }
0x6c: {  	_ =	shalt  }
0x6d: {  	_ =	shalt  }
0x6e: {  	_ =	shalt  }
0x6f: {  	_ =	shalt  }
0x70: {  	_ =	shalt  }
0x71: {  	_ =	shalt  }
0x72: {  	_ =	shalt  }
0x73: {  	_ =	shalt  }
0x74: {  	_ =	shalt  }
0x75: {  	_ =	shalt  }
0x76: {  	_ =	shalt  }
0x77: {  	_ =	shalt  }
0x78: {  	_ =	shalt  }
0x79: {  	_ =	shalt  }
0x7a: {  	_ =	shalt  }
0x7b: {  	_ =	shalt  }
0x7c: {  	_ =	shalt  }
0x7d: {  	_ =	shalt  }
0x7e: {  	_ =	shalt  }
0x7f: {  	_ =	shalt  }
0x80: {  	_ =	shalt  }
0x81: {  	_ =	shalt  }
0x82: {  	_ =	shalt  }
0x83: {  	_ =	shalt  }
0x84: {  	_ =	shalt  }
0x85: {  	_ =	shalt  }
0x86: {  	_ =	shalt  }
0x87: {  	_ =	shalt  }
.Lfunc_end0:
.L_simem_size_0:
called_computation_lowered:
.L_overlay_start_0:
0x88: {  	s2 =	sld [smem:$0x3FD9]  }
0x89: {  	s3 =	sld [smem:$0x3FFE];
	_ =	sdelay $0x1  }
0x8a: {  	s1 =	srdreg.scid  }
0x8b: {  	s0 =	sand.u32 $0x1, s1  }
0x8c: {  	s17 =	sshll.u32 s0, $0xA;
	s2 =	sadd.s32 s3, s2  }
0x8d: {  	s2 =	sadd.s32 s2, s17  }
0x8e: {  	[smem:$0x3FC3] =	sst s2  }
0x8f: {  	_ = 	snop  }
0x90: {  	s2 =	sld [smem:$0x3FD0];
	(tm) =	ssettm $0x1  }
0x91: {  	s18 =	sld [smem:$0x3FFB];
	_ =	sdelay $0x3  }
0x92: {  	_ =	strace s18  }
0x93: {  	s3 =	sld [smem:$0x3FFC];
	_ =	sdelay $0x3  }
0x94: {  	_ =	strace s3  }
0x95: {  	s3 =	sld [smem:$0x3FFD];
	_ =	sdelay $0x3  }
0x96: {  	_ =	strace s3  }
0x97: {  	_ =	strace $0x8FFFFFFF  }
0x98: {  	s19 =	sld [smem:$0x3FDB];
	_ =	sdelay $0x1  }
0x99: {  	s4 =	simm.s32 $_scs_section_size  }
0x9a: {  	s5 =	simm.s32 $_size__tile_overlayer_lowered;
	s6 =	simm.s32 $_tile_overlayer_lowered  }
0x9b: {  	s22 =	simm.s32 $0x1BFF;
	s21 =	sshll.u32 s6, $0x1;
	s3 =	sadd.s32 s4, s19  }
0x9c: {  	s7 =	simm.s32 $0x0;
	s20 =	sshll.u32 s5, $0x1;
	s5 =	sadd.s32 s21, s3  }
0x9d: {  	[timem:s7], [sflag:s22] =	dma.local [hbm:s5], s20  }
0x9e: {  	_ =	swait.ge [sflag:s22], s20  }
0x9f: {  	s4 =	ssub.s32 $0x0, s20;
	[sflag:s22] =	ssyncset.done $0x0  }
0xa0: {  	[sflag:s22] =	ssyncadd.s32 s4;
	_ =	sdelay $0x1  }
0xa1: {  	s23 =	simm.s32 $0x1B8B  }
0xa2: {  	_ =	swait.ge [sflag:s23], $0x1  }
0xa3: {  	[sflag:s23] =	ssyncset.done $0x0  }
0xa4: {  	s25 =	simm.s32 $0x1B8E;
	s24 =	sld [smem:$0x3FFE];
	[sflag:s23] =	ssyncadd.s32 $0xFFFFFFFF  }
0xa5: {  	s26 =	simm.s32 $execute0_lowered;
	[smem:$0x3FD2] =	sst s25  }
0xa6: {  	s5 =	sshll.u32 s26, $0x1;
	_ =	strace $0x80000046;
	[dreg:$0x1] =	wrdreg $0xFFFFFFFF  }
0xa7: {  	s28 =	simm.s32 $_size_execute0_lowered;
	s3 =	sadd.s32 s3, s5;
	[dreg:$0x0] =	wrdreg $0x0  }
0xa8: {  	s5 =	sshll.u32 s28, $0x1;
	[dreg:$0x2] =	wrdreg s3  }
0xa9: {  	[dreg:$0x3] =	wrdreg s5  }
0xaa: {  	[dreg:$0x4] =	wrdreg $0xC0  }
0xab: {  	_ =	task [dreg:s7], $0x5FFFF  }
0xac: {  	[dreg:$0x1] =	wrdreg $0xFFFFFFFF  }
0xad: {  	[dreg:$0x0] =	wrdreg $0x60  }
0xae: {  	[dreg:$0x2] =	wrdreg s2  }
0xaf: {  	[dreg:$0x3] =	wrdreg s24  }
0xb0: {  	[dreg:$0x4] =	wrdreg $0xC0000  }
0xb1: {  	[dreg:$0x5] =	wrdreg $0x9  }
0xb2: {  	_ =	task.clear_ibuf [dreg:s7], $0x6FFFF;
	_ =	strace $0x90000046  }
0xb3: {  	s29 =	simm.s32 $0x9;
	_ =	strace $0x80000048  }
0xb4: {  	_ =	swait.ge [sflag:s29], $0x1  }
0xb5: {  	[sflag:s29] =	ssyncadd.s32 $0xFFFFFFFF  }
0xb6: {  	_ =	strace $0x90000048  }
0xb7: {  	_ =	sfence  }
0xb8: {  	s30 =	sld [smem:$0x0];
	_ =	sdelay $0x2  }
0xb9: {  	s31 =	sshll.u32 s1, $0xD;
	s1 =	sshrl.u32 s1, $0x2  }
0xba: {  	s3 =	sand.u32 $0x4000, s31;
	s1 =	sadd.s32 s1, s30  }
0xbb: {  	s0 =	sor.u32 s3, s0;
	s1 =	sshll.u32 s1, $0x11  }
0xbc: {  	s0 =	sor.u32 s1, s0  }
0xbd: {  	s0 =	sadd.s32 $0x8F2B, s0  }
0xbe: {  	[sflag:s0] =	ssyncadd.remote.s32 $0x1  }
0xbf: {  	_ =	sfence.sel $0xFFFF  }
0xc0: {  	[dreg:$0x0] =	wrdreg $0xFFFFFFFF;
	(pc) =	sbr.abs _section_cstart, $3  }
0xc1: {  	[dreg:$0x1] =	wrdreg $0xFFFFFFFF  }
0xc2: {  	_ =	task.clear_ibuf [dreg:s7], $0x2FFFF;
	_ =	strace $0x9FFFFFFF  }
0xc3: {  	(tm) =	ssettm $0x7FFFFFFF  }
tec
execute0_lowered:
.L_overlay_start_1:
0x0: {  	(tag) =	ssettag $0x1  }
0x1: {  	s1 =	rddreg [dreg:$0x0]  }
0x2: {  	s0 =	srdreg.scid;
	s6 =	rddreg [dreg:$0x1]  }
0x3: {  	s17 =	stileid.u32;
	s3 =	rddreg [dreg:$0x2];
	s28 =	simm.s32 $0x4F80  }
0x4: {  	s29 =	simm.s32 $0x3;
	s30 =	simm.s32 $0x2;
	s31 =	simm.s32 $0x4  }
0x5: {  	s0 =	sand.u32 $0x1, s0;
	s7 =	sshll.u32 s17, $0x7;
	s12 =	smul.u32 $0x13800, s17  }
0x6: {  	s10 =	smul.u32 $0x4E000, s17;
	s13 =	sadd.s32 $0x47C00, s6;
	s24 =	sshll.u32 s17, $0x6  }
0x7: {  	s18 =	sadd.s32 $0x138000, s3;
	p0 =	sne.s32 s17, $0xF;
	s2 =	sshll.u32 s0, $0x4  }
0x8: {  	s7 =	sand.u32 $0x380, s7;
	s9 =	ssub.s32 $0x2, s0;
	s0 =	smul.u32 $0x138800, s0  }
0x9: {  	s18 =	sshrl.u32 @!p0 s18, $0x3;
	s2 =	sor.u32 s17, s2;
	s8 =	sshrl.u32 s12, $0x3  }
0xa: {  	s22 =	sshrl.u32 s9, $0x1;
	s23 =	sshrl.u32 s10, $0x2;
	s17 =	simm.s32 $0x5  }
0xb: {  	s4 =	sshrl.u32 s2, $0x3;
	s21 =	sadd.s32 s8, s6;
	s15 =	ssub.s32 s9, s22  }
0xc: {  	s16 =	sadd.s32 s23, s3;
	s10 =	smul.u32 $0x3000, s2;
	s25 =	sadd.s32 s12, s0  }
0xd: {  	s0 =	sshrl.u32 s0, $0x3;
	s22 =	simm.s32 $0x70;
	s23 =	simm.s32 $0x5000  }
0xe: {  	s5 =	smul.u32 $0x13C00, s4;
	s4 =	simm.s32 $0x0;
	s2 =	sshrl.u32 s25, $0x3  }
0xf: {  	s0 =	sadd.s32 s13, s0;
	s15 =	smax.u32 s15, $0x1;
	s16 =	sshrl.u32 s16, $0x3  }
0x10: {  	s25 =	simm.s32 $0x1;
	[smem:$0x7FF] =	sst s4;
	s26 =	sshrl.u32 s10, $0x3  }
0x11: {  	s13 =	sadd.s32 s13, s2;
	s14 =	sadd.s32 $0x27000, s0;
	s7 =	sor.u32 s7, s5  }
0x12: {  	s2 =	simm.s32 $0x0;
	_ =	strace $0x80000047;
	s7 =	sshrl.u32 s7, $0x3  }
0x13: {  	s5 =	sadd.s32 $0xE00, s6;
	s11 =	sadd.s32 s7, s6;
	s7 =	sadd.s32 $0x20A00, s21  }
0x14: {  	s12 =	sadd.s32 s5, s26;
	s6 =	sadd.s32 $0x47A00, s6;
	[dreg:$0x4] =	wrdreg s7  }
0x15: {  	s26 =	simm.s32 $0x8800;
	s7 =	sor.u32 $0x1C05, s24;
	[dreg:$0x5] =	wrdreg s6  }
0x16: {  	s9 =	sadd.s32 $0xCE00, s11;
	s11 =	sadd.s32 $0x16C00, s11;
	s24 =	simm.s32 $0x4F00  }
.LBB2_1:
0x17: {  	s0 =	rddreg [dreg:$0x4]  }
0x18: {  	[spmem:s16], [sflag:s7] =	dma.local [hbm:s0], $0x2700  }
0x19: {  	_ =	swait.ge [sflag:s17], $0x2700  }
0x1a: {  	[sflag:s17] =	ssyncset.done $0x0  }
0x1b: {  	s0 =	rddreg [dreg:$0x5];
	[sflag:s17] =	ssyncadd.s32 $0xFFFFD900  }
0x1c: {  	[spmem:s18], [sflag:s7] =	dma.local @!p0 [hbm:s0], $0x100  }
0x1d: {  	s0 =	simm.s32 @!p0 $0x5  }
0x1e: {  	_ =	swait.ge @!p0 [sflag:s0], $0x100  }
0x1f: {  	[sflag:s0] =	ssyncset.done @!p0 $0x0  }
0x20: {  	s21 =	simm.s32 $0x80;
	s6 =	simm.s32 $0x400;
	[sflag:s0] =	ssyncadd.s32 @!p0 $0xFFFFFF00  }
0x21: {  	[tilespmem:s4], [sflag:$0x5] =	stream.strided.gather [hbm4b:s9+s21], $0x2780, s6, s21, $0x38;
	[tilespmem:$0x1F880] =	vst v63  }
0x22: {  	_ =	swait.ge [sflag:s17], $0x2780  }
0x23: {  	[sflag:s17] =	ssyncset.done $0x0  }
0x24: {  	s8 =	simm.s32 $0x2780;
	[sflag:s17] =	ssyncadd.s32 $0xFFFFD880  }
0x25: {  	[tilespmem:s8], [sflag:$0x5] =	stream.strided.gather [hbm4b:s11+s21], $0x2780, s6, s21, $0x38;
	[tilespmem:$0x1F880] =	vst v63  }
0x26: {  	_ =	swait.ge [sflag:s17], $0x2780  }
0x27: {  	[sflag:s17] =	ssyncset.done $0x0  }
0x28: {  	[sflag:s17] =	ssyncadd.s32 $0xFFFFD880  }
0x29: {  	[bflag:$0x0] =	sbarrier.arrive $0xFFFF  }
0x2a: {  	[tilespmem:s23], [sflag:$0x1] =	stream.indirect.gather [hbm4b:s1+s22], $0x80, s4, s22, $0xb8;
	[tilespmem:$0x1F880] =	vst v63  }
0x2b: {  	s0 =	simm.s32 $0x0  }
0x2c: {  	[tilespmem:s24], [sflag:$0x3] =	stream.linear.gather [hbm4b:s12+s4], $0x80, $0x38;
	[tilespmem:$0x1F880] =	vst v63  }
.LBB2_2:
0x2d: {  	s6 =	sshllo.u32 s0, $0x1;
	_ =	swait.ge [sflag:s25], $0x3800;
	s20 =	smul.u32 $0x380, s0  }
0x2e: {  	s19 =	smul.u32 $0x1C0, s6;
	[sflag:s25] =	ssyncset.done $0x0  }
0x2f: {  	s8 =	sshll.u32 s0, $0x8;
	s6 =	sshll.u32 s6, $0x7;
	[sflag:s25] =	ssyncadd.s32 $0xFFFFC800  }
0x30: {  	s20 =	sshra.s32 s20, $0x2;
	s21 =	sshra.s32 s19, $0x2;
	s19 =	sand.u32 $0x3C00, s8  }
0x31: {  	[tilespmem:s26], [sflag:$0x2] =	stream.indirect.gather [hbm4b:s1+s22], $0x80, s21, s22, $0xb8;
	[tilespmem:$0x1F880] =	vst v63  }
0x32: {  	s6 =	sand.u32 $0x380, s6;
	s20 =	sadd.s32 $0x2780, s20;
	s19 =	sadd.s32 s10, s19  }
0x33: {  	v0 =	vmov s20;
	s6 =	sor.u32 s19, s6  }
0x34: {  	s6 =	sshrl.u32 s6, $0x3  }
0x35: {  	s8 =	simm.s32 $0x0;
	s19 =	simm.s32 $0x0;
	s6 =	sadd.s32 s5, s6  }
0x36: {  	[tilespmem:s28], [sflag:$0x4] =	stream.linear.gather [hbm4b:s6+s8], $0x80, $0x38;
	[tilespmem:$0x1F880] =	vst v63  }
0x37: {  	s6 =	sand.u32 $0x3FFFFFF0, s19  }
0x38: {  	s20 =	simm.s32 $0x0;
	v1 =	vld.idx.msk [tilespmem:v0+s6+$0x0 ss:$0x1], $0xffff  }
0x39: {  	s19 =	sand.u32 $0x3FFFF800, s20  }
0x3a: {  	v3 =	vld [tilespmem:s19+$0x5020]  }
0x3b: {  	v4 =	vld [tilespmem:s19+$0x5030]  }
0x3c: {  	v10 =	vld [tilespmem:s19+$0x5060]  }
0x3d: {  	v11 =	vld [tilespmem:s19+$0x5070];
	v2 =	vbroadcast v1, $0x0  }
0x3e: {  	v12 =	vld [tilespmem:s19+$0x5080]  }
0x3f: {  	v13 =	vld [tilespmem:s19+$0x5090];
	v3 =	vmul.f32 v3, v2  }
0x40: {  	v14 =	vld [tilespmem:s19+$0x50A0];
	v4 =	vmul.f32 v4, v2  }
0x41: {  	v9 =	vld [tilespmem:s19+$0x50B0];
	v23 =	vbroadcast v1, $0x1;
	v22 =	vmul.f32 v10, v2;
	[tilespmem:s19+$0x5020] =	vst v3  }
0x42: {  	v7 =	vld [tilespmem:s19+$0x50C0];
	v11 =	vmul.f32 v11, v2;
	[tilespmem:s19+$0x5030] =	vst v4  }
0x43: {  	v8 =	vld [tilespmem:s19+$0x50D0];
	v12 =	vmul.f32 v12, v23;
	[tilespmem:s19+$0x5060] =	vst v22  }
0x44: {  	v25 =	vld [tilespmem:s19+$0x50F0];
	v13 =	vmul.f32 v13, v23;
	[tilespmem:s19+$0x5070] =	vst v11  }
0x45: {  	v26 =	vld [tilespmem:s19+$0x5100];
	v14 =	vmul.f32 v14, v23;
	[tilespmem:s19+$0x5080] =	vst v12  }
0x46: {  	v27 =	vld [tilespmem:s19+$0x5110];
	v9 =	vmul.f32 v9, v23;
	[tilespmem:s19+$0x5090] =	vst v13  }
0x47: {  	v6 =	vld [tilespmem:s19+$0x5570];
	v7 =	vmul.f32 v7, v23;
	[tilespmem:s19+$0x50A0] =	vst v14  }
0x48: {  	v24 =	vld [tilespmem:s19+$0x50E0];
	v15 =	vbroadcast v1, $0x2;
	v8 =	vmul.f32 v8, v23;
	[tilespmem:s19+$0x50B0] =	vst v9  }
0x49: {  	v28 =	vld [tilespmem:s19+$0x5120];
	v10 =	vmul.f32 v25, v23;
	[tilespmem:s19+$0x50C0] =	vst v7  }
0x4a: {  	v29 =	vld [tilespmem:s19+$0x5130];
	v5 =	vbroadcast v1, $0xA;
	v32 =	vmul.f32 v26, v15;
	[tilespmem:s19+$0x50D0] =	vst v8  }
0x4b: {  	v30 =	vld [tilespmem:s19+$0x5140];
	v34 =	vmul.f32 v27, v15;
	[tilespmem:s19+$0x50F0] =	vst v10  }
0x4c: {  	v33 =	vld [tilespmem:s19+$0x5160];
	v3 =	vmul.f32 v6, v5;
	[tilespmem:s19+$0x5100] =	vst v32  }
0x4d: {  	v35 =	vld [tilespmem:s19+$0x5170];
	v11 =	vmul.f32 v24, v23;
	[tilespmem:s19+$0x5110] =	vst v34  }
0x4e: {  	v36 =	vld [tilespmem:s19+$0x5180];
	v9 =	vmul.f32 v28, v15;
	[tilespmem:s19+$0x5570] =	vst v3  }
0x4f: {  	v31 =	vld [tilespmem:s19+$0x5150];
	v7 =	vmul.f32 v29, v15;
	[tilespmem:s19+$0x50E0] =	vst v11  }
0x50: {  	v37 =	vld [tilespmem:s19+$0x5190];
	v8 =	vmul.f32 v30, v15;
	[tilespmem:s19+$0x5120] =	vst v9  }
0x51: {  	v38 =	vld [tilespmem:s19+$0x51A0];
	v41 =	vbroadcast v1, $0x3;
	v10 =	vmul.f32 v33, v15;
	[tilespmem:s19+$0x5130] =	vst v7  }
0x52: {  	v39 =	vld [tilespmem:s19+$0x51B0];
	v12 =	vmul.f32 v35, v15;
	[tilespmem:s19+$0x5140] =	vst v8  }
0x53: {  	v42 =	vld [tilespmem:s19+$0x51D0];
	v13 =	vmul.f32 v36, v41;
	[tilespmem:s19+$0x5160] =	vst v10  }
0x54: {  	v43 =	vld [tilespmem:s19+$0x51E0];
	v11 =	vmul.f32 v31, v15;
	[tilespmem:s19+$0x5170] =	vst v12  }
0x55: {  	v44 =	vld [tilespmem:s19+$0x51F0];
	v9 =	vmul.f32 v37, v41;
	[tilespmem:s19+$0x5180] =	vst v13  }
0x56: {  	v40 =	vld [tilespmem:s19+$0x51C0];
	v7 =	vmul.f32 v38, v41;
	[tilespmem:s19+$0x5150] =	vst v11  }
0x57: {  	v45 =	vld [tilespmem:s19+$0x5200];
	v8 =	vmul.f32 v39, v41;
	[tilespmem:s19+$0x5190] =	vst v9  }
0x58: {  	v46 =	vld [tilespmem:s19+$0x5210];
	v10 =	vmul.f32 v42, v41;
	[tilespmem:s19+$0x51A0] =	vst v7  }
0x59: {  	v47 =	vld [tilespmem:s19+$0x5220];
	v12 =	vmul.f32 v43, v41;
	[tilespmem:s19+$0x51B0] =	vst v8  }
0x5a: {  	v49 =	vld [tilespmem:s19+$0x5240];
	v50 =	vbroadcast v1, $0x4;
	v13 =	vmul.f32 v44, v41;
	[tilespmem:s19+$0x51D0] =	vst v10  }
0x5b: {  	v51 =	vld [tilespmem:s19+$0x5250];
	v11 =	vmul.f32 v40, v41;
	[tilespmem:s19+$0x51E0] =	vst v12  }
0x5c: {  	v52 =	vld [tilespmem:s19+$0x5260];
	v9 =	vmul.f32 v45, v50;
	[tilespmem:s19+$0x51F0] =	vst v13  }
0x5d: {  	v48 =	vld [tilespmem:s19+$0x5230];
	v7 =	vmul.f32 v46, v50;
	[tilespmem:s19+$0x51C0] =	vst v11  }
0x5e: {  	v53 =	vld [tilespmem:s19+$0x5270];
	v8 =	vmul.f32 v47, v50;
	[tilespmem:s19+$0x5200] =	vst v9  }
0x5f: {  	v54 =	vld [tilespmem:s19+$0x5280];
	v10 =	vmul.f32 v49, v50;
	[tilespmem:s19+$0x5210] =	vst v7  }
0x60: {  	v55 =	vld [tilespmem:s19+$0x5290];
	v12 =	vmul.f32 v51, v50;
	[tilespmem:s19+$0x5220] =	vst v8  }
0x61: {  	v57 =	vld [tilespmem:s19+$0x52B0];
	v13 =	vmul.f32 v52, v50;
	[tilespmem:s19+$0x5240] =	vst v10  }
0x62: {  	v58 =	vld [tilespmem:s19+$0x52C0];
	v59 =	vbroadcast v1, $0x5;
	v11 =	vmul.f32 v48, v50;
	[tilespmem:s19+$0x5250] =	vst v12  }
0x63: {  	v60 =	vld [tilespmem:s19+$0x52D0];
	v9 =	vmul.f32 v53, v50;
	[tilespmem:s19+$0x5260] =	vst v13  }
0x64: {  	v56 =	vld [tilespmem:s19+$0x52A0];
	v7 =	vmul.f32 v54, v59;
	[tilespmem:s19+$0x5230] =	vst v11  }
0x65: {  	v61 =	vld [tilespmem:s19+$0x52E0];
	v8 =	vmul.f32 v55, v59;
	[tilespmem:s19+$0x5270] =	vst v9  }
0x66: {  	v62 =	vld [tilespmem:s19+$0x52F0];
	v10 =	vmul.f32 v57, v59;
	[tilespmem:s19+$0x5280] =	vst v7  }
0x67: {  	v63 =	vld [tilespmem:s19+$0x5300];
	v12 =	vmul.f32 v58, v59;
	[tilespmem:s19+$0x5290] =	vst v8  }
0x68: {  	v19 =	vld [tilespmem:s19+$0x5320];
	v13 =	vmul.f32 v60, v59;
	[tilespmem:s19+$0x52B0] =	vst v10  }
0x69: {  	v20 =	vld [tilespmem:s19+$0x5330];
	v11 =	vmul.f32 v56, v59;
	[tilespmem:s19+$0x52C0] =	vst v12  }
0x6a: {  	v21 =	vld [tilespmem:s19+$0x5340];
	v22 =	vbroadcast v1, $0x6;
	v9 =	vmul.f32 v61, v59;
	[tilespmem:s19+$0x52D0] =	vst v13  }
0x6b: {  	v18 =	vld [tilespmem:s19+$0x5310];
	v7 =	vmul.f32 v62, v59;
	[tilespmem:s19+$0x52A0] =	vst v11  }
0x6c: {  	v23 =	vld [tilespmem:s19+$0x5350];
	v8 =	vmul.f32 v63, v22;
	[tilespmem:s19+$0x52E0] =	vst v9  }
0x6d: {  	v24 =	vld [tilespmem:s19+$0x5360];
	v10 =	vmul.f32 v19, v22;
	[tilespmem:s19+$0x52F0] =	vst v7  }
0x6e: {  	v25 =	vld [tilespmem:s19+$0x5370];
	v12 =	vmul.f32 v20, v22;
	[tilespmem:s19+$0x5300] =	vst v8  }
0x6f: {  	v27 =	vld [tilespmem:s19+$0x5390];
	v13 =	vmul.f32 v21, v22;
	[tilespmem:s19+$0x5320] =	vst v10  }
0x70: {  	v28 =	vld [tilespmem:s19+$0x53A0];
	v11 =	vmul.f32 v18, v22;
	[tilespmem:s19+$0x5330] =	vst v12  }
0x71: {  	v29 =	vld [tilespmem:s19+$0x53B0];
	v9 =	vmul.f32 v23, v22;
	[tilespmem:s19+$0x5340] =	vst v13  }
0x72: {  	v31 =	vbroadcast v1, $0x7;
	v53 =	vld [tilespmem:s19+$0x5500];
	v7 =	vmul.f32 v24, v22;
	[tilespmem:s19+$0x5310] =	vst v11  }
0x73: {  	v57 =	vld [tilespmem:s19+$0x5540];
	v8 =	vmul.f32 v25, v22;
	[tilespmem:s19+$0x5350] =	vst v9  }
0x74: {  	v58 =	vld [tilespmem:s19+$0x5550];
	v10 =	vmul.f32 v27, v31;
	[tilespmem:s19+$0x5360] =	vst v7  }
0x75: {  	v26 =	vld [tilespmem:s19+$0x5380];
	v12 =	vmul.f32 v28, v31;
	[tilespmem:s19+$0x5370] =	vst v8  }
0x76: {  	v30 =	vld [tilespmem:s19+$0x53C0];
	v13 =	vmul.f32 v29, v31;
	[tilespmem:s19+$0x5390] =	vst v10  }
0x77: {  	v32 =	vld [tilespmem:s19+$0x53D0];
	v59 =	vmul.f32 v53, v5;
	[tilespmem:s19+$0x53A0] =	vst v12  }
0x78: {  	v33 =	vld [tilespmem:s19+$0x53E0];
	v18 =	vmul.f32 v57, v5;
	[tilespmem:s19+$0x53B0] =	vst v13  }
0x79: {  	v35 =	vld [tilespmem:s19+$0x5400];
	v20 =	vmul.f32 v58, v5;
	[tilespmem:s19+$0x5500] =	vst v59  }
0x7a: {  	v36 =	vld [tilespmem:s19+$0x5410];
	v11 =	vmul.f32 v26, v31;
	[tilespmem:s19+$0x5540] =	vst v18  }
0x7b: {  	v37 =	vld [tilespmem:s19+$0x5420];
	v9 =	vmul.f32 v30, v31;
	[tilespmem:s19+$0x5550] =	vst v20  }
0x7c: {  	v4 =	vld [tilespmem:s19+$0x5580];
	v40 =	vbroadcast v1, $0x8;
	v7 =	vmul.f32 v32, v31;
	[tilespmem:s19+$0x5380] =	vst v11  }
0x7d: {  	v6 =	vld [tilespmem:s19+$0x5590];
	v8 =	vmul.f32 v33, v31;
	[tilespmem:s19+$0x53C0] =	vst v9  }
0x7e: {  	v3 =	vld [tilespmem:s19+$0x57D0];
	v10 =	vmul.f32 v35, v40;
	[tilespmem:s19+$0x53D0] =	vst v7  }
0x7f: {  	v61 =	vld [tilespmem:s19+$0x5000];
	v23 =	vbroadcast v1, $0xB;
	v12 =	vmul.f32 v36, v40;
	[tilespmem:s19+$0x53E0] =	vst v8  }
0x80: {  	v34 =	vld [tilespmem:s19+$0x53F0];
	v13 =	vmul.f32 v37, v40;
	[tilespmem:s19+$0x5400] =	vst v10  }
0x81: {  	v38 =	vld [tilespmem:s19+$0x5430];
	v27 =	vbroadcast v1, $0xF;
	v4 =	vmul.f32 v4, v23;
	[tilespmem:s19+$0x5410] =	vst v12  }
0x82: {  	v39 =	vld [tilespmem:s19+$0x5440];
	v6 =	vmul.f32 v6, v23;
	[tilespmem:s19+$0x5420] =	vst v13  }
0x83: {  	v41 =	vld [tilespmem:s19+$0x5450];
	v3 =	vmul.f32 v3, v27;
	[tilespmem:s19+$0x5580] =	vst v4  }
0x84: {  	v43 =	vld [tilespmem:s19+$0x5470];
	v24 =	vmul.f32 v2, v61;
	[tilespmem:s19+$0x5590] =	vst v6  }
0x85: {  	v44 =	vld [tilespmem:s19+$0x5480];
	v11 =	vmul.f32 v34, v31;
	[tilespmem:s19+$0x57D0] =	vst v3  }
0x86: {  	v45 =	vld [tilespmem:s19+$0x5490];
	v9 =	vmul.f32 v38, v40;
	[tilespmem:s19+$0x5000] =	vst v24  }
0x87: {  	v63 =	vld [tilespmem:s19+$0x5040];
	v7 =	vmul.f32 v39, v40;
	[tilespmem:s19+$0x53F0] =	vst v11  }
0x88: {  	v49 =	vbroadcast v1, $0x9;
	v29 =	vld [tilespmem:s19+$0x55F0];
	v8 =	vmul.f32 v41, v40;
	[tilespmem:s19+$0x5430] =	vst v9  }
0x89: {  	v42 =	vld [tilespmem:s19+$0x5460];
	v10 =	vmul.f32 v43, v40;
	[tilespmem:s19+$0x5440] =	vst v7  }
0x8a: {  	v46 =	vld [tilespmem:s19+$0x54A0];
	v12 =	vmul.f32 v44, v49;
	[tilespmem:s19+$0x5450] =	vst v8  }
0x8b: {  	v47 =	vld [tilespmem:s19+$0x54B0];
	v13 =	vmul.f32 v45, v49;
	[tilespmem:s19+$0x5470] =	vst v10  }
0x8c: {  	v48 =	vld [tilespmem:s19+$0x54C0];
	v3 =	vmul.f32 v63, v2;
	[tilespmem:s19+$0x5480] =	vst v12  }
0x8d: {  	v51 =	vld [tilespmem:s19+$0x54E0];
	v6 =	vmul.f32 v29, v23;
	[tilespmem:s19+$0x5490] =	vst v13  }
0x8e: {  	v52 =	vld [tilespmem:s19+$0x54F0];
	v11 =	vmul.f32 v42, v40;
	[tilespmem:s19+$0x5040] =	vst v3  }
0x8f: {  	v28 =	vld [tilespmem:s19+$0x55E0];
	v9 =	vmul.f32 v46, v49;
	[tilespmem:s19+$0x55F0] =	vst v6  }
0x90: {  	v26 =	vld [tilespmem:s19+$0x55D0];
	v7 =	vmul.f32 v47, v49;
	[tilespmem:s19+$0x5460] =	vst v11  }
0x91: {  	v30 =	vld [tilespmem:s19+$0x5600];
	v8 =	vmul.f32 v48, v49;
	[tilespmem:s19+$0x54A0] =	vst v9  }
0x92: {  	v50 =	vld [tilespmem:s19+$0x54D0];
	v10 =	vmul.f32 v51, v49;
	[tilespmem:s19+$0x54B0] =	vst v7  }
0x93: {  	v54 =	vld [tilespmem:s19+$0x5510];
	v12 =	vmul.f32 v52, v49;
	[tilespmem:s19+$0x54C0] =	vst v8  }
0x94: {  	v55 =	vld [tilespmem:s19+$0x5520];
	v35 =	vbroadcast v1, $0xC;
	v40 =	vmul.f32 v28, v23;
	[tilespmem:s19+$0x54E0] =	vst v10  }
0x95: {  	v56 =	vld [tilespmem:s19+$0x5530];
	v32 =	vmul.f32 v26, v23;
	[tilespmem:s19+$0x54F0] =	vst v12  }
0x96: {  	v60 =	vld [tilespmem:s19+$0x5560];
	v15 =	vmul.f32 v30, v35;
	[tilespmem:s19+$0x55E0] =	vst v40  }
0x97: {  	v62 =	vld [tilespmem:s19+$0x5010];
	v11 =	vmul.f32 v50, v49;
	[tilespmem:s19+$0x55D0] =	vst v32  }
0x98: {  	v19 =	vld [tilespmem:s19+$0x5050];
	v9 =	vmul.f32 v54, v5;
	[tilespmem:s19+$0x5600] =	vst v15  }
0x99: {  	v33 =	vld [tilespmem:s19+$0x5630];
	v7 =	vmul.f32 v55, v5;
	[tilespmem:s19+$0x54D0] =	vst v11  }
0x9a: {  	v61 =	vld [tilespmem:s19+$0x57F0];
	v8 =	vmul.f32 v56, v5;
	[tilespmem:s19+$0x5510] =	vst v9  }
0x9b: {  	v38 =	vld [tilespmem:s19+$0x5670];
	v5 =	vmul.f32 v60, v5;
	[tilespmem:s19+$0x5520] =	vst v7  }
0x9c: {  	v21 =	vld [tilespmem:s19+$0x55A0];
	v12 =	vmul.f32 v62, v2;
	[tilespmem:s19+$0x5530] =	vst v8  }
0x9d: {  	v22 =	vld [tilespmem:s19+$0x55B0];
	v2 =	vmul.f32 v19, v2;
	[tilespmem:s19+$0x5560] =	vst v5  }
0x9e: {  	v25 =	vld [tilespmem:s19+$0x55C0];
	v62 =	vmul.f32 v33, v35;
	[tilespmem:s19+$0x5010] =	vst v12  }
0x9f: {  	v31 =	vld [tilespmem:s19+$0x5610];
	v63 =	vmul.f32 v61, v27;
	[tilespmem:s19+$0x5050] =	vst v2  }
0xa0: {  	v34 =	vld [tilespmem:s19+$0x5640];
	v15 =	vmul.f32 v38, v35;
	[tilespmem:s19+$0x5630] =	vst v62  }
0xa1: {  	v41 =	vld [tilespmem:s19+$0x56A0];
	v7 =	vmul.f32 v21, v23;
	[tilespmem:s19+$0x57F0] =	vst v63  }
0xa2: {  	v46 =	vld [tilespmem:s19+$0x56E0];
	v8 =	vmul.f32 v22, v23;
	[tilespmem:s19+$0x5670] =	vst v15  }
0xa3: {  	v36 =	vld [tilespmem:s19+$0x5650];
	v5 =	vmul.f32 v25, v23;
	[tilespmem:s19+$0x55A0] =	vst v7  }
0xa4: {  	v44 =	vbroadcast v1, $0xD;
	v9 =	vmul.f32 v31, v35;
	v2 =	vld [tilespmem:s19+$0x5690];
	[tilespmem:s19+$0x55B0] =	vst v8  }
0xa5: {  	v37 =	vld [tilespmem:s19+$0x5660];
	v12 =	vmul.f32 v34, v35;
	[tilespmem:s19+$0x55C0] =	vst v5  }
0xa6: {  	v39 =	vld [tilespmem:s19+$0x5680];
	v11 =	vmul.f32 v41, v44;
	[tilespmem:s19+$0x5610] =	vst v9  }
0xa7: {  	v42 =	vld [tilespmem:s19+$0x56B0];
	v51 =	vmul.f32 v46, v44;
	[tilespmem:s19+$0x5640] =	vst v12  }
0xa8: {  	v48 =	vld [tilespmem:s19+$0x5710];
	v8 =	vmul.f32 v36, v35;
	[tilespmem:s19+$0x56A0] =	vst v11  }
0xa9: {  	v49 =	vld [tilespmem:s19+$0x5720];
	[tilespmem:s19+$0x56E0] =	vst v51;
	v2 =	vmul.f32 v2, v44  }
0xaa: {  	v50 =	vld [tilespmem:s19+$0x5730];
	v5 =	vmul.f32 v37, v35;
	[tilespmem:s19+$0x5650] =	vst v8  }
0xab: {  	v1 =	vbroadcast v1, $0xE;
	v9 =	vmul.f32 v39, v44;
	[tilespmem:s19+$0x5690] =	vst v2;
	v2 =	vld [tilespmem:s19+$0x5700]  }
0xac: {  	v60 =	vld [tilespmem:s19+$0x57E0];
	v12 =	vmul.f32 v42, v44;
	[tilespmem:s19+$0x5660] =	vst v5  }
0xad: {  	v45 =	vld [tilespmem:s19+$0x56D0];
	v11 =	vmul.f32 v48, v1;
	[tilespmem:s19+$0x5680] =	vst v9  }
0xae: {  	v47 =	vld [tilespmem:s19+$0x56F0];
	v10 =	vmul.f32 v49, v1;
	[tilespmem:s19+$0x56B0] =	vst v12  }
0xaf: {  	v43 =	vld [tilespmem:s19+$0x56C0];
	v6 =	vmul.f32 v50, v1;
	[tilespmem:s19+$0x5710] =	vst v11  }
0xb0: {  	v55 =	vld [tilespmem:s19+$0x5780];
	[tilespmem:s19+$0x5720] =	vst v10;
	v2 =	vmul.f32 v2, v1  }
0xb1: {  	v57 =	vld [tilespmem:s19+$0x57A0];
	v4 =	vmul.f32 v60, v27;
	[tilespmem:s19+$0x5730] =	vst v6  }
0xb2: {  	v5 =	vmul.f32 v45, v44;
	[tilespmem:s19+$0x5700] =	vst v2;
	v2 =	vld [tilespmem:s19+$0x5770]  }
0xb3: {  	v52 =	vld [tilespmem:s19+$0x5740];
	v9 =	vmul.f32 v47, v44;
	[tilespmem:s19+$0x57E0] =	vst v4  }
0xb4: {  	v56 =	vld [tilespmem:s19+$0x5790];
	v8 =	vmul.f32 v43, v44;
	[tilespmem:s19+$0x56D0] =	vst v5  }
0xb5: {  	v54 =	vld [tilespmem:s19+$0x5760];
	v11 =	vmul.f32 v55, v27;
	[tilespmem:s19+$0x56F0] =	vst v9  }
0xb6: {  	v58 =	vld [tilespmem:s19+$0x57B0];
	v6 =	vmul.f32 v57, v27;
	[tilespmem:s19+$0x56C0] =	vst v8  }
0xb7: {  	v53 =	vld [tilespmem:s19+$0x5750];
	[tilespmem:s19+$0x5780] =	vst v11;
	v2 =	vmul.f32 v2, v1  }
0xb8: {  	v59 =	vld [tilespmem:s19+$0x57C0];
	v5 =	vmul.f32 v52, v1;
	[tilespmem:s19+$0x57A0] =	vst v6  }
0xb9: {  	[tilespmem:s19+$0x5770] =	vst v2;
	v2 =	vmul.f32 v56, v27  }
0xba: {  	v3 =	vld [tilespmem:s19+$0x5620];
	v9 =	vmul.f32 v54, v1;
	[tilespmem:s19+$0x5740] =	vst v5  }
0xbb: {  	[tilespmem:s19+$0x5790] =	vst v2;
	v2 =	vmul.f32 v58, v27  }
0xbc: {  	[tilespmem:s19+$0x5760] =	vst v9;
	v1 =	vmul.f32 v53, v1  }
0xbd: {  	[tilespmem:s19+$0x57B0] =	vst v2;
	v2 =	vmul.f32 v59, v27  }
0xbe: {  	[tilespmem:s19+$0x5750] =	vst v1  }
0xbf: {  	s20 =	sshll.u32 s0, $0x1;
	s6 =	simm.s32 $0x1;
	[tilespmem:s19+$0x57C0] =	vst v2;
	v2 =	vmul.f32 v3, v35  }
.LBB2_3:
0xc0: {  	s8 =	sshll.u32 s6, $0x4  }
0xc1: {  	p1 =	sne.s32 s6, $0x6;
	[tilespmem:s19+$0x5620] =	vst v2;
	s19 =	smov.u32 s6;
	s6 =	sadd.s32 $0x1, s6  }
0xc2: {  	s8 =	sand.u32 $0x3FFFFFF0, s8  }
0xc3: {  	v1 =	vld.idx.msk [tilespmem:v0+s8+$0x0 ss:$0x1], $0xffff  }
0xc4: {  	s8 =	sshll.u32 s19, $0xB  }
0xc5: {  	s19 =	sand.u32 $0x3FFFF800, s8  }
0xc6: {  	v8 =	vld [tilespmem:s19+$0x50C0]  }
0xc7: {  	v9 =	vld [tilespmem:s19+$0x50D0]  }
0xc8: {  	v10 =	vld [tilespmem:s19+$0x50B0]  }
0xc9: {  	v2 =	vbroadcast v1, $0x0;
	v7 =	vbroadcast v1, $0x4;
	v3 =	vld [tilespmem:s19+$0x5020]  }
0xca: {  	v5 =	vld [tilespmem:s19+$0x5030]  }
0xcb: {  	v6 =	vld [tilespmem:s19+$0x5570]  }
0xcc: {  	v11 =	vld [tilespmem:s19+$0x5060]  }
0xcd: {  	v12 =	vld [tilespmem:s19+$0x5070]  }
0xce: {  	v4 =	vbroadcast v1, $0xA;
	v3 =	vmul.f32 v3, v2;
	v13 =	vld [tilespmem:s19+$0x5080]  }
0xcf: {  	v5 =	vmul.f32 v5, v2;
	v14 =	vld [tilespmem:s19+$0x5090]  }
0xd0: {  	[tilespmem:s19+$0x5020] =	vst v3;
	v15 =	vld [tilespmem:s19+$0x50A0];
	v3 =	vmul.f32 v6, v4  }
0xd1: {  	[tilespmem:s19+$0x5030] =	vst v5;
	v6 =	vmul.f32 v11, v2;
	v11 =	vbroadcast v1, $0x1;
	v5 =	vld [tilespmem:s19+$0x5580]  }
0xd2: {  	v12 =	vmul.f32 v12, v2;
	[tilespmem:s19+$0x5570] =	vst v3;
	v3 =	vld [tilespmem:s19+$0x57D0]  }
0xd3: {  	[tilespmem:s19+$0x5060] =	vst v6;
	v13 =	vmul.f32 v13, v11;
	v6 =	vld [tilespmem:s19+$0x5590]  }
0xd4: {  	[tilespmem:s19+$0x5070] =	vst v12;
	v12 =	vmul.f32 v14, v11;
	v14 =	vld [tilespmem:s19+$0x50E0]  }
0xd5: {  	[tilespmem:s19+$0x5080] =	vst v13;
	v13 =	vmul.f32 v15, v11;
	v15 =	vld [tilespmem:s19+$0x50F0]  }
0xd6: {  	v10 =	vmul.f32 v10, v11;
	[tilespmem:s19+$0x5090] =	vst v12;
	v12 =	vld [tilespmem:s19+$0x5100]  }
0xd7: {  	v8 =	vmul.f32 v8, v11;
	[tilespmem:s19+$0x50A0] =	vst v13;
	v13 =	vld [tilespmem:s19+$0x5110]  }
0xd8: {  	v9 =	vmul.f32 v9, v11;
	[tilespmem:s19+$0x50B0] =	vst v10;
	v10 =	vld [tilespmem:s19+$0x5120]  }
0xd9: {  	[tilespmem:s19+$0x50C0] =	vst v8;
	v8 =	vmul.f32 v14, v11;
	v14 =	vbroadcast v1, $0x2;
	v16 =	vld [tilespmem:s19+$0x5130]  }
0xda: {  	[tilespmem:s19+$0x50D0] =	vst v9;
	v9 =	vmul.f32 v15, v11;
	v11 =	vld [tilespmem:s19+$0x5140]  }
0xdb: {  	[tilespmem:s19+$0x50E0] =	vst v8;
	v8 =	vmul.f32 v12, v14;
	v12 =	vld [tilespmem:s19+$0x5150]  }
0xdc: {  	[tilespmem:s19+$0x50F0] =	vst v9;
	v9 =	vmul.f32 v13, v14;
	v13 =	vld [tilespmem:s19+$0x5160]  }
0xdd: {  	[tilespmem:s19+$0x5100] =	vst v8;
	v8 =	vmul.f32 v10, v14;
	v10 =	vld [tilespmem:s19+$0x5170]  }
0xde: {  	[tilespmem:s19+$0x5110] =	vst v9;
	v9 =	vmul.f32 v16, v14;
	v15 =	vld [tilespmem:s19+$0x5180]  }
0xdf: {  	[tilespmem:s19+$0x5120] =	vst v8;
	v8 =	vmul.f32 v11, v14;
	v11 =	vld [tilespmem:s19+$0x5190]  }
0xe0: {  	[tilespmem:s19+$0x5130] =	vst v9;
	v9 =	vmul.f32 v12, v14;
	v12 =	vld [tilespmem:s19+$0x51A0]  }
0xe1: {  	[tilespmem:s19+$0x5140] =	vst v8;
	v8 =	vmul.f32 v13, v14;
	v13 =	vbroadcast v1, $0x3;
	v16 =	vld [tilespmem:s19+$0x51B0]  }
0xe2: {  	[tilespmem:s19+$0x5150] =	vst v9;
	v9 =	vmul.f32 v10, v14;
	v10 =	vld [tilespmem:s19+$0x51C0]  }
0xe3: {  	[tilespmem:s19+$0x5160] =	vst v8;
	v8 =	vmul.f32 v15, v13;
	v14 =	vld [tilespmem:s19+$0x51D0]  }
0xe4: {  	[tilespmem:s19+$0x5170] =	vst v9;
	v9 =	vmul.f32 v11, v13;
	v11 =	vld [tilespmem:s19+$0x51E0]  }
0xe5: {  	[tilespmem:s19+$0x5180] =	vst v8;
	v8 =	vmul.f32 v12, v13;
	v12 =	vld [tilespmem:s19+$0x51F0]  }
0xe6: {  	[tilespmem:s19+$0x5190] =	vst v9;
	v9 =	vmul.f32 v16, v13;
	v15 =	vld [tilespmem:s19+$0x5200]  }
0xe7: {  	[tilespmem:s19+$0x51A0] =	vst v8;
	v8 =	vmul.f32 v10, v13;
	v10 =	vld [tilespmem:s19+$0x5210]  }
0xe8: {  	[tilespmem:s19+$0x51B0] =	vst v9;
	v9 =	vmul.f32 v14, v13;
	v14 =	vld [tilespmem:s19+$0x5220]  }
0xe9: {  	[tilespmem:s19+$0x51C0] =	vst v8;
	v8 =	vmul.f32 v11, v13;
	v11 =	vld [tilespmem:s19+$0x5230]  }
0xea: {  	[tilespmem:s19+$0x51D0] =	vst v9;
	v9 =	vmul.f32 v12, v13;
	v12 =	vld [tilespmem:s19+$0x5240]  }
0xeb: {  	[tilespmem:s19+$0x51E0] =	vst v8;
	v8 =	vmul.f32 v15, v7;
	v13 =	vld [tilespmem:s19+$0x5250]  }
0xec: {  	[tilespmem:s19+$0x51F0] =	vst v9;
	v9 =	vmul.f32 v10, v7;
	v10 =	vld [tilespmem:s19+$0x5260]  }
0xed: {  	[tilespmem:s19+$0x5200] =	vst v8;
	v8 =	vmul.f32 v14, v7;
	v14 =	vld [tilespmem:s19+$0x5270]  }
0xee: {  	[tilespmem:s19+$0x5210] =	vst v9;
	v9 =	vmul.f32 v11, v7;
	v11 =	vld [tilespmem:s19+$0x5280]  }
0xef: {  	[tilespmem:s19+$0x5220] =	vst v8;
	v8 =	vmul.f32 v12, v7;
	v12 =	vld [tilespmem:s19+$0x5290]  }
0xf0: {  	[tilespmem:s19+$0x5230] =	vst v9;
	v9 =	vmul.f32 v13, v7;
	v13 =	vld [tilespmem:s19+$0x52A0]  }
0xf1: {  	[tilespmem:s19+$0x5240] =	vst v8;
	v8 =	vmul.f32 v10, v7;
	v10 =	vbroadcast v1, $0x5;
	v15 =	vld [tilespmem:s19+$0x52B0]  }
0xf2: {  	[tilespmem:s19+$0x5250] =	vst v9;
	v7 =	vmul.f32 v14, v7;
	v9 =	vld [tilespmem:s19+$0x52C0]  }
0xf3: {  	[tilespmem:s19+$0x5260] =	vst v8;
	v8 =	vmul.f32 v11, v10;
	v11 =	vld [tilespmem:s19+$0x52D0]  }
0xf4: {  	[tilespmem:s19+$0x5270] =	vst v7;
	v7 =	vmul.f32 v12, v10;
	v12 =	vld [tilespmem:s19+$0x52E0]  }
0xf5: {  	[tilespmem:s19+$0x5280] =	vst v8;
	v8 =	vmul.f32 v13, v10;
	v13 =	vld [tilespmem:s19+$0x52F0]  }
0xf6: {  	[tilespmem:s19+$0x5290] =	vst v7;
	v7 =	vmul.f32 v15, v10;
	v14 =	vld [tilespmem:s19+$0x5300]  }
0xf7: {  	[tilespmem:s19+$0x52A0] =	vst v8;
	v8 =	vmul.f32 v9, v10;
	v9 =	vld [tilespmem:s19+$0x5310]  }
0xf8: {  	[tilespmem:s19+$0x52B0] =	vst v7;
	v7 =	vmul.f32 v11, v10;
	v11 =	vld [tilespmem:s19+$0x5320]  }
0xf9: {  	[tilespmem:s19+$0x52C0] =	vst v8;
	v8 =	vmul.f32 v12, v10;
	v12 =	vbroadcast v1, $0x6;
	v15 =	vld [tilespmem:s19+$0x5330]  }
0xfa: {  	[tilespmem:s19+$0x52D0] =	vst v7;
	v7 =	vmul.f32 v13, v10;
	v10 =	vld [tilespmem:s19+$0x5340]  }
0xfb: {  	[tilespmem:s19+$0x52E0] =	vst v8;
	v8 =	vmul.f32 v14, v12;
	v13 =	vld [tilespmem:s19+$0x5350]  }
0xfc: {  	[tilespmem:s19+$0x52F0] =	vst v7;
	v7 =	vmul.f32 v9, v12;
	v9 =	vld [tilespmem:s19+$0x5360]  }
0xfd: {  	[tilespmem:s19+$0x5300] =	vst v8;
	v8 =	vmul.f32 v11, v12;
	v11 =	vld [tilespmem:s19+$0x5370]  }
0xfe: {  	[tilespmem:s19+$0x5310] =	vst v7;
	v7 =	vmul.f32 v15, v12;
	v14 =	vld [tilespmem:s19+$0x5380]  }
0xff: {  	[tilespmem:s19+$0x5320] =	vst v8;
	v8 =	vmul.f32 v10, v12;
	v10 =	vld [tilespmem:s19+$0x5390]  }
0x100: {  	[tilespmem:s19+$0x5330] =	vst v7;
	v7 =	vmul.f32 v13, v12;
	v13 =	vld [tilespmem:s19+$0x53A0]  }
0x101: {  	[tilespmem:s19+$0x5340] =	vst v8;
	v8 =	vmul.f32 v9, v12;
	v9 =	vbroadcast v1, $0x7;
	v15 =	vld [tilespmem:s19+$0x53B0]  }
0x102: {  	[tilespmem:s19+$0x5350] =	vst v7;
	v7 =	vmul.f32 v11, v12;
	v11 =	vld [tilespmem:s19+$0x53C0]  }
0x103: {  	[tilespmem:s19+$0x5360] =	vst v8;
	v8 =	vmul.f32 v14, v9;
	v12 =	vld [tilespmem:s19+$0x53D0]  }
0x104: {  	[tilespmem:s19+$0x5370] =	vst v7;
	v7 =	vmul.f32 v10, v9;
	v10 =	vld [tilespmem:s19+$0x53E0]  }
0x105: {  	[tilespmem:s19+$0x5380] =	vst v8;
	v8 =	vmul.f32 v13, v9;
	v13 =	vld [tilespmem:s19+$0x53F0]  }
0x106: {  	[tilespmem:s19+$0x5390] =	vst v7;
	v7 =	vmul.f32 v15, v9;
	v14 =	vld [tilespmem:s19+$0x5400]  }
0x107: {  	[tilespmem:s19+$0x53A0] =	vst v8;
	v8 =	vmul.f32 v11, v9;
	v11 =	vld [tilespmem:s19+$0x5410]  }
0x108: {  	[tilespmem:s19+$0x53B0] =	vst v7;
	v7 =	vmul.f32 v12, v9;
	v12 =	vld [tilespmem:s19+$0x5420]  }
0x109: {  	[tilespmem:s19+$0x53C0] =	vst v8;
	v8 =	vmul.f32 v10, v9;
	v10 =	vbroadcast v1, $0x8;
	v15 =	vld [tilespmem:s19+$0x5430]  }
0x10a: {  	[tilespmem:s19+$0x53D0] =	vst v7;
	v7 =	vmul.f32 v13, v9;
	v9 =	vld [tilespmem:s19+$0x5440]  }
0x10b: {  	[tilespmem:s19+$0x53E0] =	vst v8;
	v8 =	vmul.f32 v14, v10;
	v13 =	vld [tilespmem:s19+$0x5450]  }
0x10c: {  	[tilespmem:s19+$0x53F0] =	vst v7;
	v7 =	vmul.f32 v11, v10;
	v11 =	vld [tilespmem:s19+$0x5460]  }
0x10d: {  	[tilespmem:s19+$0x5400] =	vst v8;
	v8 =	vmul.f32 v12, v10;
	v12 =	vld [tilespmem:s19+$0x5470]  }
0x10e: {  	[tilespmem:s19+$0x5410] =	vst v7;
	v7 =	vmul.f32 v15, v10;
	v14 =	vld [tilespmem:s19+$0x5480]  }
0x10f: {  	[tilespmem:s19+$0x5420] =	vst v8;
	v8 =	vmul.f32 v9, v10;
	v9 =	vld [tilespmem:s19+$0x5490]  }
0x110: {  	[tilespmem:s19+$0x5430] =	vst v7;
	v7 =	vmul.f32 v13, v10;
	v13 =	vld [tilespmem:s19+$0x54A0]  }
0x111: {  	[tilespmem:s19+$0x5440] =	vst v8;
	v8 =	vmul.f32 v11, v10;
	v11 =	vbroadcast v1, $0x9;
	v15 =	vld [tilespmem:s19+$0x54B0]  }
0x112: {  	[tilespmem:s19+$0x5450] =	vst v7;
	v7 =	vmul.f32 v12, v10;
	v10 =	vld [tilespmem:s19+$0x54C0]  }
0x113: {  	[tilespmem:s19+$0x5460] =	vst v8;
	v8 =	vmul.f32 v14, v11;
	v12 =	vld [tilespmem:s19+$0x54D0]  }
0x114: {  	[tilespmem:s19+$0x5470] =	vst v7;
	v7 =	vmul.f32 v9, v11;
	v9 =	vld [tilespmem:s19+$0x54E0]  }
0x115: {  	[tilespmem:s19+$0x5480] =	vst v8;
	v8 =	vmul.f32 v13, v11;
	v13 =	vld [tilespmem:s19+$0x54F0]  }
0x116: {  	[tilespmem:s19+$0x5490] =	vst v7;
	v7 =	vmul.f32 v15, v11;
	v14 =	vld [tilespmem:s19+$0x5500]  }
0x117: {  	[tilespmem:s19+$0x54A0] =	vst v8;
	v8 =	vmul.f32 v10, v11;
	v10 =	vld [tilespmem:s19+$0x5510]  }
0x118: {  	[tilespmem:s19+$0x54B0] =	vst v7;
	v7 =	vmul.f32 v12, v11;
	v12 =	vld [tilespmem:s19+$0x5520]  }
0x119: {  	[tilespmem:s19+$0x54C0] =	vst v8;
	v8 =	vmul.f32 v9, v11;
	v9 =	vld [tilespmem:s19+$0x5530]  }
0x11a: {  	[tilespmem:s19+$0x54D0] =	vst v7;
	v7 =	vmul.f32 v13, v11;
	v11 =	vld [tilespmem:s19+$0x5540]  }
0x11b: {  	[tilespmem:s19+$0x54E0] =	vst v8;
	v8 =	vmul.f32 v14, v4;
	v13 =	vld [tilespmem:s19+$0x5550]  }
0x11c: {  	[tilespmem:s19+$0x54F0] =	vst v7;
	v7 =	vmul.f32 v10, v4;
	v10 =	vld [tilespmem:s19+$0x5560]  }
0x11d: {  	v14 =	vld [tilespmem:s19+$0x5000];
	[tilespmem:s19+$0x5500] =	vst v8;
	v8 =	vmul.f32 v12, v4  }
0x11e: {  	v12 =	vld [tilespmem:s19+$0x5010];
	[tilespmem:s19+$0x5510] =	vst v7;
	v7 =	vmul.f32 v9, v4  }
0x11f: {  	v9 =	vld [tilespmem:s19+$0x5040];
	[tilespmem:s19+$0x5520] =	vst v8;
	v8 =	vmul.f32 v11, v4  }
0x120: {  	v11 =	vld [tilespmem:s19+$0x5050];
	[tilespmem:s19+$0x5530] =	vst v7;
	v7 =	vmul.f32 v13, v4  }
0x121: {  	[tilespmem:s19+$0x5540] =	vst v8;
	v8 =	vmul.f32 v10, v4;
	v10 =	vbroadcast v1, $0xB;
	v13 =	vld [tilespmem:s19+$0x55A0]  }
0x122: {  	v4 =	vbroadcast v1, $0xF;
	v14 =	vmul.f32 v2, v14;
	[tilespmem:s19+$0x5550] =	vst v7;
	v7 =	vld [tilespmem:s19+$0x55B0]  }
0x123: {  	v12 =	vmul.f32 v12, v2;
	[tilespmem:s19+$0x5560] =	vst v8;
	v5 =	vmul.f32 v5, v10;
	v8 =	vld [tilespmem:s19+$0x55C0]  }
0x124: {  	v6 =	vmul.f32 v6, v10;
	[tilespmem:s19+$0x5000] =	vst v14;
	v9 =	vmul.f32 v9, v2;
	v14 =	vld [tilespmem:s19+$0x55D0]  }
0x125: {  	v3 =	vmul.f32 v3, v4;
	v11 =	vmul.f32 v11, v2;
	[tilespmem:s19+$0x5580] =	vst v5;
	v2 =	vld [tilespmem:s19+$0x55E0]  }
0x126: {  	[tilespmem:s19+$0x5590] =	vst v6;
	v5 =	vmul.f32 v13, v10;
	v6 =	vld [tilespmem:s19+$0x55F0]  }
0x127: {  	v7 =	vmul.f32 v7, v10;
	v13 =	vld [tilespmem:s19+$0x5600];
	[tilespmem:s19+$0x57D0] =	vst v3  }
0x128: {  	[tilespmem:s19+$0x5010] =	vst v12;
	v3 =	vmul.f32 v8, v10;
	v8 =	vld [tilespmem:s19+$0x5610]  }
0x129: {  	[tilespmem:s19+$0x5040] =	vst v9;
	v9 =	vmul.f32 v14, v10;
	v12 =	vld [tilespmem:s19+$0x5620]  }
0x12a: {  	v14 =	vbroadcast v1, $0xC;
	[tilespmem:s19+$0x55A0] =	vst v5;
	v5 =	vmul.f32 v2, v10;
	v15 =	vld [tilespmem:s19+$0x5630]  }
0x12b: {  	[tilespmem:s19+$0x55D0] =	vst v9;
	v6 =	vmul.f32 v6, v10;
	v9 =	vld [tilespmem:s19+$0x5640]  }
0x12c: {  	[tilespmem:s19+$0x55B0] =	vst v7;
	v2 =	vmul.f32 v13, v14;
	v7 =	vld [tilespmem:s19+$0x5650]  }
0x12d: {  	[tilespmem:s19+$0x55C0] =	vst v3;
	v3 =	vmul.f32 v8, v14;
	v8 =	vld [tilespmem:s19+$0x5660]  }
0x12e: {  	[tilespmem:s19+$0x5600] =	vst v2;
	v2 =	vmul.f32 v12, v14;
	v10 =	vld [tilespmem:s19+$0x5670]  }
0x12f: {  	[tilespmem:s19+$0x5610] =	vst v3;
	v3 =	vld [tilespmem:s19+$0x5680]  }
0x130: {  	[tilespmem:s19+$0x5050] =	vst v11;
	v9 =	vmul.f32 v9, v14;
	v11 =	vld [tilespmem:s19+$0x5690]  }
0x131: {  	[tilespmem:s19+$0x55E0] =	vst v5;
	v5 =	vmul.f32 v7, v14;
	v7 =	vld [tilespmem:s19+$0x56A0]  }
0x132: {  	[tilespmem:s19+$0x5640] =	vst v9;
	v8 =	vmul.f32 v8, v14;
	v9 =	vbroadcast v1, $0xD;
	v12 =	vld [tilespmem:s19+$0x56B0]  }
0x133: {  	[tilespmem:s19+$0x5650] =	vst v5;
	v5 =	vmul.f32 v10, v14;
	v10 =	vld [tilespmem:s19+$0x56C0]  }
0x134: {  	[tilespmem:s19+$0x5660] =	vst v8;
	v3 =	vmul.f32 v3, v9;
	v8 =	vld [tilespmem:s19+$0x56D0]  }
0x135: {  	[tilespmem:s19+$0x5670] =	vst v5;
	v5 =	vmul.f32 v11, v9;
	v11 =	vld [tilespmem:s19+$0x56E0]  }
0x136: {  	[tilespmem:s19+$0x5680] =	vst v3;
	v3 =	vmul.f32 v7, v9;
	v7 =	vld [tilespmem:s19+$0x56F0]  }
0x137: {  	[tilespmem:s19+$0x5690] =	vst v5;
	v5 =	vmul.f32 v12, v9;
	v12 =	vld [tilespmem:s19+$0x5700]  }
0x138: {  	[tilespmem:s19+$0x56A0] =	vst v3;
	v3 =	vmul.f32 v10, v9;
	v10 =	vld [tilespmem:s19+$0x5710]  }
0x139: {  	[tilespmem:s19+$0x56B0] =	vst v5;
	v5 =	vmul.f32 v8, v9;
	v8 =	vld [tilespmem:s19+$0x5720]  }
0x13a: {  	v1 =	vbroadcast v1, $0xE;
	[tilespmem:s19+$0x55F0] =	vst v6;
	v6 =	vmul.f32 v11, v9;
	v11 =	vld [tilespmem:s19+$0x5730]  }
0x13b: {  	[tilespmem:s19+$0x56D0] =	vst v5;
	v5 =	vmul.f32 v7, v9;
	v7 =	vld [tilespmem:s19+$0x5740]  }
0x13c: {  	[tilespmem:s19+$0x56E0] =	vst v6;
	v6 =	vmul.f32 v12, v1;
	v9 =	vld [tilespmem:s19+$0x5750]  }
0x13d: {  	[tilespmem:s19+$0x56F0] =	vst v5;
	v5 =	vmul.f32 v10, v1;
	v10 =	vld [tilespmem:s19+$0x5760]  }
0x13e: {  	[tilespmem:s19+$0x5700] =	vst v6;
	v6 =	vmul.f32 v8, v1;
	v8 =	vld [tilespmem:s19+$0x5770]  }
0x13f: {  	[tilespmem:s19+$0x5710] =	vst v5;
	v5 =	vmul.f32 v11, v1;
	v11 =	vld [tilespmem:s19+$0x5780]  }
0x140: {  	[tilespmem:s19+$0x5720] =	vst v6;
	v6 =	vmul.f32 v7, v1;
	v7 =	vld [tilespmem:s19+$0x5790]  }
0x141: {  	[tilespmem:s19+$0x5730] =	vst v5;
	v5 =	vmul.f32 v9, v1;
	v9 =	vld [tilespmem:s19+$0x57A0]  }
0x142: {  	[tilespmem:s19+$0x5740] =	vst v6;
	v6 =	vmul.f32 v10, v1;
	v10 =	vld [tilespmem:s19+$0x57B0]  }
0x143: {  	[tilespmem:s19+$0x56C0] =	vst v3;
	v1 =	vmul.f32 v8, v1;
	v3 =	vld [tilespmem:s19+$0x57C0]  }
0x144: {  	[tilespmem:s19+$0x5760] =	vst v6;
	v6 =	vmul.f32 v11, v4;
	v8 =	vld [tilespmem:s19+$0x57E0]  }
0x145: {  	[tilespmem:s19+$0x5770] =	vst v1;
	v1 =	vmul.f32 v7, v4;
	v7 =	vld [tilespmem:s19+$0x57F0]  }
0x146: {  	[tilespmem:s19+$0x5780] =	vst v6;
	v6 =	vmul.f32 v9, v4  }
0x147: {  	[tilespmem:s19+$0x5790] =	vst v1;
	v1 =	vmul.f32 v10, v4  }
0x148: {  	v9 =	vmul.f32 v15, v14;
	[tilespmem:s19+$0x57A0] =	vst v6  }
0x149: {  	[tilespmem:s19+$0x57B0] =	vst v1;
	v1 =	vmul.f32 v3, v4  }
.Ltmp0:
0x14a: {  	[tilespmem:s19+$0x5630] =	vst v9;
	v3 =	vmul.f32 v7, v4;
	(pc) =	sbr.rel @p1 .LBB2_3-.Ltmp0, $4  }
0x14b: {  	[tilespmem:s19+$0x57C0] =	vst v1  }
0x14c: {  	v1 =	vmul.f32 v8, v4;
	[tilespmem:s19+$0x57F0] =	vst v3  }
0x14d: {  	[tilespmem:s19+$0x5750] =	vst v5  }
0x14e: {  	[tilespmem:s19+$0x57E0] =	vst v1  }
0x14f: {  	[tilespmem:s19+$0x5620] =	vst v2  }
0x150: {  	_ =	swait.ge [sflag:s29], $0x80  }
0x151: {  	[sflag:s29] =	ssyncset.done $0x0  }
0x152: {  	[sflag:s29] =	ssyncadd.s32 $0xFFFFFF80  }
0x153: {  	[spmem:s3] =	stream.indirect.scatter.add.f32 [tilespmem:s23], [sflag:$0x5], $0x80, s24, s22, $0xb8;
	[tilespmem:$0x1F880] =	vst v63  }
0x154: {  	_ =	swait.ge [sflag:s17], $0x3800  }
0x155: {  	p1 =	seq.s32 s0, $0x2C;
	[sflag:s17] =	ssyncset.done $0x0  }
0x156: {  	s6 =	sadd.s32 @!p1 $0x2, s20;
	[sflag:s17] =	ssyncadd.s32 $0xFFFFC800  }
0x157: {  	s8 =	smul.u32 @!p1 $0x1C0, s6;
	_ =	swait.ge [sflag:s30], $0x3800  }
0x158: {  	s19 =	simm.s32 @!p1 $0x70;
	s20 =	simm.s32 @!p1 $0x5000;
	[sflag:s30] =	ssyncset.done $0x0  }
0x159: {  	s6 =	sshll.u32 @!p1 s6, $0x7;
	s8 =	sshra.s32 @!p1 s8, $0x2;
	[sflag:s30] =	ssyncadd.s32 $0xFFFFC800  }
0x15a: {  	[tilespmem:s20], [sflag:$0x1] =	stream.indirect.gather @!p1 [hbm4b:s1+s19], $0x80, s8, s19, $0xb8;
	[tilespmem:$0x1F880] =	vst v63  }
0x15b: {  	s8 =	sand.u32 @!p1 $0x7C00, s6  }
0x15c: {  	s6 =	sand.u32 @!p1 $0x300, s6;
	s19 =	sadd.s32 $0x2780, s21;
	s8 =	sadd.s32 @!p1 s10, s8  }
0x15d: {  	v0 =	vmov s19;
	s6 =	sor.u32 @!p1 s6, s8  }
0x15e: {  	s20 =	simm.s32 $0x0;
	s6 =	sshrl.u32 @!p1 s6, $0x3  }
0x15f: {  	s19 =	simm.s32 @!p1 $0x4F00;
	s8 =	simm.s32 @!p1 $0x0;
	s6 =	sadd.s32 @!p1 s5, s6  }
0x160: {  	[tilespmem:s19], [sflag:$0x3] =	stream.linear.gather @!p1 [hbm4b:s6+s8], $0x80, $0x38;
	[tilespmem:$0x1F880] =	vst v63  }
0x161: {  	s6 =	sand.u32 $0x3FFFFFF0, s20  }
0x162: {  	s21 =	simm.s32 $0x0;
	v1 =	vld.idx.msk [tilespmem:v0+s6+$0x0 ss:$0x1], $0xffff  }
0x163: {  	s19 =	sand.u32 $0x3FFFF800, s21  }
0x164: {  	v3 =	vld [tilespmem:s19+$0x8820]  }
0x165: {  	v4 =	vld [tilespmem:s19+$0x8830]  }
0x166: {  	v10 =	vld [tilespmem:s19+$0x8860]  }
0x167: {  	v11 =	vld [tilespmem:s19+$0x8870];
	v2 =	vbroadcast v1, $0x0  }
0x168: {  	v12 =	vld [tilespmem:s19+$0x8880]  }
0x169: {  	v13 =	vld [tilespmem:s19+$0x8890];
	v3 =	vmul.f32 v3, v2  }
0x16a: {  	v14 =	vld [tilespmem:s19+$0x88A0];
	v4 =	vmul.f32 v4, v2  }
0x16b: {  	v9 =	vld [tilespmem:s19+$0x88B0];
	v23 =	vbroadcast v1, $0x1;
	v22 =	vmul.f32 v10, v2;
	[tilespmem:s19+$0x8820] =	vst v3  }
0x16c: {  	v7 =	vld [tilespmem:s19+$0x88C0];
	v11 =	vmul.f32 v11, v2;
	[tilespmem:s19+$0x8830] =	vst v4  }
0x16d: {  	v8 =	vld [tilespmem:s19+$0x88D0];
	v12 =	vmul.f32 v12, v23;
	[tilespmem:s19+$0x8860] =	vst v22  }
0x16e: {  	v25 =	vld [tilespmem:s19+$0x88F0];
	v13 =	vmul.f32 v13, v23;
	[tilespmem:s19+$0x8870] =	vst v11  }
0x16f: {  	v26 =	vld [tilespmem:s19+$0x8900];
	v14 =	vmul.f32 v14, v23;
	[tilespmem:s19+$0x8880] =	vst v12  }
0x170: {  	v27 =	vld [tilespmem:s19+$0x8910];
	v9 =	vmul.f32 v9, v23;
	[tilespmem:s19+$0x8890] =	vst v13  }
0x171: {  	v6 =	vld [tilespmem:s19+$0x8D70];
	v7 =	vmul.f32 v7, v23;
	[tilespmem:s19+$0x88A0] =	vst v14  }
0x172: {  	v24 =	vld [tilespmem:s19+$0x88E0];
	v15 =	vbroadcast v1, $0x2;
	v8 =	vmul.f32 v8, v23;
	[tilespmem:s19+$0x88B0] =	vst v9  }
0x173: {  	v28 =	vld [tilespmem:s19+$0x8920];
	v10 =	vmul.f32 v25, v23;
	[tilespmem:s19+$0x88C0] =	vst v7  }
0x174: {  	v29 =	vld [tilespmem:s19+$0x8930];
	v5 =	vbroadcast v1, $0xA;
	v32 =	vmul.f32 v26, v15;
	[tilespmem:s19+$0x88D0] =	vst v8  }
0x175: {  	v30 =	vld [tilespmem:s19+$0x8940];
	v34 =	vmul.f32 v27, v15;
	[tilespmem:s19+$0x88F0] =	vst v10  }
0x176: {  	v33 =	vld [tilespmem:s19+$0x8960];
	v3 =	vmul.f32 v6, v5;
	[tilespmem:s19+$0x8900] =	vst v32  }
0x177: {  	v35 =	vld [tilespmem:s19+$0x8970];
	v11 =	vmul.f32 v24, v23;
	[tilespmem:s19+$0x8910] =	vst v34  }
0x178: {  	v36 =	vld [tilespmem:s19+$0x8980];
	v9 =	vmul.f32 v28, v15;
	[tilespmem:s19+$0x8D70] =	vst v3  }
0x179: {  	v31 =	vld [tilespmem:s19+$0x8950];
	v7 =	vmul.f32 v29, v15;
	[tilespmem:s19+$0x88E0] =	vst v11  }
0x17a: {  	v37 =	vld [tilespmem:s19+$0x8990];
	v8 =	vmul.f32 v30, v15;
	[tilespmem:s19+$0x8920] =	vst v9  }
0x17b: {  	v38 =	vld [tilespmem:s19+$0x89A0];
	v41 =	vbroadcast v1, $0x3;
	v10 =	vmul.f32 v33, v15;
	[tilespmem:s19+$0x8930] =	vst v7  }
0x17c: {  	v39 =	vld [tilespmem:s19+$0x89B0];
	v12 =	vmul.f32 v35, v15;
	[tilespmem:s19+$0x8940] =	vst v8  }
0x17d: {  	v42 =	vld [tilespmem:s19+$0x89D0];
	v13 =	vmul.f32 v36, v41;
	[tilespmem:s19+$0x8960] =	vst v10  }
0x17e: {  	v43 =	vld [tilespmem:s19+$0x89E0];
	v11 =	vmul.f32 v31, v15;
	[tilespmem:s19+$0x8970] =	vst v12  }
0x17f: {  	v44 =	vld [tilespmem:s19+$0x89F0];
	v9 =	vmul.f32 v37, v41;
	[tilespmem:s19+$0x8980] =	vst v13  }
0x180: {  	v40 =	vld [tilespmem:s19+$0x89C0];
	v7 =	vmul.f32 v38, v41;
	[tilespmem:s19+$0x8950] =	vst v11  }
0x181: {  	v45 =	vld [tilespmem:s19+$0x8A00];
	v8 =	vmul.f32 v39, v41;
	[tilespmem:s19+$0x8990] =	vst v9  }
0x182: {  	v46 =	vld [tilespmem:s19+$0x8A10];
	v10 =	vmul.f32 v42, v41;
	[tilespmem:s19+$0x89A0] =	vst v7  }
0x183: {  	v47 =	vld [tilespmem:s19+$0x8A20];
	v12 =	vmul.f32 v43, v41;
	[tilespmem:s19+$0x89B0] =	vst v8  }
0x184: {  	v49 =	vld [tilespmem:s19+$0x8A40];
	v50 =	vbroadcast v1, $0x4;
	v13 =	vmul.f32 v44, v41;
	[tilespmem:s19+$0x89D0] =	vst v10  }
0x185: {  	v51 =	vld [tilespmem:s19+$0x8A50];
	v11 =	vmul.f32 v40, v41;
	[tilespmem:s19+$0x89E0] =	vst v12  }
0x186: {  	v52 =	vld [tilespmem:s19+$0x8A60];
	v9 =	vmul.f32 v45, v50;
	[tilespmem:s19+$0x89F0] =	vst v13  }
0x187: {  	v48 =	vld [tilespmem:s19+$0x8A30];
	v7 =	vmul.f32 v46, v50;
	[tilespmem:s19+$0x89C0] =	vst v11  }
0x188: {  	v53 =	vld [tilespmem:s19+$0x8A70];
	v8 =	vmul.f32 v47, v50;
	[tilespmem:s19+$0x8A00] =	vst v9  }
0x189: {  	v54 =	vld [tilespmem:s19+$0x8A80];
	v10 =	vmul.f32 v49, v50;
	[tilespmem:s19+$0x8A10] =	vst v7  }
0x18a: {  	v55 =	vld [tilespmem:s19+$0x8A90];
	v12 =	vmul.f32 v51, v50;
	[tilespmem:s19+$0x8A20] =	vst v8  }
0x18b: {  	v57 =	vld [tilespmem:s19+$0x8AB0];
	v13 =	vmul.f32 v52, v50;
	[tilespmem:s19+$0x8A40] =	vst v10  }
0x18c: {  	v58 =	vld [tilespmem:s19+$0x8AC0];
	v59 =	vbroadcast v1, $0x5;
	v11 =	vmul.f32 v48, v50;
	[tilespmem:s19+$0x8A50] =	vst v12  }
0x18d: {  	v60 =	vld [tilespmem:s19+$0x8AD0];
	v9 =	vmul.f32 v53, v50;
	[tilespmem:s19+$0x8A60] =	vst v13  }
0x18e: {  	v56 =	vld [tilespmem:s19+$0x8AA0];
	v7 =	vmul.f32 v54, v59;
	[tilespmem:s19+$0x8A30] =	vst v11  }
0x18f: {  	v61 =	vld [tilespmem:s19+$0x8AE0];
	v8 =	vmul.f32 v55, v59;
	[tilespmem:s19+$0x8A70] =	vst v9  }
0x190: {  	v62 =	vld [tilespmem:s19+$0x8AF0];
	v10 =	vmul.f32 v57, v59;
	[tilespmem:s19+$0x8A80] =	vst v7  }
0x191: {  	v63 =	vld [tilespmem:s19+$0x8B00];
	v12 =	vmul.f32 v58, v59;
	[tilespmem:s19+$0x8A90] =	vst v8  }
0x192: {  	v19 =	vld [tilespmem:s19+$0x8B20];
	v13 =	vmul.f32 v60, v59;
	[tilespmem:s19+$0x8AB0] =	vst v10  }
0x193: {  	v20 =	vld [tilespmem:s19+$0x8B30];
	v11 =	vmul.f32 v56, v59;
	[tilespmem:s19+$0x8AC0] =	vst v12  }
0x194: {  	v21 =	vld [tilespmem:s19+$0x8B40];
	v22 =	vbroadcast v1, $0x6;
	v9 =	vmul.f32 v61, v59;
	[tilespmem:s19+$0x8AD0] =	vst v13  }
0x195: {  	v18 =	vld [tilespmem:s19+$0x8B10];
	v7 =	vmul.f32 v62, v59;
	[tilespmem:s19+$0x8AA0] =	vst v11  }
0x196: {  	v23 =	vld [tilespmem:s19+$0x8B50];
	v8 =	vmul.f32 v63, v22;
	[tilespmem:s19+$0x8AE0] =	vst v9  }
0x197: {  	v24 =	vld [tilespmem:s19+$0x8B60];
	v10 =	vmul.f32 v19, v22;
	[tilespmem:s19+$0x8AF0] =	vst v7  }
0x198: {  	v25 =	vld [tilespmem:s19+$0x8B70];
	v12 =	vmul.f32 v20, v22;
	[tilespmem:s19+$0x8B00] =	vst v8  }
0x199: {  	v27 =	vld [tilespmem:s19+$0x8B90];
	v13 =	vmul.f32 v21, v22;
	[tilespmem:s19+$0x8B20] =	vst v10  }
0x19a: {  	v28 =	vld [tilespmem:s19+$0x8BA0];
	v11 =	vmul.f32 v18, v22;
	[tilespmem:s19+$0x8B30] =	vst v12  }
0x19b: {  	v29 =	vld [tilespmem:s19+$0x8BB0];
	v9 =	vmul.f32 v23, v22;
	[tilespmem:s19+$0x8B40] =	vst v13  }
0x19c: {  	v31 =	vbroadcast v1, $0x7;
	v53 =	vld [tilespmem:s19+$0x8D00];
	v7 =	vmul.f32 v24, v22;
	[tilespmem:s19+$0x8B10] =	vst v11  }
0x19d: {  	v57 =	vld [tilespmem:s19+$0x8D40];
	v8 =	vmul.f32 v25, v22;
	[tilespmem:s19+$0x8B50] =	vst v9  }
0x19e: {  	v58 =	vld [tilespmem:s19+$0x8D50];
	v10 =	vmul.f32 v27, v31;
	[tilespmem:s19+$0x8B60] =	vst v7  }
0x19f: {  	v26 =	vld [tilespmem:s19+$0x8B80];
	v12 =	vmul.f32 v28, v31;
	[tilespmem:s19+$0x8B70] =	vst v8  }
0x1a0: {  	v30 =	vld [tilespmem:s19+$0x8BC0];
	v13 =	vmul.f32 v29, v31;
	[tilespmem:s19+$0x8B90] =	vst v10  }
0x1a1: {  	v32 =	vld [tilespmem:s19+$0x8BD0];
	v59 =	vmul.f32 v53, v5;
	[tilespmem:s19+$0x8BA0] =	vst v12  }
0x1a2: {  	v33 =	vld [tilespmem:s19+$0x8BE0];
	v18 =	vmul.f32 v57, v5;
	[tilespmem:s19+$0x8BB0] =	vst v13  }
0x1a3: {  	v35 =	vld [tilespmem:s19+$0x8C00];
	v20 =	vmul.f32 v58, v5;
	[tilespmem:s19+$0x8D00] =	vst v59  }
0x1a4: {  	v36 =	vld [tilespmem:s19+$0x8C10];
	v11 =	vmul.f32 v26, v31;
	[tilespmem:s19+$0x8D40] =	vst v18  }
0x1a5: {  	v37 =	vld [tilespmem:s19+$0x8C20];
	v9 =	vmul.f32 v30, v31;
	[tilespmem:s19+$0x8D50] =	vst v20  }
0x1a6: {  	v4 =	vld [tilespmem:s19+$0x8D80];
	v40 =	vbroadcast v1, $0x8;
	v7 =	vmul.f32 v32, v31;
	[tilespmem:s19+$0x8B80] =	vst v11  }
0x1a7: {  	v6 =	vld [tilespmem:s19+$0x8D90];
	v8 =	vmul.f32 v33, v31;
	[tilespmem:s19+$0x8BC0] =	vst v9  }
0x1a8: {  	v3 =	vld [tilespmem:s19+$0x8FD0];
	v10 =	vmul.f32 v35, v40;
	[tilespmem:s19+$0x8BD0] =	vst v7  }
0x1a9: {  	v61 =	vld [tilespmem:s19+$0x8800];
	v23 =	vbroadcast v1, $0xB;
	v12 =	vmul.f32 v36, v40;
	[tilespmem:s19+$0x8BE0] =	vst v8  }
0x1aa: {  	v34 =	vld [tilespmem:s19+$0x8BF0];
	v13 =	vmul.f32 v37, v40;
	[tilespmem:s19+$0x8C00] =	vst v10  }
0x1ab: {  	v38 =	vld [tilespmem:s19+$0x8C30];
	v27 =	vbroadcast v1, $0xF;
	v4 =	vmul.f32 v4, v23;
	[tilespmem:s19+$0x8C10] =	vst v12  }
0x1ac: {  	v39 =	vld [tilespmem:s19+$0x8C40];
	v6 =	vmul.f32 v6, v23;
	[tilespmem:s19+$0x8C20] =	vst v13  }
0x1ad: {  	v41 =	vld [tilespmem:s19+$0x8C50];
	v3 =	vmul.f32 v3, v27;
	[tilespmem:s19+$0x8D80] =	vst v4  }
0x1ae: {  	v43 =	vld [tilespmem:s19+$0x8C70];
	v24 =	vmul.f32 v2, v61;
	[tilespmem:s19+$0x8D90] =	vst v6  }
0x1af: {  	v44 =	vld [tilespmem:s19+$0x8C80];
	v11 =	vmul.f32 v34, v31;
	[tilespmem:s19+$0x8FD0] =	vst v3  }
0x1b0: {  	v45 =	vld [tilespmem:s19+$0x8C90];
	v9 =	vmul.f32 v38, v40;
	[tilespmem:s19+$0x8800] =	vst v24  }
0x1b1: {  	v63 =	vld [tilespmem:s19+$0x8840];
	v7 =	vmul.f32 v39, v40;
	[tilespmem:s19+$0x8BF0] =	vst v11  }
0x1b2: {  	v49 =	vbroadcast v1, $0x9;
	v29 =	vld [tilespmem:s19+$0x8DF0];
	v8 =	vmul.f32 v41, v40;
	[tilespmem:s19+$0x8C30] =	vst v9  }
0x1b3: {  	v42 =	vld [tilespmem:s19+$0x8C60];
	v10 =	vmul.f32 v43, v40;
	[tilespmem:s19+$0x8C40] =	vst v7  }
0x1b4: {  	v46 =	vld [tilespmem:s19+$0x8CA0];
	v12 =	vmul.f32 v44, v49;
	[tilespmem:s19+$0x8C50] =	vst v8  }
0x1b5: {  	v47 =	vld [tilespmem:s19+$0x8CB0];
	v13 =	vmul.f32 v45, v49;
	[tilespmem:s19+$0x8C70] =	vst v10  }
0x1b6: {  	v48 =	vld [tilespmem:s19+$0x8CC0];
	v3 =	vmul.f32 v63, v2;
	[tilespmem:s19+$0x8C80] =	vst v12  }
0x1b7: {  	v51 =	vld [tilespmem:s19+$0x8CE0];
	v6 =	vmul.f32 v29, v23;
	[tilespmem:s19+$0x8C90] =	vst v13  }
0x1b8: {  	v52 =	vld [tilespmem:s19+$0x8CF0];
	v11 =	vmul.f32 v42, v40;
	[tilespmem:s19+$0x8840] =	vst v3  }
0x1b9: {  	v28 =	vld [tilespmem:s19+$0x8DE0];
	v9 =	vmul.f32 v46, v49;
	[tilespmem:s19+$0x8DF0] =	vst v6  }
0x1ba: {  	v26 =	vld [tilespmem:s19+$0x8DD0];
	v7 =	vmul.f32 v47, v49;
	[tilespmem:s19+$0x8C60] =	vst v11  }
0x1bb: {  	v30 =	vld [tilespmem:s19+$0x8E00];
	v8 =	vmul.f32 v48, v49;
	[tilespmem:s19+$0x8CA0] =	vst v9  }
0x1bc: {  	v50 =	vld [tilespmem:s19+$0x8CD0];
	v10 =	vmul.f32 v51, v49;
	[tilespmem:s19+$0x8CB0] =	vst v7  }
0x1bd: {  	v54 =	vld [tilespmem:s19+$0x8D10];
	v12 =	vmul.f32 v52, v49;
	[tilespmem:s19+$0x8CC0] =	vst v8  }
0x1be: {  	v55 =	vld [tilespmem:s19+$0x8D20];
	v35 =	vbroadcast v1, $0xC;
	v40 =	vmul.f32 v28, v23;
	[tilespmem:s19+$0x8CE0] =	vst v10  }
0x1bf: {  	v56 =	vld [tilespmem:s19+$0x8D30];
	v32 =	vmul.f32 v26, v23;
	[tilespmem:s19+$0x8CF0] =	vst v12  }
0x1c0: {  	v60 =	vld [tilespmem:s19+$0x8D60];
	v15 =	vmul.f32 v30, v35;
	[tilespmem:s19+$0x8DE0] =	vst v40  }
0x1c1: {  	v62 =	vld [tilespmem:s19+$0x8810];
	v11 =	vmul.f32 v50, v49;
	[tilespmem:s19+$0x8DD0] =	vst v32  }
0x1c2: {  	v19 =	vld [tilespmem:s19+$0x8850];
	v9 =	vmul.f32 v54, v5;
	[tilespmem:s19+$0x8E00] =	vst v15  }
0x1c3: {  	v33 =	vld [tilespmem:s19+$0x8E30];
	v7 =	vmul.f32 v55, v5;
	[tilespmem:s19+$0x8CD0] =	vst v11  }
0x1c4: {  	v61 =	vld [tilespmem:s19+$0x8FF0];
	v8 =	vmul.f32 v56, v5;
	[tilespmem:s19+$0x8D10] =	vst v9  }
0x1c5: {  	v38 =	vld [tilespmem:s19+$0x8E70];
	v5 =	vmul.f32 v60, v5;
	[tilespmem:s19+$0x8D20] =	vst v7  }
0x1c6: {  	v21 =	vld [tilespmem:s19+$0x8DA0];
	v12 =	vmul.f32 v62, v2;
	[tilespmem:s19+$0x8D30] =	vst v8  }
0x1c7: {  	v22 =	vld [tilespmem:s19+$0x8DB0];
	v2 =	vmul.f32 v19, v2;
	[tilespmem:s19+$0x8D60] =	vst v5  }
0x1c8: {  	v25 =	vld [tilespmem:s19+$0x8DC0];
	v62 =	vmul.f32 v33, v35;
	[tilespmem:s19+$0x8810] =	vst v12  }
0x1c9: {  	v31 =	vld [tilespmem:s19+$0x8E10];
	v63 =	vmul.f32 v61, v27;
	[tilespmem:s19+$0x8850] =	vst v2  }
0x1ca: {  	v34 =	vld [tilespmem:s19+$0x8E40];
	v15 =	vmul.f32 v38, v35;
	[tilespmem:s19+$0x8E30] =	vst v62  }
0x1cb: {  	v41 =	vld [tilespmem:s19+$0x8EA0];
	v7 =	vmul.f32 v21, v23;
	[tilespmem:s19+$0x8FF0] =	vst v63  }
0x1cc: {  	v46 =	vld [tilespmem:s19+$0x8EE0];
	v8 =	vmul.f32 v22, v23;
	[tilespmem:s19+$0x8E70] =	vst v15  }
0x1cd: {  	v36 =	vld [tilespmem:s19+$0x8E50];
	v5 =	vmul.f32 v25, v23;
	[tilespmem:s19+$0x8DA0] =	vst v7  }
0x1ce: {  	v44 =	vbroadcast v1, $0xD;
	v9 =	vmul.f32 v31, v35;
	v2 =	vld [tilespmem:s19+$0x8E90];
	[tilespmem:s19+$0x8DB0] =	vst v8  }
0x1cf: {  	v37 =	vld [tilespmem:s19+$0x8E60];
	v12 =	vmul.f32 v34, v35;
	[tilespmem:s19+$0x8DC0] =	vst v5  }
0x1d0: {  	v39 =	vld [tilespmem:s19+$0x8E80];
	v11 =	vmul.f32 v41, v44;
	[tilespmem:s19+$0x8E10] =	vst v9  }
0x1d1: {  	v42 =	vld [tilespmem:s19+$0x8EB0];
	v51 =	vmul.f32 v46, v44;
	[tilespmem:s19+$0x8E40] =	vst v12  }
0x1d2: {  	v48 =	vld [tilespmem:s19+$0x8F10];
	v8 =	vmul.f32 v36, v35;
	[tilespmem:s19+$0x8EA0] =	vst v11  }
0x1d3: {  	v49 =	vld [tilespmem:s19+$0x8F20];
	[tilespmem:s19+$0x8EE0] =	vst v51;
	v2 =	vmul.f32 v2, v44  }
0x1d4: {  	v50 =	vld [tilespmem:s19+$0x8F30];
	v5 =	vmul.f32 v37, v35;
	[tilespmem:s19+$0x8E50] =	vst v8  }
0x1d5: {  	v1 =	vbroadcast v1, $0xE;
	v9 =	vmul.f32 v39, v44;
	[tilespmem:s19+$0x8E90] =	vst v2;
	v2 =	vld [tilespmem:s19+$0x8F00]  }
0x1d6: {  	v60 =	vld [tilespmem:s19+$0x8FE0];
	v12 =	vmul.f32 v42, v44;
	[tilespmem:s19+$0x8E60] =	vst v5  }
0x1d7: {  	v45 =	vld [tilespmem:s19+$0x8ED0];
	v11 =	vmul.f32 v48, v1;
	[tilespmem:s19+$0x8E80] =	vst v9  }
0x1d8: {  	v47 =	vld [tilespmem:s19+$0x8EF0];
	v10 =	vmul.f32 v49, v1;
	[tilespmem:s19+$0x8EB0] =	vst v12  }
0x1d9: {  	v43 =	vld [tilespmem:s19+$0x8EC0];
	v6 =	vmul.f32 v50, v1;
	[tilespmem:s19+$0x8F10] =	vst v11  }
0x1da: {  	v55 =	vld [tilespmem:s19+$0x8F80];
	[tilespmem:s19+$0x8F20] =	vst v10;
	v2 =	vmul.f32 v2, v1  }
0x1db: {  	v57 =	vld [tilespmem:s19+$0x8FA0];
	v4 =	vmul.f32 v60, v27;
	[tilespmem:s19+$0x8F30] =	vst v6  }
0x1dc: {  	v5 =	vmul.f32 v45, v44;
	[tilespmem:s19+$0x8F00] =	vst v2;
	v2 =	vld [tilespmem:s19+$0x8F70]  }
0x1dd: {  	v52 =	vld [tilespmem:s19+$0x8F40];
	v9 =	vmul.f32 v47, v44;
	[tilespmem:s19+$0x8FE0] =	vst v4  }
0x1de: {  	v56 =	vld [tilespmem:s19+$0x8F90];
	v8 =	vmul.f32 v43, v44;
	[tilespmem:s19+$0x8ED0] =	vst v5  }
0x1df: {  	v54 =	vld [tilespmem:s19+$0x8F60];
	v11 =	vmul.f32 v55, v27;
	[tilespmem:s19+$0x8EF0] =	vst v9  }
0x1e0: {  	v58 =	vld [tilespmem:s19+$0x8FB0];
	v6 =	vmul.f32 v57, v27;
	[tilespmem:s19+$0x8EC0] =	vst v8  }
0x1e1: {  	v53 =	vld [tilespmem:s19+$0x8F50];
	[tilespmem:s19+$0x8F80] =	vst v11;
	v2 =	vmul.f32 v2, v1  }
0x1e2: {  	v59 =	vld [tilespmem:s19+$0x8FC0];
	v5 =	vmul.f32 v52, v1;
	[tilespmem:s19+$0x8FA0] =	vst v6  }
0x1e3: {  	[tilespmem:s19+$0x8F70] =	vst v2;
	v2 =	vmul.f32 v56, v27  }
0x1e4: {  	v3 =	vld [tilespmem:s19+$0x8E20];
	v9 =	vmul.f32 v54, v1;
	[tilespmem:s19+$0x8F40] =	vst v5  }
0x1e5: {  	[tilespmem:s19+$0x8F90] =	vst v2;
	v2 =	vmul.f32 v58, v27  }
0x1e6: {  	[tilespmem:s19+$0x8F60] =	vst v9;
	v1 =	vmul.f32 v53, v1  }
0x1e7: {  	[tilespmem:s19+$0x8FB0] =	vst v2;
	v2 =	vmul.f32 v59, v27  }
0x1e8: {  	[tilespmem:s19+$0x8F50] =	vst v1  }
0x1e9: {  	s6 =	simm.s32 $0x1;
	[tilespmem:s19+$0x8FC0] =	vst v2;
	v2 =	vmul.f32 v3, v35  }
.LBB2_5:
0x1ea: {  	s8 =	sshll.u32 s6, $0x4  }
0x1eb: {  	p1 =	sne.s32 s6, $0x6;
	[tilespmem:s19+$0x8E20] =	vst v2;
	s19 =	smov.u32 s6;
	s6 =	sadd.s32 $0x1, s6  }
0x1ec: {  	s8 =	sand.u32 $0x3FFFFFF0, s8  }
0x1ed: {  	v1 =	vld.idx.msk [tilespmem:v0+s8+$0x0 ss:$0x1], $0xffff  }
0x1ee: {  	s8 =	sshll.u32 s19, $0xB  }
0x1ef: {  	s19 =	sand.u32 $0x3FFFF800, s8  }
0x1f0: {  	v8 =	vld [tilespmem:s19+$0x88C0]  }
0x1f1: {  	v9 =	vld [tilespmem:s19+$0x88D0]  }
0x1f2: {  	v10 =	vld [tilespmem:s19+$0x88B0]  }
0x1f3: {  	v2 =	vbroadcast v1, $0x0;
	v7 =	vbroadcast v1, $0x4;
	v3 =	vld [tilespmem:s19+$0x8820]  }
0x1f4: {  	v5 =	vld [tilespmem:s19+$0x8830]  }
0x1f5: {  	v6 =	vld [tilespmem:s19+$0x8D70]  }
0x1f6: {  	v11 =	vld [tilespmem:s19+$0x8860]  }
0x1f7: {  	v12 =	vld [tilespmem:s19+$0x8870]  }
0x1f8: {  	v4 =	vbroadcast v1, $0xA;
	v3 =	vmul.f32 v3, v2;
	v13 =	vld [tilespmem:s19+$0x8880]  }
0x1f9: {  	v5 =	vmul.f32 v5, v2;
	v14 =	vld [tilespmem:s19+$0x8890]  }
0x1fa: {  	[tilespmem:s19+$0x8820] =	vst v3;
	v15 =	vld [tilespmem:s19+$0x88A0];
	v3 =	vmul.f32 v6, v4  }
0x1fb: {  	[tilespmem:s19+$0x8830] =	vst v5;
	v6 =	vmul.f32 v11, v2;
	v11 =	vbroadcast v1, $0x1;
	v5 =	vld [tilespmem:s19+$0x8D80]  }
0x1fc: {  	v12 =	vmul.f32 v12, v2;
	[tilespmem:s19+$0x8D70] =	vst v3;
	v3 =	vld [tilespmem:s19+$0x8FD0]  }
0x1fd: {  	[tilespmem:s19+$0x8860] =	vst v6;
	v13 =	vmul.f32 v13, v11;
	v6 =	vld [tilespmem:s19+$0x8D90]  }
0x1fe: {  	[tilespmem:s19+$0x8870] =	vst v12;
	v12 =	vmul.f32 v14, v11;
	v14 =	vld [tilespmem:s19+$0x88E0]  }
0x1ff: {  	[tilespmem:s19+$0x8880] =	vst v13;
	v13 =	vmul.f32 v15, v11;
	v15 =	vld [tilespmem:s19+$0x88F0]  }
0x200: {  	v10 =	vmul.f32 v10, v11;
	[tilespmem:s19+$0x8890] =	vst v12;
	v12 =	vld [tilespmem:s19+$0x8900]  }
0x201: {  	v8 =	vmul.f32 v8, v11;
	[tilespmem:s19+$0x88A0] =	vst v13;
	v13 =	vld [tilespmem:s19+$0x8910]  }
0x202: {  	v9 =	vmul.f32 v9, v11;
	[tilespmem:s19+$0x88B0] =	vst v10;
	v10 =	vld [tilespmem:s19+$0x8920]  }
0x203: {  	[tilespmem:s19+$0x88C0] =	vst v8;
	v8 =	vmul.f32 v14, v11;
	v14 =	vbroadcast v1, $0x2;
	v16 =	vld [tilespmem:s19+$0x8930]  }
0x204: {  	[tilespmem:s19+$0x88D0] =	vst v9;
	v9 =	vmul.f32 v15, v11;
	v11 =	vld [tilespmem:s19+$0x8940]  }
0x205: {  	[tilespmem:s19+$0x88E0] =	vst v8;
	v8 =	vmul.f32 v12, v14;
	v12 =	vld [tilespmem:s19+$0x8950]  }
0x206: {  	[tilespmem:s19+$0x88F0] =	vst v9;
	v9 =	vmul.f32 v13, v14;
	v13 =	vld [tilespmem:s19+$0x8960]  }
0x207: {  	[tilespmem:s19+$0x8900] =	vst v8;
	v8 =	vmul.f32 v10, v14;
	v10 =	vld [tilespmem:s19+$0x8970]  }
0x208: {  	[tilespmem:s19+$0x8910] =	vst v9;
	v9 =	vmul.f32 v16, v14;
	v15 =	vld [tilespmem:s19+$0x8980]  }
0x209: {  	[tilespmem:s19+$0x8920] =	vst v8;
	v8 =	vmul.f32 v11, v14;
	v11 =	vld [tilespmem:s19+$0x8990]  }
0x20a: {  	[tilespmem:s19+$0x8930] =	vst v9;
	v9 =	vmul.f32 v12, v14;
	v12 =	vld [tilespmem:s19+$0x89A0]  }
0x20b: {  	[tilespmem:s19+$0x8940] =	vst v8;
	v8 =	vmul.f32 v13, v14;
	v13 =	vbroadcast v1, $0x3;
	v16 =	vld [tilespmem:s19+$0x89B0]  }
0x20c: {  	[tilespmem:s19+$0x8950] =	vst v9;
	v9 =	vmul.f32 v10, v14;
	v10 =	vld [tilespmem:s19+$0x89C0]  }
0x20d: {  	[tilespmem:s19+$0x8960] =	vst v8;
	v8 =	vmul.f32 v15, v13;
	v14 =	vld [tilespmem:s19+$0x89D0]  }
0x20e: {  	[tilespmem:s19+$0x8970] =	vst v9;
	v9 =	vmul.f32 v11, v13;
	v11 =	vld [tilespmem:s19+$0x89E0]  }
0x20f: {  	[tilespmem:s19+$0x8980] =	vst v8;
	v8 =	vmul.f32 v12, v13;
	v12 =	vld [tilespmem:s19+$0x89F0]  }
0x210: {  	[tilespmem:s19+$0x8990] =	vst v9;
	v9 =	vmul.f32 v16, v13;
	v15 =	vld [tilespmem:s19+$0x8A00]  }
0x211: {  	[tilespmem:s19+$0x89A0] =	vst v8;
	v8 =	vmul.f32 v10, v13;
	v10 =	vld [tilespmem:s19+$0x8A10]  }
0x212: {  	[tilespmem:s19+$0x89B0] =	vst v9;
	v9 =	vmul.f32 v14, v13;
	v14 =	vld [tilespmem:s19+$0x8A20]  }
0x213: {  	[tilespmem:s19+$0x89C0] =	vst v8;
	v8 =	vmul.f32 v11, v13;
	v11 =	vld [tilespmem:s19+$0x8A30]  }
0x214: {  	[tilespmem:s19+$0x89D0] =	vst v9;
	v9 =	vmul.f32 v12, v13;
	v12 =	vld [tilespmem:s19+$0x8A40]  }
0x215: {  	[tilespmem:s19+$0x89E0] =	vst v8;
	v8 =	vmul.f32 v15, v7;
	v13 =	vld [tilespmem:s19+$0x8A50]  }
0x216: {  	[tilespmem:s19+$0x89F0] =	vst v9;
	v9 =	vmul.f32 v10, v7;
	v10 =	vld [tilespmem:s19+$0x8A60]  }
0x217: {  	[tilespmem:s19+$0x8A00] =	vst v8;
	v8 =	vmul.f32 v14, v7;
	v14 =	vld [tilespmem:s19+$0x8A70]  }
0x218: {  	[tilespmem:s19+$0x8A10] =	vst v9;
	v9 =	vmul.f32 v11, v7;
	v11 =	vld [tilespmem:s19+$0x8A80]  }
0x219: {  	[tilespmem:s19+$0x8A20] =	vst v8;
	v8 =	vmul.f32 v12, v7;
	v12 =	vld [tilespmem:s19+$0x8A90]  }
0x21a: {  	[tilespmem:s19+$0x8A30] =	vst v9;
	v9 =	vmul.f32 v13, v7;
	v13 =	vld [tilespmem:s19+$0x8AA0]  }
0x21b: {  	[tilespmem:s19+$0x8A40] =	vst v8;
	v8 =	vmul.f32 v10, v7;
	v10 =	vbroadcast v1, $0x5;
	v15 =	vld [tilespmem:s19+$0x8AB0]  }
0x21c: {  	[tilespmem:s19+$0x8A50] =	vst v9;
	v7 =	vmul.f32 v14, v7;
	v9 =	vld [tilespmem:s19+$0x8AC0]  }
0x21d: {  	[tilespmem:s19+$0x8A60] =	vst v8;
	v8 =	vmul.f32 v11, v10;
	v11 =	vld [tilespmem:s19+$0x8AD0]  }
0x21e: {  	[tilespmem:s19+$0x8A70] =	vst v7;
	v7 =	vmul.f32 v12, v10;
	v12 =	vld [tilespmem:s19+$0x8AE0]  }
0x21f: {  	[tilespmem:s19+$0x8A80] =	vst v8;
	v8 =	vmul.f32 v13, v10;
	v13 =	vld [tilespmem:s19+$0x8AF0]  }
0x220: {  	[tilespmem:s19+$0x8A90] =	vst v7;
	v7 =	vmul.f32 v15, v10;
	v14 =	vld [tilespmem:s19+$0x8B00]  }
0x221: {  	[tilespmem:s19+$0x8AA0] =	vst v8;
	v8 =	vmul.f32 v9, v10;
	v9 =	vld [tilespmem:s19+$0x8B10]  }
0x222: {  	[tilespmem:s19+$0x8AB0] =	vst v7;
	v7 =	vmul.f32 v11, v10;
	v11 =	vld [tilespmem:s19+$0x8B20]  }
0x223: {  	[tilespmem:s19+$0x8AC0] =	vst v8;
	v8 =	vmul.f32 v12, v10;
	v12 =	vbroadcast v1, $0x6;
	v15 =	vld [tilespmem:s19+$0x8B30]  }
0x224: {  	[tilespmem:s19+$0x8AD0] =	vst v7;
	v7 =	vmul.f32 v13, v10;
	v10 =	vld [tilespmem:s19+$0x8B40]  }
0x225: {  	[tilespmem:s19+$0x8AE0] =	vst v8;
	v8 =	vmul.f32 v14, v12;
	v13 =	vld [tilespmem:s19+$0x8B50]  }
0x226: {  	[tilespmem:s19+$0x8AF0] =	vst v7;
	v7 =	vmul.f32 v9, v12;
	v9 =	vld [tilespmem:s19+$0x8B60]  }
0x227: {  	[tilespmem:s19+$0x8B00] =	vst v8;
	v8 =	vmul.f32 v11, v12;
	v11 =	vld [tilespmem:s19+$0x8B70]  }
0x228: {  	[tilespmem:s19+$0x8B10] =	vst v7;
	v7 =	vmul.f32 v15, v12;
	v14 =	vld [tilespmem:s19+$0x8B80]  }
0x229: {  	[tilespmem:s19+$0x8B20] =	vst v8;
	v8 =	vmul.f32 v10, v12;
	v10 =	vld [tilespmem:s19+$0x8B90]  }
0x22a: {  	[tilespmem:s19+$0x8B30] =	vst v7;
	v7 =	vmul.f32 v13, v12;
	v13 =	vld [tilespmem:s19+$0x8BA0]  }
0x22b: {  	[tilespmem:s19+$0x8B40] =	vst v8;
	v8 =	vmul.f32 v9, v12;
	v9 =	vbroadcast v1, $0x7;
	v15 =	vld [tilespmem:s19+$0x8BB0]  }
0x22c: {  	[tilespmem:s19+$0x8B50] =	vst v7;
	v7 =	vmul.f32 v11, v12;
	v11 =	vld [tilespmem:s19+$0x8BC0]  }
0x22d: {  	[tilespmem:s19+$0x8B60] =	vst v8;
	v8 =	vmul.f32 v14, v9;
	v12 =	vld [tilespmem:s19+$0x8BD0]  }
0x22e: {  	[tilespmem:s19+$0x8B70] =	vst v7;
	v7 =	vmul.f32 v10, v9;
	v10 =	vld [tilespmem:s19+$0x8BE0]  }
0x22f: {  	[tilespmem:s19+$0x8B80] =	vst v8;
	v8 =	vmul.f32 v13, v9;
	v13 =	vld [tilespmem:s19+$0x8BF0]  }
0x230: {  	[tilespmem:s19+$0x8B90] =	vst v7;
	v7 =	vmul.f32 v15, v9;
	v14 =	vld [tilespmem:s19+$0x8C00]  }
0x231: {  	[tilespmem:s19+$0x8BA0] =	vst v8;
	v8 =	vmul.f32 v11, v9;
	v11 =	vld [tilespmem:s19+$0x8C10]  }
0x232: {  	[tilespmem:s19+$0x8BB0] =	vst v7;
	v7 =	vmul.f32 v12, v9;
	v12 =	vld [tilespmem:s19+$0x8C20]  }
0x233: {  	[tilespmem:s19+$0x8BC0] =	vst v8;
	v8 =	vmul.f32 v10, v9;
	v10 =	vbroadcast v1, $0x8;
	v15 =	vld [tilespmem:s19+$0x8C30]  }
0x234: {  	[tilespmem:s19+$0x8BD0] =	vst v7;
	v7 =	vmul.f32 v13, v9;
	v9 =	vld [tilespmem:s19+$0x8C40]  }
0x235: {  	[tilespmem:s19+$0x8BE0] =	vst v8;
	v8 =	vmul.f32 v14, v10;
	v13 =	vld [tilespmem:s19+$0x8C50]  }
0x236: {  	[tilespmem:s19+$0x8BF0] =	vst v7;
	v7 =	vmul.f32 v11, v10;
	v11 =	vld [tilespmem:s19+$0x8C60]  }
0x237: {  	[tilespmem:s19+$0x8C00] =	vst v8;
	v8 =	vmul.f32 v12, v10;
	v12 =	vld [tilespmem:s19+$0x8C70]  }
0x238: {  	[tilespmem:s19+$0x8C10] =	vst v7;
	v7 =	vmul.f32 v15, v10;
	v14 =	vld [tilespmem:s19+$0x8C80]  }
0x239: {  	[tilespmem:s19+$0x8C20] =	vst v8;
	v8 =	vmul.f32 v9, v10;
	v9 =	vld [tilespmem:s19+$0x8C90]  }
0x23a: {  	[tilespmem:s19+$0x8C30] =	vst v7;
	v7 =	vmul.f32 v13, v10;
	v13 =	vld [tilespmem:s19+$0x8CA0]  }
0x23b: {  	[tilespmem:s19+$0x8C40] =	vst v8;
	v8 =	vmul.f32 v11, v10;
	v11 =	vbroadcast v1, $0x9;
	v15 =	vld [tilespmem:s19+$0x8CB0]  }
0x23c: {  	[tilespmem:s19+$0x8C50] =	vst v7;
	v7 =	vmul.f32 v12, v10;
	v10 =	vld [tilespmem:s19+$0x8CC0]  }
0x23d: {  	[tilespmem:s19+$0x8C60] =	vst v8;
	v8 =	vmul.f32 v14, v11;
	v12 =	vld [tilespmem:s19+$0x8CD0]  }
0x23e: {  	[tilespmem:s19+$0x8C70] =	vst v7;
	v7 =	vmul.f32 v9, v11;
	v9 =	vld [tilespmem:s19+$0x8CE0]  }
0x23f: {  	[tilespmem:s19+$0x8C80] =	vst v8;
	v8 =	vmul.f32 v13, v11;
	v13 =	vld [tilespmem:s19+$0x8CF0]  }
0x240: {  	[tilespmem:s19+$0x8C90] =	vst v7;
	v7 =	vmul.f32 v15, v11;
	v14 =	vld [tilespmem:s19+$0x8D00]  }
0x241: {  	[tilespmem:s19+$0x8CA0] =	vst v8;
	v8 =	vmul.f32 v10, v11;
	v10 =	vld [tilespmem:s19+$0x8D10]  }
0x242: {  	[tilespmem:s19+$0x8CB0] =	vst v7;
	v7 =	vmul.f32 v12, v11;
	v12 =	vld [tilespmem:s19+$0x8D20]  }
0x243: {  	[tilespmem:s19+$0x8CC0] =	vst v8;
	v8 =	vmul.f32 v9, v11;
	v9 =	vld [tilespmem:s19+$0x8D30]  }
0x244: {  	[tilespmem:s19+$0x8CD0] =	vst v7;
	v7 =	vmul.f32 v13, v11;
	v11 =	vld [tilespmem:s19+$0x8D40]  }
0x245: {  	[tilespmem:s19+$0x8CE0] =	vst v8;
	v8 =	vmul.f32 v14, v4;
	v13 =	vld [tilespmem:s19+$0x8D50]  }
0x246: {  	[tilespmem:s19+$0x8CF0] =	vst v7;
	v7 =	vmul.f32 v10, v4;
	v10 =	vld [tilespmem:s19+$0x8D60]  }
0x247: {  	v14 =	vld [tilespmem:s19+$0x8800];
	[tilespmem:s19+$0x8D00] =	vst v8;
	v8 =	vmul.f32 v12, v4  }
0x248: {  	v12 =	vld [tilespmem:s19+$0x8810];
	[tilespmem:s19+$0x8D10] =	vst v7;
	v7 =	vmul.f32 v9, v4  }
0x249: {  	v9 =	vld [tilespmem:s19+$0x8840];
	[tilespmem:s19+$0x8D20] =	vst v8;
	v8 =	vmul.f32 v11, v4  }
0x24a: {  	v11 =	vld [tilespmem:s19+$0x8850];
	[tilespmem:s19+$0x8D30] =	vst v7;
	v7 =	vmul.f32 v13, v4  }
0x24b: {  	[tilespmem:s19+$0x8D40] =	vst v8;
	v8 =	vmul.f32 v10, v4;
	v10 =	vbroadcast v1, $0xB;
	v13 =	vld [tilespmem:s19+$0x8DA0]  }
0x24c: {  	v4 =	vbroadcast v1, $0xF;
	v14 =	vmul.f32 v2, v14;
	[tilespmem:s19+$0x8D50] =	vst v7;
	v7 =	vld [tilespmem:s19+$0x8DB0]  }
0x24d: {  	v12 =	vmul.f32 v12, v2;
	[tilespmem:s19+$0x8D60] =	vst v8;
	v5 =	vmul.f32 v5, v10;
	v8 =	vld [tilespmem:s19+$0x8DC0]  }
0x24e: {  	v6 =	vmul.f32 v6, v10;
	[tilespmem:s19+$0x8800] =	vst v14;
	v9 =	vmul.f32 v9, v2;
	v14 =	vld [tilespmem:s19+$0x8DD0]  }
0x24f: {  	v3 =	vmul.f32 v3, v4;
	v11 =	vmul.f32 v11, v2;
	[tilespmem:s19+$0x8D80] =	vst v5;
	v2 =	vld [tilespmem:s19+$0x8DE0]  }
0x250: {  	[tilespmem:s19+$0x8D90] =	vst v6;
	v5 =	vmul.f32 v13, v10;
	v6 =	vld [tilespmem:s19+$0x8DF0]  }
0x251: {  	v7 =	vmul.f32 v7, v10;
	v13 =	vld [tilespmem:s19+$0x8E00];
	[tilespmem:s19+$0x8FD0] =	vst v3  }
0x252: {  	[tilespmem:s19+$0x8810] =	vst v12;
	v3 =	vmul.f32 v8, v10;
	v8 =	vld [tilespmem:s19+$0x8E10]  }
0x253: {  	[tilespmem:s19+$0x8840] =	vst v9;
	v9 =	vmul.f32 v14, v10;
	v12 =	vld [tilespmem:s19+$0x8E20]  }
0x254: {  	v14 =	vbroadcast v1, $0xC;
	[tilespmem:s19+$0x8DA0] =	vst v5;
	v5 =	vmul.f32 v2, v10;
	v15 =	vld [tilespmem:s19+$0x8E30]  }
0x255: {  	[tilespmem:s19+$0x8DD0] =	vst v9;
	v6 =	vmul.f32 v6, v10;
	v9 =	vld [tilespmem:s19+$0x8E40]  }
0x256: {  	[tilespmem:s19+$0x8DB0] =	vst v7;
	v2 =	vmul.f32 v13, v14;
	v7 =	vld [tilespmem:s19+$0x8E50]  }
0x257: {  	[tilespmem:s19+$0x8DC0] =	vst v3;
	v3 =	vmul.f32 v8, v14;
	v8 =	vld [tilespmem:s19+$0x8E60]  }
0x258: {  	[tilespmem:s19+$0x8E00] =	vst v2;
	v2 =	vmul.f32 v12, v14;
	v10 =	vld [tilespmem:s19+$0x8E70]  }
0x259: {  	[tilespmem:s19+$0x8E10] =	vst v3;
	v3 =	vld [tilespmem:s19+$0x8E80]  }
0x25a: {  	[tilespmem:s19+$0x8850] =	vst v11;
	v9 =	vmul.f32 v9, v14;
	v11 =	vld [tilespmem:s19+$0x8E90]  }
0x25b: {  	[tilespmem:s19+$0x8DE0] =	vst v5;
	v5 =	vmul.f32 v7, v14;
	v7 =	vld [tilespmem:s19+$0x8EA0]  }
0x25c: {  	[tilespmem:s19+$0x8E40] =	vst v9;
	v8 =	vmul.f32 v8, v14;
	v9 =	vbroadcast v1, $0xD;
	v12 =	vld [tilespmem:s19+$0x8EB0]  }
0x25d: {  	[tilespmem:s19+$0x8E50] =	vst v5;
	v5 =	vmul.f32 v10, v14;
	v10 =	vld [tilespmem:s19+$0x8EC0]  }
0x25e: {  	[tilespmem:s19+$0x8E60] =	vst v8;
	v3 =	vmul.f32 v3, v9;
	v8 =	vld [tilespmem:s19+$0x8ED0]  }
0x25f: {  	[tilespmem:s19+$0x8E70] =	vst v5;
	v5 =	vmul.f32 v11, v9;
	v11 =	vld [tilespmem:s19+$0x8EE0]  }
0x260: {  	[tilespmem:s19+$0x8E80] =	vst v3;
	v3 =	vmul.f32 v7, v9;
	v7 =	vld [tilespmem:s19+$0x8EF0]  }
0x261: {  	[tilespmem:s19+$0x8E90] =	vst v5;
	v5 =	vmul.f32 v12, v9;
	v12 =	vld [tilespmem:s19+$0x8F00]  }
0x262: {  	[tilespmem:s19+$0x8EA0] =	vst v3;
	v3 =	vmul.f32 v10, v9;
	v10 =	vld [tilespmem:s19+$0x8F10]  }
0x263: {  	[tilespmem:s19+$0x8EB0] =	vst v5;
	v5 =	vmul.f32 v8, v9;
	v8 =	vld [tilespmem:s19+$0x8F20]  }
0x264: {  	v1 =	vbroadcast v1, $0xE;
	[tilespmem:s19+$0x8DF0] =	vst v6;
	v6 =	vmul.f32 v11, v9;
	v11 =	vld [tilespmem:s19+$0x8F30]  }
0x265: {  	[tilespmem:s19+$0x8ED0] =	vst v5;
	v5 =	vmul.f32 v7, v9;
	v7 =	vld [tilespmem:s19+$0x8F40]  }
0x266: {  	[tilespmem:s19+$0x8EE0] =	vst v6;
	v6 =	vmul.f32 v12, v1;
	v9 =	vld [tilespmem:s19+$0x8F50]  }
0x267: {  	[tilespmem:s19+$0x8EF0] =	vst v5;
	v5 =	vmul.f32 v10, v1;
	v10 =	vld [tilespmem:s19+$0x8F60]  }
0x268: {  	[tilespmem:s19+$0x8F00] =	vst v6;
	v6 =	vmul.f32 v8, v1;
	v8 =	vld [tilespmem:s19+$0x8F70]  }
0x269: {  	[tilespmem:s19+$0x8F10] =	vst v5;
	v5 =	vmul.f32 v11, v1;
	v11 =	vld [tilespmem:s19+$0x8F80]  }
0x26a: {  	[tilespmem:s19+$0x8F20] =	vst v6;
	v6 =	vmul.f32 v7, v1;
	v7 =	vld [tilespmem:s19+$0x8F90]  }
0x26b: {  	[tilespmem:s19+$0x8F30] =	vst v5;
	v5 =	vmul.f32 v9, v1;
	v9 =	vld [tilespmem:s19+$0x8FA0]  }
0x26c: {  	[tilespmem:s19+$0x8F40] =	vst v6;
	v6 =	vmul.f32 v10, v1;
	v10 =	vld [tilespmem:s19+$0x8FB0]  }
0x26d: {  	[tilespmem:s19+$0x8EC0] =	vst v3;
	v1 =	vmul.f32 v8, v1;
	v3 =	vld [tilespmem:s19+$0x8FC0]  }
0x26e: {  	[tilespmem:s19+$0x8F60] =	vst v6;
	v6 =	vmul.f32 v11, v4;
	v8 =	vld [tilespmem:s19+$0x8FE0]  }
0x26f: {  	[tilespmem:s19+$0x8F70] =	vst v1;
	v1 =	vmul.f32 v7, v4;
	v7 =	vld [tilespmem:s19+$0x8FF0]  }
0x270: {  	[tilespmem:s19+$0x8F80] =	vst v6;
	v6 =	vmul.f32 v9, v4  }
0x271: {  	[tilespmem:s19+$0x8F90] =	vst v1;
	v1 =	vmul.f32 v10, v4  }
0x272: {  	v9 =	vmul.f32 v15, v14;
	[tilespmem:s19+$0x8FA0] =	vst v6  }
0x273: {  	[tilespmem:s19+$0x8FB0] =	vst v1;
	v1 =	vmul.f32 v3, v4  }
.Ltmp1:
0x274: {  	[tilespmem:s19+$0x8E30] =	vst v9;
	v3 =	vmul.f32 v7, v4;
	(pc) =	sbr.rel @p1 .LBB2_5-.Ltmp1, $4  }
0x275: {  	[tilespmem:s19+$0x8FC0] =	vst v1  }
0x276: {  	v1 =	vmul.f32 v8, v4;
	[tilespmem:s19+$0x8FF0] =	vst v3  }
0x277: {  	[tilespmem:s19+$0x8F50] =	vst v5  }
0x278: {  	[tilespmem:s19+$0x8FE0] =	vst v1  }
0x279: {  	[tilespmem:s19+$0x8E20] =	vst v2  }
0x27a: {  	s0 =	sadd.s32 $0x1, s0;
	_ =	swait.ge [sflag:s31], $0x80  }
0x27b: {  	p1 =	sne.s32 s0, $0x2D;
	[sflag:s31] =	ssyncset.done $0x0  }
.Ltmp2:
0x27c: {  	[sflag:s31] =	ssyncadd.s32 $0xFFFFFF80;
	(pc) =	sbr.rel @p1 .LBB2_2-.Ltmp2, $4  }
0x27d: {  	[spmem:s3] =	stream.indirect.scatter.add.f32 [tilespmem:s26], [sflag:$0x5], $0x80, s28, s22, $0xb8;
	[tilespmem:$0x1F880] =	vst v63  }
0x27e: {  	_ =	swait.ge [sflag:s17], $0x3800  }
0x27f: {  	[sflag:s17] =	ssyncset.done $0x0  }
0x280: {  	[sflag:s17] =	ssyncadd.s32 $0xFFFFC800  }
0x281: {  	[bflag:$0x0] =	sbarrier.arrive $0xFFFF  }
0x282: {  	[hbm:s13], [sflag:s7] =	dma.local [spmem:s16], $0x2700  }
0x283: {  	s2 =	sadd.s32 $0x1, s2;
	_ =	swait.ge [sflag:s17], $0x2700  }
0x284: {  	p1 =	sne.s32 s2, s15;
	[sflag:s17] =	ssyncset.done $0x0  }
.Ltmp3:
0x285: {  	s0 =	simm.s32 @!p0 $0x5;
	[sflag:s17] =	ssyncadd.s32 $0xFFFFD900;
	(pc) =	sbr.rel @p1 .LBB2_1-.Ltmp3, $4  }
0x286: {  	[hbm:s14], [sflag:s7] =	dma.local @!p0 [spmem:s18], $0x100  }
0x287: {  	_ =	swait.ge @!p0 [sflag:s0], $0x100  }
0x288: {  	[sflag:s0] =	ssyncset.done @!p0 $0x0  }
0x289: {  	[sflag:s0] =	ssyncadd.s32 @!p0 $0xFFFFFF00  }
0x28a: {  	_ =	sfence.sel $0x180000  }
0x28b: {  	[bflag:$0x0] =	sbarrier.arrive $0xFFFF  }
0x28c: {  	_ =	strace $0x90000047  }
0x28d: {  	s0 =	stileid.u32;
	[bflag:$0x2] =	sbarrier.arrive $0xFFFF  }
0x28e: {  	p0 =	sne.s32 s0, $0x0;
	s0 =	rddreg [dreg:$0x3]  }
0x28f: {  	s0 =	sadd.s32 @!p0 $0x100000, s0  }
0x290: {  	[sflag:s0] =	ssyncadd.tile.s32 @!p0 $0x1;
	_ =	shalt  }
.Lfunc_end2:
_tile_overlayer_lowered:
.L_overlay_start_2:
0x291: {  	(tag) =	ssettag $0x2  }
0x292: {  	s0 =	rddreg [dreg:$0x0];
	s2 =	stileid.u32  }
0x293: {  	s1 =	rddreg [dreg:$0x1];
	p0 =	sne.s32 s2, $0x0  }
0x294: {  	s3 =	rddreg [dreg:$0x2];
	[bflag:$0x3] =	sbarrier.arrive $0xFFFF;
	s2 =	simm.s32 @!p0 $0x1C05  }
0x295: {  	[timem:s3], [sflag:s2] =	dma.local @!p0 [hbm:s0], s1  }
0x296: {  	s0 =	simm.s32 @!p0 $0x5  }
0x297: {  	_ =	swait.ge @!p0 [sflag:s0], s1  }
0x298: {  	s1 =	ssub.s32 @!p0 $0x0, s1;
	[sflag:s0] =	ssyncset.done @!p0 $0x0  }
0x299: {  	[sflag:s0] =	ssyncadd.s32 @!p0 s1  }
0x29a: {  	[bflag:$0x3] =	sbarrier.arrive $0xFFFF  }
0x29b: {  	_ =	shalt  }

</sc_bundles>
